<compile_context>
chip_gen: v7x
topology: tpu7x:2x2x1
jax: 0.10.2.dev20260603
libtpu: 0.0.44.dev20260713+nightly
codegen_flags: <defaults>
</compile_context>

<pallas_src>
import functools

import jax
import jax.numpy as jnp
from jax import lax
from jax.experimental import pallas as pl
from jax.experimental.pallas import tpu as pltpu
from jax.experimental.pallas import tpu_sc as plsc

_NC = 2
_NS = 16
_L = 16


def _geom(C, H, W):
    JT = W // 8
    CT = (2 * C) // 128
    return JT, CT, JT * CT * 8


@functools.lru_cache(maxsize=None)
def _build_sc_kernel(B, C, H, W):
    NW = _NC * _NS
    assert H == NW and W % 8 == 0 and C % 128 == 0
    JT, CT, BLK_ROWS = _geom(C, H, W)
    N = B * H * BLK_ROWS

    mesh = plsc.VectorSubcoreMesh(core_axis_name="c", subcore_axis_name="s")

    @functools.partial(
        pl.kernel,
        out_type=jax.ShapeDtypeStruct((N, 128), jnp.float32),
        mesh=mesh,
        scratch_types=[
            pltpu.VMEM((BLK_ROWS, 128), jnp.float32),
            pltpu.VMEM((1, C), jnp.float32),
            pltpu.SemaphoreType.DMA,
        ],
        compiler_params=pltpu.CompilerParams(
            use_tc_tiling_on_sc=False, needs_layout_passes=False),
    )
    def sc_kernel(emb_h_hbm, emb_w_hbm, out_hbm, blk_v, ew_v, sem):
        cid = lax.axis_index("c")
        sid = lax.axis_index("s")
        wid = cid * _NS + sid

        stage = [pltpu.make_async_copy(emb_w_hbm.at[pl.ds(wid, 1)], ew_v, sem)]
        for jt in range(JT):
            for ct in range(CT // 2):
                stage.append(pltpu.make_async_copy(
                    emb_h_hbm.at[pl.ds(jt * 8, 8), pl.ds(ct * 128, 128)],
                    blk_v.at[pl.ds(jt * CT * 8 + ct * 8, 8)], sem))
        for cp in stage:
            cp.start()
        for cp in stage:
            cp.wait()

        for ct in range(CT // 2):
            vecs = [ew_v[0, pl.ds(ct * 128 + v * _L, _L)]
                    for v in range(128 // _L)]
            for jt in range(JT):
                base = jt * CT * 8 + (CT // 2 + ct) * 8
                for jr in range(8):
                    for v in range(128 // _L):
                        blk_v[base + jr, pl.ds(v * _L, _L)] = vecs[v]

        copies = [
            pltpu.make_async_copy(
                blk_v,
                out_hbm.at[pl.ds((b * H + wid) * BLK_ROWS, BLK_ROWS)],
                sem)
            for b in range(B)
        ]
        for cp in copies:
            cp.start()
        for cp in copies:
            cp.wait()

    return sc_kernel


def kernel(x, emb_h, emb_w):
    B = x.shape[0]
    H, W = x.shape[-2], x.shape[-1]
    C = emb_h.shape[1]
    out2 = _build_sc_kernel(B, C, H, W)(emb_h, emb_w)
    out6 = out2.reshape(B, H, W // 8, (2 * C) // 128, 8, 128)
    return out6.transpose(0, 3, 5, 1, 2, 4).reshape(B, 2 * C, H, W)

# --- scband reference (transcript-rebuilt; emitter-appended) ---
"""Pipeline reference for scband-pelearned-15410342658767 (READ-ONLY COPY).

The authoritative reference and input builder live on the scoring server;
editing this copy changes nothing except your own understanding.
"""

import jax, jax.numpy as jnp
import numpy as np

IN_FEATURES = 256
TABLE_ROWS = 50

def setup_inputs(seed: int = 0) -> dict:
    key = jax.random.key(seed)
    k1, k2, k3 = jax.random.split(key, 3)
    x = jax.random.normal(k1, (64, 256, 32, 32), dtype=jnp.float32)
    # nn.init.uniform_ -> U[0, 1)
    emb_h = jax.random.uniform(k2, (TABLE_ROWS, IN_FEATURES), dtype=jnp.float32)
    emb_w = jax.random.uniform(k3, (TABLE_ROWS, IN_FEATURES), dtype=jnp.float32)
    return {"x": x, "emb_h": emb_h, "emb_w": emb_w}

def reference(x, emb_h, emb_w):
    h, w = x.shape[-2], x.shape[-1]
    c = emb_h.shape[1]
    # embedding lookups (gather)
    eh = jnp.take(emb_h, jnp.arange(w), axis=0)  # [w, c]
    ew = jnp.take(emb_w, jnp.arange(h), axis=0)  # [h, c]
    # repeat along spatial dims and concat on feature dim
    eh_rep = jnp.broadcast_to(eh[None, :, :], (h, w, c))  # repeat over h
    ew_rep = jnp.broadcast_to(ew[:, None, :], (h, w, c))  # repeat over w
    pos = jnp.concatenate([eh_rep, ew_rep], axis=-1)       # [h, w, 2c]
    pos = jnp.transpose(pos, (2, 0, 1))[None, :, :, :]     # [1, 2c, h, w]
    pos = jnp.broadcast_to(pos, (x.shape[0], 2 * c, h, w)) # repeat over batch
    return pos

if __name__ == "__main__":
    import jax
    _d = setup_inputs()
    print(jax.jit(kernel)(*tuple(_d.values())))

</pallas_src>

<mosaic_0001>
#map = affine_map<(d0, d1) -> (0, 0)>
module attributes {stable_mosaic.version = 14 : i64} {
  func.func @sc_kernel(%arg0: i32, %arg1: i32, %arg2: memref<50x256xf32, #tpu.memory_space<hbm>>, %arg3: memref<50x256xf32, #tpu.memory_space<hbm>>, %arg4: memref<262144x128xf32, #tpu.memory_space<hbm>>, %arg5: memref<128x128xf32, #tpu.memory_space<vmem>>, %arg6: memref<1x256xf32, #tpu.memory_space<vmem>>, %arg7: memref<!tpu.dma_semaphore, #tpu.memory_space<semaphore_mem>>) attributes {dimension_semantics = [#tpu.dimension_semantics<core_parallel>, #tpu.dimension_semantics<subcore_parallel>], iteration_bounds = array<i64: 2, 16>, scalar_prefetch = 0 : i64, scratch_operands = 3 : i64, tpu.core_type = #tpu.core_type<sc_vector_subcore>, window_params = [{transform_indices = #map}, {transform_indices = #map}, {transform_indices = #map}]} {
    %mul3A = arith.constant 16 : i32
    %mul3A_0 = arith.muli %arg0, %mul3A : i32
    %add3A = arith.addi %mul3A_0, %arg1 : i32
    %dma_start3A = arith.constant 0 : i32
    %dma_start3A_1 = tpu.memref_slice %arg3[%add3A, %dma_start3A] : memref<50x256xf32, #tpu.memory_space<hbm>> -> memref<1x256xf32, #tpu.memory_space<hbm>>
    %dma_start3A_2 = arith.constant 0 : i32
    %dma_start3A_3 = tpu.memref_slice %arg3[%add3A, %dma_start3A_2] : memref<50x256xf32, #tpu.memory_space<hbm>> -> memref<1x256xf32, #tpu.memory_space<hbm>>
    tpu.enqueue_dma source(%dma_start3A_3 : memref<1x256xf32, #tpu.memory_space<hbm>>) target(%arg6 : memref<1x256xf32, #tpu.memory_space<vmem>>) target_semaphore(%arg7 : memref<!tpu.dma_semaphore, #tpu.memory_space<semaphore_mem>>)
    %dma_start3A_4 = arith.constant 0 : i32
    %dma_start3A_5 = arith.constant 0 : i32
    %dma_start3A_6 = tpu.memref_slice %arg5[%dma_start3A_4, %dma_start3A_5] : memref<128x128xf32, #tpu.memory_space<vmem>> -> memref<8x128xf32, #tpu.memory_space<vmem>>
    %dma_start3A_7 = arith.constant 0 : i32
    %dma_start3A_8 = arith.constant 0 : i32
    %dma_start3A_9 = tpu.memref_slice %arg2[%dma_start3A_7, %dma_start3A_8] : memref<50x256xf32, #tpu.memory_space<hbm>> -> memref<8x128xf32, #tpu.memory_space<hbm>>
    %dma_start3A_10 = arith.constant 0 : i32
    %dma_start3A_11 = arith.constant 0 : i32
    %dma_start3A_12 = tpu.memref_slice %arg5[%dma_start3A_10, %dma_start3A_11] : memref<128x128xf32, #tpu.memory_space<vmem>> -> memref<8x128xf32, #tpu.memory_space<vmem>>
    %dma_start3A_13 = arith.constant 0 : i32
    %dma_start3A_14 = arith.constant 0 : i32
    %dma_start3A_15 = tpu.memref_slice %arg2[%dma_start3A_13, %dma_start3A_14] : memref<50x256xf32, #tpu.memory_space<hbm>> -> memref<8x128xf32, #tpu.memory_space<hbm>>
    tpu.enqueue_dma source(%dma_start3A_15 : memref<8x128xf32, #tpu.memory_space<hbm>>) target(%dma_start3A_12 : memref<8x128xf32, #tpu.memory_space<vmem>>) target_semaphore(%arg7 : memref<!tpu.dma_semaphore, #tpu.memory_space<semaphore_mem>>)
    %dma_start3A_16 = arith.constant 8 : i32
    %dma_start3A_17 = arith.constant 0 : i32
    %dma_start3A_18 = tpu.memref_slice %arg5[%dma_start3A_16, %dma_start3A_17] : memref<128x128xf32, #tpu.memory_space<vmem>> -> memref<8x128xf32, #tpu.memory_space<vmem>>
    %dma_start3A_19 = arith.constant 0 : i32
    %dma_start3A_20 = arith.constant 128 : i32
    %dma_start3A_21 = tpu.memref_slice %arg2[%dma_start3A_19, %dma_start3A_20] : memref<50x256xf32, #tpu.memory_space<hbm>> -> memref<8x128xf32, #tpu.memory_space<hbm>>
    %dma_start3A_22 = arith.constant 8 : i32
    %dma_start3A_23 = arith.constant 0 : i32
    %dma_start3A_24 = tpu.memref_slice %arg5[%dma_start3A_22, %dma_start3A_23] : memref<128x128xf32, #tpu.memory_space<vmem>> -> memref<8x128xf32, #tpu.memory_space<vmem>>
    %dma_start3A_25 = arith.constant 0 : i32
    %dma_start3A_26 = arith.constant 128 : i32
    %dma_start3A_27 = tpu.memref_slice %arg2[%dma_start3A_25, %dma_start3A_26] : memref<50x256xf32, #tpu.memory_space<hbm>> -> memref<8x128xf32, #tpu.memory_space<hbm>>
    tpu.enqueue_dma source(%dma_start3A_27 : memref<8x128xf32, #tpu.memory_space<hbm>>) target(%dma_start3A_24 : memref<8x128xf32, #tpu.memory_space<vmem>>) target_semaphore(%arg7 : memref<!tpu.dma_semaphore, #tpu.memory_space<semaphore_mem>>)
    %dma_start3A_28 = arith.constant 32 : i32
    %dma_start3A_29 = arith.constant 0 : i32
    %dma_start3A_30 = tpu.memref_slice %arg5[%dma_start3A_28, %dma_start3A_29] : memref<128x128xf32, #tpu.memory_space<vmem>> -> memref<8x128xf32, #tpu.memory_space<vmem>>
    %dma_start3A_31 = arith.constant 8 : i32
    %dma_start3A_32 = arith.constant 0 : i32
    %dma_start3A_33 = tpu.memref_slice %arg2[%dma_start3A_31, %dma_start3A_32] : memref<50x256xf32, #tpu.memory_space<hbm>> -> memref<8x128xf32, #tpu.memory_space<hbm>>
    %dma_start3A_34 = arith.constant 32 : i32
    %dma_start3A_35 = arith.constant 0 : i32
    %dma_start3A_36 = tpu.memref_slice %arg5[%dma_start3A_34, %dma_start3A_35] : memref<128x128xf32, #tpu.memory_space<vmem>> -> memref<8x128xf32, #tpu.memory_space<vmem>>
    %dma_start3A_37 = arith.constant 8 : i32
    %dma_start3A_38 = arith.constant 0 : i32
    %dma_start3A_39 = tpu.memref_slice %arg2[%dma_start3A_37, %dma_start3A_38] : memref<50x256xf32, #tpu.memory_space<hbm>> -> memref<8x128xf32, #tpu.memory_space<hbm>>
    tpu.enqueue_dma source(%dma_start3A_39 : memref<8x128xf32, #tpu.memory_space<hbm>>) target(%dma_start3A_36 : memref<8x128xf32, #tpu.memory_space<vmem>>) target_semaphore(%arg7 : memref<!tpu.dma_semaphore, #tpu.memory_space<semaphore_mem>>)
    %dma_start3A_40 = arith.constant 40 : i32
    %dma_start3A_41 = arith.constant 0 : i32
    %dma_start3A_42 = tpu.memref_slice %arg5[%dma_start3A_40, %dma_start3A_41] : memref<128x128xf32, #tpu.memory_space<vmem>> -> memref<8x128xf32, #tpu.memory_space<vmem>>
    %dma_start3A_43 = arith.constant 8 : i32
    %dma_start3A_44 = arith.constant 128 : i32
    %dma_start3A_45 = tpu.memref_slice %arg2[%dma_start3A_43, %dma_start3A_44] : memref<50x256xf32, #tpu.memory_space<hbm>> -> memref<8x128xf32, #tpu.memory_space<hbm>>
    %dma_start3A_46 = arith.constant 40 : i32
    %dma_start3A_47 = arith.constant 0 : i32
    %dma_start3A_48 = tpu.memref_slice %arg5[%dma_start3A_46, %dma_start3A_47] : memref<128x128xf32, #tpu.memory_space<vmem>> -> memref<8x128xf32, #tpu.memory_space<vmem>>
    %dma_start3A_49 = arith.constant 8 : i32
    %dma_start3A_50 = arith.constant 128 : i32
    %dma_start3A_51 = tpu.memref_slice %arg2[%dma_start3A_49, %dma_start3A_50] : memref<50x256xf32, #tpu.memory_space<hbm>> -> memref<8x128xf32, #tpu.memory_space<hbm>>
    tpu.enqueue_dma source(%dma_start3A_51 : memref<8x128xf32, #tpu.memory_space<hbm>>) target(%dma_start3A_48 : memref<8x128xf32, #tpu.memory_space<vmem>>) target_semaphore(%arg7 : memref<!tpu.dma_semaphore, #tpu.memory_space<semaphore_mem>>)
    %dma_start3A_52 = arith.constant 64 : i32
    %dma_start3A_53 = arith.constant 0 : i32
    %dma_start3A_54 = tpu.memref_slice %arg5[%dma_start3A_52, %dma_start3A_53] : memref<128x128xf32, #tpu.memory_space<vmem>> -> memref<8x128xf32, #tpu.memory_space<vmem>>
    %dma_start3A_55 = arith.constant 16 : i32
    %dma_start3A_56 = arith.constant 0 : i32
    %dma_start3A_57 = tpu.memref_slice %arg2[%dma_start3A_55, %dma_start3A_56] : memref<50x256xf32, #tpu.memory_space<hbm>> -> memref<8x128xf32, #tpu.memory_space<hbm>>
    %dma_start3A_58 = arith.constant 64 : i32
    %dma_start3A_59 = arith.constant 0 : i32
    %dma_start3A_60 = tpu.memref_slice %arg5[%dma_start3A_58, %dma_start3A_59] : memref<128x128xf32, #tpu.memory_space<vmem>> -> memref<8x128xf32, #tpu.memory_space<vmem>>
    %dma_start3A_61 = arith.constant 16 : i32
    %dma_start3A_62 = arith.constant 0 : i32
    %dma_start3A_63 = tpu.memref_slice %arg2[%dma_start3A_61, %dma_start3A_62] : memref<50x256xf32, #tpu.memory_space<hbm>> -> memref<8x128xf32, #tpu.memory_space<hbm>>
    tpu.enqueue_dma source(%dma_start3A_63 : memref<8x128xf32, #tpu.memory_space<hbm>>) target(%dma_start3A_60 : memref<8x128xf32, #tpu.memory_space<vmem>>) target_semaphore(%arg7 : memref<!tpu.dma_semaphore, #tpu.memory_space<semaphore_mem>>)
    %dma_start3A_64 = arith.constant 72 : i32
    %dma_start3A_65 = arith.constant 0 : i32
    %dma_start3A_66 = tpu.memref_slice %arg5[%dma_start3A_64, %dma_start3A_65] : memref<128x128xf32, #tpu.memory_space<vmem>> -> memref<8x128xf32, #tpu.memory_space<vmem>>
    %dma_start3A_67 = arith.constant 16 : i32
    %dma_start3A_68 = arith.constant 128 : i32
    %dma_start3A_69 = tpu.memref_slice %arg2[%dma_start3A_67, %dma_start3A_68] : memref<50x256xf32, #tpu.memory_space<hbm>> -> memref<8x128xf32, #tpu.memory_space<hbm>>
    %dma_start3A_70 = arith.constant 72 : i32
    %dma_start3A_71 = arith.constant 0 : i32
    %dma_start3A_72 = tpu.memref_slice %arg5[%dma_start3A_70, %dma_start3A_71] : memref<128x128xf32, #tpu.memory_space<vmem>> -> memref<8x128xf32, #tpu.memory_space<vmem>>
    %dma_start3A_73 = arith.constant 16 : i32
    %dma_start3A_74 = arith.constant 128 : i32
    %dma_start3A_75 = tpu.memref_slice %arg2[%dma_start3A_73, %dma_start3A_74] : memref<50x256xf32, #tpu.memory_space<hbm>> -> memref<8x128xf32, #tpu.memory_space<hbm>>
    tpu.enqueue_dma source(%dma_start3A_75 : memref<8x128xf32, #tpu.memory_space<hbm>>) target(%dma_start3A_72 : memref<8x128xf32, #tpu.memory_space<vmem>>) target_semaphore(%arg7 : memref<!tpu.dma_semaphore, #tpu.memory_space<semaphore_mem>>)
    %dma_start3A_76 = arith.constant 96 : i32
    %dma_start3A_77 = arith.constant 0 : i32
    %dma_start3A_78 = tpu.memref_slice %arg5[%dma_start3A_76, %dma_start3A_77] : memref<128x128xf32, #tpu.memory_space<vmem>> -> memref<8x128xf32, #tpu.memory_space<vmem>>
    %dma_start3A_79 = arith.constant 24 : i32
    %dma_start3A_80 = arith.constant 0 : i32
    %dma_start3A_81 = tpu.memref_slice %arg2[%dma_start3A_79, %dma_start3A_80] : memref<50x256xf32, #tpu.memory_space<hbm>> -> memref<8x128xf32, #tpu.memory_space<hbm>>
    %dma_start3A_82 = arith.constant 96 : i32
    %dma_start3A_83 = arith.constant 0 : i32
    %dma_start3A_84 = tpu.memref_slice %arg5[%dma_start3A_82, %dma_start3A_83] : memref<128x128xf32, #tpu.memory_space<vmem>> -> memref<8x128xf32, #tpu.memory_space<vmem>>
    %dma_start3A_85 = arith.constant 24 : i32
    %dma_start3A_86 = arith.constant 0 : i32
    %dma_start3A_87 = tpu.memref_slice %arg2[%dma_start3A_85, %dma_start3A_86] : memref<50x256xf32, #tpu.memory_space<hbm>> -> memref<8x128xf32, #tpu.memory_space<hbm>>
    tpu.enqueue_dma source(%dma_start3A_87 : memref<8x128xf32, #tpu.memory_space<hbm>>) target(%dma_start3A_84 : memref<8x128xf32, #tpu.memory_space<vmem>>) target_semaphore(%arg7 : memref<!tpu.dma_semaphore, #tpu.memory_space<semaphore_mem>>)
    %dma_start3A_88 = arith.constant 104 : i32
    %dma_start3A_89 = arith.constant 0 : i32
    %dma_start3A_90 = tpu.memref_slice %arg5[%dma_start3A_88, %dma_start3A_89] : memref<128x128xf32, #tpu.memory_space<vmem>> -> memref<8x128xf32, #tpu.memory_space<vmem>>
    %dma_start3A_91 = arith.constant 24 : i32
    %dma_start3A_92 = arith.constant 128 : i32
    %dma_start3A_93 = tpu.memref_slice %arg2[%dma_start3A_91, %dma_start3A_92] : memref<50x256xf32, #tpu.memory_space<hbm>> -> memref<8x128xf32, #tpu.memory_space<hbm>>
    %dma_start3A_94 = arith.constant 104 : i32
    %dma_start3A_95 = arith.constant 0 : i32
    %dma_start3A_96 = tpu.memref_slice %arg5[%dma_start3A_94, %dma_start3A_95] : memref<128x128xf32, #tpu.memory_space<vmem>> -> memref<8x128xf32, #tpu.memory_space<vmem>>
    %dma_start3A_97 = arith.constant 24 : i32
    %dma_start3A_98 = arith.constant 128 : i32
    %dma_start3A_99 = tpu.memref_slice %arg2[%dma_start3A_97, %dma_start3A_98] : memref<50x256xf32, #tpu.memory_space<hbm>> -> memref<8x128xf32, #tpu.memory_space<hbm>>
    tpu.enqueue_dma source(%dma_start3A_99 : memref<8x128xf32, #tpu.memory_space<hbm>>) target(%dma_start3A_96 : memref<8x128xf32, #tpu.memory_space<vmem>>) target_semaphore(%arg7 : memref<!tpu.dma_semaphore, #tpu.memory_space<semaphore_mem>>)
    %dma_wait3A = arith.constant 0 : i32
    %dma_wait3A_100 = tpu.memref_slice %arg3[%add3A, %dma_wait3A] : memref<50x256xf32, #tpu.memory_space<hbm>> -> memref<1x256xf32, #tpu.memory_space<hbm>>
    %dma_wait3A_101 = arith.constant 0 : i32
    %dma_wait3A_102 = tpu.memref_slice %arg3[%add3A, %dma_wait3A_101] : memref<50x256xf32, #tpu.memory_space<hbm>> -> memref<1x256xf32, #tpu.memory_space<hbm>>
    tpu.wait_dma2 semaphore(%arg7 : memref<!tpu.dma_semaphore, #tpu.memory_space<semaphore_mem>>) src(%dma_wait3A_102 : memref<1x256xf32, #tpu.memory_space<hbm>>) dst(%arg6 : memref<1x256xf32, #tpu.memory_space<vmem>>)
    %dma_wait3A_103 = arith.constant 0 : i32
    %dma_wait3A_104 = arith.constant 0 : i32
    %dma_wait3A_105 = tpu.memref_slice %arg5[%dma_wait3A_103, %dma_wait3A_104] : memref<128x128xf32, #tpu.memory_space<vmem>> -> memref<8x128xf32, #tpu.memory_space<vmem>>
    %dma_wait3A_106 = arith.constant 0 : i32
    %dma_wait3A_107 = arith.constant 0 : i32
    %dma_wait3A_108 = tpu.memref_slice %arg2[%dma_wait3A_106, %dma_wait3A_107] : memref<50x256xf32, #tpu.memory_space<hbm>> -> memref<8x128xf32, #tpu.memory_space<hbm>>
    %dma_wait3A_109 = arith.constant 0 : i32
    %dma_wait3A_110 = arith.constant 0 : i32
    %dma_wait3A_111 = tpu.memref_slice %arg5[%dma_wait3A_109, %dma_wait3A_110] : memref<128x128xf32, #tpu.memory_space<vmem>> -> memref<8x128xf32, #tpu.memory_space<vmem>>
    %dma_wait3A_112 = arith.constant 0 : i32
    %dma_wait3A_113 = arith.constant 0 : i32
    %dma_wait3A_114 = tpu.memref_slice %arg2[%dma_wait3A_112, %dma_wait3A_113] : memref<50x256xf32, #tpu.memory_space<hbm>> -> memref<8x128xf32, #tpu.memory_space<hbm>>
    tpu.wait_dma2 semaphore(%arg7 : memref<!tpu.dma_semaphore, #tpu.memory_space<semaphore_mem>>) src(%dma_wait3A_114 : memref<8x128xf32, #tpu.memory_space<hbm>>) dst(%dma_wait3A_111 : memref<8x128xf32, #tpu.memory_space<vmem>>)
    %dma_wait3A_115 = arith.constant 8 : i32
    %dma_wait3A_116 = arith.constant 0 : i32
    %dma_wait3A_117 = tpu.memref_slice %arg5[%dma_wait3A_115, %dma_wait3A_116] : memref<128x128xf32, #tpu.memory_space<vmem>> -> memref<8x128xf32, #tpu.memory_space<vmem>>
    %dma_wait3A_118 = arith.constant 0 : i32
    %dma_wait3A_119 = arith.constant 128 : i32
    %dma_wait3A_120 = tpu.memref_slice %arg2[%dma_wait3A_118, %dma_wait3A_119] : memref<50x256xf32, #tpu.memory_space<hbm>> -> memref<8x128xf32, #tpu.memory_space<hbm>>
    %dma_wait3A_121 = arith.constant 8 : i32
    %dma_wait3A_122 = arith.constant 0 : i32
    %dma_wait3A_123 = tpu.memref_slice %arg5[%dma_wait3A_121, %dma_wait3A_122] : memref<128x128xf32, #tpu.memory_space<vmem>> -> memref<8x128xf32, #tpu.memory_space<vmem>>
    %dma_wait3A_124 = arith.constant 0 : i32
    %dma_wait3A_125 = arith.constant 128 : i32
    %dma_wait3A_126 = tpu.memref_slice %arg2[%dma_wait3A_124, %dma_wait3A_125] : memref<50x256xf32, #tpu.memory_space<hbm>> -> memref<8x128xf32, #tpu.memory_space<hbm>>
    tpu.wait_dma2 semaphore(%arg7 : memref<!tpu.dma_semaphore, #tpu.memory_space<semaphore_mem>>) src(%dma_wait3A_126 : memref<8x128xf32, #tpu.memory_space<hbm>>) dst(%dma_wait3A_123 : memref<8x128xf32, #tpu.memory_space<vmem>>)
    %dma_wait3A_127 = arith.constant 32 : i32
    %dma_wait3A_128 = arith.constant 0 : i32
    %dma_wait3A_129 = tpu.memref_slice %arg5[%dma_wait3A_127, %dma_wait3A_128] : memref<128x128xf32, #tpu.memory_space<vmem>> -> memref<8x128xf32, #tpu.memory_space<vmem>>
    %dma_wait3A_130 = arith.constant 8 : i32
    %dma_wait3A_131 = arith.constant 0 : i32
    %dma_wait3A_132 = tpu.memref_slice %arg2[%dma_wait3A_130, %dma_wait3A_131] : memref<50x256xf32, #tpu.memory_space<hbm>> -> memref<8x128xf32, #tpu.memory_space<hbm>>
    %dma_wait3A_133 = arith.constant 32 : i32
    %dma_wait3A_134 = arith.constant 0 : i32
    %dma_wait3A_135 = tpu.memref_slice %arg5[%dma_wait3A_133, %dma_wait3A_134] : memref<128x128xf32, #tpu.memory_space<vmem>> -> memref<8x128xf32, #tpu.memory_space<vmem>>
    %dma_wait3A_136 = arith.constant 8 : i32
    %dma_wait3A_137 = arith.constant 0 : i32
    %dma_wait3A_138 = tpu.memref_slice %arg2[%dma_wait3A_136, %dma_wait3A_137] : memref<50x256xf32, #tpu.memory_space<hbm>> -> memref<8x128xf32, #tpu.memory_space<hbm>>
    tpu.wait_dma2 semaphore(%arg7 : memref<!tpu.dma_semaphore, #tpu.memory_space<semaphore_mem>>) src(%dma_wait3A_138 : memref<8x128xf32, #tpu.memory_space<hbm>>) dst(%dma_wait3A_135 : memref<8x128xf32, #tpu.memory_space<vmem>>)
    %dma_wait3A_139 = arith.constant 40 : i32
    %dma_wait3A_140 = arith.constant 0 : i32
    %dma_wait3A_141 = tpu.memref_slice %arg5[%dma_wait3A_139, %dma_wait3A_140] : memref<128x128xf32, #tpu.memory_space<vmem>> -> memref<8x128xf32, #tpu.memory_space<vmem>>
    %dma_wait3A_142 = arith.constant 8 : i32
    %dma_wait3A_143 = arith.constant 128 : i32
    %dma_wait3A_144 = tpu.memref_slice %arg2[%dma_wait3A_142, %dma_wait3A_143] : memref<50x256xf32, #tpu.memory_space<hbm>> -> memref<8x128xf32, #tpu.memory_space<hbm>>
    %dma_wait3A_145 = arith.constant 40 : i32
    %dma_wait3A_146 = arith.constant 0 : i32
    %dma_wait3A_147 = tpu.memref_slice %arg5[%dma_wait3A_145, %dma_wait3A_146] : memref<128x128xf32, #tpu.memory_space<vmem>> -> memref<8x128xf32, #tpu.memory_space<vmem>>
    %dma_wait3A_148 = arith.constant 8 : i32
    %dma_wait3A_149 = arith.constant 128 : i32
    %dma_wait3A_150 = tpu.memref_slice %arg2[%dma_wait3A_148, %dma_wait3A_149] : memref<50x256xf32, #tpu.memory_space<hbm>> -> memref<8x128xf32, #tpu.memory_space<hbm>>
    tpu.wait_dma2 semaphore(%arg7 : memref<!tpu.dma_semaphore, #tpu.memory_space<semaphore_mem>>) src(%dma_wait3A_150 : memref<8x128xf32, #tpu.memory_space<hbm>>) dst(%dma_wait3A_147 : memref<8x128xf32, #tpu.memory_space<vmem>>)
    %dma_wait3A_151 = arith.constant 64 : i32
    %dma_wait3A_152 = arith.constant 0 : i32
    %dma_wait3A_153 = tpu.memref_slice %arg5[%dma_wait3A_151, %dma_wait3A_152] : memref<128x128xf32, #tpu.memory_space<vmem>> -> memref<8x128xf32, #tpu.memory_space<vmem>>
    %dma_wait3A_154 = arith.constant 16 : i32
    %dma_wait3A_155 = arith.constant 0 : i32
    %dma_wait3A_156 = tpu.memref_slice %arg2[%dma_wait3A_154, %dma_wait3A_155] : memref<50x256xf32, #tpu.memory_space<hbm>> -> memref<8x128xf32, #tpu.memory_space<hbm>>
    %dma_wait3A_157 = arith.constant 64 : i32
    %dma_wait3A_158 = arith.constant 0 : i32
    %dma_wait3A_159 = tpu.memref_slice %arg5[%dma_wait3A_157, %dma_wait3A_158] : memref<128x128xf32, #tpu.memory_space<vmem>> -> memref<8x128xf32, #tpu.memory_space<vmem>>
    %dma_wait3A_160 = arith.constant 16 : i32
    %dma_wait3A_161 = arith.constant 0 : i32
    %dma_wait3A_162 = tpu.memref_slice %arg2[%dma_wait3A_160, %dma_wait3A_161] : memref<50x256xf32, #tpu.memory_space<hbm>> -> memref<8x128xf32, #tpu.memory_space<hbm>>
    tpu.wait_dma2 semaphore(%arg7 : memref<!tpu.dma_semaphore, #tpu.memory_space<semaphore_mem>>) src(%dma_wait3A_162 : memref<8x128xf32, #tpu.memory_space<hbm>>) dst(%dma_wait3A_159 : memref<8x128xf32, #tpu.memory_space<vmem>>)
    %dma_wait3A_163 = arith.constant 72 : i32
    %dma_wait3A_164 = arith.constant 0 : i32
    %dma_wait3A_165 = tpu.memref_slice %arg5[%dma_wait3A_163, %dma_wait3A_164] : memref<128x128xf32, #tpu.memory_space<vmem>> -> memref<8x128xf32, #tpu.memory_space<vmem>>
    %dma_wait3A_166 = arith.constant 16 : i32
    %dma_wait3A_167 = arith.constant 128 : i32
    %dma_wait3A_168 = tpu.memref_slice %arg2[%dma_wait3A_166, %dma_wait3A_167] : memref<50x256xf32, #tpu.memory_space<hbm>> -> memref<8x128xf32, #tpu.memory_space<hbm>>
    %dma_wait3A_169 = arith.constant 72 : i32
    %dma_wait3A_170 = arith.constant 0 : i32
    %dma_wait3A_171 = tpu.memref_slice %arg5[%dma_wait3A_169, %dma_wait3A_170] : memref<128x128xf32, #tpu.memory_space<vmem>> -> memref<8x128xf32, #tpu.memory_space<vmem>>
    %dma_wait3A_172 = arith.constant 16 : i32
    %dma_wait3A_173 = arith.constant 128 : i32
    %dma_wait3A_174 = tpu.memref_slice %arg2[%dma_wait3A_172, %dma_wait3A_173] : memref<50x256xf32, #tpu.memory_space<hbm>> -> memref<8x128xf32, #tpu.memory_space<hbm>>
    tpu.wait_dma2 semaphore(%arg7 : memref<!tpu.dma_semaphore, #tpu.memory_space<semaphore_mem>>) src(%dma_wait3A_174 : memref<8x128xf32, #tpu.memory_space<hbm>>) dst(%dma_wait3A_171 : memref<8x128xf32, #tpu.memory_space<vmem>>)
    %dma_wait3A_175 = arith.constant 96 : i32
    %dma_wait3A_176 = arith.constant 0 : i32
    %dma_wait3A_177 = tpu.memref_slice %arg5[%dma_wait3A_175, %dma_wait3A_176] : memref<128x128xf32, #tpu.memory_space<vmem>> -> memref<8x128xf32, #tpu.memory_space<vmem>>
    %dma_wait3A_178 = arith.constant 24 : i32
    %dma_wait3A_179 = arith.constant 0 : i32
    %dma_wait3A_180 = tpu.memref_slice %arg2[%dma_wait3A_178, %dma_wait3A_179] : memref<50x256xf32, #tpu.memory_space<hbm>> -> memref<8x128xf32, #tpu.memory_space<hbm>>
    %dma_wait3A_181 = arith.constant 96 : i32
    %dma_wait3A_182 = arith.constant 0 : i32
    %dma_wait3A_183 = tpu.memref_slice %arg5[%dma_wait3A_181, %dma_wait3A_182] : memref<128x128xf32, #tpu.memory_space<vmem>> -> memref<8x128xf32, #tpu.memory_space<vmem>>
    %dma_wait3A_184 = arith.constant 24 : i32
    %dma_wait3A_185 = arith.constant 0 : i32
    %dma_wait3A_186 = tpu.memref_slice %arg2[%dma_wait3A_184, %dma_wait3A_185] : memref<50x256xf32, #tpu.memory_space<hbm>> -> memref<8x128xf32, #tpu.memory_space<hbm>>
    tpu.wait_dma2 semaphore(%arg7 : memref<!tpu.dma_semaphore, #tpu.memory_space<semaphore_mem>>) src(%dma_wait3A_186 : memref<8x128xf32, #tpu.memory_space<hbm>>) dst(%dma_wait3A_183 : memref<8x128xf32, #tpu.memory_space<vmem>>)
    %dma_wait3A_187 = arith.constant 104 : i32
    %dma_wait3A_188 = arith.constant 0 : i32
    %dma_wait3A_189 = tpu.memref_slice %arg5[%dma_wait3A_187, %dma_wait3A_188] : memref<128x128xf32, #tpu.memory_space<vmem>> -> memref<8x128xf32, #tpu.memory_space<vmem>>
    %dma_wait3A_190 = arith.constant 24 : i32
    %dma_wait3A_191 = arith.constant 128 : i32
    %dma_wait3A_192 = tpu.memref_slice %arg2[%dma_wait3A_190, %dma_wait3A_191] : memref<50x256xf32, #tpu.memory_space<hbm>> -> memref<8x128xf32, #tpu.memory_space<hbm>>
    %dma_wait3A_193 = arith.constant 104 : i32
    %dma_wait3A_194 = arith.constant 0 : i32
    %dma_wait3A_195 = tpu.memref_slice %arg5[%dma_wait3A_193, %dma_wait3A_194] : memref<128x128xf32, #tpu.memory_space<vmem>> -> memref<8x128xf32, #tpu.memory_space<vmem>>
    %dma_wait3A_196 = arith.constant 24 : i32
    %dma_wait3A_197 = arith.constant 128 : i32
    %dma_wait3A_198 = tpu.memref_slice %arg2[%dma_wait3A_196, %dma_wait3A_197] : memref<50x256xf32, #tpu.memory_space<hbm>> -> memref<8x128xf32, #tpu.memory_space<hbm>>
    tpu.wait_dma2 semaphore(%arg7 : memref<!tpu.dma_semaphore, #tpu.memory_space<semaphore_mem>>) src(%dma_wait3A_198 : memref<8x128xf32, #tpu.memory_space<hbm>>) dst(%dma_wait3A_195 : memref<8x128xf32, #tpu.memory_space<vmem>>)
    %get3A = arith.constant 0 : i32
    %get3A_199 = arith.index_cast %get3A : i32 to index
    %get3A_200 = arith.constant 0 : index
    %get3A_201 = tpu.vector_load %arg6[%get3A_199, %get3A_200] {strides = array<i32>} : memref<1x256xf32, #tpu.memory_space<vmem>>, vector<16xf32>,
    %get3A_202 = arith.constant 0 : i32
    %get3A_203 = arith.index_cast %get3A_202 : i32 to index
    %get3A_204 = arith.constant 16 : index
    %get3A_205 = tpu.vector_load %arg6[%get3A_203, %get3A_204] {strides = array<i32>} : memref<1x256xf32, #tpu.memory_space<vmem>>, vector<16xf32>,
    %get3A_206 = arith.constant 0 : i32
    %get3A_207 = arith.index_cast %get3A_206 : i32 to index
    %get3A_208 = arith.constant 32 : index
    %get3A_209 = tpu.vector_load %arg6[%get3A_207, %get3A_208] {strides = array<i32>} : memref<1x256xf32, #tpu.memory_space<vmem>>, vector<16xf32>,
    %get3A_210 = arith.constant 0 : i32
    %get3A_211 = arith.index_cast %get3A_210 : i32 to index
    %get3A_212 = arith.constant 48 : index
    %get3A_213 = tpu.vector_load %arg6[%get3A_211, %get3A_212] {strides = array<i32>} : memref<1x256xf32, #tpu.memory_space<vmem>>, vector<16xf32>,
    %get3A_214 = arith.constant 0 : i32
    %get3A_215 = arith.index_cast %get3A_214 : i32 to index
    %get3A_216 = arith.constant 64 : index
    %get3A_217 = tpu.vector_load %arg6[%get3A_215, %get3A_216] {strides = array<i32>} : memref<1x256xf32, #tpu.memory_space<vmem>>, vector<16xf32>,
    %get3A_218 = arith.constant 0 : i32
    %get3A_219 = arith.index_cast %get3A_218 : i32 to index
    %get3A_220 = arith.constant 80 : index
    %get3A_221 = tpu.vector_load %arg6[%get3A_219, %get3A_220] {strides = array<i32>} : memref<1x256xf32, #tpu.memory_space<vmem>>, vector<16xf32>,
    %get3A_222 = arith.constant 0 : i32
    %get3A_223 = arith.index_cast %get3A_222 : i32 to index
    %get3A_224 = arith.constant 96 : index
    %get3A_225 = tpu.vector_load %arg6[%get3A_223, %get3A_224] {strides = array<i32>} : memref<1x256xf32, #tpu.memory_space<vmem>>, vector<16xf32>,
    %get3A_226 = arith.constant 0 : i32
    %get3A_227 = arith.index_cast %get3A_226 : i32 to index
    %get3A_228 = arith.constant 112 : index
    %get3A_229 = tpu.vector_load %arg6[%get3A_227, %get3A_228] {strides = array<i32>} : memref<1x256xf32, #tpu.memory_space<vmem>>, vector<16xf32>,
    %swap3A = arith.constant 16 : i32
    %swap3A_230 = arith.index_cast %swap3A : i32 to index
    %swap3A_231 = arith.constant 0 : index
    %swap3A_232 = tpu.vector_load %arg5[%swap3A_230, %swap3A_231] {strides = array<i32>} : memref<128x128xf32, #tpu.memory_space<vmem>>, vector<16xf32>,
    tpu.vector_store %arg5[%swap3A_230, %swap3A_231], %get3A_201 {strides = array<i32>} : memref<128x128xf32, #tpu.memory_space<vmem>>, vector<16xf32>,
    %swap3A_233 = arith.constant 16 : i32
    %swap3A_234 = arith.index_cast %swap3A_233 : i32 to index
    %swap3A_235 = arith.constant 16 : index
    %swap3A_236 = tpu.vector_load %arg5[%swap3A_234, %swap3A_235] {strides = array<i32>} : memref<128x128xf32, #tpu.memory_space<vmem>>, vector<16xf32>,
    tpu.vector_store %arg5[%swap3A_234, %swap3A_235], %get3A_205 {strides = array<i32>} : memref<128x128xf32, #tpu.memory_space<vmem>>, vector<16xf32>,
    %swap3A_237 = arith.constant 16 : i32
    %swap3A_238 = arith.index_cast %swap3A_237 : i32 to index
    %swap3A_239 = arith.constant 32 : index
    %swap3A_240 = tpu.vector_load %arg5[%swap3A_238, %swap3A_239] {strides = array<i32>} : memref<128x128xf32, #tpu.memory_space<vmem>>, vector<16xf32>,
    tpu.vector_store %arg5[%swap3A_238, %swap3A_239], %get3A_209 {strides = array<i32>} : memref<128x128xf32, #tpu.memory_space<vmem>>, vector<16xf32>,
    %swap3A_241 = arith.constant 16 : i32
    %swap3A_242 = arith.index_cast %swap3A_241 : i32 to index
    %swap3A_243 = arith.constant 48 : index
    %swap3A_244 = tpu.vector_load %arg5[%swap3A_242, %swap3A_243] {strides = array<i32>} : memref<128x128xf32, #tpu.memory_space<vmem>>, vector<16xf32>,
    tpu.vector_store %arg5[%swap3A_242, %swap3A_243], %get3A_213 {strides = array<i32>} : memref<128x128xf32, #tpu.memory_space<vmem>>, vector<16xf32>,
    %swap3A_245 = arith.constant 16 : i32
    %swap3A_246 = arith.index_cast %swap3A_245 : i32 to index
    %swap3A_247 = arith.constant 64 : index
    %swap3A_248 = tpu.vector_load %arg5[%swap3A_246, %swap3A_247] {strides = array<i32>} : memref<128x128xf32, #tpu.memory_space<vmem>>, vector<16xf32>,
    tpu.vector_store %arg5[%swap3A_246, %swap3A_247], %get3A_217 {strides = array<i32>} : memref<128x128xf32, #tpu.memory_space<vmem>>, vector<16xf32>,
    %swap3A_249 = arith.constant 16 : i32
    %swap3A_250 = arith.index_cast %swap3A_249 : i32 to index
    %swap3A_251 = arith.constant 80 : index
    %swap3A_252 = tpu.vector_load %arg5[%swap3A_250, %swap3A_251] {strides = array<i32>} : memref<128x128xf32, #tpu.memory_space<vmem>>, vector<16xf32>,
    tpu.vector_store %arg5[%swap3A_250, %swap3A_251], %get3A_221 {strides = array<i32>} : memref<128x128xf32, #tpu.memory_space<vmem>>, vector<16xf32>,
    %swap3A_253 = arith.constant 16 : i32
    %swap3A_254 = arith.index_cast %swap3A_253 : i32 to index
    %swap3A_255 = arith.constant 96 : index
    %swap3A_256 = tpu.vector_load %arg5[%swap3A_254, %swap3A_255] {strides = array<i32>} : memref<128x128xf32, #tpu.memory_space<vmem>>, vector<16xf32>,
    tpu.vector_store %arg5[%swap3A_254, %swap3A_255], %get3A_225 {strides = array<i32>} : memref<128x128xf32, #tpu.memory_space<vmem>>, vector<16xf32>,
    %swap3A_257 = arith.constant 16 : i32
    %swap3A_258 = arith.index_cast %swap3A_257 : i32 to index
    %swap3A_259 = arith.constant 112 : index
    %swap3A_260 = tpu.vector_load %arg5[%swap3A_258, %swap3A_259] {strides = array<i32>} : memref<128x128xf32, #tpu.memory_space<vmem>>, vector<16xf32>,
    tpu.vector_store %arg5[%swap3A_258, %swap3A_259], %get3A_229 {strides = array<i32>} : memref<128x128xf32, #tpu.memory_space<vmem>>, vector<16xf32>,
    %swap3A_261 = arith.constant 17 : i32
    %swap3A_262 = arith.index_cast %swap3A_261 : i32 to index
    %swap3A_263 = arith.constant 0 : index
    %swap3A_264 = tpu.vector_load %arg5[%swap3A_262, %swap3A_263] {strides = array<i32>} : memref<128x128xf32, #tpu.memory_space<vmem>>, vector<16xf32>,
    tpu.vector_store %arg5[%swap3A_262, %swap3A_263], %get3A_201 {strides = array<i32>} : memref<128x128xf32, #tpu.memory_space<vmem>>, vector<16xf32>,
    %swap3A_265 = arith.constant 17 : i32
    %swap3A_266 = arith.index_cast %swap3A_265 : i32 to index
    %swap3A_267 = arith.constant 16 : index
    %swap3A_268 = tpu.vector_load %arg5[%swap3A_266, %swap3A_267] {strides = array<i32>} : memref<128x128xf32, #tpu.memory_space<vmem>>, vector<16xf32>,
    tpu.vector_store %arg5[%swap3A_266, %swap3A_267], %get3A_205 {strides = array<i32>} : memref<128x128xf32, #tpu.memory_space<vmem>>, vector<16xf32>,
    %swap3A_269 = arith.constant 17 : i32
    %swap3A_270 = arith.index_cast %swap3A_269 : i32 to index
    %swap3A_271 = arith.constant 32 : index
    %swap3A_272 = tpu.vector_load %arg5[%swap3A_270, %swap3A_271] {strides = array<i32>} : memref<128x128xf32, #tpu.memory_space<vmem>>, vector<16xf32>,
    tpu.vector_store %arg5[%swap3A_270, %swap3A_271], %get3A_209 {strides = array<i32>} : memref<128x128xf32, #tpu.memory_space<vmem>>, vector<16xf32>,
    %swap3A_273 = arith.constant 17 : i32
    %swap3A_274 = arith.index_cast %swap3A_273 : i32 to index
    %swap3A_275 = arith.constant 48 : index
    %swap3A_276 = tpu.vector_load %arg5[%swap3A_274, %swap3A_275] {strides = array<i32>} : memref<128x128xf32, #tpu.memory_space<vmem>>, vector<16xf32>,
    tpu.vector_store %arg5[%swap3A_274, %swap3A_275], %get3A_213 {strides = array<i32>} : memref<128x128xf32, #tpu.memory_space<vmem>>, vector<16xf32>,
    %swap3A_277 = arith.constant 17 : i32
    %swap3A_278 = arith.index_cast %swap3A_277 : i32 to index
    %swap3A_279 = arith.constant 64 : index
    %swap3A_280 = tpu.vector_load %arg5[%swap3A_278, %swap3A_279] {strides = array<i32>} : memref<128x128xf32, #tpu.memory_space<vmem>>, vector<16xf32>,
    tpu.vector_store %arg5[%swap3A_278, %swap3A_279], %get3A_217 {strides = array<i32>} : memref<128x128xf32, #tpu.memory_space<vmem>>, vector<16xf32>,
    %swap3A_281 = arith.constant 17 : i32
    %swap3A_282 = arith.index_cast %swap3A_281 : i32 to index
    %swap3A_283 = arith.constant 80 : index
    %swap3A_284 = tpu.vector_load %arg5[%swap3A_282, %swap3A_283] {strides = array<i32>} : memref<128x128xf32, #tpu.memory_space<vmem>>, vector<16xf32>,
    tpu.vector_store %arg5[%swap3A_282, %swap3A_283], %get3A_221 {strides = array<i32>} : memref<128x128xf32, #tpu.memory_space<vmem>>, vector<16xf32>,
    %swap3A_285 = arith.constant 17 : i32
    %swap3A_286 = arith.index_cast %swap3A_285 : i32 to index
    %swap3A_287 = arith.constant 96 : index
    %swap3A_288 = tpu.vector_load %arg5[%swap3A_286, %swap3A_287] {strides = array<i32>} : memref<128x128xf32, #tpu.memory_space<vmem>>, vector<16xf32>,
    tpu.vector_store %arg5[%swap3A_286, %swap3A_287], %get3A_225 {strides = array<i32>} : memref<128x128xf32, #tpu.memory_space<vmem>>, vector<16xf32>,
    %swap3A_289 = arith.constant 17 : i32
    %swap3A_290 = arith.index_cast %swap3A_289 : i32 to index
    %swap3A_291 = arith.constant 112 : index
    %swap3A_292 = tpu.vector_load %arg5[%swap3A_290, %swap3A_291] {strides = array<i32>} : memref<128x128xf32, #tpu.memory_space<vmem>>, vector<16xf32>,
    tpu.vector_store %arg5[%swap3A_290, %swap3A_291], %get3A_229 {strides = array<i32>} : memref<128x128xf32, #tpu.memory_space<vmem>>, vector<16xf32>,
    %swap3A_293 = arith.constant 18 : i32
    %swap3A_294 = arith.index_cast %swap3A_293 : i32 to index
    %swap3A_295 = arith.constant 0 : index
    %swap3A_296 = tpu.vector_load %arg5[%swap3A_294, %swap3A_295] {strides = array<i32>} : memref<128x128xf32, #tpu.memory_space<vmem>>, vector<16xf32>,
    tpu.vector_store %arg5[%swap3A_294, %swap3A_295], %get3A_201 {strides = array<i32>} : memref<128x128xf32, #tpu.memory_space<vmem>>, vector<16xf32>,
    %swap3A_297 = arith.constant 18 : i32
    %swap3A_298 = arith.index_cast %swap3A_297 : i32 to index
    %swap3A_299 = arith.constant 16 : index
    %swap3A_300 = tpu.vector_load %arg5[%swap3A_298, %swap3A_299] {strides = array<i32>} : memref<128x128xf32, #tpu.memory_space<vmem>>, vector<16xf32>,
    tpu.vector_store %arg5[%swap3A_298, %swap3A_299], %get3A_205 {strides = array<i32>} : memref<128x128xf32, #tpu.memory_space<vmem>>, vector<16xf32>,
    %swap3A_301 = arith.constant 18 : i32
    %swap3A_302 = arith.index_cast %swap3A_301 : i32 to index
    %swap3A_303 = arith.constant 32 : index
    %swap3A_304 = tpu.vector_load %arg5[%swap3A_302, %swap3A_303] {strides = array<i32>} : memref<128x128xf32, #tpu.memory_space<vmem>>, vector<16xf32>,
    tpu.vector_store %arg5[%swap3A_302, %swap3A_303], %get3A_209 {strides = array<i32>} : memref<128x128xf32, #tpu.memory_space<vmem>>, vector<16xf32>,
    %swap3A_305 = arith.constant 18 : i32
    %swap3A_306 = arith.index_cast %swap3A_305 : i32 to index
    %swap3A_307 = arith.constant 48 : index
    %swap3A_308 = tpu.vector_load %arg5[%swap3A_306, %swap3A_307] {strides = array<i32>} : memref<128x128xf32, #tpu.memory_space<vmem>>, vector<16xf32>,
    tpu.vector_store %arg5[%swap3A_306, %swap3A_307], %get3A_213 {strides = array<i32>} : memref<128x128xf32, #tpu.memory_space<vmem>>, vector<16xf32>,
    %swap3A_309 = arith.constant 18 : i32
    %swap3A_310 = arith.index_cast %swap3A_309 : i32 to index
    %swap3A_311 = arith.constant 64 : index
    %swap3A_312 = tpu.vector_load %arg5[%swap3A_310, %swap3A_311] {strides = array<i32>} : memref<128x128xf32, #tpu.memory_space<vmem>>, vector<16xf32>,
    tpu.vector_store %arg5[%swap3A_310, %swap3A_311], %get3A_217 {strides = array<i32>} : memref<128x128xf32, #tpu.memory_space<vmem>>, vector<16xf32>,
    %swap3A_313 = arith.constant 18 : i32
    %swap3A_314 = arith.index_cast %swap3A_313 : i32 to index
    %swap3A_315 = arith.constant 80 : index
    %swap3A_316 = tpu.vector_load %arg5[%swap3A_314, %swap3A_315] {strides = array<i32>} : memref<128x128xf32, #tpu.memory_space<vmem>>, vector<16xf32>,
    tpu.vector_store %arg5[%swap3A_314, %swap3A_315], %get3A_221 {strides = array<i32>} : memref<128x128xf32, #tpu.memory_space<vmem>>, vector<16xf32>,
    %swap3A_317 = arith.constant 18 : i32
    %swap3A_318 = arith.index_cast %swap3A_317 : i32 to index
    %swap3A_319 = arith.constant 96 : index
    %swap3A_320 = tpu.vector_load %arg5[%swap3A_318, %swap3A_319] {strides = array<i32>} : memref<128x128xf32, #tpu.memory_space<vmem>>, vector<16xf32>,
    tpu.vector_store %arg5[%swap3A_318, %swap3A_319], %get3A_225 {strides = array<i32>} : memref<128x128xf32, #tpu.memory_space<vmem>>, vector<16xf32>,
    %swap3A_321 = arith.constant 18 : i32
    %swap3A_322 = arith.index_cast %swap3A_321 : i32 to index
    %swap3A_323 = arith.constant 112 : index
    %swap3A_324 = tpu.vector_load %arg5[%swap3A_322, %swap3A_323] {strides = array<i32>} : memref<128x128xf32, #tpu.memory_space<vmem>>, vector<16xf32>,
    tpu.vector_store %arg5[%swap3A_322, %swap3A_323], %get3A_229 {strides = array<i32>} : memref<128x128xf32, #tpu.memory_space<vmem>>, vector<16xf32>,
    %swap3A_325 = arith.constant 19 : i32
    %swap3A_326 = arith.index_cast %swap3A_325 : i32 to index
    %swap3A_327 = arith.constant 0 : index
    %swap3A_328 = tpu.vector_load %arg5[%swap3A_326, %swap3A_327] {strides = array<i32>} : memref<128x128xf32, #tpu.memory_space<vmem>>, vector<16xf32>,
    tpu.vector_store %arg5[%swap3A_326, %swap3A_327], %get3A_201 {strides = array<i32>} : memref<128x128xf32, #tpu.memory_space<vmem>>, vector<16xf32>,
    %swap3A_329 = arith.constant 19 : i32
    %swap3A_330 = arith.index_cast %swap3A_329 : i32 to index
    %swap3A_331 = arith.constant 16 : index
    %swap3A_332 = tpu.vector_load %arg5[%swap3A_330, %swap3A_331] {strides = array<i32>} : memref<128x128xf32, #tpu.memory_space<vmem>>, vector<16xf32>,
    tpu.vector_store %arg5[%swap3A_330, %swap3A_331], %get3A_205 {strides = array<i32>} : memref<128x128xf32, #tpu.memory_space<vmem>>, vector<16xf32>,
    %swap3A_333 = arith.constant 19 : i32
    %swap3A_334 = arith.index_cast %swap3A_333 : i32 to index
    %swap3A_335 = arith.constant 32 : index
    %swap3A_336 = tpu.vector_load %arg5[%swap3A_334, %swap3A_335] {strides = array<i32>} : memref<128x128xf32, #tpu.memory_space<vmem>>, vector<16xf32>,
    tpu.vector_store %arg5[%swap3A_334, %swap3A_335], %get3A_209 {strides = array<i32>} : memref<128x128xf32, #tpu.memory_space<vmem>>, vector<16xf32>,
    %swap3A_337 = arith.constant 19 : i32
    %swap3A_338 = arith.index_cast %swap3A_337 : i32 to index
    %swap3A_339 = arith.constant 48 : index
    %swap3A_340 = tpu.vector_load %arg5[%swap3A_338, %swap3A_339] {strides = array<i32>} : memref<128x128xf32, #tpu.memory_space<vmem>>, vector<16xf32>,
    tpu.vector_store %arg5[%swap3A_338, %swap3A_339], %get3A_213 {strides = array<i32>} : memref<128x128xf32, #tpu.memory_space<vmem>>, vector<16xf32>,
    %swap3A_341 = arith.constant 19 : i32
    %swap3A_342 = arith.index_cast %swap3A_341 : i32 to index
    %swap3A_343 = arith.constant 64 : index
    %swap3A_344 = tpu.vector_load %arg5[%swap3A_342, %swap3A_343] {strides = array<i32>} : memref<128x128xf32, #tpu.memory_space<vmem>>, vector<16xf32>,
    tpu.vector_store %arg5[%swap3A_342, %swap3A_343], %get3A_217 {strides = array<i32>} : memref<128x128xf32, #tpu.memory_space<vmem>>, vector<16xf32>,
    %swap3A_345 = arith.constant 19 : i32
    %swap3A_346 = arith.index_cast %swap3A_345 : i32 to index
    %swap3A_347 = arith.constant 80 : index
    %swap3A_348 = tpu.vector_load %arg5[%swap3A_346, %swap3A_347] {strides = array<i32>} : memref<128x128xf32, #tpu.memory_space<vmem>>, vector<16xf32>,
    tpu.vector_store %arg5[%swap3A_346, %swap3A_347], %get3A_221 {strides = array<i32>} : memref<128x128xf32, #tpu.memory_space<vmem>>, vector<16xf32>,
    %swap3A_349 = arith.constant 19 : i32
    %swap3A_350 = arith.index_cast %swap3A_349 : i32 to index
    %swap3A_351 = arith.constant 96 : index
    %swap3A_352 = tpu.vector_load %arg5[%swap3A_350, %swap3A_351] {strides = array<i32>} : memref<128x128xf32, #tpu.memory_space<vmem>>, vector<16xf32>,
    tpu.vector_store %arg5[%swap3A_350, %swap3A_351], %get3A_225 {strides = array<i32>} : memref<128x128xf32, #tpu.memory_space<vmem>>, vector<16xf32>,
    %swap3A_353 = arith.constant 19 : i32
    %swap3A_354 = arith.index_cast %swap3A_353 : i32 to index
    %swap3A_355 = arith.constant 112 : index
    %swap3A_356 = tpu.vector_load %arg5[%swap3A_354, %swap3A_355] {strides = array<i32>} : memref<128x128xf32, #tpu.memory_space<vmem>>, vector<16xf32>,
    tpu.vector_store %arg5[%swap3A_354, %swap3A_355], %get3A_229 {strides = array<i32>} : memref<128x128xf32, #tpu.memory_space<vmem>>, vector<16xf32>,
    %swap3A_357 = arith.constant 20 : i32
    %swap3A_358 = arith.index_cast %swap3A_357 : i32 to index
    %swap3A_359 = arith.constant 0 : index
    %swap3A_360 = tpu.vector_load %arg5[%swap3A_358, %swap3A_359] {strides = array<i32>} : memref<128x128xf32, #tpu.memory_space<vmem>>, vector<16xf32>,
    tpu.vector_store %arg5[%swap3A_358, %swap3A_359], %get3A_201 {strides = array<i32>} : memref<128x128xf32, #tpu.memory_space<vmem>>, vector<16xf32>,
    %swap3A_361 = arith.constant 20 : i32
    %swap3A_362 = arith.index_cast %swap3A_361 : i32 to index
    %swap3A_363 = arith.constant 16 : index
    %swap3A_364 = tpu.vector_load %arg5[%swap3A_362, %swap3A_363] {strides = array<i32>} : memref<128x128xf32, #tpu.memory_space<vmem>>, vector<16xf32>,
    tpu.vector_store %arg5[%swap3A_362, %swap3A_363], %get3A_205 {strides = array<i32>} : memref<128x128xf32, #tpu.memory_space<vmem>>, vector<16xf32>,
    %swap3A_365 = arith.constant 20 : i32
    %swap3A_366 = arith.index_cast %swap3A_365 : i32 to index
    %swap3A_367 = arith.constant 32 : index
    %swap3A_368 = tpu.vector_load %arg5[%swap3A_366, %swap3A_367] {strides = array<i32>} : memref<128x128xf32, #tpu.memory_space<vmem>>, vector<16xf32>,
    tpu.vector_store %arg5[%swap3A_366, %swap3A_367], %get3A_209 {strides = array<i32>} : memref<128x128xf32, #tpu.memory_space<vmem>>, vector<16xf32>,
    %swap3A_369 = arith.constant 20 : i32
    %swap3A_370 = arith.index_cast %swap3A_369 : i32 to index
    %swap3A_371 = arith.constant 48 : index
    %swap3A_372 = tpu.vector_load %arg5[%swap3A_370, %swap3A_371] {strides = array<i32>} : memref<128x128xf32, #tpu.memory_space<vmem>>, vector<16xf32>,
    tpu.vector_store %arg5[%swap3A_370, %swap3A_371], %get3A_213 {strides = array<i32>} : memref<128x128xf32, #tpu.memory_space<vmem>>, vector<16xf32>,
    %swap3A_373 = arith.constant 20 : i32
    %swap3A_374 = arith.index_cast %swap3A_373 : i32 to index
    %swap3A_375 = arith.constant 64 : index
    %swap3A_376 = tpu.vector_load %arg5[%swap3A_374, %swap3A_375] {strides = array<i32>} : memref<128x128xf32, #tpu.memory_space<vmem>>, vector<16xf32>,
    tpu.vector_store %arg5[%swap3A_374, %swap3A_375], %get3A_217 {strides = array<i32>} : memref<128x128xf32, #tpu.memory_space<vmem>>, vector<16xf32>,
    %swap3A_377 = arith.constant 20 : i32
    %swap3A_378 = arith.index_cast %swap3A_377 : i32 to index
    %swap3A_379 = arith.constant 80 : index
    %swap3A_380 = tpu.vector_load %arg5[%swap3A_378, %swap3A_379] {strides = array<i32>} : memref<128x128xf32, #tpu.memory_space<vmem>>, vector<16xf32>,
    tpu.vector_store %arg5[%swap3A_378, %swap3A_379], %get3A_221 {strides = array<i32>} : memref<128x128xf32, #tpu.memory_space<vmem>>, vector<16xf32>,
    %swap3A_381 = arith.constant 20 : i32
    %swap3A_382 = arith.index_cast %swap3A_381 : i32 to index
    %swap3A_383 = arith.constant 96 : index
    %swap3A_384 = tpu.vector_load %arg5[%swap3A_382, %swap3A_383] {strides = array<i32>} : memref<128x128xf32, #tpu.memory_space<vmem>>, vector<16xf32>,
    tpu.vector_store %arg5[%swap3A_382, %swap3A_383], %get3A_225 {strides = array<i32>} : memref<128x128xf32, #tpu.memory_space<vmem>>, vector<16xf32>,
    %swap3A_385 = arith.constant 20 : i32
    %swap3A_386 = arith.index_cast %swap3A_385 : i32 to index
    %swap3A_387 = arith.constant 112 : index
    %swap3A_388 = tpu.vector_load %arg5[%swap3A_386, %swap3A_387] {strides = array<i32>} : memref<128x128xf32, #tpu.memory_space<vmem>>, vector<16xf32>,
    tpu.vector_store %arg5[%swap3A_386, %swap3A_387], %get3A_229 {strides = array<i32>} : memref<128x128xf32, #tpu.memory_space<vmem>>, vector<16xf32>,
    %swap3A_389 = arith.constant 21 : i32
    %swap3A_390 = arith.index_cast %swap3A_389 : i32 to index
    %swap3A_391 = arith.constant 0 : index
    %swap3A_392 = tpu.vector_load %arg5[%swap3A_390, %swap3A_391] {strides = array<i32>} : memref<128x128xf32, #tpu.memory_space<vmem>>, vector<16xf32>,
    tpu.vector_store %arg5[%swap3A_390, %swap3A_391], %get3A_201 {strides = array<i32>} : memref<128x128xf32, #tpu.memory_space<vmem>>, vector<16xf32>,
    %swap3A_393 = arith.constant 21 : i32
    %swap3A_394 = arith.index_cast %swap3A_393 : i32 to index
    %swap3A_395 = arith.constant 16 : index
    %swap3A_396 = tpu.vector_load %arg5[%swap3A_394, %swap3A_395] {strides = array<i32>} : memref<128x128xf32, #tpu.memory_space<vmem>>, vector<16xf32>,
    tpu.vector_store %arg5[%swap3A_394, %swap3A_395], %get3A_205 {strides = array<i32>} : memref<128x128xf32, #tpu.memory_space<vmem>>, vector<16xf32>,
    %swap3A_397 = arith.constant 21 : i32
    %swap3A_398 = arith.index_cast %swap3A_397 : i32 to index
    %swap3A_399 = arith.constant 32 : index
    %swap3A_400 = tpu.vector_load %arg5[%swap3A_398, %swap3A_399] {strides = array<i32>} : memref<128x128xf32, #tpu.memory_space<vmem>>, vector<16xf32>,
    tpu.vector_store %arg5[%swap3A_398, %swap3A_399], %get3A_209 {strides = array<i32>} : memref<128x128xf32, #tpu.memory_space<vmem>>, vector<16xf32>,
    %swap3A_401 = arith.constant 21 : i32
    %swap3A_402 = arith.index_cast %swap3A_401 : i32 to index
    %swap3A_403 = arith.constant 48 : index
    %swap3A_404 = tpu.vector_load %arg5[%swap3A_402, %swap3A_403] {strides = array<i32>} : memref<128x128xf32, #tpu.memory_space<vmem>>, vector<16xf32>,
    tpu.vector_store %arg5[%swap3A_402, %swap3A_403], %get3A_213 {strides = array<i32>} : memref<128x128xf32, #tpu.memory_space<vmem>>, vector<16xf32>,
    %swap3A_405 = arith.constant 21 : i32
    %swap3A_406 = arith.index_cast %swap3A_405 : i32 to index
    %swap3A_407 = arith.constant 64 : index
    %swap3A_408 = tpu.vector_load %arg5[%swap3A_406, %swap3A_407] {strides = array<i32>} : memref<128x128xf32, #tpu.memory_space<vmem>>, vector<16xf32>,
    tpu.vector_store %arg5[%swap3A_406, %swap3A_407], %get3A_217 {strides = array<i32>} : memref<128x128xf32, #tpu.memory_space<vmem>>, vector<16xf32>,
    %swap3A_409 = arith.constant 21 : i32
    %swap3A_410 = arith.index_cast %swap3A_409 : i32 to index
    %swap3A_411 = arith.constant 80 : index
    %swap3A_412 = tpu.vector_load %arg5[%swap3A_410, %swap3A_411] {strides = array<i32>} : memref<128x128xf32, #tpu.memory_space<vmem>>, vector<16xf32>,
    tpu.vector_store %arg5[%swap3A_410, %swap3A_411], %get3A_221 {strides = array<i32>} : memref<128x128xf32, #tpu.memory_space<vmem>>, vector<16xf32>,
    %swap3A_413 = arith.constant 21 : i32
    %swap3A_414 = arith.index_cast %swap3A_413 : i32 to index
    %swap3A_415 = arith.constant 96 : index
    %swap3A_416 = tpu.vector_load %arg5[%swap3A_414, %swap3A_415] {strides = array<i32>} : memref<128x128xf32, #tpu.memory_space<vmem>>, vector<16xf32>,
    tpu.vector_store %arg5[%swap3A_414, %swap3A_415], %get3A_225 {strides = array<i32>} : memref<128x128xf32, #tpu.memory_space<vmem>>, vector<16xf32>,
    %swap3A_417 = arith.constant 21 : i32
    %swap3A_418 = arith.index_cast %swap3A_417 : i32 to index
    %swap3A_419 = arith.constant 112 : index
    %swap3A_420 = tpu.vector_load %arg5[%swap3A_418, %swap3A_419] {strides = array<i32>} : memref<128x128xf32, #tpu.memory_space<vmem>>, vector<16xf32>,
    tpu.vector_store %arg5[%swap3A_418, %swap3A_419], %get3A_229 {strides = array<i32>} : memref<128x128xf32, #tpu.memory_space<vmem>>, vector<16xf32>,
    %swap3A_421 = arith.constant 22 : i32
    %swap3A_422 = arith.index_cast %swap3A_421 : i32 to index
    %swap3A_423 = arith.constant 0 : index
    %swap3A_424 = tpu.vector_load %arg5[%swap3A_422, %swap3A_423] {strides = array<i32>} : memref<128x128xf32, #tpu.memory_space<vmem>>, vector<16xf32>,
    tpu.vector_store %arg5[%swap3A_422, %swap3A_423], %get3A_201 {strides = array<i32>} : memref<128x128xf32, #tpu.memory_space<vmem>>, vector<16xf32>,
    %swap3A_425 = arith.constant 22 : i32
    %swap3A_426 = arith.index_cast %swap3A_425 : i32 to index
    %swap3A_427 = arith.constant 16 : index
    %swap3A_428 = tpu.vector_load %arg5[%swap3A_426, %swap3A_427] {strides = array<i32>} : memref<128x128xf32, #tpu.memory_space<vmem>>, vector<16xf32>,
    tpu.vector_store %arg5[%swap3A_426, %swap3A_427], %get3A_205 {strides = array<i32>} : memref<128x128xf32, #tpu.memory_space<vmem>>, vector<16xf32>,
    %swap3A_429 = arith.constant 22 : i32
    %swap3A_430 = arith.index_cast %swap3A_429 : i32 to index
    %swap3A_431 = arith.constant 32 : index
    %swap3A_432 = tpu.vector_load %arg5[%swap3A_430, %swap3A_431] {strides = array<i32>} : memref<128x128xf32, #tpu.memory_space<vmem>>, vector<16xf32>,
    tpu.vector_store %arg5[%swap3A_430, %swap3A_431], %get3A_209 {strides = array<i32>} : memref<128x128xf32, #tpu.memory_space<vmem>>, vector<16xf32>,
    %swap3A_433 = arith.constant 22 : i32
    %swap3A_434 = arith.index_cast %swap3A_433 : i32 to index
    %swap3A_435 = arith.constant 48 : index
    %swap3A_436 = tpu.vector_load %arg5[%swap3A_434, %swap3A_435] {strides = array<i32>} : memref<128x128xf32, #tpu.memory_space<vmem>>, vector<16xf32>,
    tpu.vector_store %arg5[%swap3A_434, %swap3A_435], %get3A_213 {strides = array<i32>} : memref<128x128xf32, #tpu.memory_space<vmem>>, vector<16xf32>,
    %swap3A_437 = arith.constant 22 : i32
    %swap3A_438 = arith.index_cast %swap3A_437 : i32 to index
    %swap3A_439 = arith.constant 64 : index
    %swap3A_440 = tpu.vector_load %arg5[%swap3A_438, %swap3A_439] {strides = array<i32>} : memref<128x128xf32, #tpu.memory_space<vmem>>, vector<16xf32>,
    tpu.vector_store %arg5[%swap3A_438, %swap3A_439], %get3A_217 {strides = array<i32>} : memref<128x128xf32, #tpu.memory_space<vmem>>, vector<16xf32>,
    %swap3A_441 = arith.constant 22 : i32
    %swap3A_442 = arith.index_cast %swap3A_441 : i32 to index
    %swap3A_443 = arith.constant 80 : index
    %swap3A_444 = tpu.vector_load %arg5[%swap3A_442, %swap3A_443] {strides = array<i32>} : memref<128x128xf32, #tpu.memory_space<vmem>>, vector<16xf32>,
    tpu.vector_store %arg5[%swap3A_442, %swap3A_443], %get3A_221 {strides = array<i32>} : memref<128x128xf32, #tpu.memory_space<vmem>>, vector<16xf32>,
    %swap3A_445 = arith.constant 22 : i32
    %swap3A_446 = arith.index_cast %swap3A_445 : i32 to index
    %swap3A_447 = arith.constant 96 : index
    %swap3A_448 = tpu.vector_load %arg5[%swap3A_446, %swap3A_447] {strides = array<i32>} : memref<128x128xf32, #tpu.memory_space<vmem>>, vector<16xf32>,
    tpu.vector_store %arg5[%swap3A_446, %swap3A_447], %get3A_225 {strides = array<i32>} : memref<128x128xf32, #tpu.memory_space<vmem>>, vector<16xf32>,
    %swap3A_449 = arith.constant 22 : i32
    %swap3A_450 = arith.index_cast %swap3A_449 : i32 to index
    %swap3A_451 = arith.constant 112 : index
    %swap3A_452 = tpu.vector_load %arg5[%swap3A_450, %swap3A_451] {strides = array<i32>} : memref<128x128xf32, #tpu.memory_space<vmem>>, vector<16xf32>,
    tpu.vector_store %arg5[%swap3A_450, %swap3A_451], %get3A_229 {strides = array<i32>} : memref<128x128xf32, #tpu.memory_space<vmem>>, vector<16xf32>,
    %swap3A_453 = arith.constant 23 : i32
    %swap3A_454 = arith.index_cast %swap3A_453 : i32 to index
    %swap3A_455 = arith.constant 0 : index
    %swap3A_456 = tpu.vector_load %arg5[%swap3A_454, %swap3A_455] {strides = array<i32>} : memref<128x128xf32, #tpu.memory_space<vmem>>, vector<16xf32>,
    tpu.vector_store %arg5[%swap3A_454, %swap3A_455], %get3A_201 {strides = array<i32>} : memref<128x128xf32, #tpu.memory_space<vmem>>, vector<16xf32>,
    %swap3A_457 = arith.constant 23 : i32
    %swap3A_458 = arith.index_cast %swap3A_457 : i32 to index
    %swap3A_459 = arith.constant 16 : index
    %swap3A_460 = tpu.vector_load %arg5[%swap3A_458, %swap3A_459] {strides = array<i32>} : memref<128x128xf32, #tpu.memory_space<vmem>>, vector<16xf32>,
    tpu.vector_store %arg5[%swap3A_458, %swap3A_459], %get3A_205 {strides = array<i32>} : memref<128x128xf32, #tpu.memory_space<vmem>>, vector<16xf32>,
    %swap3A_461 = arith.constant 23 : i32
    %swap3A_462 = arith.index_cast %swap3A_461 : i32 to index
    %swap3A_463 = arith.constant 32 : index
    %swap3A_464 = tpu.vector_load %arg5[%swap3A_462, %swap3A_463] {strides = array<i32>} : memref<128x128xf32, #tpu.memory_space<vmem>>, vector<16xf32>,
    tpu.vector_store %arg5[%swap3A_462, %swap3A_463], %get3A_209 {strides = array<i32>} : memref<128x128xf32, #tpu.memory_space<vmem>>, vector<16xf32>,
    %swap3A_465 = arith.constant 23 : i32
    %swap3A_466 = arith.index_cast %swap3A_465 : i32 to index
    %swap3A_467 = arith.constant 48 : index
    %swap3A_468 = tpu.vector_load %arg5[%swap3A_466, %swap3A_467] {strides = array<i32>} : memref<128x128xf32, #tpu.memory_space<vmem>>, vector<16xf32>,
    tpu.vector_store %arg5[%swap3A_466, %swap3A_467], %get3A_213 {strides = array<i32>} : memref<128x128xf32, #tpu.memory_space<vmem>>, vector<16xf32>,
    %swap3A_469 = arith.constant 23 : i32
    %swap3A_470 = arith.index_cast %swap3A_469 : i32 to index
    %swap3A_471 = arith.constant 64 : index
    %swap3A_472 = tpu.vector_load %arg5[%swap3A_470, %swap3A_471] {strides = array<i32>} : memref<128x128xf32, #tpu.memory_space<vmem>>, vector<16xf32>,
    tpu.vector_store %arg5[%swap3A_470, %swap3A_471], %get3A_217 {strides = array<i32>} : memref<128x128xf32, #tpu.memory_space<vmem>>, vector<16xf32>,
    %swap3A_473 = arith.constant 23 : i32
    %swap3A_474 = arith.index_cast %swap3A_473 : i32 to index
    %swap3A_475 = arith.constant 80 : index
    %swap3A_476 = tpu.vector_load %arg5[%swap3A_474, %swap3A_475] {strides = array<i32>} : memref<128x128xf32, #tpu.memory_space<vmem>>, vector<16xf32>,
    tpu.vector_store %arg5[%swap3A_474, %swap3A_475], %get3A_221 {strides = array<i32>} : memref<128x128xf32, #tpu.memory_space<vmem>>, vector<16xf32>,
    %swap3A_477 = arith.constant 23 : i32
    %swap3A_478 = arith.index_cast %swap3A_477 : i32 to index
    %swap3A_479 = arith.constant 96 : index
    %swap3A_480 = tpu.vector_load %arg5[%swap3A_478, %swap3A_479] {strides = array<i32>} : memref<128x128xf32, #tpu.memory_space<vmem>>, vector<16xf32>,
    tpu.vector_store %arg5[%swap3A_478, %swap3A_479], %get3A_225 {strides = array<i32>} : memref<128x128xf32, #tpu.memory_space<vmem>>, vector<16xf32>,
    %swap3A_481 = arith.constant 23 : i32
    %swap3A_482 = arith.index_cast %swap3A_481 : i32 to index
    %swap3A_483 = arith.constant 112 : index
    %swap3A_484 = tpu.vector_load %arg5[%swap3A_482, %swap3A_483] {strides = array<i32>} : memref<128x128xf32, #tpu.memory_space<vmem>>, vector<16xf32>,
    tpu.vector_store %arg5[%swap3A_482, %swap3A_483], %get3A_229 {strides = array<i32>} : memref<128x128xf32, #tpu.memory_space<vmem>>, vector<16xf32>,
    %swap3A_485 = arith.constant 48 : i32
    %swap3A_486 = arith.index_cast %swap3A_485 : i32 to index
    %swap3A_487 = arith.constant 0 : index
    %swap3A_488 = tpu.vector_load %arg5[%swap3A_486, %swap3A_487] {strides = array<i32>} : memref<128x128xf32, #tpu.memory_space<vmem>>, vector<16xf32>,
    tpu.vector_store %arg5[%swap3A_486, %swap3A_487], %get3A_201 {strides = array<i32>} : memref<128x128xf32, #tpu.memory_space<vmem>>, vector<16xf32>,
    %swap3A_489 = arith.constant 48 : i32
    %swap3A_490 = arith.index_cast %swap3A_489 : i32 to index
    %swap3A_491 = arith.constant 16 : index
    %swap3A_492 = tpu.vector_load %arg5[%swap3A_490, %swap3A_491] {strides = array<i32>} : memref<128x128xf32, #tpu.memory_space<vmem>>, vector<16xf32>,
    tpu.vector_store %arg5[%swap3A_490, %swap3A_491], %get3A_205 {strides = array<i32>} : memref<128x128xf32, #tpu.memory_space<vmem>>, vector<16xf32>,
    %swap3A_493 = arith.constant 48 : i32
    %swap3A_494 = arith.index_cast %swap3A_493 : i32 to index
    %swap3A_495 = arith.constant 32 : index
    %swap3A_496 = tpu.vector_load %arg5[%swap3A_494, %swap3A_495] {strides = array<i32>} : memref<128x128xf32, #tpu.memory_space<vmem>>, vector<16xf32>,
    tpu.vector_store %arg5[%swap3A_494, %swap3A_495], %get3A_209 {strides = array<i32>} : memref<128x128xf32, #tpu.memory_space<vmem>>, vector<16xf32>,
    %swap3A_497 = arith.constant 48 : i32
    %swap3A_498 = arith.index_cast %swap3A_497 : i32 to index
    %swap3A_499 = arith.constant 48 : index
    %swap3A_500 = tpu.vector_load %arg5[%swap3A_498, %swap3A_499] {strides = array<i32>} : memref<128x128xf32, #tpu.memory_space<vmem>>, vector<16xf32>,
    tpu.vector_store %arg5[%swap3A_498, %swap3A_499], %get3A_213 {strides = array<i32>} : memref<128x128xf32, #tpu.memory_space<vmem>>, vector<16xf32>,
    %swap3A_501 = arith.constant 48 : i32
    %swap3A_502 = arith.index_cast %swap3A_501 : i32 to index
    %swap3A_503 = arith.constant 64 : index
    %swap3A_504 = tpu.vector_load %arg5[%swap3A_502, %swap3A_503] {strides = array<i32>} : memref<128x128xf32, #tpu.memory_space<vmem>>, vector<16xf32>,
    tpu.vector_store %arg5[%swap3A_502, %swap3A_503], %get3A_217 {strides = array<i32>} : memref<128x128xf32, #tpu.memory_space<vmem>>, vector<16xf32>,
    %swap3A_505 = arith.constant 48 : i32
    %swap3A_506 = arith.index_cast %swap3A_505 : i32 to index
    %swap3A_507 = arith.constant 80 : index
    %swap3A_508 = tpu.vector_load %arg5[%swap3A_506, %swap3A_507] {strides = array<i32>} : memref<128x128xf32, #tpu.memory_space<vmem>>, vector<16xf32>,
    tpu.vector_store %arg5[%swap3A_506, %swap3A_507], %get3A_221 {strides = array<i32>} : memref<128x128xf32, #tpu.memory_space<vmem>>, vector<16xf32>,
    %swap3A_509 = arith.constant 48 : i32
    %swap3A_510 = arith.index_cast %swap3A_509 : i32 to index
    %swap3A_511 = arith.constant 96 : index
    %swap3A_512 = tpu.vector_load %arg5[%swap3A_510, %swap3A_511] {strides = array<i32>} : memref<128x128xf32, #tpu.memory_space<vmem>>, vector<16xf32>,
    tpu.vector_store %arg5[%swap3A_510, %swap3A_511], %get3A_225 {strides = array<i32>} : memref<128x128xf32, #tpu.memory_space<vmem>>, vector<16xf32>,
    %swap3A_513 = arith.constant 48 : i32
    %swap3A_514 = arith.index_cast %swap3A_513 : i32 to index
    %swap3A_515 = arith.constant 112 : index
    %swap3A_516 = tpu.vector_load %arg5[%swap3A_514, %swap3A_515] {strides = array<i32>} : memref<128x128xf32, #tpu.memory_space<vmem>>, vector<16xf32>,
    tpu.vector_store %arg5[%swap3A_514, %swap3A_515], %get3A_229 {strides = array<i32>} : memref<128x128xf32, #tpu.memory_space<vmem>>, vector<16xf32>,
    %swap3A_517 = arith.constant 49 : i32
    %swap3A_518 = arith.index_cast %swap3A_517 : i32 to index
    %swap3A_519 = arith.constant 0 : index
    %swap3A_520 = tpu.vector_load %arg5[%swap3A_518, %swap3A_519] {strides = array<i32>} : memref<128x128xf32, #tpu.memory_space<vmem>>, vector<16xf32>,
    tpu.vector_store %arg5[%swap3A_518, %swap3A_519], %get3A_201 {strides = array<i32>} : memref<128x128xf32, #tpu.memory_space<vmem>>, vector<16xf32>,
    %swap3A_521 = arith.constant 49 : i32
    %swap3A_522 = arith.index_cast %swap3A_521 : i32 to index
    %swap3A_523 = arith.constant 16 : index
    %swap3A_524 = tpu.vector_load %arg5[%swap3A_522, %swap3A_523] {strides = array<i32>} : memref<128x128xf32, #tpu.memory_space<vmem>>, vector<16xf32>,
    tpu.vector_store %arg5[%swap3A_522, %swap3A_523], %get3A_205 {strides = array<i32>} : memref<128x128xf32, #tpu.memory_space<vmem>>, vector<16xf32>,
    %swap3A_525 = arith.constant 49 : i32
    %swap3A_526 = arith.index_cast %swap3A_525 : i32 to index
    %swap3A_527 = arith.constant 32 : index
    %swap3A_528 = tpu.vector_load %arg5[%swap3A_526, %swap3A_527] {strides = array<i32>} : memref<128x128xf32, #tpu.memory_space<vmem>>, vector<16xf32>,
    tpu.vector_store %arg5[%swap3A_526, %swap3A_527], %get3A_209 {strides = array<i32>} : memref<128x128xf32, #tpu.memory_space<vmem>>, vector<16xf32>,
    %swap3A_529 = arith.constant 49 : i32
    %swap3A_530 = arith.index_cast %swap3A_529 : i32 to index
    %swap3A_531 = arith.constant 48 : index
    %swap3A_532 = tpu.vector_load %arg5[%swap3A_530, %swap3A_531] {strides = array<i32>} : memref<128x128xf32, #tpu.memory_space<vmem>>, vector<16xf32>,
    tpu.vector_store %arg5[%swap3A_530, %swap3A_531], %get3A_213 {strides = array<i32>} : memref<128x128xf32, #tpu.memory_space<vmem>>, vector<16xf32>,
    %swap3A_533 = arith.constant 49 : i32
    %swap3A_534 = arith.index_cast %swap3A_533 : i32 to index
    %swap3A_535 = arith.constant 64 : index
    %swap3A_536 = tpu.vector_load %arg5[%swap3A_534, %swap3A_535] {strides = array<i32>} : memref<128x128xf32, #tpu.memory_space<vmem>>, vector<16xf32>,
    tpu.vector_store %arg5[%swap3A_534, %swap3A_535], %get3A_217 {strides = array<i32>} : memref<128x128xf32, #tpu.memory_space<vmem>>, vector<16xf32>,
    %swap3A_537 = arith.constant 49 : i32
    %swap3A_538 = arith.index_cast %swap3A_537 : i32 to index
    %swap3A_539 = arith.constant 80 : index
    %swap3A_540 = tpu.vector_load %arg5[%swap3A_538, %swap3A_539] {strides = array<i32>} : memref<128x128xf32, #tpu.memory_space<vmem>>, vector<16xf32>,
    tpu.vector_store %arg5[%swap3A_538, %swap3A_539], %get3A_221 {strides = array<i32>} : memref<128x128xf32, #tpu.memory_space<vmem>>, vector<16xf32>,
    %swap3A_541 = arith.constant 49 : i32
    %swap3A_542 = arith.index_cast %swap3A_541 : i32 to index
    %swap3A_543 = arith.constant 96 : index
    %swap3A_544 = tpu.vector_load %arg5[%swap3A_542, %swap3A_543] {strides = array<i32>} : memref<128x128xf32, #tpu.memory_space<vmem>>, vector<16xf32>,
    tpu.vector_store %arg5[%swap3A_542, %swap3A_543], %get3A_225 {strides = array<i32>} : memref<128x128xf32, #tpu.memory_space<vmem>>, vector<16xf32>,
    %swap3A_545 = arith.constant 49 : i32
    %swap3A_546 = arith.index_cast %swap3A_545 : i32 to index
    %swap3A_547 = arith.constant 112 : index
    %swap3A_548 = tpu.vector_load %arg5[%swap3A_546, %swap3A_547] {strides = array<i32>} : memref<128x128xf32, #tpu.memory_space<vmem>>, vector<16xf32>,
    tpu.vector_store %arg5[%swap3A_546, %swap3A_547], %get3A_229 {strides = array<i32>} : memref<128x128xf32, #tpu.memory_space<vmem>>, vector<16xf32>,
    %swap3A_549 = arith.constant 50 : i32
    %swap3A_550 = arith.index_cast %swap3A_549 : i32 to index
    %swap3A_551 = arith.constant 0 : index
    %swap3A_552 = tpu.vector_load %arg5[%swap3A_550, %swap3A_551] {strides = array<i32>} : memref<128x128xf32, #tpu.memory_space<vmem>>, vector<16xf32>,
    tpu.vector_store %arg5[%swap3A_550, %swap3A_551], %get3A_201 {strides = array<i32>} : memref<128x128xf32, #tpu.memory_space<vmem>>, vector<16xf32>,
    %swap3A_553 = arith.constant 50 : i32
    %swap3A_554 = arith.index_cast %swap3A_553 : i32 to index
    %swap3A_555 = arith.constant 16 : index
    %swap3A_556 = tpu.vector_load %arg5[%swap3A_554, %swap3A_555] {strides = array<i32>} : memref<128x128xf32, #tpu.memory_space<vmem>>, vector<16xf32>,
    tpu.vector_store %arg5[%swap3A_554, %swap3A_555], %get3A_205 {strides = array<i32>} : memref<128x128xf32, #tpu.memory_space<vmem>>, vector<16xf32>,
    %swap3A_557 = arith.constant 50 : i32
    %swap3A_558 = arith.index_cast %swap3A_557 : i32 to index
    %swap3A_559 = arith.constant 32 : index
    %swap3A_560 = tpu.vector_load %arg5[%swap3A_558, %swap3A_559] {strides = array<i32>} : memref<128x128xf32, #tpu.memory_space<vmem>>, vector<16xf32>,
    tpu.vector_store %arg5[%swap3A_558, %swap3A_559], %get3A_209 {strides = array<i32>} : memref<128x128xf32, #tpu.memory_space<vmem>>, vector<16xf32>,
    %swap3A_561 = arith.constant 50 : i32
    %swap3A_562 = arith.index_cast %swap3A_561 : i32 to index
    %swap3A_563 = arith.constant 48 : index
    %swap3A_564 = tpu.vector_load %arg5[%swap3A_562, %swap3A_563] {strides = array<i32>} : memref<128x128xf32, #tpu.memory_space<vmem>>, vector<16xf32>,
    tpu.vector_store %arg5[%swap3A_562, %swap3A_563], %get3A_213 {strides = array<i32>} : memref<128x128xf32, #tpu.memory_space<vmem>>, vector<16xf32>,
    %swap3A_565 = arith.constant 50 : i32
    %swap3A_566 = arith.index_cast %swap3A_565 : i32 to index
    %swap3A_567 = arith.constant 64 : index
    %swap3A_568 = tpu.vector_load %arg5[%swap3A_566, %swap3A_567] {strides = array<i32>} : memref<128x128xf32, #tpu.memory_space<vmem>>, vector<16xf32>,
    tpu.vector_store %arg5[%swap3A_566, %swap3A_567], %get3A_217 {strides = array<i32>} : memref<128x128xf32, #tpu.memory_space<vmem>>, vector<16xf32>,
    %swap3A_569 = arith.constant 50 : i32
    %swap3A_570 = arith.index_cast %swap3A_569 : i32 to index
    %swap3A_571 = arith.constant 80 : index
    %swap3A_572 = tpu.vector_load %arg5[%swap3A_570, %swap3A_571] {strides = array<i32>} : memref<128x128xf32, #tpu.memory_space<vmem>>, vector<16xf32>,
    tpu.vector_store %arg5[%swap3A_570, %swap3A_571], %get3A_221 {strides = array<i32>} : memref<128x128xf32, #tpu.memory_space<vmem>>, vector<16xf32>,
    %swap3A_573 = arith.constant 50 : i32
    %swap3A_574 = arith.index_cast %swap3A_573 : i32 to index
    %swap3A_575 = arith.constant 96 : index
    %swap3A_576 = tpu.vector_load %arg5[%swap3A_574, %swap3A_575] {strides = array<i32>} : memref<128x128xf32, #tpu.memory_space<vmem>>, vector<16xf32>,
    tpu.vector_store %arg5[%swap3A_574, %swap3A_575], %get3A_225 {strides = array<i32>} : memref<128x128xf32, #tpu.memory_space<vmem>>, vector<16xf32>,
    %swap3A_577 = arith.constant 50 : i32
    %swap3A_578 = arith.index_cast %swap3A_577 : i32 to index
    %swap3A_579 = arith.constant 112 : index
    %swap3A_580 = tpu.vector_load %arg5[%swap3A_578, %swap3A_579] {strides = array<i32>} : memref<128x128xf32, #tpu.memory_space<vmem>>, vector<16xf32>,
    tpu.vector_store %arg5[%swap3A_578, %swap3A_579], %get3A_229 {strides = array<i32>} : memref<128x128xf32, #tpu.memory_space<vmem>>, vector<16xf32>,
    %swap3A_581 = arith.constant 51 : i32
    %swap3A_582 = arith.index_cast %swap3A_581 : i32 to index
    %swap3A_583 = arith.constant 0 : index
    %swap3A_584 = tpu.vector_load %arg5[%swap3A_582, %swap3A_583] {strides = array<i32>} : memref<128x128xf32, #tpu.memory_space<vmem>>, vector<16xf32>,
    tpu.vector_store %arg5[%swap3A_582, %swap3A_583], %get3A_201 {strides = array<i32>} : memref<128x128xf32, #tpu.memory_space<vmem>>, vector<16xf32>,
    %swap3A_585 = arith.constant 51 : i32
    %swap3A_586 = arith.index_cast %swap3A_585 : i32 to index
    %swap3A_587 = arith.constant 16 : index
    %swap3A_588 = tpu.vector_load %arg5[%swap3A_586, %swap3A_587] {strides = array<i32>} : memref<128x128xf32, #tpu.memory_space<vmem>>, vector<16xf32>,
    tpu.vector_store %arg5[%swap3A_586, %swap3A_587], %get3A_205 {strides = array<i32>} : memref<128x128xf32, #tpu.memory_space<vmem>>, vector<16xf32>,
    %swap3A_589 = arith.constant 51 : i32
    %swap3A_590 = arith.index_cast %swap3A_589 : i32 to index
    %swap3A_591 = arith.constant 32 : index
    %swap3A_592 = tpu.vector_load %arg5[%swap3A_590, %swap3A_591] {strides = array<i32>} : memref<128x128xf32, #tpu.memory_space<vmem>>, vector<16xf32>,
    tpu.vector_store %arg5[%swap3A_590, %swap3A_591], %get3A_209 {strides = array<i32>} : memref<128x128xf32, #tpu.memory_space<vmem>>, vector<16xf32>,
    %swap3A_593 = arith.constant 51 : i32
    %swap3A_594 = arith.index_cast %swap3A_593 : i32 to index
    %swap3A_595 = arith.constant 48 : index
    %swap3A_596 = tpu.vector_load %arg5[%swap3A_594, %swap3A_595] {strides = array<i32>} : memref<128x128xf32, #tpu.memory_space<vmem>>, vector<16xf32>,
    tpu.vector_store %arg5[%swap3A_594, %swap3A_595], %get3A_213 {strides = array<i32>} : memref<128x128xf32, #tpu.memory_space<vmem>>, vector<16xf32>,
    %swap3A_597 = arith.constant 51 : i32
    %swap3A_598 = arith.index_cast %swap3A_597 : i32 to index
    %swap3A_599 = arith.constant 64 : index
    %swap3A_600 = tpu.vector_load %arg5[%swap3A_598, %swap3A_599] {strides = array<i32>} : memref<128x128xf32, #tpu.memory_space<vmem>>, vector<16xf32>,
    tpu.vector_store %arg5[%swap3A_598, %swap3A_599], %get3A_217 {strides = array<i32>} : memref<128x128xf32, #tpu.memory_space<vmem>>, vector<16xf32>,
    %swap3A_601 = arith.constant 51 : i32
    %swap3A_602 = arith.index_cast %swap3A_601 : i32 to index
    %swap3A_603 = arith.constant 80 : index
    %swap3A_604 = tpu.vector_load %arg5[%swap3A_602, %swap3A_603] {strides = array<i32>} : memref<128x128xf32, #tpu.memory_space<vmem>>, vector<16xf32>,
    tpu.vector_store %arg5[%swap3A_602, %swap3A_603], %get3A_221 {strides = array<i32>} : memref<128x128xf32, #tpu.memory_space<vmem>>, vector<16xf32>,
    %swap3A_605 = arith.constant 51 : i32
    %swap3A_606 = arith.index_cast %swap3A_605 : i32 to index
    %swap3A_607 = arith.constant 96 : index
    %swap3A_608 = tpu.vector_load %arg5[%swap3A_606, %swap3A_607] {strides = array<i32>} : memref<128x128xf32, #tpu.memory_space<vmem>>, vector<16xf32>,
    tpu.vector_store %arg5[%swap3A_606, %swap3A_607], %get3A_225 {strides = array<i32>} : memref<128x128xf32, #tpu.memory_space<vmem>>, vector<16xf32>,
    %swap3A_609 = arith.constant 51 : i32
    %swap3A_610 = arith.index_cast %swap3A_609 : i32 to index
    %swap3A_611 = arith.constant 112 : index
    %swap3A_612 = tpu.vector_load %arg5[%swap3A_610, %swap3A_611] {strides = array<i32>} : memref<128x128xf32, #tpu.memory_space<vmem>>, vector<16xf32>,
    tpu.vector_store %arg5[%swap3A_610, %swap3A_611], %get3A_229 {strides = array<i32>} : memref<128x128xf32, #tpu.memory_space<vmem>>, vector<16xf32>,
    %swap3A_613 = arith.constant 52 : i32
    %swap3A_614 = arith.index_cast %swap3A_613 : i32 to index
    %swap3A_615 = arith.constant 0 : index
    %swap3A_616 = tpu.vector_load %arg5[%swap3A_614, %swap3A_615] {strides = array<i32>} : memref<128x128xf32, #tpu.memory_space<vmem>>, vector<16xf32>,
    tpu.vector_store %arg5[%swap3A_614, %swap3A_615], %get3A_201 {strides = array<i32>} : memref<128x128xf32, #tpu.memory_space<vmem>>, vector<16xf32>,
    %swap3A_617 = arith.constant 52 : i32
    %swap3A_618 = arith.index_cast %swap3A_617 : i32 to index
    %swap3A_619 = arith.constant 16 : index
    %swap3A_620 = tpu.vector_load %arg5[%swap3A_618, %swap3A_619] {strides = array<i32>} : memref<128x128xf32, #tpu.memory_space<vmem>>, vector<16xf32>,
    tpu.vector_store %arg5[%swap3A_618, %swap3A_619], %get3A_205 {strides = array<i32>} : memref<128x128xf32, #tpu.memory_space<vmem>>, vector<16xf32>,
    %swap3A_621 = arith.constant 52 : i32
    %swap3A_622 = arith.index_cast %swap3A_621 : i32 to index
    %swap3A_623 = arith.constant 32 : index
    %swap3A_624 = tpu.vector_load %arg5[%swap3A_622, %swap3A_623] {strides = array<i32>} : memref<128x128xf32, #tpu.memory_space<vmem>>, vector<16xf32>,
    tpu.vector_store %arg5[%swap3A_622, %swap3A_623], %get3A_209 {strides = array<i32>} : memref<128x128xf32, #tpu.memory_space<vmem>>, vector<16xf32>,
    %swap3A_625 = arith.constant 52 : i32
    %swap3A_626 = arith.index_cast %swap3A_625 : i32 to index
    %swap3A_627 = arith.constant 48 : index
    %swap3A_628 = tpu.vector_load %arg5[%swap3A_626, %swap3A_627] {strides = array<i32>} : memref<128x128xf32, #tpu.memory_space<vmem>>, vector<16xf32>,
    tpu.vector_store %arg5[%swap3A_626, %swap3A_627], %get3A_213 {strides = array<i32>} : memref<128x128xf32, #tpu.memory_space<vmem>>, vector<16xf32>,
    %swap3A_629 = arith.constant 52 : i32
    %swap3A_630 = arith.index_cast %swap3A_629 : i32 to index
    %swap3A_631 = arith.constant 64 : index
    %swap3A_632 = tpu.vector_load %arg5[%swap3A_630, %swap3A_631] {strides = array<i32>} : memref<128x128xf32, #tpu.memory_space<vmem>>, vector<16xf32>,
    tpu.vector_store %arg5[%swap3A_630, %swap3A_631], %get3A_217 {strides = array<i32>} : memref<128x128xf32, #tpu.memory_space<vmem>>, vector<16xf32>,
    %swap3A_633 = arith.constant 52 : i32
    %swap3A_634 = arith.index_cast %swap3A_633 : i32 to index
    %swap3A_635 = arith.constant 80 : index
    %swap3A_636 = tpu.vector_load %arg5[%swap3A_634, %swap3A_635] {strides = array<i32>} : memref<128x128xf32, #tpu.memory_space<vmem>>, vector<16xf32>,
    tpu.vector_store %arg5[%swap3A_634, %swap3A_635], %get3A_221 {strides = array<i32>} : memref<128x128xf32, #tpu.memory_space<vmem>>, vector<16xf32>,
    %swap3A_637 = arith.constant 52 : i32
    %swap3A_638 = arith.index_cast %swap3A_637 : i32 to index
    %swap3A_639 = arith.constant 96 : index
    %swap3A_640 = tpu.vector_load %arg5[%swap3A_638, %swap3A_639] {strides = array<i32>} : memref<128x128xf32, #tpu.memory_space<vmem>>, vector<16xf32>,
    tpu.vector_store %arg5[%swap3A_638, %swap3A_639], %get3A_225 {strides = array<i32>} : memref<128x128xf32, #tpu.memory_space<vmem>>, vector<16xf32>,
    %swap3A_641 = arith.constant 52 : i32
    %swap3A_642 = arith.index_cast %swap3A_641 : i32 to index
    %swap3A_643 = arith.constant 112 : index
    %swap3A_644 = tpu.vector_load %arg5[%swap3A_642, %swap3A_643] {strides = array<i32>} : memref<128x128xf32, #tpu.memory_space<vmem>>, vector<16xf32>,
    tpu.vector_store %arg5[%swap3A_642, %swap3A_643], %get3A_229 {strides = array<i32>} : memref<128x128xf32, #tpu.memory_space<vmem>>, vector<16xf32>,
    %swap3A_645 = arith.constant 53 : i32
    %swap3A_646 = arith.index_cast %swap3A_645 : i32 to index
    %swap3A_647 = arith.constant 0 : index
    %swap3A_648 = tpu.vector_load %arg5[%swap3A_646, %swap3A_647] {strides = array<i32>} : memref<128x128xf32, #tpu.memory_space<vmem>>, vector<16xf32>,
    tpu.vector_store %arg5[%swap3A_646, %swap3A_647], %get3A_201 {strides = array<i32>} : memref<128x128xf32, #tpu.memory_space<vmem>>, vector<16xf32>,
    %swap3A_649 = arith.constant 53 : i32
    %swap3A_650 = arith.index_cast %swap3A_649 : i32 to index
    %swap3A_651 = arith.constant 16 : index
    %swap3A_652 = tpu.vector_load %arg5[%swap3A_650, %swap3A_651] {strides = array<i32>} : memref<128x128xf32, #tpu.memory_space<vmem>>, vector<16xf32>,
    tpu.vector_store %arg5[%swap3A_650, %swap3A_651], %get3A_205 {strides = array<i32>} : memref<128x128xf32, #tpu.memory_space<vmem>>, vector<16xf32>,
    %swap3A_653 = arith.constant 53 : i32
    %swap3A_654 = arith.index_cast %swap3A_653 : i32 to index
    %swap3A_655 = arith.constant 32 : index
    %swap3A_656 = tpu.vector_load %arg5[%swap3A_654, %swap3A_655] {strides = array<i32>} : memref<128x128xf32, #tpu.memory_space<vmem>>, vector<16xf32>,
    tpu.vector_store %arg5[%swap3A_654, %swap3A_655], %get3A_209 {strides = array<i32>} : memref<128x128xf32, #tpu.memory_space<vmem>>, vector<16xf32>,
    %swap3A_657 = arith.constant 53 : i32
    %swap3A_658 = arith.index_cast %swap3A_657 : i32 to index
    %swap3A_659 = arith.constant 48 : index
    %swap3A_660 = tpu.vector_load %arg5[%swap3A_658, %swap3A_659] {strides = array<i32>} : memref<128x128xf32, #tpu.memory_space<vmem>>, vector<16xf32>,
    tpu.vector_store %arg5[%swap3A_658, %swap3A_659], %get3A_213 {strides = array<i32>} : memref<128x128xf32, #tpu.memory_space<vmem>>, vector<16xf32>,
    %swap3A_661 = arith.constant 53 : i32
    %swap3A_662 = arith.index_cast %swap3A_661 : i32 to index
    %swap3A_663 = arith.constant 64 : index
    %swap3A_664 = tpu.vector_load %arg5[%swap3A_662, %swap3A_663] {strides = array<i32>} : memref<128x128xf32, #tpu.memory_space<vmem>>, vector<16xf32>,
    tpu.vector_store %arg5[%swap3A_662, %swap3A_663], %get3A_217 {strides = array<i32>} : memref<128x128xf32, #tpu.memory_space<vmem>>, vector<16xf32>,
    %swap3A_665 = arith.constant 53 : i32
    %swap3A_666 = arith.index_cast %swap3A_665 : i32 to index
    %swap3A_667 = arith.constant 80 : index
    %swap3A_668 = tpu.vector_load %arg5[%swap3A_666, %swap3A_667] {strides = array<i32>} : memref<128x128xf32, #tpu.memory_space<vmem>>, vector<16xf32>,
    tpu.vector_store %arg5[%swap3A_666, %swap3A_667], %get3A_221 {strides = array<i32>} : memref<128x128xf32, #tpu.memory_space<vmem>>, vector<16xf32>,
    %swap3A_669 = arith.constant 53 : i32
    %swap3A_670 = arith.index_cast %swap3A_669 : i32 to index
    %swap3A_671 = arith.constant 96 : index
    %swap3A_672 = tpu.vector_load %arg5[%swap3A_670, %swap3A_671] {strides = array<i32>} : memref<128x128xf32, #tpu.memory_space<vmem>>, vector<16xf32>,
    tpu.vector_store %arg5[%swap3A_670, %swap3A_671], %get3A_225 {strides = array<i32>} : memref<128x128xf32, #tpu.memory_space<vmem>>, vector<16xf32>,
    %swap3A_673 = arith.constant 53 : i32
    %swap3A_674 = arith.index_cast %swap3A_673 : i32 to index
    %swap3A_675 = arith.constant 112 : index
    %swap3A_676 = tpu.vector_load %arg5[%swap3A_674, %swap3A_675] {strides = array<i32>} : memref<128x128xf32, #tpu.memory_space<vmem>>, vector<16xf32>,
    tpu.vector_store %arg5[%swap3A_674, %swap3A_675], %get3A_229 {strides = array<i32>} : memref<128x128xf32, #tpu.memory_space<vmem>>, vector<16xf32>,
    %swap3A_677 = arith.constant 54 : i32
    %swap3A_678 = arith.index_cast %swap3A_677 : i32 to index
    %swap3A_679 = arith.constant 0 : index
    %swap3A_680 = tpu.vector_load %arg5[%swap3A_678, %swap3A_679] {strides = array<i32>} : memref<128x128xf32, #tpu.memory_space<vmem>>, vector<16xf32>,
    tpu.vector_store %arg5[%swap3A_678, %swap3A_679], %get3A_201 {strides = array<i32>} : memref<128x128xf32, #tpu.memory_space<vmem>>, vector<16xf32>,
    %swap3A_681 = arith.constant 54 : i32
    %swap3A_682 = arith.index_cast %swap3A_681 : i32 to index
    %swap3A_683 = arith.constant 16 : index
    %swap3A_684 = tpu.vector_load %arg5[%swap3A_682, %swap3A_683] {strides = array<i32>} : memref<128x128xf32, #tpu.memory_space<vmem>>, vector<16xf32>,
    tpu.vector_store %arg5[%swap3A_682, %swap3A_683], %get3A_205 {strides = array<i32>} : memref<128x128xf32, #tpu.memory_space<vmem>>, vector<16xf32>,
    %swap3A_685 = arith.constant 54 : i32
    %swap3A_686 = arith.index_cast %swap3A_685 : i32 to index
    %swap3A_687 = arith.constant 32 : index
    %swap3A_688 = tpu.vector_load %arg5[%swap3A_686, %swap3A_687] {strides = array<i32>} : memref<128x128xf32, #tpu.memory_space<vmem>>, vector<16xf32>,
    tpu.vector_store %arg5[%swap3A_686, %swap3A_687], %get3A_209 {strides = array<i32>} : memref<128x128xf32, #tpu.memory_space<vmem>>, vector<16xf32>,
    %swap3A_689 = arith.constant 54 : i32
    %swap3A_690 = arith.index_cast %swap3A_689 : i32 to index
    %swap3A_691 = arith.constant 48 : index
    %swap3A_692 = tpu.vector_load %arg5[%swap3A_690, %swap3A_691] {strides = array<i32>} : memref<128x128xf32, #tpu.memory_space<vmem>>, vector<16xf32>,
    tpu.vector_store %arg5[%swap3A_690, %swap3A_691], %get3A_213 {strides = array<i32>} : memref<128x128xf32, #tpu.memory_space<vmem>>, vector<16xf32>,
    %swap3A_693 = arith.constant 54 : i32
    %swap3A_694 = arith.index_cast %swap3A_693 : i32 to index
    %swap3A_695 = arith.constant 64 : index
    %swap3A_696 = tpu.vector_load %arg5[%swap3A_694, %swap3A_695] {strides = array<i32>} : memref<128x128xf32, #tpu.memory_space<vmem>>, vector<16xf32>,
    tpu.vector_store %arg5[%swap3A_694, %swap3A_695], %get3A_217 {strides = array<i32>} : memref<128x128xf32, #tpu.memory_space<vmem>>, vector<16xf32>,
    %swap3A_697 = arith.constant 54 : i32
    %swap3A_698 = arith.index_cast %swap3A_697 : i32 to index
    %swap3A_699 = arith.constant 80 : index
    %swap3A_700 = tpu.vector_load %arg5[%swap3A_698, %swap3A_699] {strides = array<i32>} : memref<128x128xf32, #tpu.memory_space<vmem>>, vector<16xf32>,
    tpu.vector_store %arg5[%swap3A_698, %swap3A_699], %get3A_221 {strides = array<i32>} : memref<128x128xf32, #tpu.memory_space<vmem>>, vector<16xf32>,
    %swap3A_701 = arith.constant 54 : i32
    %swap3A_702 = arith.index_cast %swap3A_701 : i32 to index
    %swap3A_703 = arith.constant 96 : index
    %swap3A_704 = tpu.vector_load %arg5[%swap3A_702, %swap3A_703] {strides = array<i32>} : memref<128x128xf32, #tpu.memory_space<vmem>>, vector<16xf32>,
    tpu.vector_store %arg5[%swap3A_702, %swap3A_703], %get3A_225 {strides = array<i32>} : memref<128x128xf32, #tpu.memory_space<vmem>>, vector<16xf32>,
    %swap3A_705 = arith.constant 54 : i32
    %swap3A_706 = arith.index_cast %swap3A_705 : i32 to index
    %swap3A_707 = arith.constant 112 : index
    %swap3A_708 = tpu.vector_load %arg5[%swap3A_706, %swap3A_707] {strides = array<i32>} : memref<128x128xf32, #tpu.memory_space<vmem>>, vector<16xf32>,
    tpu.vector_store %arg5[%swap3A_706, %swap3A_707], %get3A_229 {strides = array<i32>} : memref<128x128xf32, #tpu.memory_space<vmem>>, vector<16xf32>,
    %swap3A_709 = arith.constant 55 : i32
    %swap3A_710 = arith.index_cast %swap3A_709 : i32 to index
    %swap3A_711 = arith.constant 0 : index
    %swap3A_712 = tpu.vector_load %arg5[%swap3A_710, %swap3A_711] {strides = array<i32>} : memref<128x128xf32, #tpu.memory_space<vmem>>, vector<16xf32>,
    tpu.vector_store %arg5[%swap3A_710, %swap3A_711], %get3A_201 {strides = array<i32>} : memref<128x128xf32, #tpu.memory_space<vmem>>, vector<16xf32>,
    %swap3A_713 = arith.constant 55 : i32
    %swap3A_714 = arith.index_cast %swap3A_713 : i32 to index
    %swap3A_715 = arith.constant 16 : index
    %swap3A_716 = tpu.vector_load %arg5[%swap3A_714, %swap3A_715] {strides = array<i32>} : memref<128x128xf32, #tpu.memory_space<vmem>>, vector<16xf32>,
    tpu.vector_store %arg5[%swap3A_714, %swap3A_715], %get3A_205 {strides = array<i32>} : memref<128x128xf32, #tpu.memory_space<vmem>>, vector<16xf32>,
    %swap3A_717 = arith.constant 55 : i32
    %swap3A_718 = arith.index_cast %swap3A_717 : i32 to index
    %swap3A_719 = arith.constant 32 : index
    %swap3A_720 = tpu.vector_load %arg5[%swap3A_718, %swap3A_719] {strides = array<i32>} : memref<128x128xf32, #tpu.memory_space<vmem>>, vector<16xf32>,
    tpu.vector_store %arg5[%swap3A_718, %swap3A_719], %get3A_209 {strides = array<i32>} : memref<128x128xf32, #tpu.memory_space<vmem>>, vector<16xf32>,
    %swap3A_721 = arith.constant 55 : i32
    %swap3A_722 = arith.index_cast %swap3A_721 : i32 to index
    %swap3A_723 = arith.constant 48 : index
    %swap3A_724 = tpu.vector_load %arg5[%swap3A_722, %swap3A_723] {strides = array<i32>} : memref<128x128xf32, #tpu.memory_space<vmem>>, vector<16xf32>,
    tpu.vector_store %arg5[%swap3A_722, %swap3A_723], %get3A_213 {strides = array<i32>} : memref<128x128xf32, #tpu.memory_space<vmem>>, vector<16xf32>,
    %swap3A_725 = arith.constant 55 : i32
    %swap3A_726 = arith.index_cast %swap3A_725 : i32 to index
    %swap3A_727 = arith.constant 64 : index
    %swap3A_728 = tpu.vector_load %arg5[%swap3A_726, %swap3A_727] {strides = array<i32>} : memref<128x128xf32, #tpu.memory_space<vmem>>, vector<16xf32>,
    tpu.vector_store %arg5[%swap3A_726, %swap3A_727], %get3A_217 {strides = array<i32>} : memref<128x128xf32, #tpu.memory_space<vmem>>, vector<16xf32>,
    %swap3A_729 = arith.constant 55 : i32
    %swap3A_730 = arith.index_cast %swap3A_729 : i32 to index
    %swap3A_731 = arith.constant 80 : index
    %swap3A_732 = tpu.vector_load %arg5[%swap3A_730, %swap3A_731] {strides = array<i32>} : memref<128x128xf32, #tpu.memory_space<vmem>>, vector<16xf32>,
    tpu.vector_store %arg5[%swap3A_730, %swap3A_731], %get3A_221 {strides = array<i32>} : memref<128x128xf32, #tpu.memory_space<vmem>>, vector<16xf32>,
    %swap3A_733 = arith.constant 55 : i32
    %swap3A_734 = arith.index_cast %swap3A_733 : i32 to index
    %swap3A_735 = arith.constant 96 : index
    %swap3A_736 = tpu.vector_load %arg5[%swap3A_734, %swap3A_735] {strides = array<i32>} : memref<128x128xf32, #tpu.memory_space<vmem>>, vector<16xf32>,
    tpu.vector_store %arg5[%swap3A_734, %swap3A_735], %get3A_225 {strides = array<i32>} : memref<128x128xf32, #tpu.memory_space<vmem>>, vector<16xf32>,
    %swap3A_737 = arith.constant 55 : i32
    %swap3A_738 = arith.index_cast %swap3A_737 : i32 to index
    %swap3A_739 = arith.constant 112 : index
    %swap3A_740 = tpu.vector_load %arg5[%swap3A_738, %swap3A_739] {strides = array<i32>} : memref<128x128xf32, #tpu.memory_space<vmem>>, vector<16xf32>,
    tpu.vector_store %arg5[%swap3A_738, %swap3A_739], %get3A_229 {strides = array<i32>} : memref<128x128xf32, #tpu.memory_space<vmem>>, vector<16xf32>,
    %swap3A_741 = arith.constant 80 : i32
    %swap3A_742 = arith.index_cast %swap3A_741 : i32 to index
    %swap3A_743 = arith.constant 0 : index
    %swap3A_744 = tpu.vector_load %arg5[%swap3A_742, %swap3A_743] {strides = array<i32>} : memref<128x128xf32, #tpu.memory_space<vmem>>, vector<16xf32>,
    tpu.vector_store %arg5[%swap3A_742, %swap3A_743], %get3A_201 {strides = array<i32>} : memref<128x128xf32, #tpu.memory_space<vmem>>, vector<16xf32>,
    %swap3A_745 = arith.constant 80 : i32
    %swap3A_746 = arith.index_cast %swap3A_745 : i32 to index
    %swap3A_747 = arith.constant 16 : index
    %swap3A_748 = tpu.vector_load %arg5[%swap3A_746, %swap3A_747] {strides = array<i32>} : memref<128x128xf32, #tpu.memory_space<vmem>>, vector<16xf32>,
    tpu.vector_store %arg5[%swap3A_746, %swap3A_747], %get3A_205 {strides = array<i32>} : memref<128x128xf32, #tpu.memory_space<vmem>>, vector<16xf32>,
    %swap3A_749 = arith.constant 80 : i32
    %swap3A_750 = arith.index_cast %swap3A_749 : i32 to index
    %swap3A_751 = arith.constant 32 : index
    %swap3A_752 = tpu.vector_load %arg5[%swap3A_750, %swap3A_751] {strides = array<i32>} : memref<128x128xf32, #tpu.memory_space<vmem>>, vector<16xf32>,
    tpu.vector_store %arg5[%swap3A_750, %swap3A_751], %get3A_209 {strides = array<i32>} : memref<128x128xf32, #tpu.memory_space<vmem>>, vector<16xf32>,
    %swap3A_753 = arith.constant 80 : i32
    %swap3A_754 = arith.index_cast %swap3A_753 : i32 to index
    %swap3A_755 = arith.constant 48 : index
    %swap3A_756 = tpu.vector_load %arg5[%swap3A_754, %swap3A_755] {strides = array<i32>} : memref<128x128xf32, #tpu.memory_space<vmem>>, vector<16xf32>,
    tpu.vector_store %arg5[%swap3A_754, %swap3A_755], %get3A_213 {strides = array<i32>} : memref<128x128xf32, #tpu.memory_space<vmem>>, vector<16xf32>,
    %swap3A_757 = arith.constant 80 : i32
    %swap3A_758 = arith.index_cast %swap3A_757 : i32 to index
    %swap3A_759 = arith.constant 64 : index
    %swap3A_760 = tpu.vector_load %arg5[%swap3A_758, %swap3A_759] {strides = array<i32>} : memref<128x128xf32, #tpu.memory_space<vmem>>, vector<16xf32>,
    tpu.vector_store %arg5[%swap3A_758, %swap3A_759], %get3A_217 {strides = array<i32>} : memref<128x128xf32, #tpu.memory_space<vmem>>, vector<16xf32>,
    %swap3A_761 = arith.constant 80 : i32
    %swap3A_762 = arith.index_cast %swap3A_761 : i32 to index
    %swap3A_763 = arith.constant 80 : index
    %swap3A_764 = tpu.vector_load %arg5[%swap3A_762, %swap3A_763] {strides = array<i32>} : memref<128x128xf32, #tpu.memory_space<vmem>>, vector<16xf32>,
    tpu.vector_store %arg5[%swap3A_762, %swap3A_763], %get3A_221 {strides = array<i32>} : memref<128x128xf32, #tpu.memory_space<vmem>>, vector<16xf32>,
    %swap3A_765 = arith.constant 80 : i32
    %swap3A_766 = arith.index_cast %swap3A_765 : i32 to index
    %swap3A_767 = arith.constant 96 : index
    %swap3A_768 = tpu.vector_load %arg5[%swap3A_766, %swap3A_767] {strides = array<i32>} : memref<128x128xf32, #tpu.memory_space<vmem>>, vector<16xf32>,
    tpu.vector_store %arg5[%swap3A_766, %swap3A_767], %get3A_225 {strides = array<i32>} : memref<128x128xf32, #tpu.memory_space<vmem>>, vector<16xf32>,
    %swap3A_769 = arith.constant 80 : i32
    %swap3A_770 = arith.index_cast %swap3A_769 : i32 to index
    %swap3A_771 = arith.constant 112 : index
    %swap3A_772 = tpu.vector_load %arg5[%swap3A_770, %swap3A_771] {strides = array<i32>} : memref<128x128xf32, #tpu.memory_space<vmem>>, vector<16xf32>,
    tpu.vector_store %arg5[%swap3A_770, %swap3A_771], %get3A_229 {strides = array<i32>} : memref<128x128xf32, #tpu.memory_space<vmem>>, vector<16xf32>,
    %swap3A_773 = arith.constant 81 : i32
    %swap3A_774 = arith.index_cast %swap3A_773 : i32 to index
    %swap3A_775 = arith.constant 0 : index
    %swap3A_776 = tpu.vector_load %arg5[%swap3A_774, %swap3A_775] {strides = array<i32>} : memref<128x128xf32, #tpu.memory_space<vmem>>, vector<16xf32>,
    tpu.vector_store %arg5[%swap3A_774, %swap3A_775], %get3A_201 {strides = array<i32>} : memref<128x128xf32, #tpu.memory_space<vmem>>, vector<16xf32>,
    %swap3A_777 = arith.constant 81 : i32
    %swap3A_778 = arith.index_cast %swap3A_777 : i32 to index
    %swap3A_779 = arith.constant 16 : index
    %swap3A_780 = tpu.vector_load %arg5[%swap3A_778, %swap3A_779] {strides = array<i32>} : memref<128x128xf32, #tpu.memory_space<vmem>>, vector<16xf32>,
    tpu.vector_store %arg5[%swap3A_778, %swap3A_779], %get3A_205 {strides = array<i32>} : memref<128x128xf32, #tpu.memory_space<vmem>>, vector<16xf32>,
    %swap3A_781 = arith.constant 81 : i32
    %swap3A_782 = arith.index_cast %swap3A_781 : i32 to index
    %swap3A_783 = arith.constant 32 : index
    %swap3A_784 = tpu.vector_load %arg5[%swap3A_782, %swap3A_783] {strides = array<i32>} : memref<128x128xf32, #tpu.memory_space<vmem>>, vector<16xf32>,
    tpu.vector_store %arg5[%swap3A_782, %swap3A_783], %get3A_209 {strides = array<i32>} : memref<128x128xf32, #tpu.memory_space<vmem>>, vector<16xf32>,
    %swap3A_785 = arith.constant 81 : i32
    %swap3A_786 = arith.index_cast %swap3A_785 : i32 to index
    %swap3A_787 = arith.constant 48 : index
    %swap3A_788 = tpu.vector_load %arg5[%swap3A_786, %swap3A_787] {strides = array<i32>} : memref<128x128xf32, #tpu.memory_space<vmem>>, vector<16xf32>,
    tpu.vector_store %arg5[%swap3A_786, %swap3A_787], %get3A_213 {strides = array<i32>} : memref<128x128xf32, #tpu.memory_space<vmem>>, vector<16xf32>,
    %swap3A_789 = arith.constant 81 : i32
    %swap3A_790 = arith.index_cast %swap3A_789 : i32 to index
    %swap3A_791 = arith.constant 64 : index
    %swap3A_792 = tpu.vector_load %arg5[%swap3A_790, %swap3A_791] {strides = array<i32>} : memref<128x128xf32, #tpu.memory_space<vmem>>, vector<16xf32>,
    tpu.vector_store %arg5[%swap3A_790, %swap3A_791], %get3A_217 {strides = array<i32>} : memref<128x128xf32, #tpu.memory_space<vmem>>, vector<16xf32>,
    %swap3A_793 = arith.constant 81 : i32
    %swap3A_794 = arith.index_cast %swap3A_793 : i32 to index
    %swap3A_795 = arith.constant 80 : index
    %swap3A_796 = tpu.vector_load %arg5[%swap3A_794, %swap3A_795] {strides = array<i32>} : memref<128x128xf32, #tpu.memory_space<vmem>>, vector<16xf32>,
    tpu.vector_store %arg5[%swap3A_794, %swap3A_795], %get3A_221 {strides = array<i32>} : memref<128x128xf32, #tpu.memory_space<vmem>>, vector<16xf32>,
    %swap3A_797 = arith.constant 81 : i32
    %swap3A_798 = arith.index_cast %swap3A_797 : i32 to index
    %swap3A_799 = arith.constant 96 : index
    %swap3A_800 = tpu.vector_load %arg5[%swap3A_798, %swap3A_799] {strides = array<i32>} : memref<128x128xf32, #tpu.memory_space<vmem>>, vector<16xf32>,
    tpu.vector_store %arg5[%swap3A_798, %swap3A_799], %get3A_225 {strides = array<i32>} : memref<128x128xf32, #tpu.memory_space<vmem>>, vector<16xf32>,
    %swap3A_801 = arith.constant 81 : i32
    %swap3A_802 = arith.index_cast %swap3A_801 : i32 to index
    %swap3A_803 = arith.constant 112 : index
    %swap3A_804 = tpu.vector_load %arg5[%swap3A_802, %swap3A_803] {strides = array<i32>} : memref<128x128xf32, #tpu.memory_space<vmem>>, vector<16xf32>,
    tpu.vector_store %arg5[%swap3A_802, %swap3A_803], %get3A_229 {strides = array<i32>} : memref<128x128xf32, #tpu.memory_space<vmem>>, vector<16xf32>,
    %swap3A_805 = arith.constant 82 : i32
    %swap3A_806 = arith.index_cast %swap3A_805 : i32 to index
    %swap3A_807 = arith.constant 0 : index
    %swap3A_808 = tpu.vector_load %arg5[%swap3A_806, %swap3A_807] {strides = array<i32>} : memref<128x128xf32, #tpu.memory_space<vmem>>, vector<16xf32>,
    tpu.vector_store %arg5[%swap3A_806, %swap3A_807], %get3A_201 {strides = array<i32>} : memref<128x128xf32, #tpu.memory_space<vmem>>, vector<16xf32>,
    %swap3A_809 = arith.constant 82 : i32
    %swap3A_810 = arith.index_cast %swap3A_809 : i32 to index
    %swap3A_811 = arith.constant 16 : index
    %swap3A_812 = tpu.vector_load %arg5[%swap3A_810, %swap3A_811] {strides = array<i32>} : memref<128x128xf32, #tpu.memory_space<vmem>>, vector<16xf32>,
    tpu.vector_store %arg5[%swap3A_810, %swap3A_811], %get3A_205 {strides = array<i32>} : memref<128x128xf32, #tpu.memory_space<vmem>>, vector<16xf32>,
    %swap3A_813 = arith.constant 82 : i32
    %swap3A_814 = arith.index_cast %swap3A_813 : i32 to index
    %swap3A_815 = arith.constant 32 : index
    %swap3A_816 = tpu.vector_load %arg5[%swap3A_814, %swap3A_815] {strides = array<i32>} : memref<128x128xf32, #tpu.memory_space<vmem>>, vector<16xf32>,
    tpu.vector_store %arg5[%swap3A_814, %swap3A_815], %get3A_209 {strides = array<i32>} : memref<128x128xf32, #tpu.memory_space<vmem>>, vector<16xf32>,
    %swap3A_817 = arith.constant 82 : i32
    %swap3A_818 = arith.index_cast %swap3A_817 : i32 to index
    %swap3A_819 = arith.constant 48 : index
    %swap3A_820 = tpu.vector_load %arg5[%swap3A_818, %swap3A_819] {strides = array<i32>} : memref<128x128xf32, #tpu.memory_space<vmem>>, vector<16xf32>,
    tpu.vector_store %arg5[%swap3A_818, %swap3A_819], %get3A_213 {strides = array<i32>} : memref<128x128xf32, #tpu.memory_space<vmem>>, vector<16xf32>,
    %swap3A_821 = arith.constant 82 : i32
    %swap3A_822 = arith.index_cast %swap3A_821 : i32 to index
    %swap3A_823 = arith.constant 64 : index
    %swap3A_824 = tpu.vector_load %arg5[%swap3A_822, %swap3A_823] {strides = array<i32>} : memref<128x128xf32, #tpu.memory_space<vmem>>, vector<16xf32>,
    tpu.vector_store %arg5[%swap3A_822, %swap3A_823], %get3A_217 {strides = array<i32>} : memref<128x128xf32, #tpu.memory_space<vmem>>, vector<16xf32>,
    %swap3A_825 = arith.constant 82 : i32
    %swap3A_826 = arith.index_cast %swap3A_825 : i32 to index
    %swap3A_827 = arith.constant 80 : index
    %swap3A_828 = tpu.vector_load %arg5[%swap3A_826, %swap3A_827] {strides = array<i32>} : memref<128x128xf32, #tpu.memory_space<vmem>>, vector<16xf32>,
    tpu.vector_store %arg5[%swap3A_826, %swap3A_827], %get3A_221 {strides = array<i32>} : memref<128x128xf32, #tpu.memory_space<vmem>>, vector<16xf32>,
    %swap3A_829 = arith.constant 82 : i32
    %swap3A_830 = arith.index_cast %swap3A_829 : i32 to index
    %swap3A_831 = arith.constant 96 : index
    %swap3A_832 = tpu.vector_load %arg5[%swap3A_830, %swap3A_831] {strides = array<i32>} : memref<128x128xf32, #tpu.memory_space<vmem>>, vector<16xf32>,
    tpu.vector_store %arg5[%swap3A_830, %swap3A_831], %get3A_225 {strides = array<i32>} : memref<128x128xf32, #tpu.memory_space<vmem>>, vector<16xf32>,
    %swap3A_833 = arith.constant 82 : i32
    %swap3A_834 = arith.index_cast %swap3A_833 : i32 to index
    %swap3A_835 = arith.constant 112 : index
    %swap3A_836 = tpu.vector_load %arg5[%swap3A_834, %swap3A_835] {strides = array<i32>} : memref<128x128xf32, #tpu.memory_space<vmem>>, vector<16xf32>,
    tpu.vector_store %arg5[%swap3A_834, %swap3A_835], %get3A_229 {strides = array<i32>} : memref<128x128xf32, #tpu.memory_space<vmem>>, vector<16xf32>,
    %swap3A_837 = arith.constant 83 : i32
    %swap3A_838 = arith.index_cast %swap3A_837 : i32 to index
    %swap3A_839 = arith.constant 0 : index
    %swap3A_840 = tpu.vector_load %arg5[%swap3A_838, %swap3A_839] {strides = array<i32>} : memref<128x128xf32, #tpu.memory_space<vmem>>, vector<16xf32>,
    tpu.vector_store %arg5[%swap3A_838, %swap3A_839], %get3A_201 {strides = array<i32>} : memref<128x128xf32, #tpu.memory_space<vmem>>, vector<16xf32>,
    %swap3A_841 = arith.constant 83 : i32
    %swap3A_842 = arith.index_cast %swap3A_841 : i32 to index
    %swap3A_843 = arith.constant 16 : index
    %swap3A_844 = tpu.vector_load %arg5[%swap3A_842, %swap3A_843] {strides = array<i32>} : memref<128x128xf32, #tpu.memory_space<vmem>>, vector<16xf32>,
    tpu.vector_store %arg5[%swap3A_842, %swap3A_843], %get3A_205 {strides = array<i32>} : memref<128x128xf32, #tpu.memory_space<vmem>>, vector<16xf32>,
    %swap3A_845 = arith.constant 83 : i32
    %swap3A_846 = arith.index_cast %swap3A_845 : i32 to index
    %swap3A_847 = arith.constant 32 : index
    %swap3A_848 = tpu.vector_load %arg5[%swap3A_846, %swap3A_847] {strides = array<i32>} : memref<128x128xf32, #tpu.memory_space<vmem>>, vector<16xf32>,
    tpu.vector_store %arg5[%swap3A_846, %swap3A_847], %get3A_209 {strides = array<i32>} : memref<128x128xf32, #tpu.memory_space<vmem>>, vector<16xf32>,
    %swap3A_849 = arith.constant 83 : i32
    %swap3A_850 = arith.index_cast %swap3A_849 : i32 to index
    %swap3A_851 = arith.constant 48 : index
    %swap3A_852 = tpu.vector_load %arg5[%swap3A_850, %swap3A_851] {strides = array<i32>} : memref<128x128xf32, #tpu.memory_space<vmem>>, vector<16xf32>,
    tpu.vector_store %arg5[%swap3A_850, %swap3A_851], %get3A_213 {strides = array<i32>} : memref<128x128xf32, #tpu.memory_space<vmem>>, vector<16xf32>,
    %swap3A_853 = arith.constant 83 : i32
    %swap3A_854 = arith.index_cast %swap3A_853 : i32 to index
    %swap3A_855 = arith.constant 64 : index
    %swap3A_856 = tpu.vector_load %arg5[%swap3A_854, %swap3A_855] {strides = array<i32>} : memref<128x128xf32, #tpu.memory_space<vmem>>, vector<16xf32>,
    tpu.vector_store %arg5[%swap3A_854, %swap3A_855], %get3A_217 {strides = array<i32>} : memref<128x128xf32, #tpu.memory_space<vmem>>, vector<16xf32>,
    %swap3A_857 = arith.constant 83 : i32
    %swap3A_858 = arith.index_cast %swap3A_857 : i32 to index
    %swap3A_859 = arith.constant 80 : index
    %swap3A_860 = tpu.vector_load %arg5[%swap3A_858, %swap3A_859] {strides = array<i32>} : memref<128x128xf32, #tpu.memory_space<vmem>>, vector<16xf32>,
    tpu.vector_store %arg5[%swap3A_858, %swap3A_859], %get3A_221 {strides = array<i32>} : memref<128x128xf32, #tpu.memory_space<vmem>>, vector<16xf32>,
    %swap3A_861 = arith.constant 83 : i32
    %swap3A_862 = arith.index_cast %swap3A_861 : i32 to index
    %swap3A_863 = arith.constant 96 : index
    %swap3A_864 = tpu.vector_load %arg5[%swap3A_862, %swap3A_863] {strides = array<i32>} : memref<128x128xf32, #tpu.memory_space<vmem>>, vector<16xf32>,
    tpu.vector_store %arg5[%swap3A_862, %swap3A_863], %get3A_225 {strides = array<i32>} : memref<128x128xf32, #tpu.memory_space<vmem>>, vector<16xf32>,
    %swap3A_865 = arith.constant 83 : i32
    %swap3A_866 = arith.index_cast %swap3A_865 : i32 to index
    %swap3A_867 = arith.constant 112 : index
    %swap3A_868 = tpu.vector_load %arg5[%swap3A_866, %swap3A_867] {strides = array<i32>} : memref<128x128xf32, #tpu.memory_space<vmem>>, vector<16xf32>,
    tpu.vector_store %arg5[%swap3A_866, %swap3A_867], %get3A_229 {strides = array<i32>} : memref<128x128xf32, #tpu.memory_space<vmem>>, vector<16xf32>,
    %swap3A_869 = arith.constant 84 : i32
    %swap3A_870 = arith.index_cast %swap3A_869 : i32 to index
    %swap3A_871 = arith.constant 0 : index
    %swap3A_872 = tpu.vector_load %arg5[%swap3A_870, %swap3A_871] {strides = array<i32>} : memref<128x128xf32, #tpu.memory_space<vmem>>, vector<16xf32>,
    tpu.vector_store %arg5[%swap3A_870, %swap3A_871], %get3A_201 {strides = array<i32>} : memref<128x128xf32, #tpu.memory_space<vmem>>, vector<16xf32>,
    %swap3A_873 = arith.constant 84 : i32
    %swap3A_874 = arith.index_cast %swap3A_873 : i32 to index
    %swap3A_875 = arith.constant 16 : index
    %swap3A_876 = tpu.vector_load %arg5[%swap3A_874, %swap3A_875] {strides = array<i32>} : memref<128x128xf32, #tpu.memory_space<vmem>>, vector<16xf32>,
    tpu.vector_store %arg5[%swap3A_874, %swap3A_875], %get3A_205 {strides = array<i32>} : memref<128x128xf32, #tpu.memory_space<vmem>>, vector<16xf32>,
    %swap3A_877 = arith.constant 84 : i32
    %swap3A_878 = arith.index_cast %swap3A_877 : i32 to index
    %swap3A_879 = arith.constant 32 : index
    %swap3A_880 = tpu.vector_load %arg5[%swap3A_878, %swap3A_879] {strides = array<i32>} : memref<128x128xf32, #tpu.memory_space<vmem>>, vector<16xf32>,
    tpu.vector_store %arg5[%swap3A_878, %swap3A_879], %get3A_209 {strides = array<i32>} : memref<128x128xf32, #tpu.memory_space<vmem>>, vector<16xf32>,
    %swap3A_881 = arith.constant 84 : i32
    %swap3A_882 = arith.index_cast %swap3A_881 : i32 to index
    %swap3A_883 = arith.constant 48 : index
    %swap3A_884 = tpu.vector_load %arg5[%swap3A_882, %swap3A_883] {strides = array<i32>} : memref<128x128xf32, #tpu.memory_space<vmem>>, vector<16xf32>,
    tpu.vector_store %arg5[%swap3A_882, %swap3A_883], %get3A_213 {strides = array<i32>} : memref<128x128xf32, #tpu.memory_space<vmem>>, vector<16xf32>,
    %swap3A_885 = arith.constant 84 : i32
    %swap3A_886 = arith.index_cast %swap3A_885 : i32 to index
    %swap3A_887 = arith.constant 64 : index
    %swap3A_888 = tpu.vector_load %arg5[%swap3A_886, %swap3A_887] {strides = array<i32>} : memref<128x128xf32, #tpu.memory_space<vmem>>, vector<16xf32>,
    tpu.vector_store %arg5[%swap3A_886, %swap3A_887], %get3A_217 {strides = array<i32>} : memref<128x128xf32, #tpu.memory_space<vmem>>, vector<16xf32>,
    %swap3A_889 = arith.constant 84 : i32
    %swap3A_890 = arith.index_cast %swap3A_889 : i32 to index
    %swap3A_891 = arith.constant 80 : index
    %swap3A_892 = tpu.vector_load %arg5[%swap3A_890, %swap3A_891] {strides = array<i32>} : memref<128x128xf32, #tpu.memory_space<vmem>>, vector<16xf32>,
    tpu.vector_store %arg5[%swap3A_890, %swap3A_891], %get3A_221 {strides = array<i32>} : memref<128x128xf32, #tpu.memory_space<vmem>>, vector<16xf32>,
    %swap3A_893 = arith.constant 84 : i32
    %swap3A_894 = arith.index_cast %swap3A_893 : i32 to index
    %swap3A_895 = arith.constant 96 : index
    %swap3A_896 = tpu.vector_load %arg5[%swap3A_894, %swap3A_895] {strides = array<i32>} : memref<128x128xf32, #tpu.memory_space<vmem>>, vector<16xf32>,
    tpu.vector_store %arg5[%swap3A_894, %swap3A_895], %get3A_225 {strides = array<i32>} : memref<128x128xf32, #tpu.memory_space<vmem>>, vector<16xf32>,
    %swap3A_897 = arith.constant 84 : i32
    %swap3A_898 = arith.index_cast %swap3A_897 : i32 to index
    %swap3A_899 = arith.constant 112 : index
    %swap3A_900 = tpu.vector_load %arg5[%swap3A_898, %swap3A_899] {strides = array<i32>} : memref<128x128xf32, #tpu.memory_space<vmem>>, vector<16xf32>,
    tpu.vector_store %arg5[%swap3A_898, %swap3A_899], %get3A_229 {strides = array<i32>} : memref<128x128xf32, #tpu.memory_space<vmem>>, vector<16xf32>,
    %swap3A_901 = arith.constant 85 : i32
    %swap3A_902 = arith.index_cast %swap3A_901 : i32 to index
    %swap3A_903 = arith.constant 0 : index
    %swap3A_904 = tpu.vector_load %arg5[%swap3A_902, %swap3A_903] {strides = array<i32>} : memref<128x128xf32, #tpu.memory_space<vmem>>, vector<16xf32>,
    tpu.vector_store %arg5[%swap3A_902, %swap3A_903], %get3A_201 {strides = array<i32>} : memref<128x128xf32, #tpu.memory_space<vmem>>, vector<16xf32>,
    %swap3A_905 = arith.constant 85 : i32
    %swap3A_906 = arith.index_cast %swap3A_905 : i32 to index
    %swap3A_907 = arith.constant 16 : index
    %swap3A_908 = tpu.vector_load %arg5[%swap3A_906, %swap3A_907] {strides = array<i32>} : memref<128x128xf32, #tpu.memory_space<vmem>>, vector<16xf32>,
    tpu.vector_store %arg5[%swap3A_906, %swap3A_907], %get3A_205 {strides = array<i32>} : memref<128x128xf32, #tpu.memory_space<vmem>>, vector<16xf32>,
    %swap3A_909 = arith.constant 85 : i32
    %swap3A_910 = arith.index_cast %swap3A_909 : i32 to index
    %swap3A_911 = arith.constant 32 : index
    %swap3A_912 = tpu.vector_load %arg5[%swap3A_910, %swap3A_911] {strides = array<i32>} : memref<128x128xf32, #tpu.memory_space<vmem>>, vector<16xf32>,
    tpu.vector_store %arg5[%swap3A_910, %swap3A_911], %get3A_209 {strides = array<i32>} : memref<128x128xf32, #tpu.memory_space<vmem>>, vector<16xf32>,
    %swap3A_913 = arith.constant 85 : i32
    %swap3A_914 = arith.index_cast %swap3A_913 : i32 to index
    %swap3A_915 = arith.constant 48 : index
    %swap3A_916 = tpu.vector_load %arg5[%swap3A_914, %swap3A_915] {strides = array<i32>} : memref<128x128xf32, #tpu.memory_space<vmem>>, vector<16xf32>,
    tpu.vector_store %arg5[%swap3A_914, %swap3A_915], %get3A_213 {strides = array<i32>} : memref<128x128xf32, #tpu.memory_space<vmem>>, vector<16xf32>,
    %swap3A_917 = arith.constant 85 : i32
    %swap3A_918 = arith.index_cast %swap3A_917 : i32 to index
    %swap3A_919 = arith.constant 64 : index
    %swap3A_920 = tpu.vector_load %arg5[%swap3A_918, %swap3A_919] {strides = array<i32>} : memref<128x128xf32, #tpu.memory_space<vmem>>, vector<16xf32>,
    tpu.vector_store %arg5[%swap3A_918, %swap3A_919], %get3A_217 {strides = array<i32>} : memref<128x128xf32, #tpu.memory_space<vmem>>, vector<16xf32>,
    %swap3A_921 = arith.constant 85 : i32
    %swap3A_922 = arith.index_cast %swap3A_921 : i32 to index
    %swap3A_923 = arith.constant 80 : index
    %swap3A_924 = tpu.vector_load %arg5[%swap3A_922, %swap3A_923] {strides = array<i32>} : memref<128x128xf32, #tpu.memory_space<vmem>>, vector<16xf32>,
    tpu.vector_store %arg5[%swap3A_922, %swap3A_923], %get3A_221 {strides = array<i32>} : memref<128x128xf32, #tpu.memory_space<vmem>>, vector<16xf32>,
    %swap3A_925 = arith.constant 85 : i32
    %swap3A_926 = arith.index_cast %swap3A_925 : i32 to index
    %swap3A_927 = arith.constant 96 : index
    %swap3A_928 = tpu.vector_load %arg5[%swap3A_926, %swap3A_927] {strides = array<i32>} : memref<128x128xf32, #tpu.memory_space<vmem>>, vector<16xf32>,
    tpu.vector_store %arg5[%swap3A_926, %swap3A_927], %get3A_225 {strides = array<i32>} : memref<128x128xf32, #tpu.memory_space<vmem>>, vector<16xf32>,
    %swap3A_929 = arith.constant 85 : i32
    %swap3A_930 = arith.index_cast %swap3A_929 : i32 to index
    %swap3A_931 = arith.constant 112 : index
    %swap3A_932 = tpu.vector_load %arg5[%swap3A_930, %swap3A_931] {strides = array<i32>} : memref<128x128xf32, #tpu.memory_space<vmem>>, vector<16xf32>,
    tpu.vector_store %arg5[%swap3A_930, %swap3A_931], %get3A_229 {strides = array<i32>} : memref<128x128xf32, #tpu.memory_space<vmem>>, vector<16xf32>,
    %swap3A_933 = arith.constant 86 : i32
    %swap3A_934 = arith.index_cast %swap3A_933 : i32 to index
    %swap3A_935 = arith.constant 0 : index
    %swap3A_936 = tpu.vector_load %arg5[%swap3A_934, %swap3A_935] {strides = array<i32>} : memref<128x128xf32, #tpu.memory_space<vmem>>, vector<16xf32>,
    tpu.vector_store %arg5[%swap3A_934, %swap3A_935], %get3A_201 {strides = array<i32>} : memref<128x128xf32, #tpu.memory_space<vmem>>, vector<16xf32>,
    %swap3A_937 = arith.constant 86 : i32
    %swap3A_938 = arith.index_cast %swap3A_937 : i32 to index
    %swap3A_939 = arith.constant 16 : index
    %swap3A_940 = tpu.vector_load %arg5[%swap3A_938, %swap3A_939] {strides = array<i32>} : memref<128x128xf32, #tpu.memory_space<vmem>>, vector<16xf32>,
    tpu.vector_store %arg5[%swap3A_938, %swap3A_939], %get3A_205 {strides = array<i32>} : memref<128x128xf32, #tpu.memory_space<vmem>>, vector<16xf32>,
    %swap3A_941 = arith.constant 86 : i32
    %swap3A_942 = arith.index_cast %swap3A_941 : i32 to index
    %swap3A_943 = arith.constant 32 : index
    %swap3A_944 = tpu.vector_load %arg5[%swap3A_942, %swap3A_943] {strides = array<i32>} : memref<128x128xf32, #tpu.memory_space<vmem>>, vector<16xf32>,
    tpu.vector_store %arg5[%swap3A_942, %swap3A_943], %get3A_209 {strides = array<i32>} : memref<128x128xf32, #tpu.memory_space<vmem>>, vector<16xf32>,
    %swap3A_945 = arith.constant 86 : i32
    %swap3A_946 = arith.index_cast %swap3A_945 : i32 to index
    %swap3A_947 = arith.constant 48 : index
    %swap3A_948 = tpu.vector_load %arg5[%swap3A_946, %swap3A_947] {strides = array<i32>} : memref<128x128xf32, #tpu.memory_space<vmem>>, vector<16xf32>,
    tpu.vector_store %arg5[%swap3A_946, %swap3A_947], %get3A_213 {strides = array<i32>} : memref<128x128xf32, #tpu.memory_space<vmem>>, vector<16xf32>,
    %swap3A_949 = arith.constant 86 : i32
    %swap3A_950 = arith.index_cast %swap3A_949 : i32 to index
    %swap3A_951 = arith.constant 64 : index
    %swap3A_952 = tpu.vector_load %arg5[%swap3A_950, %swap3A_951] {strides = array<i32>} : memref<128x128xf32, #tpu.memory_space<vmem>>, vector<16xf32>,
    tpu.vector_store %arg5[%swap3A_950, %swap3A_951], %get3A_217 {strides = array<i32>} : memref<128x128xf32, #tpu.memory_space<vmem>>, vector<16xf32>,
    %swap3A_953 = arith.constant 86 : i32
    %swap3A_954 = arith.index_cast %swap3A_953 : i32 to index
    %swap3A_955 = arith.constant 80 : index
    %swap3A_956 = tpu.vector_load %arg5[%swap3A_954, %swap3A_955] {strides = array<i32>} : memref<128x128xf32, #tpu.memory_space<vmem>>, vector<16xf32>,
    tpu.vector_store %arg5[%swap3A_954, %swap3A_955], %get3A_221 {strides = array<i32>} : memref<128x128xf32, #tpu.memory_space<vmem>>, vector<16xf32>,
    %swap3A_957 = arith.constant 86 : i32
    %swap3A_958 = arith.index_cast %swap3A_957 : i32 to index
    %swap3A_959 = arith.constant 96 : index
    %swap3A_960 = tpu.vector_load %arg5[%swap3A_958, %swap3A_959] {strides = array<i32>} : memref<128x128xf32, #tpu.memory_space<vmem>>, vector<16xf32>,
    tpu.vector_store %arg5[%swap3A_958, %swap3A_959], %get3A_225 {strides = array<i32>} : memref<128x128xf32, #tpu.memory_space<vmem>>, vector<16xf32>,
    %swap3A_961 = arith.constant 86 : i32
    %swap3A_962 = arith.index_cast %swap3A_961 : i32 to index
    %swap3A_963 = arith.constant 112 : index
    %swap3A_964 = tpu.vector_load %arg5[%swap3A_962, %swap3A_963] {strides = array<i32>} : memref<128x128xf32, #tpu.memory_space<vmem>>, vector<16xf32>,
    tpu.vector_store %arg5[%swap3A_962, %swap3A_963], %get3A_229 {strides = array<i32>} : memref<128x128xf32, #tpu.memory_space<vmem>>, vector<16xf32>,
    %swap3A_965 = arith.constant 87 : i32
    %swap3A_966 = arith.index_cast %swap3A_965 : i32 to index
    %swap3A_967 = arith.constant 0 : index
    %swap3A_968 = tpu.vector_load %arg5[%swap3A_966, %swap3A_967] {strides = array<i32>} : memref<128x128xf32, #tpu.memory_space<vmem>>, vector<16xf32>,
    tpu.vector_store %arg5[%swap3A_966, %swap3A_967], %get3A_201 {strides = array<i32>} : memref<128x128xf32, #tpu.memory_space<vmem>>, vector<16xf32>,
    %swap3A_969 = arith.constant 87 : i32
    %swap3A_970 = arith.index_cast %swap3A_969 : i32 to index
    %swap3A_971 = arith.constant 16 : index
    %swap3A_972 = tpu.vector_load %arg5[%swap3A_970, %swap3A_971] {strides = array<i32>} : memref<128x128xf32, #tpu.memory_space<vmem>>, vector<16xf32>,
    tpu.vector_store %arg5[%swap3A_970, %swap3A_971], %get3A_205 {strides = array<i32>} : memref<128x128xf32, #tpu.memory_space<vmem>>, vector<16xf32>,
    %swap3A_973 = arith.constant 87 : i32
    %swap3A_974 = arith.index_cast %swap3A_973 : i32 to index
    %swap3A_975 = arith.constant 32 : index
    %swap3A_976 = tpu.vector_load %arg5[%swap3A_974, %swap3A_975] {strides = array<i32>} : memref<128x128xf32, #tpu.memory_space<vmem>>, vector<16xf32>,
    tpu.vector_store %arg5[%swap3A_974, %swap3A_975], %get3A_209 {strides = array<i32>} : memref<128x128xf32, #tpu.memory_space<vmem>>, vector<16xf32>,
    %swap3A_977 = arith.constant 87 : i32
    %swap3A_978 = arith.index_cast %swap3A_977 : i32 to index
    %swap3A_979 = arith.constant 48 : index
    %swap3A_980 = tpu.vector_load %arg5[%swap3A_978, %swap3A_979] {strides = array<i32>} : memref<128x128xf32, #tpu.memory_space<vmem>>, vector<16xf32>,
    tpu.vector_store %arg5[%swap3A_978, %swap3A_979], %get3A_213 {strides = array<i32>} : memref<128x128xf32, #tpu.memory_space<vmem>>, vector<16xf32>,
    %swap3A_981 = arith.constant 87 : i32
    %swap3A_982 = arith.index_cast %swap3A_981 : i32 to index
    %swap3A_983 = arith.constant 64 : index
    %swap3A_984 = tpu.vector_load %arg5[%swap3A_982, %swap3A_983] {strides = array<i32>} : memref<128x128xf32, #tpu.memory_space<vmem>>, vector<16xf32>,
    tpu.vector_store %arg5[%swap3A_982, %swap3A_983], %get3A_217 {strides = array<i32>} : memref<128x128xf32, #tpu.memory_space<vmem>>, vector<16xf32>,
    %swap3A_985 = arith.constant 87 : i32
    %swap3A_986 = arith.index_cast %swap3A_985 : i32 to index
    %swap3A_987 = arith.constant 80 : index
    %swap3A_988 = tpu.vector_load %arg5[%swap3A_986, %swap3A_987] {strides = array<i32>} : memref<128x128xf32, #tpu.memory_space<vmem>>, vector<16xf32>,
    tpu.vector_store %arg5[%swap3A_986, %swap3A_987], %get3A_221 {strides = array<i32>} : memref<128x128xf32, #tpu.memory_space<vmem>>, vector<16xf32>,
    %swap3A_989 = arith.constant 87 : i32
    %swap3A_990 = arith.index_cast %swap3A_989 : i32 to index
    %swap3A_991 = arith.constant 96 : index
    %swap3A_992 = tpu.vector_load %arg5[%swap3A_990, %swap3A_991] {strides = array<i32>} : memref<128x128xf32, #tpu.memory_space<vmem>>, vector<16xf32>,
    tpu.vector_store %arg5[%swap3A_990, %swap3A_991], %get3A_225 {strides = array<i32>} : memref<128x128xf32, #tpu.memory_space<vmem>>, vector<16xf32>,
    %swap3A_993 = arith.constant 87 : i32
    %swap3A_994 = arith.index_cast %swap3A_993 : i32 to index
    %swap3A_995 = arith.constant 112 : index
    %swap3A_996 = tpu.vector_load %arg5[%swap3A_994, %swap3A_995] {strides = array<i32>} : memref<128x128xf32, #tpu.memory_space<vmem>>, vector<16xf32>,
    tpu.vector_store %arg5[%swap3A_994, %swap3A_995], %get3A_229 {strides = array<i32>} : memref<128x128xf32, #tpu.memory_space<vmem>>, vector<16xf32>,
    %swap3A_997 = arith.constant 112 : i32
    %swap3A_998 = arith.index_cast %swap3A_997 : i32 to index
    %swap3A_999 = arith.constant 0 : index
    %swap3A_1000 = tpu.vector_load %arg5[%swap3A_998, %swap3A_999] {strides = array<i32>} : memref<128x128xf32, #tpu.memory_space<vmem>>, vector<16xf32>,
    tpu.vector_store %arg5[%swap3A_998, %swap3A_999], %get3A_201 {strides = array<i32>} : memref<128x128xf32, #tpu.memory_space<vmem>>, vector<16xf32>,
    %swap3A_1001 = arith.constant 112 : i32
    %swap3A_1002 = arith.index_cast %swap3A_1001 : i32 to index
    %swap3A_1003 = arith.constant 16 : index
    %swap3A_1004 = tpu.vector_load %arg5[%swap3A_1002, %swap3A_1003] {strides = array<i32>} : memref<128x128xf32, #tpu.memory_space<vmem>>, vector<16xf32>,
    tpu.vector_store %arg5[%swap3A_1002, %swap3A_1003], %get3A_205 {strides = array<i32>} : memref<128x128xf32, #tpu.memory_space<vmem>>, vector<16xf32>,
    %swap3A_1005 = arith.constant 112 : i32
    %swap3A_1006 = arith.index_cast %swap3A_1005 : i32 to index
    %swap3A_1007 = arith.constant 32 : index
    %swap3A_1008 = tpu.vector_load %arg5[%swap3A_1006, %swap3A_1007] {strides = array<i32>} : memref<128x128xf32, #tpu.memory_space<vmem>>, vector<16xf32>,
    tpu.vector_store %arg5[%swap3A_1006, %swap3A_1007], %get3A_209 {strides = array<i32>} : memref<128x128xf32, #tpu.memory_space<vmem>>, vector<16xf32>,
    %swap3A_1009 = arith.constant 112 : i32
    %swap3A_1010 = arith.index_cast %swap3A_1009 : i32 to index
    %swap3A_1011 = arith.constant 48 : index
    %swap3A_1012 = tpu.vector_load %arg5[%swap3A_1010, %swap3A_1011] {strides = array<i32>} : memref<128x128xf32, #tpu.memory_space<vmem>>, vector<16xf32>,
    tpu.vector_store %arg5[%swap3A_1010, %swap3A_1011], %get3A_213 {strides = array<i32>} : memref<128x128xf32, #tpu.memory_space<vmem>>, vector<16xf32>,
    %swap3A_1013 = arith.constant 112 : i32
    %swap3A_1014 = arith.index_cast %swap3A_1013 : i32 to index
    %swap3A_1015 = arith.constant 64 : index
    %swap3A_1016 = tpu.vector_load %arg5[%swap3A_1014, %swap3A_1015] {strides = array<i32>} : memref<128x128xf32, #tpu.memory_space<vmem>>, vector<16xf32>,
    tpu.vector_store %arg5[%swap3A_1014, %swap3A_1015], %get3A_217 {strides = array<i32>} : memref<128x128xf32, #tpu.memory_space<vmem>>, vector<16xf32>,
    %swap3A_1017 = arith.constant 112 : i32
    %swap3A_1018 = arith.index_cast %swap3A_1017 : i32 to index
    %swap3A_1019 = arith.constant 80 : index
    %swap3A_1020 = tpu.vector_load %arg5[%swap3A_1018, %swap3A_1019] {strides = array<i32>} : memref<128x128xf32, #tpu.memory_space<vmem>>, vector<16xf32>,
    tpu.vector_store %arg5[%swap3A_1018, %swap3A_1019], %get3A_221 {strides = array<i32>} : memref<128x128xf32, #tpu.memory_space<vmem>>, vector<16xf32>,
    %swap3A_1021 = arith.constant 112 : i32
    %swap3A_1022 = arith.index_cast %swap3A_1021 : i32 to index
    %swap3A_1023 = arith.constant 96 : index
    %swap3A_1024 = tpu.vector_load %arg5[%swap3A_1022, %swap3A_1023] {strides = array<i32>} : memref<128x128xf32, #tpu.memory_space<vmem>>, vector<16xf32>,
    tpu.vector_store %arg5[%swap3A_1022, %swap3A_1023], %get3A_225 {strides = array<i32>} : memref<128x128xf32, #tpu.memory_space<vmem>>, vector<16xf32>,
    %swap3A_1025 = arith.constant 112 : i32
    %swap3A_1026 = arith.index_cast %swap3A_1025 : i32 to index
    %swap3A_1027 = arith.constant 112 : index
    %swap3A_1028 = tpu.vector_load %arg5[%swap3A_1026, %swap3A_1027] {strides = array<i32>} : memref<128x128xf32, #tpu.memory_space<vmem>>, vector<16xf32>,
    tpu.vector_store %arg5[%swap3A_1026, %swap3A_1027], %get3A_229 {strides = array<i32>} : memref<128x128xf32, #tpu.memory_space<vmem>>, vector<16xf32>,
    %swap3A_1029 = arith.constant 113 : i32
    %swap3A_1030 = arith.index_cast %swap3A_1029 : i32 to index
    %swap3A_1031 = arith.constant 0 : index
    %swap3A_1032 = tpu.vector_load %arg5[%swap3A_1030, %swap3A_1031] {strides = array<i32>} : memref<128x128xf32, #tpu.memory_space<vmem>>, vector<16xf32>,
    tpu.vector_store %arg5[%swap3A_1030, %swap3A_1031], %get3A_201 {strides = array<i32>} : memref<128x128xf32, #tpu.memory_space<vmem>>, vector<16xf32>,
    %swap3A_1033 = arith.constant 113 : i32
    %swap3A_1034 = arith.index_cast %swap3A_1033 : i32 to index
    %swap3A_1035 = arith.constant 16 : index
    %swap3A_1036 = tpu.vector_load %arg5[%swap3A_1034, %swap3A_1035] {strides = array<i32>} : memref<128x128xf32, #tpu.memory_space<vmem>>, vector<16xf32>,
    tpu.vector_store %arg5[%swap3A_1034, %swap3A_1035], %get3A_205 {strides = array<i32>} : memref<128x128xf32, #tpu.memory_space<vmem>>, vector<16xf32>,
    %swap3A_1037 = arith.constant 113 : i32
    %swap3A_1038 = arith.index_cast %swap3A_1037 : i32 to index
    %swap3A_1039 = arith.constant 32 : index
    %swap3A_1040 = tpu.vector_load %arg5[%swap3A_1038, %swap3A_1039] {strides = array<i32>} : memref<128x128xf32, #tpu.memory_space<vmem>>, vector<16xf32>,
    tpu.vector_store %arg5[%swap3A_1038, %swap3A_1039], %get3A_209 {strides = array<i32>} : memref<128x128xf32, #tpu.memory_space<vmem>>, vector<16xf32>,
    %swap3A_1041 = arith.constant 113 : i32
    %swap3A_1042 = arith.index_cast %swap3A_1041 : i32 to index
    %swap3A_1043 = arith.constant 48 : index
    %swap3A_1044 = tpu.vector_load %arg5[%swap3A_1042, %swap3A_1043] {strides = array<i32>} : memref<128x128xf32, #tpu.memory_space<vmem>>, vector<16xf32>,
    tpu.vector_store %arg5[%swap3A_1042, %swap3A_1043], %get3A_213 {strides = array<i32>} : memref<128x128xf32, #tpu.memory_space<vmem>>, vector<16xf32>,
    %swap3A_1045 = arith.constant 113 : i32
    %swap3A_1046 = arith.index_cast %swap3A_1045 : i32 to index
    %swap3A_1047 = arith.constant 64 : index
    %swap3A_1048 = tpu.vector_load %arg5[%swap3A_1046, %swap3A_1047] {strides = array<i32>} : memref<128x128xf32, #tpu.memory_space<vmem>>, vector<16xf32>,
    tpu.vector_store %arg5[%swap3A_1046, %swap3A_1047], %get3A_217 {strides = array<i32>} : memref<128x128xf32, #tpu.memory_space<vmem>>, vector<16xf32>,
    %swap3A_1049 = arith.constant 113 : i32
    %swap3A_1050 = arith.index_cast %swap3A_1049 : i32 to index
    %swap3A_1051 = arith.constant 80 : index
    %swap3A_1052 = tpu.vector_load %arg5[%swap3A_1050, %swap3A_1051] {strides = array<i32>} : memref<128x128xf32, #tpu.memory_space<vmem>>, vector<16xf32>,
    tpu.vector_store %arg5[%swap3A_1050, %swap3A_1051], %get3A_221 {strides = array<i32>} : memref<128x128xf32, #tpu.memory_space<vmem>>, vector<16xf32>,
    %swap3A_1053 = arith.constant 113 : i32
    %swap3A_1054 = arith.index_cast %swap3A_1053 : i32 to index
    %swap3A_1055 = arith.constant 96 : index
    %swap3A_1056 = tpu.vector_load %arg5[%swap3A_1054, %swap3A_1055] {strides = array<i32>} : memref<128x128xf32, #tpu.memory_space<vmem>>, vector<16xf32>,
    tpu.vector_store %arg5[%swap3A_1054, %swap3A_1055], %get3A_225 {strides = array<i32>} : memref<128x128xf32, #tpu.memory_space<vmem>>, vector<16xf32>,
    %swap3A_1057 = arith.constant 113 : i32
    %swap3A_1058 = arith.index_cast %swap3A_1057 : i32 to index
    %swap3A_1059 = arith.constant 112 : index
    %swap3A_1060 = tpu.vector_load %arg5[%swap3A_1058, %swap3A_1059] {strides = array<i32>} : memref<128x128xf32, #tpu.memory_space<vmem>>, vector<16xf32>,
    tpu.vector_store %arg5[%swap3A_1058, %swap3A_1059], %get3A_229 {strides = array<i32>} : memref<128x128xf32, #tpu.memory_space<vmem>>, vector<16xf32>,
    %swap3A_1061 = arith.constant 114 : i32
    %swap3A_1062 = arith.index_cast %swap3A_1061 : i32 to index
    %swap3A_1063 = arith.constant 0 : index
    %swap3A_1064 = tpu.vector_load %arg5[%swap3A_1062, %swap3A_1063] {strides = array<i32>} : memref<128x128xf32, #tpu.memory_space<vmem>>, vector<16xf32>,
    tpu.vector_store %arg5[%swap3A_1062, %swap3A_1063], %get3A_201 {strides = array<i32>} : memref<128x128xf32, #tpu.memory_space<vmem>>, vector<16xf32>,
    %swap3A_1065 = arith.constant 114 : i32
    %swap3A_1066 = arith.index_cast %swap3A_1065 : i32 to index
    %swap3A_1067 = arith.constant 16 : index
    %swap3A_1068 = tpu.vector_load %arg5[%swap3A_1066, %swap3A_1067] {strides = array<i32>} : memref<128x128xf32, #tpu.memory_space<vmem>>, vector<16xf32>,
    tpu.vector_store %arg5[%swap3A_1066, %swap3A_1067], %get3A_205 {strides = array<i32>} : memref<128x128xf32, #tpu.memory_space<vmem>>, vector<16xf32>,
    %swap3A_1069 = arith.constant 114 : i32
    %swap3A_1070 = arith.index_cast %swap3A_1069 : i32 to index
    %swap3A_1071 = arith.constant 32 : index
    %swap3A_1072 = tpu.vector_load %arg5[%swap3A_1070, %swap3A_1071] {strides = array<i32>} : memref<128x128xf32, #tpu.memory_space<vmem>>, vector<16xf32>,
    tpu.vector_store %arg5[%swap3A_1070, %swap3A_1071], %get3A_209 {strides = array<i32>} : memref<128x128xf32, #tpu.memory_space<vmem>>, vector<16xf32>,
    %swap3A_1073 = arith.constant 114 : i32
    %swap3A_1074 = arith.index_cast %swap3A_1073 : i32 to index
    %swap3A_1075 = arith.constant 48 : index
    %swap3A_1076 = tpu.vector_load %arg5[%swap3A_1074, %swap3A_1075] {strides = array<i32>} : memref<128x128xf32, #tpu.memory_space<vmem>>, vector<16xf32>,
    tpu.vector_store %arg5[%swap3A_1074, %swap3A_1075], %get3A_213 {strides = array<i32>} : memref<128x128xf32, #tpu.memory_space<vmem>>, vector<16xf32>,
    %swap3A_1077 = arith.constant 114 : i32
    %swap3A_1078 = arith.index_cast %swap3A_1077 : i32 to index
    %swap3A_1079 = arith.constant 64 : index
    %swap3A_1080 = tpu.vector_load %arg5[%swap3A_1078, %swap3A_1079] {strides = array<i32>} : memref<128x128xf32, #tpu.memory_space<vmem>>, vector<16xf32>,
    tpu.vector_store %arg5[%swap3A_1078, %swap3A_1079], %get3A_217 {strides = array<i32>} : memref<128x128xf32, #tpu.memory_space<vmem>>, vector<16xf32>,
    %swap3A_1081 = arith.constant 114 : i32
    %swap3A_1082 = arith.index_cast %swap3A_1081 : i32 to index
    %swap3A_1083 = arith.constant 80 : index
    %swap3A_1084 = tpu.vector_load %arg5[%swap3A_1082, %swap3A_1083] {strides = array<i32>} : memref<128x128xf32, #tpu.memory_space<vmem>>, vector<16xf32>,
    tpu.vector_store %arg5[%swap3A_1082, %swap3A_1083], %get3A_221 {strides = array<i32>} : memref<128x128xf32, #tpu.memory_space<vmem>>, vector<16xf32>,
    %swap3A_1085 = arith.constant 114 : i32
    %swap3A_1086 = arith.index_cast %swap3A_1085 : i32 to index
    %swap3A_1087 = arith.constant 96 : index
    %swap3A_1088 = tpu.vector_load %arg5[%swap3A_1086, %swap3A_1087] {strides = array<i32>} : memref<128x128xf32, #tpu.memory_space<vmem>>, vector<16xf32>,
    tpu.vector_store %arg5[%swap3A_1086, %swap3A_1087], %get3A_225 {strides = array<i32>} : memref<128x128xf32, #tpu.memory_space<vmem>>, vector<16xf32>,
    %swap3A_1089 = arith.constant 114 : i32
    %swap3A_1090 = arith.index_cast %swap3A_1089 : i32 to index
    %swap3A_1091 = arith.constant 112 : index
    %swap3A_1092 = tpu.vector_load %arg5[%swap3A_1090, %swap3A_1091] {strides = array<i32>} : memref<128x128xf32, #tpu.memory_space<vmem>>, vector<16xf32>,
    tpu.vector_store %arg5[%swap3A_1090, %swap3A_1091], %get3A_229 {strides = array<i32>} : memref<128x128xf32, #tpu.memory_space<vmem>>, vector<16xf32>,
    %swap3A_1093 = arith.constant 115 : i32
    %swap3A_1094 = arith.index_cast %swap3A_1093 : i32 to index
    %swap3A_1095 = arith.constant 0 : index
    %swap3A_1096 = tpu.vector_load %arg5[%swap3A_1094, %swap3A_1095] {strides = array<i32>} : memref<128x128xf32, #tpu.memory_space<vmem>>, vector<16xf32>,
    tpu.vector_store %arg5[%swap3A_1094, %swap3A_1095], %get3A_201 {strides = array<i32>} : memref<128x128xf32, #tpu.memory_space<vmem>>, vector<16xf32>,
    %swap3A_1097 = arith.constant 115 : i32
    %swap3A_1098 = arith.index_cast %swap3A_1097 : i32 to index
    %swap3A_1099 = arith.constant 16 : index
    %swap3A_1100 = tpu.vector_load %arg5[%swap3A_1098, %swap3A_1099] {strides = array<i32>} : memref<128x128xf32, #tpu.memory_space<vmem>>, vector<16xf32>,
    tpu.vector_store %arg5[%swap3A_1098, %swap3A_1099], %get3A_205 {strides = array<i32>} : memref<128x128xf32, #tpu.memory_space<vmem>>, vector<16xf32>,
    %swap3A_1101 = arith.constant 115 : i32
    %swap3A_1102 = arith.index_cast %swap3A_1101 : i32 to index
    %swap3A_1103 = arith.constant 32 : index
    %swap3A_1104 = tpu.vector_load %arg5[%swap3A_1102, %swap3A_1103] {strides = array<i32>} : memref<128x128xf32, #tpu.memory_space<vmem>>, vector<16xf32>,
    tpu.vector_store %arg5[%swap3A_1102, %swap3A_1103], %get3A_209 {strides = array<i32>} : memref<128x128xf32, #tpu.memory_space<vmem>>, vector<16xf32>,
    %swap3A_1105 = arith.constant 115 : i32
    %swap3A_1106 = arith.index_cast %swap3A_1105 : i32 to index
    %swap3A_1107 = arith.constant 48 : index
    %swap3A_1108 = tpu.vector_load %arg5[%swap3A_1106, %swap3A_1107] {strides = array<i32>} : memref<128x128xf32, #tpu.memory_space<vmem>>, vector<16xf32>,
    tpu.vector_store %arg5[%swap3A_1106, %swap3A_1107], %get3A_213 {strides = array<i32>} : memref<128x128xf32, #tpu.memory_space<vmem>>, vector<16xf32>,
    %swap3A_1109 = arith.constant 115 : i32
    %swap3A_1110 = arith.index_cast %swap3A_1109 : i32 to index
    %swap3A_1111 = arith.constant 64 : index
    %swap3A_1112 = tpu.vector_load %arg5[%swap3A_1110, %swap3A_1111] {strides = array<i32>} : memref<128x128xf32, #tpu.memory_space<vmem>>, vector<16xf32>,
    tpu.vector_store %arg5[%swap3A_1110, %swap3A_1111], %get3A_217 {strides = array<i32>} : memref<128x128xf32, #tpu.memory_space<vmem>>, vector<16xf32>,
    %swap3A_1113 = arith.constant 115 : i32
    %swap3A_1114 = arith.index_cast %swap3A_1113 : i32 to index
    %swap3A_1115 = arith.constant 80 : index
    %swap3A_1116 = tpu.vector_load %arg5[%swap3A_1114, %swap3A_1115] {strides = array<i32>} : memref<128x128xf32, #tpu.memory_space<vmem>>, vector<16xf32>,
    tpu.vector_store %arg5[%swap3A_1114, %swap3A_1115], %get3A_221 {strides = array<i32>} : memref<128x128xf32, #tpu.memory_space<vmem>>, vector<16xf32>,
    %swap3A_1117 = arith.constant 115 : i32
    %swap3A_1118 = arith.index_cast %swap3A_1117 : i32 to index
    %swap3A_1119 = arith.constant 96 : index
    %swap3A_1120 = tpu.vector_load %arg5[%swap3A_1118, %swap3A_1119] {strides = array<i32>} : memref<128x128xf32, #tpu.memory_space<vmem>>, vector<16xf32>,
    tpu.vector_store %arg5[%swap3A_1118, %swap3A_1119], %get3A_225 {strides = array<i32>} : memref<128x128xf32, #tpu.memory_space<vmem>>, vector<16xf32>,
    %swap3A_1121 = arith.constant 115 : i32
    %swap3A_1122 = arith.index_cast %swap3A_1121 : i32 to index
    %swap3A_1123 = arith.constant 112 : index
    %swap3A_1124 = tpu.vector_load %arg5[%swap3A_1122, %swap3A_1123] {strides = array<i32>} : memref<128x128xf32, #tpu.memory_space<vmem>>, vector<16xf32>,
    tpu.vector_store %arg5[%swap3A_1122, %swap3A_1123], %get3A_229 {strides = array<i32>} : memref<128x128xf32, #tpu.memory_space<vmem>>, vector<16xf32>,
    %swap3A_1125 = arith.constant 116 : i32
    %swap3A_1126 = arith.index_cast %swap3A_1125 : i32 to index
    %swap3A_1127 = arith.constant 0 : index
    %swap3A_1128 = tpu.vector_load %arg5[%swap3A_1126, %swap3A_1127] {strides = array<i32>} : memref<128x128xf32, #tpu.memory_space<vmem>>, vector<16xf32>,
    tpu.vector_store %arg5[%swap3A_1126, %swap3A_1127], %get3A_201 {strides = array<i32>} : memref<128x128xf32, #tpu.memory_space<vmem>>, vector<16xf32>,
    %swap3A_1129 = arith.constant 116 : i32
    %swap3A_1130 = arith.index_cast %swap3A_1129 : i32 to index
    %swap3A_1131 = arith.constant 16 : index
    %swap3A_1132 = tpu.vector_load %arg5[%swap3A_1130, %swap3A_1131] {strides = array<i32>} : memref<128x128xf32, #tpu.memory_space<vmem>>, vector<16xf32>,
    tpu.vector_store %arg5[%swap3A_1130, %swap3A_1131], %get3A_205 {strides = array<i32>} : memref<128x128xf32, #tpu.memory_space<vmem>>, vector<16xf32>,
    %swap3A_1133 = arith.constant 116 : i32
    %swap3A_1134 = arith.index_cast %swap3A_1133 : i32 to index
    %swap3A_1135 = arith.constant 32 : index
    %swap3A_1136 = tpu.vector_load %arg5[%swap3A_1134, %swap3A_1135] {strides = array<i32>} : memref<128x128xf32, #tpu.memory_space<vmem>>, vector<16xf32>,
    tpu.vector_store %arg5[%swap3A_1134, %swap3A_1135], %get3A_209 {strides = array<i32>} : memref<128x128xf32, #tpu.memory_space<vmem>>, vector<16xf32>,
    %swap3A_1137 = arith.constant 116 : i32
    %swap3A_1138 = arith.index_cast %swap3A_1137 : i32 to index
    %swap3A_1139 = arith.constant 48 : index
    %swap3A_1140 = tpu.vector_load %arg5[%swap3A_1138, %swap3A_1139] {strides = array<i32>} : memref<128x128xf32, #tpu.memory_space<vmem>>, vector<16xf32>,
    tpu.vector_store %arg5[%swap3A_1138, %swap3A_1139], %get3A_213 {strides = array<i32>} : memref<128x128xf32, #tpu.memory_space<vmem>>, vector<16xf32>,
    %swap3A_1141 = arith.constant 116 : i32
    %swap3A_1142 = arith.index_cast %swap3A_1141 : i32 to index
    %swap3A_1143 = arith.constant 64 : index
    %swap3A_1144 = tpu.vector_load %arg5[%swap3A_1142, %swap3A_1143] {strides = array<i32>} : memref<128x128xf32, #tpu.memory_space<vmem>>, vector<16xf32>,
    tpu.vector_store %arg5[%swap3A_1142, %swap3A_1143], %get3A_217 {strides = array<i32>} : memref<128x128xf32, #tpu.memory_space<vmem>>, vector<16xf32>,
    %swap3A_1145 = arith.constant 116 : i32
    %swap3A_1146 = arith.index_cast %swap3A_1145 : i32 to index
    %swap3A_1147 = arith.constant 80 : index
    %swap3A_1148 = tpu.vector_load %arg5[%swap3A_1146, %swap3A_1147] {strides = array<i32>} : memref<128x128xf32, #tpu.memory_space<vmem>>, vector<16xf32>,
    tpu.vector_store %arg5[%swap3A_1146, %swap3A_1147], %get3A_221 {strides = array<i32>} : memref<128x128xf32, #tpu.memory_space<vmem>>, vector<16xf32>,
    %swap3A_1149 = arith.constant 116 : i32
    %swap3A_1150 = arith.index_cast %swap3A_1149 : i32 to index
    %swap3A_1151 = arith.constant 96 : index
    %swap3A_1152 = tpu.vector_load %arg5[%swap3A_1150, %swap3A_1151] {strides = array<i32>} : memref<128x128xf32, #tpu.memory_space<vmem>>, vector<16xf32>,
    tpu.vector_store %arg5[%swap3A_1150, %swap3A_1151], %get3A_225 {strides = array<i32>} : memref<128x128xf32, #tpu.memory_space<vmem>>, vector<16xf32>,
    %swap3A_1153 = arith.constant 116 : i32
    %swap3A_1154 = arith.index_cast %swap3A_1153 : i32 to index
    %swap3A_1155 = arith.constant 112 : index
    %swap3A_1156 = tpu.vector_load %arg5[%swap3A_1154, %swap3A_1155] {strides = array<i32>} : memref<128x128xf32, #tpu.memory_space<vmem>>, vector<16xf32>,
    tpu.vector_store %arg5[%swap3A_1154, %swap3A_1155], %get3A_229 {strides = array<i32>} : memref<128x128xf32, #tpu.memory_space<vmem>>, vector<16xf32>,
    %swap3A_1157 = arith.constant 117 : i32
    %swap3A_1158 = arith.index_cast %swap3A_1157 : i32 to index
    %swap3A_1159 = arith.constant 0 : index
    %swap3A_1160 = tpu.vector_load %arg5[%swap3A_1158, %swap3A_1159] {strides = array<i32>} : memref<128x128xf32, #tpu.memory_space<vmem>>, vector<16xf32>,
    tpu.vector_store %arg5[%swap3A_1158, %swap3A_1159], %get3A_201 {strides = array<i32>} : memref<128x128xf32, #tpu.memory_space<vmem>>, vector<16xf32>,
    %swap3A_1161 = arith.constant 117 : i32
    %swap3A_1162 = arith.index_cast %swap3A_1161 : i32 to index
    %swap3A_1163 = arith.constant 16 : index
    %swap3A_1164 = tpu.vector_load %arg5[%swap3A_1162, %swap3A_1163] {strides = array<i32>} : memref<128x128xf32, #tpu.memory_space<vmem>>, vector<16xf32>,
    tpu.vector_store %arg5[%swap3A_1162, %swap3A_1163], %get3A_205 {strides = array<i32>} : memref<128x128xf32, #tpu.memory_space<vmem>>, vector<16xf32>,
    %swap3A_1165 = arith.constant 117 : i32
    %swap3A_1166 = arith.index_cast %swap3A_1165 : i32 to index
    %swap3A_1167 = arith.constant 32 : index
    %swap3A_1168 = tpu.vector_load %arg5[%swap3A_1166, %swap3A_1167] {strides = array<i32>} : memref<128x128xf32, #tpu.memory_space<vmem>>, vector<16xf32>,
    tpu.vector_store %arg5[%swap3A_1166, %swap3A_1167], %get3A_209 {strides = array<i32>} : memref<128x128xf32, #tpu.memory_space<vmem>>, vector<16xf32>,
    %swap3A_1169 = arith.constant 117 : i32
    %swap3A_1170 = arith.index_cast %swap3A_1169 : i32 to index
    %swap3A_1171 = arith.constant 48 : index
    %swap3A_1172 = tpu.vector_load %arg5[%swap3A_1170, %swap3A_1171] {strides = array<i32>} : memref<128x128xf32, #tpu.memory_space<vmem>>, vector<16xf32>,
    tpu.vector_store %arg5[%swap3A_1170, %swap3A_1171], %get3A_213 {strides = array<i32>} : memref<128x128xf32, #tpu.memory_space<vmem>>, vector<16xf32>,
    %swap3A_1173 = arith.constant 117 : i32
    %swap3A_1174 = arith.index_cast %swap3A_1173 : i32 to index
    %swap3A_1175 = arith.constant 64 : index
    %swap3A_1176 = tpu.vector_load %arg5[%swap3A_1174, %swap3A_1175] {strides = array<i32>} : memref<128x128xf32, #tpu.memory_space<vmem>>, vector<16xf32>,
    tpu.vector_store %arg5[%swap3A_1174, %swap3A_1175], %get3A_217 {strides = array<i32>} : memref<128x128xf32, #tpu.memory_space<vmem>>, vector<16xf32>,
    %swap3A_1177 = arith.constant 117 : i32
    %swap3A_1178 = arith.index_cast %swap3A_1177 : i32 to index
    %swap3A_1179 = arith.constant 80 : index
    %swap3A_1180 = tpu.vector_load %arg5[%swap3A_1178, %swap3A_1179] {strides = array<i32>} : memref<128x128xf32, #tpu.memory_space<vmem>>, vector<16xf32>,
    tpu.vector_store %arg5[%swap3A_1178, %swap3A_1179], %get3A_221 {strides = array<i32>} : memref<128x128xf32, #tpu.memory_space<vmem>>, vector<16xf32>,
    %swap3A_1181 = arith.constant 117 : i32
    %swap3A_1182 = arith.index_cast %swap3A_1181 : i32 to index
    %swap3A_1183 = arith.constant 96 : index
    %swap3A_1184 = tpu.vector_load %arg5[%swap3A_1182, %swap3A_1183] {strides = array<i32>} : memref<128x128xf32, #tpu.memory_space<vmem>>, vector<16xf32>,
    tpu.vector_store %arg5[%swap3A_1182, %swap3A_1183], %get3A_225 {strides = array<i32>} : memref<128x128xf32, #tpu.memory_space<vmem>>, vector<16xf32>,
    %swap3A_1185 = arith.constant 117 : i32
    %swap3A_1186 = arith.index_cast %swap3A_1185 : i32 to index
    %swap3A_1187 = arith.constant 112 : index
    %swap3A_1188 = tpu.vector_load %arg5[%swap3A_1186, %swap3A_1187] {strides = array<i32>} : memref<128x128xf32, #tpu.memory_space<vmem>>, vector<16xf32>,
    tpu.vector_store %arg5[%swap3A_1186, %swap3A_1187], %get3A_229 {strides = array<i32>} : memref<128x128xf32, #tpu.memory_space<vmem>>, vector<16xf32>,
    %swap3A_1189 = arith.constant 118 : i32
    %swap3A_1190 = arith.index_cast %swap3A_1189 : i32 to index
    %swap3A_1191 = arith.constant 0 : index
    %swap3A_1192 = tpu.vector_load %arg5[%swap3A_1190, %swap3A_1191] {strides = array<i32>} : memref<128x128xf32, #tpu.memory_space<vmem>>, vector<16xf32>,
    tpu.vector_store %arg5[%swap3A_1190, %swap3A_1191], %get3A_201 {strides = array<i32>} : memref<128x128xf32, #tpu.memory_space<vmem>>, vector<16xf32>,
    %swap3A_1193 = arith.constant 118 : i32
    %swap3A_1194 = arith.index_cast %swap3A_1193 : i32 to index
    %swap3A_1195 = arith.constant 16 : index
    %swap3A_1196 = tpu.vector_load %arg5[%swap3A_1194, %swap3A_1195] {strides = array<i32>} : memref<128x128xf32, #tpu.memory_space<vmem>>, vector<16xf32>,
    tpu.vector_store %arg5[%swap3A_1194, %swap3A_1195], %get3A_205 {strides = array<i32>} : memref<128x128xf32, #tpu.memory_space<vmem>>, vector<16xf32>,
    %swap3A_1197 = arith.constant 118 : i32
    %swap3A_1198 = arith.index_cast %swap3A_1197 : i32 to index
    %swap3A_1199 = arith.constant 32 : index
    %swap3A_1200 = tpu.vector_load %arg5[%swap3A_1198, %swap3A_1199] {strides = array<i32>} : memref<128x128xf32, #tpu.memory_space<vmem>>, vector<16xf32>,
    tpu.vector_store %arg5[%swap3A_1198, %swap3A_1199], %get3A_209 {strides = array<i32>} : memref<128x128xf32, #tpu.memory_space<vmem>>, vector<16xf32>,
    %swap3A_1201 = arith.constant 118 : i32
    %swap3A_1202 = arith.index_cast %swap3A_1201 : i32 to index
    %swap3A_1203 = arith.constant 48 : index
    %swap3A_1204 = tpu.vector_load %arg5[%swap3A_1202, %swap3A_1203] {strides = array<i32>} : memref<128x128xf32, #tpu.memory_space<vmem>>, vector<16xf32>,
    tpu.vector_store %arg5[%swap3A_1202, %swap3A_1203], %get3A_213 {strides = array<i32>} : memref<128x128xf32, #tpu.memory_space<vmem>>, vector<16xf32>,
    %swap3A_1205 = arith.constant 118 : i32
    %swap3A_1206 = arith.index_cast %swap3A_1205 : i32 to index
    %swap3A_1207 = arith.constant 64 : index
    %swap3A_1208 = tpu.vector_load %arg5[%swap3A_1206, %swap3A_1207] {strides = array<i32>} : memref<128x128xf32, #tpu.memory_space<vmem>>, vector<16xf32>,
    tpu.vector_store %arg5[%swap3A_1206, %swap3A_1207], %get3A_217 {strides = array<i32>} : memref<128x128xf32, #tpu.memory_space<vmem>>, vector<16xf32>,
    %swap3A_1209 = arith.constant 118 : i32
    %swap3A_1210 = arith.index_cast %swap3A_1209 : i32 to index
    %swap3A_1211 = arith.constant 80 : index
    %swap3A_1212 = tpu.vector_load %arg5[%swap3A_1210, %swap3A_1211] {strides = array<i32>} : memref<128x128xf32, #tpu.memory_space<vmem>>, vector<16xf32>,
    tpu.vector_store %arg5[%swap3A_1210, %swap3A_1211], %get3A_221 {strides = array<i32>} : memref<128x128xf32, #tpu.memory_space<vmem>>, vector<16xf32>,
    %swap3A_1213 = arith.constant 118 : i32
    %swap3A_1214 = arith.index_cast %swap3A_1213 : i32 to index
    %swap3A_1215 = arith.constant 96 : index
    %swap3A_1216 = tpu.vector_load %arg5[%swap3A_1214, %swap3A_1215] {strides = array<i32>} : memref<128x128xf32, #tpu.memory_space<vmem>>, vector<16xf32>,
    tpu.vector_store %arg5[%swap3A_1214, %swap3A_1215], %get3A_225 {strides = array<i32>} : memref<128x128xf32, #tpu.memory_space<vmem>>, vector<16xf32>,
    %swap3A_1217 = arith.constant 118 : i32
    %swap3A_1218 = arith.index_cast %swap3A_1217 : i32 to index
    %swap3A_1219 = arith.constant 112 : index
    %swap3A_1220 = tpu.vector_load %arg5[%swap3A_1218, %swap3A_1219] {strides = array<i32>} : memref<128x128xf32, #tpu.memory_space<vmem>>, vector<16xf32>,
    tpu.vector_store %arg5[%swap3A_1218, %swap3A_1219], %get3A_229 {strides = array<i32>} : memref<128x128xf32, #tpu.memory_space<vmem>>, vector<16xf32>,
    %swap3A_1221 = arith.constant 119 : i32
    %swap3A_1222 = arith.index_cast %swap3A_1221 : i32 to index
    %swap3A_1223 = arith.constant 0 : index
    %swap3A_1224 = tpu.vector_load %arg5[%swap3A_1222, %swap3A_1223] {strides = array<i32>} : memref<128x128xf32, #tpu.memory_space<vmem>>, vector<16xf32>,
    tpu.vector_store %arg5[%swap3A_1222, %swap3A_1223], %get3A_201 {strides = array<i32>} : memref<128x128xf32, #tpu.memory_space<vmem>>, vector<16xf32>,
    %swap3A_1225 = arith.constant 119 : i32
    %swap3A_1226 = arith.index_cast %swap3A_1225 : i32 to index
    %swap3A_1227 = arith.constant 16 : index
    %swap3A_1228 = tpu.vector_load %arg5[%swap3A_1226, %swap3A_1227] {strides = array<i32>} : memref<128x128xf32, #tpu.memory_space<vmem>>, vector<16xf32>,
    tpu.vector_store %arg5[%swap3A_1226, %swap3A_1227], %get3A_205 {strides = array<i32>} : memref<128x128xf32, #tpu.memory_space<vmem>>, vector<16xf32>,
    %swap3A_1229 = arith.constant 119 : i32
    %swap3A_1230 = arith.index_cast %swap3A_1229 : i32 to index
    %swap3A_1231 = arith.constant 32 : index
    %swap3A_1232 = tpu.vector_load %arg5[%swap3A_1230, %swap3A_1231] {strides = array<i32>} : memref<128x128xf32, #tpu.memory_space<vmem>>, vector<16xf32>,
    tpu.vector_store %arg5[%swap3A_1230, %swap3A_1231], %get3A_209 {strides = array<i32>} : memref<128x128xf32, #tpu.memory_space<vmem>>, vector<16xf32>,
    %swap3A_1233 = arith.constant 119 : i32
    %swap3A_1234 = arith.index_cast %swap3A_1233 : i32 to index
    %swap3A_1235 = arith.constant 48 : index
    %swap3A_1236 = tpu.vector_load %arg5[%swap3A_1234, %swap3A_1235] {strides = array<i32>} : memref<128x128xf32, #tpu.memory_space<vmem>>, vector<16xf32>,
    tpu.vector_store %arg5[%swap3A_1234, %swap3A_1235], %get3A_213 {strides = array<i32>} : memref<128x128xf32, #tpu.memory_space<vmem>>, vector<16xf32>,
    %swap3A_1237 = arith.constant 119 : i32
    %swap3A_1238 = arith.index_cast %swap3A_1237 : i32 to index
    %swap3A_1239 = arith.constant 64 : index
    %swap3A_1240 = tpu.vector_load %arg5[%swap3A_1238, %swap3A_1239] {strides = array<i32>} : memref<128x128xf32, #tpu.memory_space<vmem>>, vector<16xf32>,
    tpu.vector_store %arg5[%swap3A_1238, %swap3A_1239], %get3A_217 {strides = array<i32>} : memref<128x128xf32, #tpu.memory_space<vmem>>, vector<16xf32>,
    %swap3A_1241 = arith.constant 119 : i32
    %swap3A_1242 = arith.index_cast %swap3A_1241 : i32 to index
    %swap3A_1243 = arith.constant 80 : index
    %swap3A_1244 = tpu.vector_load %arg5[%swap3A_1242, %swap3A_1243] {strides = array<i32>} : memref<128x128xf32, #tpu.memory_space<vmem>>, vector<16xf32>,
    tpu.vector_store %arg5[%swap3A_1242, %swap3A_1243], %get3A_221 {strides = array<i32>} : memref<128x128xf32, #tpu.memory_space<vmem>>, vector<16xf32>,
    %swap3A_1245 = arith.constant 119 : i32
    %swap3A_1246 = arith.index_cast %swap3A_1245 : i32 to index
    %swap3A_1247 = arith.constant 96 : index
    %swap3A_1248 = tpu.vector_load %arg5[%swap3A_1246, %swap3A_1247] {strides = array<i32>} : memref<128x128xf32, #tpu.memory_space<vmem>>, vector<16xf32>,
    tpu.vector_store %arg5[%swap3A_1246, %swap3A_1247], %get3A_225 {strides = array<i32>} : memref<128x128xf32, #tpu.memory_space<vmem>>, vector<16xf32>,
    %swap3A_1249 = arith.constant 119 : i32
    %swap3A_1250 = arith.index_cast %swap3A_1249 : i32 to index
    %swap3A_1251 = arith.constant 112 : index
    %swap3A_1252 = tpu.vector_load %arg5[%swap3A_1250, %swap3A_1251] {strides = array<i32>} : memref<128x128xf32, #tpu.memory_space<vmem>>, vector<16xf32>,
    tpu.vector_store %arg5[%swap3A_1250, %swap3A_1251], %get3A_229 {strides = array<i32>} : memref<128x128xf32, #tpu.memory_space<vmem>>, vector<16xf32>,
    %get3A_1253 = arith.constant 0 : i32
    %get3A_1254 = arith.index_cast %get3A_1253 : i32 to index
    %get3A_1255 = arith.constant 128 : index
    %get3A_1256 = tpu.vector_load %arg6[%get3A_1254, %get3A_1255] {strides = array<i32>} : memref<1x256xf32, #tpu.memory_space<vmem>>, vector<16xf32>,
    %get3A_1257 = arith.constant 0 : i32
    %get3A_1258 = arith.index_cast %get3A_1257 : i32 to index
    %get3A_1259 = arith.constant 144 : index
    %get3A_1260 = tpu.vector_load %arg6[%get3A_1258, %get3A_1259] {strides = array<i32>} : memref<1x256xf32, #tpu.memory_space<vmem>>, vector<16xf32>,
    %get3A_1261 = arith.constant 0 : i32
    %get3A_1262 = arith.index_cast %get3A_1261 : i32 to index
    %get3A_1263 = arith.constant 160 : index
    %get3A_1264 = tpu.vector_load %arg6[%get3A_1262, %get3A_1263] {strides = array<i32>} : memref<1x256xf32, #tpu.memory_space<vmem>>, vector<16xf32>,
    %get3A_1265 = arith.constant 0 : i32
    %get3A_1266 = arith.index_cast %get3A_1265 : i32 to index
    %get3A_1267 = arith.constant 176 : index
    %get3A_1268 = tpu.vector_load %arg6[%get3A_1266, %get3A_1267] {strides = array<i32>} : memref<1x256xf32, #tpu.memory_space<vmem>>, vector<16xf32>,
    %get3A_1269 = arith.constant 0 : i32
    %get3A_1270 = arith.index_cast %get3A_1269 : i32 to index
    %get3A_1271 = arith.constant 192 : index
    %get3A_1272 = tpu.vector_load %arg6[%get3A_1270, %get3A_1271] {strides = array<i32>} : memref<1x256xf32, #tpu.memory_space<vmem>>, vector<16xf32>,
    %get3A_1273 = arith.constant 0 : i32
    %get3A_1274 = arith.index_cast %get3A_1273 : i32 to index
    %get3A_1275 = arith.constant 208 : index
    %get3A_1276 = tpu.vector_load %arg6[%get3A_1274, %get3A_1275] {strides = array<i32>} : memref<1x256xf32, #tpu.memory_space<vmem>>, vector<16xf32>,
    %get3A_1277 = arith.constant 0 : i32
    %get3A_1278 = arith.index_cast %get3A_1277 : i32 to index
    %get3A_1279 = arith.constant 224 : index
    %get3A_1280 = tpu.vector_load %arg6[%get3A_1278, %get3A_1279] {strides = array<i32>} : memref<1x256xf32, #tpu.memory_space<vmem>>, vector<16xf32>,
    %get3A_1281 = arith.constant 0 : i32
    %get3A_1282 = arith.index_cast %get3A_1281 : i32 to index
    %get3A_1283 = arith.constant 240 : index
    %get3A_1284 = tpu.vector_load %arg6[%get3A_1282, %get3A_1283] {strides = array<i32>} : memref<1x256xf32, #tpu.memory_space<vmem>>, vector<16xf32>,
    %swap3A_1285 = arith.constant 24 : i32
    %swap3A_1286 = arith.index_cast %swap3A_1285 : i32 to index
    %swap3A_1287 = arith.constant 0 : index
    %swap3A_1288 = tpu.vector_load %arg5[%swap3A_1286, %swap3A_1287] {strides = array<i32>} : memref<128x128xf32, #tpu.memory_space<vmem>>, vector<16xf32>,
    tpu.vector_store %arg5[%swap3A_1286, %swap3A_1287], %get3A_1256 {strides = array<i32>} : memref<128x128xf32, #tpu.memory_space<vmem>>, vector<16xf32>,
    %swap3A_1289 = arith.constant 24 : i32
    %swap3A_1290 = arith.index_cast %swap3A_1289 : i32 to index
    %swap3A_1291 = arith.constant 16 : index
    %swap3A_1292 = tpu.vector_load %arg5[%swap3A_1290, %swap3A_1291] {strides = array<i32>} : memref<128x128xf32, #tpu.memory_space<vmem>>, vector<16xf32>,
    tpu.vector_store %arg5[%swap3A_1290, %swap3A_1291], %get3A_1260 {strides = array<i32>} : memref<128x128xf32, #tpu.memory_space<vmem>>, vector<16xf32>,
    %swap3A_1293 = arith.constant 24 : i32
    %swap3A_1294 = arith.index_cast %swap3A_1293 : i32 to index
    %swap3A_1295 = arith.constant 32 : index
    %swap3A_1296 = tpu.vector_load %arg5[%swap3A_1294, %swap3A_1295] {strides = array<i32>} : memref<128x128xf32, #tpu.memory_space<vmem>>, vector<16xf32>,
    tpu.vector_store %arg5[%swap3A_1294, %swap3A_1295], %get3A_1264 {strides = array<i32>} : memref<128x128xf32, #tpu.memory_space<vmem>>, vector<16xf32>,
    %swap3A_1297 = arith.constant 24 : i32
    %swap3A_1298 = arith.index_cast %swap3A_1297 : i32 to index
    %swap3A_1299 = arith.constant 48 : index
    %swap3A_1300 = tpu.vector_load %arg5[%swap3A_1298, %swap3A_1299] {strides = array<i32>} : memref<128x128xf32, #tpu.memory_space<vmem>>, vector<16xf32>,
    tpu.vector_store %arg5[%swap3A_1298, %swap3A_1299], %get3A_1268 {strides = array<i32>} : memref<128x128xf32, #tpu.memory_space<vmem>>, vector<16xf32>,
    %swap3A_1301 = arith.constant 24 : i32
    %swap3A_1302 = arith.index_cast %swap3A_1301 : i32 to index
    %swap3A_1303 = arith.constant 64 : index
    %swap3A_1304 = tpu.vector_load %arg5[%swap3A_1302, %swap3A_1303] {strides = array<i32>} : memref<128x128xf32, #tpu.memory_space<vmem>>, vector<16xf32>,
    tpu.vector_store %arg5[%swap3A_1302, %swap3A_1303], %get3A_1272 {strides = array<i32>} : memref<128x128xf32, #tpu.memory_space<vmem>>, vector<16xf32>,
    %swap3A_1305 = arith.constant 24 : i32
    %swap3A_1306 = arith.index_cast %swap3A_1305 : i32 to index
    %swap3A_1307 = arith.constant 80 : index
    %swap3A_1308 = tpu.vector_load %arg5[%swap3A_1306, %swap3A_1307] {strides = array<i32>} : memref<128x128xf32, #tpu.memory_space<vmem>>, vector<16xf32>,
    tpu.vector_store %arg5[%swap3A_1306, %swap3A_1307], %get3A_1276 {strides = array<i32>} : memref<128x128xf32, #tpu.memory_space<vmem>>, vector<16xf32>,
    %swap3A_1309 = arith.constant 24 : i32
    %swap3A_1310 = arith.index_cast %swap3A_1309 : i32 to index
    %swap3A_1311 = arith.constant 96 : index
    %swap3A_1312 = tpu.vector_load %arg5[%swap3A_1310, %swap3A_1311] {strides = array<i32>} : memref<128x128xf32, #tpu.memory_space<vmem>>, vector<16xf32>,
    tpu.vector_store %arg5[%swap3A_1310, %swap3A_1311], %get3A_1280 {strides = array<i32>} : memref<128x128xf32, #tpu.memory_space<vmem>>, vector<16xf32>,
    %swap3A_1313 = arith.constant 24 : i32
    %swap3A_1314 = arith.index_cast %swap3A_1313 : i32 to index
    %swap3A_1315 = arith.constant 112 : index
    %swap3A_1316 = tpu.vector_load %arg5[%swap3A_1314, %swap3A_1315] {strides = array<i32>} : memref<128x128xf32, #tpu.memory_space<vmem>>, vector<16xf32>,
    tpu.vector_store %arg5[%swap3A_1314, %swap3A_1315], %get3A_1284 {strides = array<i32>} : memref<128x128xf32, #tpu.memory_space<vmem>>, vector<16xf32>,
    %swap3A_1317 = arith.constant 25 : i32
    %swap3A_1318 = arith.index_cast %swap3A_1317 : i32 to index
    %swap3A_1319 = arith.constant 0 : index
    %swap3A_1320 = tpu.vector_load %arg5[%swap3A_1318, %swap3A_1319] {strides = array<i32>} : memref<128x128xf32, #tpu.memory_space<vmem>>, vector<16xf32>,
    tpu.vector_store %arg5[%swap3A_1318, %swap3A_1319], %get3A_1256 {strides = array<i32>} : memref<128x128xf32, #tpu.memory_space<vmem>>, vector<16xf32>,
    %swap3A_1321 = arith.constant 25 : i32
    %swap3A_1322 = arith.index_cast %swap3A_1321 : i32 to index
    %swap3A_1323 = arith.constant 16 : index
    %swap3A_1324 = tpu.vector_load %arg5[%swap3A_1322, %swap3A_1323] {strides = array<i32>} : memref<128x128xf32, #tpu.memory_space<vmem>>, vector<16xf32>,
    tpu.vector_store %arg5[%swap3A_1322, %swap3A_1323], %get3A_1260 {strides = array<i32>} : memref<128x128xf32, #tpu.memory_space<vmem>>, vector<16xf32>,
    %swap3A_1325 = arith.constant 25 : i32
    %swap3A_1326 = arith.index_cast %swap3A_1325 : i32 to index
    %swap3A_1327 = arith.constant 32 : index
    %swap3A_1328 = tpu.vector_load %arg5[%swap3A_1326, %swap3A_1327] {strides = array<i32>} : memref<128x128xf32, #tpu.memory_space<vmem>>, vector<16xf32>,
    tpu.vector_store %arg5[%swap3A_1326, %swap3A_1327], %get3A_1264 {strides = array<i32>} : memref<128x128xf32, #tpu.memory_space<vmem>>, vector<16xf32>,
    %swap3A_1329 = arith.constant 25 : i32
    %swap3A_1330 = arith.index_cast %swap3A_1329 : i32 to index
    %swap3A_1331 = arith.constant 48 : index
    %swap3A_1332 = tpu.vector_load %arg5[%swap3A_1330, %swap3A_1331] {strides = array<i32>} : memref<128x128xf32, #tpu.memory_space<vmem>>, vector<16xf32>,
    tpu.vector_store %arg5[%swap3A_1330, %swap3A_1331], %get3A_1268 {strides = array<i32>} : memref<128x128xf32, #tpu.memory_space<vmem>>, vector<16xf32>,
    %swap3A_1333 = arith.constant 25 : i32
    %swap3A_1334 = arith.index_cast %swap3A_1333 : i32 to index
    %swap3A_1335 = arith.constant 64 : index
    %swap3A_1336 = tpu.vector_load %arg5[%swap3A_1334, %swap3A_1335] {strides = array<i32>} : memref<128x128xf32, #tpu.memory_space<vmem>>, vector<16xf32>,
    tpu.vector_store %arg5[%swap3A_1334, %swap3A_1335], %get3A_1272 {strides = array<i32>} : memref<128x128xf32, #tpu.memory_space<vmem>>, vector<16xf32>,
    %swap3A_1337 = arith.constant 25 : i32
    %swap3A_1338 = arith.index_cast %swap3A_1337 : i32 to index
    %swap3A_1339 = arith.constant 80 : index
    %swap3A_1340 = tpu.vector_load %arg5[%swap3A_1338, %swap3A_1339] {strides = array<i32>} : memref<128x128xf32, #tpu.memory_space<vmem>>, vector<16xf32>,
    tpu.vector_store %arg5[%swap3A_1338, %swap3A_1339], %get3A_1276 {strides = array<i32>} : memref<128x128xf32, #tpu.memory_space<vmem>>, vector<16xf32>,
    %swap3A_1341 = arith.constant 25 : i32
    %swap3A_1342 = arith.index_cast %swap3A_1341 : i32 to index
    %swap3A_1343 = arith.constant 96 : index
    %swap3A_1344 = tpu.vector_load %arg5[%swap3A_1342, %swap3A_1343] {strides = array<i32>} : memref<128x128xf32, #tpu.memory_space<vmem>>, vector<16xf32>,
    tpu.vector_store %arg5[%swap3A_1342, %swap3A_1343], %get3A_1280 {strides = array<i32>} : memref<128x128xf32, #tpu.memory_space<vmem>>, vector<16xf32>,
    %swap3A_1345 = arith.constant 25 : i32
    %swap3A_1346 = arith.index_cast %swap3A_1345 : i32 to index
    %swap3A_1347 = arith.constant 112 : index
    %swap3A_1348 = tpu.vector_load %arg5[%swap3A_1346, %swap3A_1347] {strides = array<i32>} : memref<128x128xf32, #tpu.memory_space<vmem>>, vector<16xf32>,
    tpu.vector_store %arg5[%swap3A_1346, %swap3A_1347], %get3A_1284 {strides = array<i32>} : memref<128x128xf32, #tpu.memory_space<vmem>>, vector<16xf32>,
    %swap3A_1349 = arith.constant 26 : i32
    %swap3A_1350 = arith.index_cast %swap3A_1349 : i32 to index
    %swap3A_1351 = arith.constant 0 : index
    %swap3A_1352 = tpu.vector_load %arg5[%swap3A_1350, %swap3A_1351] {strides = array<i32>} : memref<128x128xf32, #tpu.memory_space<vmem>>, vector<16xf32>,
    tpu.vector_store %arg5[%swap3A_1350, %swap3A_1351], %get3A_1256 {strides = array<i32>} : memref<128x128xf32, #tpu.memory_space<vmem>>, vector<16xf32>,
    %swap3A_1353 = arith.constant 26 : i32
    %swap3A_1354 = arith.index_cast %swap3A_1353 : i32 to index
    %swap3A_1355 = arith.constant 16 : index
    %swap3A_1356 = tpu.vector_load %arg5[%swap3A_1354, %swap3A_1355] {strides = array<i32>} : memref<128x128xf32, #tpu.memory_space<vmem>>, vector<16xf32>,
    tpu.vector_store %arg5[%swap3A_1354, %swap3A_1355], %get3A_1260 {strides = array<i32>} : memref<128x128xf32, #tpu.memory_space<vmem>>, vector<16xf32>,
    %swap3A_1357 = arith.constant 26 : i32
    %swap3A_1358 = arith.index_cast %swap3A_1357 : i32 to index
    %swap3A_1359 = arith.constant 32 : index
    %swap3A_1360 = tpu.vector_load %arg5[%swap3A_1358, %swap3A_1359] {strides = array<i32>} : memref<128x128xf32, #tpu.memory_space<vmem>>, vector<16xf32>,
    tpu.vector_store %arg5[%swap3A_1358, %swap3A_1359], %get3A_1264 {strides = array<i32>} : memref<128x128xf32, #tpu.memory_space<vmem>>, vector<16xf32>,
    %swap3A_1361 = arith.constant 26 : i32
    %swap3A_1362 = arith.index_cast %swap3A_1361 : i32 to index
    %swap3A_1363 = arith.constant 48 : index
    %swap3A_1364 = tpu.vector_load %arg5[%swap3A_1362, %swap3A_1363] {strides = array<i32>} : memref<128x128xf32, #tpu.memory_space<vmem>>, vector<16xf32>,
    tpu.vector_store %arg5[%swap3A_1362, %swap3A_1363], %get3A_1268 {strides = array<i32>} : memref<128x128xf32, #tpu.memory_space<vmem>>, vector<16xf32>,
    %swap3A_1365 = arith.constant 26 : i32
    %swap3A_1366 = arith.index_cast %swap3A_1365 : i32 to index
    %swap3A_1367 = arith.constant 64 : index
    %swap3A_1368 = tpu.vector_load %arg5[%swap3A_1366, %swap3A_1367] {strides = array<i32>} : memref<128x128xf32, #tpu.memory_space<vmem>>, vector<16xf32>,
    tpu.vector_store %arg5[%swap3A_1366, %swap3A_1367], %get3A_1272 {strides = array<i32>} : memref<128x128xf32, #tpu.memory_space<vmem>>, vector<16xf32>,
    %swap3A_1369 = arith.constant 26 : i32
    %swap3A_1370 = arith.index_cast %swap3A_1369 : i32 to index
    %swap3A_1371 = arith.constant 80 : index
    %swap3A_1372 = tpu.vector_load %arg5[%swap3A_1370, %swap3A_1371] {strides = array<i32>} : memref<128x128xf32, #tpu.memory_space<vmem>>, vector<16xf32>,
    tpu.vector_store %arg5[%swap3A_1370, %swap3A_1371], %get3A_1276 {strides = array<i32>} : memref<128x128xf32, #tpu.memory_space<vmem>>, vector<16xf32>,
    %swap3A_1373 = arith.constant 26 : i32
    %swap3A_1374 = arith.index_cast %swap3A_1373 : i32 to index
    %swap3A_1375 = arith.constant 96 : index
    %swap3A_1376 = tpu.vector_load %arg5[%swap3A_1374, %swap3A_1375] {strides = array<i32>} : memref<128x128xf32, #tpu.memory_space<vmem>>, vector<16xf32>,
    tpu.vector_store %arg5[%swap3A_1374, %swap3A_1375], %get3A_1280 {strides = array<i32>} : memref<128x128xf32, #tpu.memory_space<vmem>>, vector<16xf32>,
    %swap3A_1377 = arith.constant 26 : i32
    %swap3A_1378 = arith.index_cast %swap3A_1377 : i32 to index
    %swap3A_1379 = arith.constant 112 : index
    %swap3A_1380 = tpu.vector_load %arg5[%swap3A_1378, %swap3A_1379] {strides = array<i32>} : memref<128x128xf32, #tpu.memory_space<vmem>>, vector<16xf32>,
    tpu.vector_store %arg5[%swap3A_1378, %swap3A_1379], %get3A_1284 {strides = array<i32>} : memref<128x128xf32, #tpu.memory_space<vmem>>, vector<16xf32>,
    %swap3A_1381 = arith.constant 27 : i32
    %swap3A_1382 = arith.index_cast %swap3A_1381 : i32 to index
    %swap3A_1383 = arith.constant 0 : index
    %swap3A_1384 = tpu.vector_load %arg5[%swap3A_1382, %swap3A_1383] {strides = array<i32>} : memref<128x128xf32, #tpu.memory_space<vmem>>, vector<16xf32>,
    tpu.vector_store %arg5[%swap3A_1382, %swap3A_1383], %get3A_1256 {strides = array<i32>} : memref<128x128xf32, #tpu.memory_space<vmem>>, vector<16xf32>,
    %swap3A_1385 = arith.constant 27 : i32
    %swap3A_1386 = arith.index_cast %swap3A_1385 : i32 to index
    %swap3A_1387 = arith.constant 16 : index
    %swap3A_1388 = tpu.vector_load %arg5[%swap3A_1386, %swap3A_1387] {strides = array<i32>} : memref<128x128xf32, #tpu.memory_space<vmem>>, vector<16xf32>,
    tpu.vector_store %arg5[%swap3A_1386, %swap3A_1387], %get3A_1260 {strides = array<i32>} : memref<128x128xf32, #tpu.memory_space<vmem>>, vector<16xf32>,
    %swap3A_1389 = arith.constant 27 : i32
    %swap3A_1390 = arith.index_cast %swap3A_1389 : i32 to index
    %swap3A_1391 = arith.constant 32 : index
    %swap3A_1392 = tpu.vector_load %arg5[%swap3A_1390, %swap3A_1391] {strides = array<i32>} : memref<128x128xf32, #tpu.memory_space<vmem>>, vector<16xf32>,
    tpu.vector_store %arg5[%swap3A_1390, %swap3A_1391], %get3A_1264 {strides = array<i32>} : memref<128x128xf32, #tpu.memory_space<vmem>>, vector<16xf32>,
    %swap3A_1393 = arith.constant 27 : i32
    %swap3A_1394 = arith.index_cast %swap3A_1393 : i32 to index
    %swap3A_1395 = arith.constant 48 : index
    %swap3A_1396 = tpu.vector_load %arg5[%swap3A_1394, %swap3A_1395] {strides = array<i32>} : memref<128x128xf32, #tpu.memory_space<vmem>>, vector<16xf32>,
    tpu.vector_store %arg5[%swap3A_1394, %swap3A_1395], %get3A_1268 {strides = array<i32>} : memref<128x128xf32, #tpu.memory_space<vmem>>, vector<16xf32>,
    %swap3A_1397 = arith.constant 27 : i32
    %swap3A_1398 = arith.index_cast %swap3A_1397 : i32 to index
    %swap3A_1399 = arith.constant 64 : index
    %swap3A_1400 = tpu.vector_load %arg5[%swap3A_1398, %swap3A_1399] {strides = array<i32>} : memref<128x128xf32, #tpu.memory_space<vmem>>, vector<16xf32>,
    tpu.vector_store %arg5[%swap3A_1398, %swap3A_1399], %get3A_1272 {strides = array<i32>} : memref<128x128xf32, #tpu.memory_space<vmem>>, vector<16xf32>,
    %swap3A_1401 = arith.constant 27 : i32
    %swap3A_1402 = arith.index_cast %swap3A_1401 : i32 to index
    %swap3A_1403 = arith.constant 80 : index
    %swap3A_1404 = tpu.vector_load %arg5[%swap3A_1402, %swap3A_1403] {strides = array<i32>} : memref<128x128xf32, #tpu.memory_space<vmem>>, vector<16xf32>,
    tpu.vector_store %arg5[%swap3A_1402, %swap3A_1403], %get3A_1276 {strides = array<i32>} : memref<128x128xf32, #tpu.memory_space<vmem>>, vector<16xf32>,
    %swap3A_1405 = arith.constant 27 : i32
    %swap3A_1406 = arith.index_cast %swap3A_1405 : i32 to index
    %swap3A_1407 = arith.constant 96 : index
    %swap3A_1408 = tpu.vector_load %arg5[%swap3A_1406, %swap3A_1407] {strides = array<i32>} : memref<128x128xf32, #tpu.memory_space<vmem>>, vector<16xf32>,
    tpu.vector_store %arg5[%swap3A_1406, %swap3A_1407], %get3A_1280 {strides = array<i32>} : memref<128x128xf32, #tpu.memory_space<vmem>>, vector<16xf32>,
    %swap3A_1409 = arith.constant 27 : i32
    %swap3A_1410 = arith.index_cast %swap3A_1409 : i32 to index
    %swap3A_1411 = arith.constant 112 : index
    %swap3A_1412 = tpu.vector_load %arg5[%swap3A_1410, %swap3A_1411] {strides = array<i32>} : memref<128x128xf32, #tpu.memory_space<vmem>>, vector<16xf32>,
    tpu.vector_store %arg5[%swap3A_1410, %swap3A_1411], %get3A_1284 {strides = array<i32>} : memref<128x128xf32, #tpu.memory_space<vmem>>, vector<16xf32>,
    %swap3A_1413 = arith.constant 28 : i32
    %swap3A_1414 = arith.index_cast %swap3A_1413 : i32 to index
    %swap3A_1415 = arith.constant 0 : index
    %swap3A_1416 = tpu.vector_load %arg5[%swap3A_1414, %swap3A_1415] {strides = array<i32>} : memref<128x128xf32, #tpu.memory_space<vmem>>, vector<16xf32>,
    tpu.vector_store %arg5[%swap3A_1414, %swap3A_1415], %get3A_1256 {strides = array<i32>} : memref<128x128xf32, #tpu.memory_space<vmem>>, vector<16xf32>,
    %swap3A_1417 = arith.constant 28 : i32
    %swap3A_1418 = arith.index_cast %swap3A_1417 : i32 to index
    %swap3A_1419 = arith.constant 16 : index
    %swap3A_1420 = tpu.vector_load %arg5[%swap3A_1418, %swap3A_1419] {strides = array<i32>} : memref<128x128xf32, #tpu.memory_space<vmem>>, vector<16xf32>,
    tpu.vector_store %arg5[%swap3A_1418, %swap3A_1419], %get3A_1260 {strides = array<i32>} : memref<128x128xf32, #tpu.memory_space<vmem>>, vector<16xf32>,
    %swap3A_1421 = arith.constant 28 : i32
    %swap3A_1422 = arith.index_cast %swap3A_1421 : i32 to index
    %swap3A_1423 = arith.constant 32 : index
    %swap3A_1424 = tpu.vector_load %arg5[%swap3A_1422, %swap3A_1423] {strides = array<i32>} : memref<128x128xf32, #tpu.memory_space<vmem>>, vector<16xf32>,
    tpu.vector_store %arg5[%swap3A_1422, %swap3A_1423], %get3A_1264 {strides = array<i32>} : memref<128x128xf32, #tpu.memory_space<vmem>>, vector<16xf32>,
    %swap3A_1425 = arith.constant 28 : i32
    %swap3A_1426 = arith.index_cast %swap3A_1425 : i32 to index
    %swap3A_1427 = arith.constant 48 : index
    %swap3A_1428 = tpu.vector_load %arg5[%swap3A_1426, %swap3A_1427] {strides = array<i32>} : memref<128x128xf32, #tpu.memory_space<vmem>>, vector<16xf32>,
    tpu.vector_store %arg5[%swap3A_1426, %swap3A_1427], %get3A_1268 {strides = array<i32>} : memref<128x128xf32, #tpu.memory_space<vmem>>, vector<16xf32>,
    %swap3A_1429 = arith.constant 28 : i32
    %swap3A_1430 = arith.index_cast %swap3A_1429 : i32 to index
    %swap3A_1431 = arith.constant 64 : index
    %swap3A_1432 = tpu.vector_load %arg5[%swap3A_1430, %swap3A_1431] {strides = array<i32>} : memref<128x128xf32, #tpu.memory_space<vmem>>, vector<16xf32>,
    tpu.vector_store %arg5[%swap3A_1430, %swap3A_1431], %get3A_1272 {strides = array<i32>} : memref<128x128xf32, #tpu.memory_space<vmem>>, vector<16xf32>,
    %swap3A_1433 = arith.constant 28 : i32
    %swap3A_1434 = arith.index_cast %swap3A_1433 : i32 to index
    %swap3A_1435 = arith.constant 80 : index
    %swap3A_1436 = tpu.vector_load %arg5[%swap3A_1434, %swap3A_1435] {strides = array<i32>} : memref<128x128xf32, #tpu.memory_space<vmem>>, vector<16xf32>,
    tpu.vector_store %arg5[%swap3A_1434, %swap3A_1435], %get3A_1276 {strides = array<i32>} : memref<128x128xf32, #tpu.memory_space<vmem>>, vector<16xf32>,
    %swap3A_1437 = arith.constant 28 : i32
    %swap3A_1438 = arith.index_cast %swap3A_1437 : i32 to index
    %swap3A_1439 = arith.constant 96 : index
    %swap3A_1440 = tpu.vector_load %arg5[%swap3A_1438, %swap3A_1439] {strides = array<i32>} : memref<128x128xf32, #tpu.memory_space<vmem>>, vector<16xf32>,
    tpu.vector_store %arg5[%swap3A_1438, %swap3A_1439], %get3A_1280 {strides = array<i32>} : memref<128x128xf32, #tpu.memory_space<vmem>>, vector<16xf32>,
    %swap3A_1441 = arith.constant 28 : i32
    %swap3A_1442 = arith.index_cast %swap3A_1441 : i32 to index
    %swap3A_1443 = arith.constant 112 : index
    %swap3A_1444 = tpu.vector_load %arg5[%swap3A_1442, %swap3A_1443] {strides = array<i32>} : memref<128x128xf32, #tpu.memory_space<vmem>>, vector<16xf32>,
    tpu.vector_store %arg5[%swap3A_1442, %swap3A_1443], %get3A_1284 {strides = array<i32>} : memref<128x128xf32, #tpu.memory_space<vmem>>, vector<16xf32>,
    %swap3A_1445 = arith.constant 29 : i32
    %swap3A_1446 = arith.index_cast %swap3A_1445 : i32 to index
    %swap3A_1447 = arith.constant 0 : index
    %swap3A_1448 = tpu.vector_load %arg5[%swap3A_1446, %swap3A_1447] {strides = array<i32>} : memref<128x128xf32, #tpu.memory_space<vmem>>, vector<16xf32>,
    tpu.vector_store %arg5[%swap3A_1446, %swap3A_1447], %get3A_1256 {strides = array<i32>} : memref<128x128xf32, #tpu.memory_space<vmem>>, vector<16xf32>,
    %swap3A_1449 = arith.constant 29 : i32
    %swap3A_1450 = arith.index_cast %swap3A_1449 : i32 to index
    %swap3A_1451 = arith.constant 16 : index
    %swap3A_1452 = tpu.vector_load %arg5[%swap3A_1450, %swap3A_1451] {strides = array<i32>} : memref<128x128xf32, #tpu.memory_space<vmem>>, vector<16xf32>,
    tpu.vector_store %arg5[%swap3A_1450, %swap3A_1451], %get3A_1260 {strides = array<i32>} : memref<128x128xf32, #tpu.memory_space<vmem>>, vector<16xf32>,
    %swap3A_1453 = arith.constant 29 : i32
    %swap3A_1454 = arith.index_cast %swap3A_1453 : i32 to index
    %swap3A_1455 = arith.constant 32 : index
    %swap3A_1456 = tpu.vector_load %arg5[%swap3A_1454, %swap3A_1455] {strides = array<i32>} : memref<128x128xf32, #tpu.memory_space<vmem>>, vector<16xf32>,
    tpu.vector_store %arg5[%swap3A_1454, %swap3A_1455], %get3A_1264 {strides = array<i32>} : memref<128x128xf32, #tpu.memory_space<vmem>>, vector<16xf32>,
    %swap3A_1457 = arith.constant 29 : i32
    %swap3A_1458 = arith.index_cast %swap3A_1457 : i32 to index
    %swap3A_1459 = arith.constant 48 : index
    %swap3A_1460 = tpu.vector_load %arg5[%swap3A_1458, %swap3A_1459] {strides = array<i32>} : memref<128x128xf32, #tpu.memory_space<vmem>>, vector<16xf32>,
    tpu.vector_store %arg5[%swap3A_1458, %swap3A_1459], %get3A_1268 {strides = array<i32>} : memref<128x128xf32, #tpu.memory_space<vmem>>, vector<16xf32>,
    %swap3A_1461 = arith.constant 29 : i32
    %swap3A_1462 = arith.index_cast %swap3A_1461 : i32 to index
    %swap3A_1463 = arith.constant 64 : index
    %swap3A_1464 = tpu.vector_load %arg5[%swap3A_1462, %swap3A_1463] {strides = array<i32>} : memref<128x128xf32, #tpu.memory_space<vmem>>, vector<16xf32>,
    tpu.vector_store %arg5[%swap3A_1462, %swap3A_1463], %get3A_1272 {strides = array<i32>} : memref<128x128xf32, #tpu.memory_space<vmem>>, vector<16xf32>,
    %swap3A_1465 = arith.constant 29 : i32
    %swap3A_1466 = arith.index_cast %swap3A_1465 : i32 to index
    %swap3A_1467 = arith.constant 80 : index
    %swap3A_1468 = tpu.vector_load %arg5[%swap3A_1466, %swap3A_1467] {strides = array<i32>} : memref<128x128xf32, #tpu.memory_space<vmem>>, vector<16xf32>,
    tpu.vector_store %arg5[%swap3A_1466, %swap3A_1467], %get3A_1276 {strides = array<i32>} : memref<128x128xf32, #tpu.memory_space<vmem>>, vector<16xf32>,
    %swap3A_1469 = arith.constant 29 : i32
    %swap3A_1470 = arith.index_cast %swap3A_1469 : i32 to index
    %swap3A_1471 = arith.constant 96 : index
    %swap3A_1472 = tpu.vector_load %arg5[%swap3A_1470, %swap3A_1471] {strides = array<i32>} : memref<128x128xf32, #tpu.memory_space<vmem>>, vector<16xf32>,
    tpu.vector_store %arg5[%swap3A_1470, %swap3A_1471], %get3A_1280 {strides = array<i32>} : memref<128x128xf32, #tpu.memory_space<vmem>>, vector<16xf32>,
    %swap3A_1473 = arith.constant 29 : i32
    %swap3A_1474 = arith.index_cast %swap3A_1473 : i32 to index
    %swap3A_1475 = arith.constant 112 : index
    %swap3A_1476 = tpu.vector_load %arg5[%swap3A_1474, %swap3A_1475] {strides = array<i32>} : memref<128x128xf32, #tpu.memory_space<vmem>>, vector<16xf32>,
    tpu.vector_store %arg5[%swap3A_1474, %swap3A_1475], %get3A_1284 {strides = array<i32>} : memref<128x128xf32, #tpu.memory_space<vmem>>, vector<16xf32>,
    %swap3A_1477 = arith.constant 30 : i32
    %swap3A_1478 = arith.index_cast %swap3A_1477 : i32 to index
    %swap3A_1479 = arith.constant 0 : index
    %swap3A_1480 = tpu.vector_load %arg5[%swap3A_1478, %swap3A_1479] {strides = array<i32>} : memref<128x128xf32, #tpu.memory_space<vmem>>, vector<16xf32>,
    tpu.vector_store %arg5[%swap3A_1478, %swap3A_1479], %get3A_1256 {strides = array<i32>} : memref<128x128xf32, #tpu.memory_space<vmem>>, vector<16xf32>,
    %swap3A_1481 = arith.constant 30 : i32
    %swap3A_1482 = arith.index_cast %swap3A_1481 : i32 to index
    %swap3A_1483 = arith.constant 16 : index
    %swap3A_1484 = tpu.vector_load %arg5[%swap3A_1482, %swap3A_1483] {strides = array<i32>} : memref<128x128xf32, #tpu.memory_space<vmem>>, vector<16xf32>,
    tpu.vector_store %arg5[%swap3A_1482, %swap3A_1483], %get3A_1260 {strides = array<i32>} : memref<128x128xf32, #tpu.memory_space<vmem>>, vector<16xf32>,
    %swap3A_1485 = arith.constant 30 : i32
    %swap3A_1486 = arith.index_cast %swap3A_1485 : i32 to index
    %swap3A_1487 = arith.constant 32 : index
    %swap3A_1488 = tpu.vector_load %arg5[%swap3A_1486, %swap3A_1487] {strides = array<i32>} : memref<128x128xf32, #tpu.memory_space<vmem>>, vector<16xf32>,
    tpu.vector_store %arg5[%swap3A_1486, %swap3A_1487], %get3A_1264 {strides = array<i32>} : memref<128x128xf32, #tpu.memory_space<vmem>>, vector<16xf32>,
    %swap3A_1489 = arith.constant 30 : i32
    %swap3A_1490 = arith.index_cast %swap3A_1489 : i32 to index
    %swap3A_1491 = arith.constant 48 : index
    %swap3A_1492 = tpu.vector_load %arg5[%swap3A_1490, %swap3A_1491] {strides = array<i32>} : memref<128x128xf32, #tpu.memory_space<vmem>>, vector<16xf32>,
    tpu.vector_store %arg5[%swap3A_1490, %swap3A_1491], %get3A_1268 {strides = array<i32>} : memref<128x128xf32, #tpu.memory_space<vmem>>, vector<16xf32>,
    %swap3A_1493 = arith.constant 30 : i32
    %swap3A_1494 = arith.index_cast %swap3A_1493 : i32 to index
    %swap3A_1495 = arith.constant 64 : index
    %swap3A_1496 = tpu.vector_load %arg5[%swap3A_1494, %swap3A_1495] {strides = array<i32>} : memref<128x128xf32, #tpu.memory_space<vmem>>, vector<16xf32>,
    tpu.vector_store %arg5[%swap3A_1494, %swap3A_1495], %get3A_1272 {strides = array<i32>} : memref<128x128xf32, #tpu.memory_space<vmem>>, vector<16xf32>,
    %swap3A_1497 = arith.constant 30 : i32
    %swap3A_1498 = arith.index_cast %swap3A_1497 : i32 to index
    %swap3A_1499 = arith.constant 80 : index
    %swap3A_1500 = tpu.vector_load %arg5[%swap3A_1498, %swap3A_1499] {strides = array<i32>} : memref<128x128xf32, #tpu.memory_space<vmem>>, vector<16xf32>,
    tpu.vector_store %arg5[%swap3A_1498, %swap3A_1499], %get3A_1276 {strides = array<i32>} : memref<128x128xf32, #tpu.memory_space<vmem>>, vector<16xf32>,
    %swap3A_1501 = arith.constant 30 : i32
    %swap3A_1502 = arith.index_cast %swap3A_1501 : i32 to index
    %swap3A_1503 = arith.constant 96 : index
    %swap3A_1504 = tpu.vector_load %arg5[%swap3A_1502, %swap3A_1503] {strides = array<i32>} : memref<128x128xf32, #tpu.memory_space<vmem>>, vector<16xf32>,
    tpu.vector_store %arg5[%swap3A_1502, %swap3A_1503], %get3A_1280 {strides = array<i32>} : memref<128x128xf32, #tpu.memory_space<vmem>>, vector<16xf32>,
    %swap3A_1505 = arith.constant 30 : i32
    %swap3A_1506 = arith.index_cast %swap3A_1505 : i32 to index
    %swap3A_1507 = arith.constant 112 : index
    %swap3A_1508 = tpu.vector_load %arg5[%swap3A_1506, %swap3A_1507] {strides = array<i32>} : memref<128x128xf32, #tpu.memory_space<vmem>>, vector<16xf32>,
    tpu.vector_store %arg5[%swap3A_1506, %swap3A_1507], %get3A_1284 {strides = array<i32>} : memref<128x128xf32, #tpu.memory_space<vmem>>, vector<16xf32>,
    %swap3A_1509 = arith.constant 31 : i32
    %swap3A_1510 = arith.index_cast %swap3A_1509 : i32 to index
    %swap3A_1511 = arith.constant 0 : index
    %swap3A_1512 = tpu.vector_load %arg5[%swap3A_1510, %swap3A_1511] {strides = array<i32>} : memref<128x128xf32, #tpu.memory_space<vmem>>, vector<16xf32>,
    tpu.vector_store %arg5[%swap3A_1510, %swap3A_1511], %get3A_1256 {strides = array<i32>} : memref<128x128xf32, #tpu.memory_space<vmem>>, vector<16xf32>,
    %swap3A_1513 = arith.constant 31 : i32
    %swap3A_1514 = arith.index_cast %swap3A_1513 : i32 to index
    %swap3A_1515 = arith.constant 16 : index
    %swap3A_1516 = tpu.vector_load %arg5[%swap3A_1514, %swap3A_1515] {strides = array<i32>} : memref<128x128xf32, #tpu.memory_space<vmem>>, vector<16xf32>,
    tpu.vector_store %arg5[%swap3A_1514, %swap3A_1515], %get3A_1260 {strides = array<i32>} : memref<128x128xf32, #tpu.memory_space<vmem>>, vector<16xf32>,
    %swap3A_1517 = arith.constant 31 : i32
    %swap3A_1518 = arith.index_cast %swap3A_1517 : i32 to index
    %swap3A_1519 = arith.constant 32 : index
    %swap3A_1520 = tpu.vector_load %arg5[%swap3A_1518, %swap3A_1519] {strides = array<i32>} : memref<128x128xf32, #tpu.memory_space<vmem>>, vector<16xf32>,
    tpu.vector_store %arg5[%swap3A_1518, %swap3A_1519], %get3A_1264 {strides = array<i32>} : memref<128x128xf32, #tpu.memory_space<vmem>>, vector<16xf32>,
    %swap3A_1521 = arith.constant 31 : i32
    %swap3A_1522 = arith.index_cast %swap3A_1521 : i32 to index
    %swap3A_1523 = arith.constant 48 : index
    %swap3A_1524 = tpu.vector_load %arg5[%swap3A_1522, %swap3A_1523] {strides = array<i32>} : memref<128x128xf32, #tpu.memory_space<vmem>>, vector<16xf32>,
    tpu.vector_store %arg5[%swap3A_1522, %swap3A_1523], %get3A_1268 {strides = array<i32>} : memref<128x128xf32, #tpu.memory_space<vmem>>, vector<16xf32>,
    %swap3A_1525 = arith.constant 31 : i32
    %swap3A_1526 = arith.index_cast %swap3A_1525 : i32 to index
    %swap3A_1527 = arith.constant 64 : index
    %swap3A_1528 = tpu.vector_load %arg5[%swap3A_1526, %swap3A_1527] {strides = array<i32>} : memref<128x128xf32, #tpu.memory_space<vmem>>, vector<16xf32>,
    tpu.vector_store %arg5[%swap3A_1526, %swap3A_1527], %get3A_1272 {strides = array<i32>} : memref<128x128xf32, #tpu.memory_space<vmem>>, vector<16xf32>,
    %swap3A_1529 = arith.constant 31 : i32
    %swap3A_1530 = arith.index_cast %swap3A_1529 : i32 to index
    %swap3A_1531 = arith.constant 80 : index
    %swap3A_1532 = tpu.vector_load %arg5[%swap3A_1530, %swap3A_1531] {strides = array<i32>} : memref<128x128xf32, #tpu.memory_space<vmem>>, vector<16xf32>,
    tpu.vector_store %arg5[%swap3A_1530, %swap3A_1531], %get3A_1276 {strides = array<i32>} : memref<128x128xf32, #tpu.memory_space<vmem>>, vector<16xf32>,
    %swap3A_1533 = arith.constant 31 : i32
    %swap3A_1534 = arith.index_cast %swap3A_1533 : i32 to index
    %swap3A_1535 = arith.constant 96 : index
    %swap3A_1536 = tpu.vector_load %arg5[%swap3A_1534, %swap3A_1535] {strides = array<i32>} : memref<128x128xf32, #tpu.memory_space<vmem>>, vector<16xf32>,
    tpu.vector_store %arg5[%swap3A_1534, %swap3A_1535], %get3A_1280 {strides = array<i32>} : memref<128x128xf32, #tpu.memory_space<vmem>>, vector<16xf32>,
    %swap3A_1537 = arith.constant 31 : i32
    %swap3A_1538 = arith.index_cast %swap3A_1537 : i32 to index
    %swap3A_1539 = arith.constant 112 : index
    %swap3A_1540 = tpu.vector_load %arg5[%swap3A_1538, %swap3A_1539] {strides = array<i32>} : memref<128x128xf32, #tpu.memory_space<vmem>>, vector<16xf32>,
    tpu.vector_store %arg5[%swap3A_1538, %swap3A_1539], %get3A_1284 {strides = array<i32>} : memref<128x128xf32, #tpu.memory_space<vmem>>, vector<16xf32>,
    %swap3A_1541 = arith.constant 56 : i32
    %swap3A_1542 = arith.index_cast %swap3A_1541 : i32 to index
    %swap3A_1543 = arith.constant 0 : index
    %swap3A_1544 = tpu.vector_load %arg5[%swap3A_1542, %swap3A_1543] {strides = array<i32>} : memref<128x128xf32, #tpu.memory_space<vmem>>, vector<16xf32>,
    tpu.vector_store %arg5[%swap3A_1542, %swap3A_1543], %get3A_1256 {strides = array<i32>} : memref<128x128xf32, #tpu.memory_space<vmem>>, vector<16xf32>,
    %swap3A_1545 = arith.constant 56 : i32
    %swap3A_1546 = arith.index_cast %swap3A_1545 : i32 to index
    %swap3A_1547 = arith.constant 16 : index
    %swap3A_1548 = tpu.vector_load %arg5[%swap3A_1546, %swap3A_1547] {strides = array<i32>} : memref<128x128xf32, #tpu.memory_space<vmem>>, vector<16xf32>,
    tpu.vector_store %arg5[%swap3A_1546, %swap3A_1547], %get3A_1260 {strides = array<i32>} : memref<128x128xf32, #tpu.memory_space<vmem>>, vector<16xf32>,
    %swap3A_1549 = arith.constant 56 : i32
    %swap3A_1550 = arith.index_cast %swap3A_1549 : i32 to index
    %swap3A_1551 = arith.constant 32 : index
    %swap3A_1552 = tpu.vector_load %arg5[%swap3A_1550, %swap3A_1551] {strides = array<i32>} : memref<128x128xf32, #tpu.memory_space<vmem>>, vector<16xf32>,
    tpu.vector_store %arg5[%swap3A_1550, %swap3A_1551], %get3A_1264 {strides = array<i32>} : memref<128x128xf32, #tpu.memory_space<vmem>>, vector<16xf32>,
    %swap3A_1553 = arith.constant 56 : i32
    %swap3A_1554 = arith.index_cast %swap3A_1553 : i32 to index
    %swap3A_1555 = arith.constant 48 : index
    %swap3A_1556 = tpu.vector_load %arg5[%swap3A_1554, %swap3A_1555] {strides = array<i32>} : memref<128x128xf32, #tpu.memory_space<vmem>>, vector<16xf32>,
    tpu.vector_store %arg5[%swap3A_1554, %swap3A_1555], %get3A_1268 {strides = array<i32>} : memref<128x128xf32, #tpu.memory_space<vmem>>, vector<16xf32>,
    %swap3A_1557 = arith.constant 56 : i32
    %swap3A_1558 = arith.index_cast %swap3A_1557 : i32 to index
    %swap3A_1559 = arith.constant 64 : index
    %swap3A_1560 = tpu.vector_load %arg5[%swap3A_1558, %swap3A_1559] {strides = array<i32>} : memref<128x128xf32, #tpu.memory_space<vmem>>, vector<16xf32>,
    tpu.vector_store %arg5[%swap3A_1558, %swap3A_1559], %get3A_1272 {strides = array<i32>} : memref<128x128xf32, #tpu.memory_space<vmem>>, vector<16xf32>,
    %swap3A_1561 = arith.constant 56 : i32
    %swap3A_1562 = arith.index_cast %swap3A_1561 : i32 to index
    %swap3A_1563 = arith.constant 80 : index
    %swap3A_1564 = tpu.vector_load %arg5[%swap3A_1562, %swap3A_1563] {strides = array<i32>} : memref<128x128xf32, #tpu.memory_space<vmem>>, vector<16xf32>,
    tpu.vector_store %arg5[%swap3A_1562, %swap3A_1563], %get3A_1276 {strides = array<i32>} : memref<128x128xf32, #tpu.memory_space<vmem>>, vector<16xf32>,
    %swap3A_1565 = arith.constant 56 : i32
    %swap3A_1566 = arith.index_cast %swap3A_1565 : i32 to index
    %swap3A_1567 = arith.constant 96 : index
    %swap3A_1568 = tpu.vector_load %arg5[%swap3A_1566, %swap3A_1567] {strides = array<i32>} : memref<128x128xf32, #tpu.memory_space<vmem>>, vector<16xf32>,
    tpu.vector_store %arg5[%swap3A_1566, %swap3A_1567], %get3A_1280 {strides = array<i32>} : memref<128x128xf32, #tpu.memory_space<vmem>>, vector<16xf32>,
    %swap3A_1569 = arith.constant 56 : i32
    %swap3A_1570 = arith.index_cast %swap3A_1569 : i32 to index
    %swap3A_1571 = arith.constant 112 : index
    %swap3A_1572 = tpu.vector_load %arg5[%swap3A_1570, %swap3A_1571] {strides = array<i32>} : memref<128x128xf32, #tpu.memory_space<vmem>>, vector<16xf32>,
    tpu.vector_store %arg5[%swap3A_1570, %swap3A_1571], %get3A_1284 {strides = array<i32>} : memref<128x128xf32, #tpu.memory_space<vmem>>, vector<16xf32>,
    %swap3A_1573 = arith.constant 57 : i32
    %swap3A_1574 = arith.index_cast %swap3A_1573 : i32 to index
    %swap3A_1575 = arith.constant 0 : index
    %swap3A_1576 = tpu.vector_load %arg5[%swap3A_1574, %swap3A_1575] {strides = array<i32>} : memref<128x128xf32, #tpu.memory_space<vmem>>, vector<16xf32>,
    tpu.vector_store %arg5[%swap3A_1574, %swap3A_1575], %get3A_1256 {strides = array<i32>} : memref<128x128xf32, #tpu.memory_space<vmem>>, vector<16xf32>,
    %swap3A_1577 = arith.constant 57 : i32
    %swap3A_1578 = arith.index_cast %swap3A_1577 : i32 to index
    %swap3A_1579 = arith.constant 16 : index
    %swap3A_1580 = tpu.vector_load %arg5[%swap3A_1578, %swap3A_1579] {strides = array<i32>} : memref<128x128xf32, #tpu.memory_space<vmem>>, vector<16xf32>,
    tpu.vector_store %arg5[%swap3A_1578, %swap3A_1579], %get3A_1260 {strides = array<i32>} : memref<128x128xf32, #tpu.memory_space<vmem>>, vector<16xf32>,
    %swap3A_1581 = arith.constant 57 : i32
    %swap3A_1582 = arith.index_cast %swap3A_1581 : i32 to index
    %swap3A_1583 = arith.constant 32 : index
    %swap3A_1584 = tpu.vector_load %arg5[%swap3A_1582, %swap3A_1583] {strides = array<i32>} : memref<128x128xf32, #tpu.memory_space<vmem>>, vector<16xf32>,
    tpu.vector_store %arg5[%swap3A_1582, %swap3A_1583], %get3A_1264 {strides = array<i32>} : memref<128x128xf32, #tpu.memory_space<vmem>>, vector<16xf32>,
    %swap3A_1585 = arith.constant 57 : i32
    %swap3A_1586 = arith.index_cast %swap3A_1585 : i32 to index
    %swap3A_1587 = arith.constant 48 : index
    %swap3A_1588 = tpu.vector_load %arg5[%swap3A_1586, %swap3A_1587] {strides = array<i32>} : memref<128x128xf32, #tpu.memory_space<vmem>>, vector<16xf32>,
    tpu.vector_store %arg5[%swap3A_1586, %swap3A_1587], %get3A_1268 {strides = array<i32>} : memref<128x128xf32, #tpu.memory_space<vmem>>, vector<16xf32>,
    %swap3A_1589 = arith.constant 57 : i32
    %swap3A_1590 = arith.index_cast %swap3A_1589 : i32 to index
    %swap3A_1591 = arith.constant 64 : index
    %swap3A_1592 = tpu.vector_load %arg5[%swap3A_1590, %swap3A_1591] {strides = array<i32>} : memref<128x128xf32, #tpu.memory_space<vmem>>, vector<16xf32>,
    tpu.vector_store %arg5[%swap3A_1590, %swap3A_1591], %get3A_1272 {strides = array<i32>} : memref<128x128xf32, #tpu.memory_space<vmem>>, vector<16xf32>,
    %swap3A_1593 = arith.constant 57 : i32
    %swap3A_1594 = arith.index_cast %swap3A_1593 : i32 to index
    %swap3A_1595 = arith.constant 80 : index
    %swap3A_1596 = tpu.vector_load %arg5[%swap3A_1594, %swap3A_1595] {strides = array<i32>} : memref<128x128xf32, #tpu.memory_space<vmem>>, vector<16xf32>,
    tpu.vector_store %arg5[%swap3A_1594, %swap3A_1595], %get3A_1276 {strides = array<i32>} : memref<128x128xf32, #tpu.memory_space<vmem>>, vector<16xf32>,
    %swap3A_1597 = arith.constant 57 : i32
    %swap3A_1598 = arith.index_cast %swap3A_1597 : i32 to index
    %swap3A_1599 = arith.constant 96 : index
    %swap3A_1600 = tpu.vector_load %arg5[%swap3A_1598, %swap3A_1599] {strides = array<i32>} : memref<128x128xf32, #tpu.memory_space<vmem>>, vector<16xf32>,
    tpu.vector_store %arg5[%swap3A_1598, %swap3A_1599], %get3A_1280 {strides = array<i32>} : memref<128x128xf32, #tpu.memory_space<vmem>>, vector<16xf32>,
    %swap3A_1601 = arith.constant 57 : i32
    %swap3A_1602 = arith.index_cast %swap3A_1601 : i32 to index
    %swap3A_1603 = arith.constant 112 : index
    %swap3A_1604 = tpu.vector_load %arg5[%swap3A_1602, %swap3A_1603] {strides = array<i32>} : memref<128x128xf32, #tpu.memory_space<vmem>>, vector<16xf32>,
    tpu.vector_store %arg5[%swap3A_1602, %swap3A_1603], %get3A_1284 {strides = array<i32>} : memref<128x128xf32, #tpu.memory_space<vmem>>, vector<16xf32>,
    %swap3A_1605 = arith.constant 58 : i32
    %swap3A_1606 = arith.index_cast %swap3A_1605 : i32 to index
    %swap3A_1607 = arith.constant 0 : index
    %swap3A_1608 = tpu.vector_load %arg5[%swap3A_1606, %swap3A_1607] {strides = array<i32>} : memref<128x128xf32, #tpu.memory_space<vmem>>, vector<16xf32>,
    tpu.vector_store %arg5[%swap3A_1606, %swap3A_1607], %get3A_1256 {strides = array<i32>} : memref<128x128xf32, #tpu.memory_space<vmem>>, vector<16xf32>,
    %swap3A_1609 = arith.constant 58 : i32
    %swap3A_1610 = arith.index_cast %swap3A_1609 : i32 to index
    %swap3A_1611 = arith.constant 16 : index
    %swap3A_1612 = tpu.vector_load %arg5[%swap3A_1610, %swap3A_1611] {strides = array<i32>} : memref<128x128xf32, #tpu.memory_space<vmem>>, vector<16xf32>,
    tpu.vector_store %arg5[%swap3A_1610, %swap3A_1611], %get3A_1260 {strides = array<i32>} : memref<128x128xf32, #tpu.memory_space<vmem>>, vector<16xf32>,
    %swap3A_1613 = arith.constant 58 : i32
    %swap3A_1614 = arith.index_cast %swap3A_1613 : i32 to index
    %swap3A_1615 = arith.constant 32 : index
    %swap3A_1616 = tpu.vector_load %arg5[%swap3A_1614, %swap3A_1615] {strides = array<i32>} : memref<128x128xf32, #tpu.memory_space<vmem>>, vector<16xf32>,
    tpu.vector_store %arg5[%swap3A_1614, %swap3A_1615], %get3A_1264 {strides = array<i32>} : memref<128x128xf32, #tpu.memory_space<vmem>>, vector<16xf32>,
    %swap3A_1617 = arith.constant 58 : i32
    %swap3A_1618 = arith.index_cast %swap3A_1617 : i32 to index
    %swap3A_1619 = arith.constant 48 : index
    %swap3A_1620 = tpu.vector_load %arg5[%swap3A_1618, %swap3A_1619] {strides = array<i32>} : memref<128x128xf32, #tpu.memory_space<vmem>>, vector<16xf32>,
    tpu.vector_store %arg5[%swap3A_1618, %swap3A_1619], %get3A_1268 {strides = array<i32>} : memref<128x128xf32, #tpu.memory_space<vmem>>, vector<16xf32>,
    %swap3A_1621 = arith.constant 58 : i32
    %swap3A_1622 = arith.index_cast %swap3A_1621 : i32 to index
    %swap3A_1623 = arith.constant 64 : index
    %swap3A_1624 = tpu.vector_load %arg5[%swap3A_1622, %swap3A_1623] {strides = array<i32>} : memref<128x128xf32, #tpu.memory_space<vmem>>, vector<16xf32>,
    tpu.vector_store %arg5[%swap3A_1622, %swap3A_1623], %get3A_1272 {strides = array<i32>} : memref<128x128xf32, #tpu.memory_space<vmem>>, vector<16xf32>,
    %swap3A_1625 = arith.constant 58 : i32
    %swap3A_1626 = arith.index_cast %swap3A_1625 : i32 to index
    %swap3A_1627 = arith.constant 80 : index
    %swap3A_1628 = tpu.vector_load %arg5[%swap3A_1626, %swap3A_1627] {strides = array<i32>} : memref<128x128xf32, #tpu.memory_space<vmem>>, vector<16xf32>,
    tpu.vector_store %arg5[%swap3A_1626, %swap3A_1627], %get3A_1276 {strides = array<i32>} : memref<128x128xf32, #tpu.memory_space<vmem>>, vector<16xf32>,
    %swap3A_1629 = arith.constant 58 : i32
    %swap3A_1630 = arith.index_cast %swap3A_1629 : i32 to index
    %swap3A_1631 = arith.constant 96 : index
    %swap3A_1632 = tpu.vector_load %arg5[%swap3A_1630, %swap3A_1631] {strides = array<i32>} : memref<128x128xf32, #tpu.memory_space<vmem>>, vector<16xf32>,
    tpu.vector_store %arg5[%swap3A_1630, %swap3A_1631], %get3A_1280 {strides = array<i32>} : memref<128x128xf32, #tpu.memory_space<vmem>>, vector<16xf32>,
    %swap3A_1633 = arith.constant 58 : i32
    %swap3A_1634 = arith.index_cast %swap3A_1633 : i32 to index
    %swap3A_1635 = arith.constant 112 : index
    %swap3A_1636 = tpu.vector_load %arg5[%swap3A_1634, %swap3A_1635] {strides = array<i32>} : memref<128x128xf32, #tpu.memory_space<vmem>>, vector<16xf32>,
    tpu.vector_store %arg5[%swap3A_1634, %swap3A_1635], %get3A_1284 {strides = array<i32>} : memref<128x128xf32, #tpu.memory_space<vmem>>, vector<16xf32>,
    %swap3A_1637 = arith.constant 59 : i32
    %swap3A_1638 = arith.index_cast %swap3A_1637 : i32 to index
    %swap3A_1639 = arith.constant 0 : index
    %swap3A_1640 = tpu.vector_load %arg5[%swap3A_1638, %swap3A_1639] {strides = array<i32>} : memref<128x128xf32, #tpu.memory_space<vmem>>, vector<16xf32>,
    tpu.vector_store %arg5[%swap3A_1638, %swap3A_1639], %get3A_1256 {strides = array<i32>} : memref<128x128xf32, #tpu.memory_space<vmem>>, vector<16xf32>,
    %swap3A_1641 = arith.constant 59 : i32
    %swap3A_1642 = arith.index_cast %swap3A_1641 : i32 to index
    %swap3A_1643 = arith.constant 16 : index
    %swap3A_1644 = tpu.vector_load %arg5[%swap3A_1642, %swap3A_1643] {strides = array<i32>} : memref<128x128xf32, #tpu.memory_space<vmem>>, vector<16xf32>,
    tpu.vector_store %arg5[%swap3A_1642, %swap3A_1643], %get3A_1260 {strides = array<i32>} : memref<128x128xf32, #tpu.memory_space<vmem>>, vector<16xf32>,
    %swap3A_1645 = arith.constant 59 : i32
    %swap3A_1646 = arith.index_cast %swap3A_1645 : i32 to index
    %swap3A_1647 = arith.constant 32 : index
    %swap3A_1648 = tpu.vector_load %arg5[%swap3A_1646, %swap3A_1647] {strides = array<i32>} : memref<128x128xf32, #tpu.memory_space<vmem>>, vector<16xf32>,
    tpu.vector_store %arg5[%swap3A_1646, %swap3A_1647], %get3A_1264 {strides = array<i32>} : memref<128x128xf32, #tpu.memory_space<vmem>>, vector<16xf32>,
    %swap3A_1649 = arith.constant 59 : i32
    %swap3A_1650 = arith.index_cast %swap3A_1649 : i32 to index
    %swap3A_1651 = arith.constant 48 : index
    %swap3A_1652 = tpu.vector_load %arg5[%swap3A_1650, %swap3A_1651] {strides = array<i32>} : memref<128x128xf32, #tpu.memory_space<vmem>>, vector<16xf32>,
    tpu.vector_store %arg5[%swap3A_1650, %swap3A_1651], %get3A_1268 {strides = array<i32>} : memref<128x128xf32, #tpu.memory_space<vmem>>, vector<16xf32>,
    %swap3A_1653 = arith.constant 59 : i32
    %swap3A_1654 = arith.index_cast %swap3A_1653 : i32 to index
    %swap3A_1655 = arith.constant 64 : index
    %swap3A_1656 = tpu.vector_load %arg5[%swap3A_1654, %swap3A_1655] {strides = array<i32>} : memref<128x128xf32, #tpu.memory_space<vmem>>, vector<16xf32>,
    tpu.vector_store %arg5[%swap3A_1654, %swap3A_1655], %get3A_1272 {strides = array<i32>} : memref<128x128xf32, #tpu.memory_space<vmem>>, vector<16xf32>,
    %swap3A_1657 = arith.constant 59 : i32
    %swap3A_1658 = arith.index_cast %swap3A_1657 : i32 to index
    %swap3A_1659 = arith.constant 80 : index
    %swap3A_1660 = tpu.vector_load %arg5[%swap3A_1658, %swap3A_1659] {strides = array<i32>} : memref<128x128xf32, #tpu.memory_space<vmem>>, vector<16xf32>,
    tpu.vector_store %arg5[%swap3A_1658, %swap3A_1659], %get3A_1276 {strides = array<i32>} : memref<128x128xf32, #tpu.memory_space<vmem>>, vector<16xf32>,
    %swap3A_1661 = arith.constant 59 : i32
    %swap3A_1662 = arith.index_cast %swap3A_1661 : i32 to index
    %swap3A_1663 = arith.constant 96 : index
    %swap3A_1664 = tpu.vector_load %arg5[%swap3A_1662, %swap3A_1663] {strides = array<i32>} : memref<128x128xf32, #tpu.memory_space<vmem>>, vector<16xf32>,
    tpu.vector_store %arg5[%swap3A_1662, %swap3A_1663], %get3A_1280 {strides = array<i32>} : memref<128x128xf32, #tpu.memory_space<vmem>>, vector<16xf32>,
    %swap3A_1665 = arith.constant 59 : i32
    %swap3A_1666 = arith.index_cast %swap3A_1665 : i32 to index
    %swap3A_1667 = arith.constant 112 : index
    %swap3A_1668 = tpu.vector_load %arg5[%swap3A_1666, %swap3A_1667] {strides = array<i32>} : memref<128x128xf32, #tpu.memory_space<vmem>>, vector<16xf32>,
    tpu.vector_store %arg5[%swap3A_1666, %swap3A_1667], %get3A_1284 {strides = array<i32>} : memref<128x128xf32, #tpu.memory_space<vmem>>, vector<16xf32>,
    %swap3A_1669 = arith.constant 60 : i32
    %swap3A_1670 = arith.index_cast %swap3A_1669 : i32 to index
    %swap3A_1671 = arith.constant 0 : index
    %swap3A_1672 = tpu.vector_load %arg5[%swap3A_1670, %swap3A_1671] {strides = array<i32>} : memref<128x128xf32, #tpu.memory_space<vmem>>, vector<16xf32>,
    tpu.vector_store %arg5[%swap3A_1670, %swap3A_1671], %get3A_1256 {strides = array<i32>} : memref<128x128xf32, #tpu.memory_space<vmem>>, vector<16xf32>,
    %swap3A_1673 = arith.constant 60 : i32
    %swap3A_1674 = arith.index_cast %swap3A_1673 : i32 to index
    %swap3A_1675 = arith.constant 16 : index
    %swap3A_1676 = tpu.vector_load %arg5[%swap3A_1674, %swap3A_1675] {strides = array<i32>} : memref<128x128xf32, #tpu.memory_space<vmem>>, vector<16xf32>,
    tpu.vector_store %arg5[%swap3A_1674, %swap3A_1675], %get3A_1260 {strides = array<i32>} : memref<128x128xf32, #tpu.memory_space<vmem>>, vector<16xf32>,
    %swap3A_1677 = arith.constant 60 : i32
    %swap3A_1678 = arith.index_cast %swap3A_1677 : i32 to index
    %swap3A_1679 = arith.constant 32 : index
    %swap3A_1680 = tpu.vector_load %arg5[%swap3A_1678, %swap3A_1679] {strides = array<i32>} : memref<128x128xf32, #tpu.memory_space<vmem>>, vector<16xf32>,
    tpu.vector_store %arg5[%swap3A_1678, %swap3A_1679], %get3A_1264 {strides = array<i32>} : memref<128x128xf32, #tpu.memory_space<vmem>>, vector<16xf32>,
    %swap3A_1681 = arith.constant 60 : i32
    %swap3A_1682 = arith.index_cast %swap3A_1681 : i32 to index
    %swap3A_1683 = arith.constant 48 : index
    %swap3A_1684 = tpu.vector_load %arg5[%swap3A_1682, %swap3A_1683] {strides = array<i32>} : memref<128x128xf32, #tpu.memory_space<vmem>>, vector<16xf32>,
    tpu.vector_store %arg5[%swap3A_1682, %swap3A_1683], %get3A_1268 {strides = array<i32>} : memref<128x128xf32, #tpu.memory_space<vmem>>, vector<16xf32>,
    %swap3A_1685 = arith.constant 60 : i32
    %swap3A_1686 = arith.index_cast %swap3A_1685 : i32 to index
    %swap3A_1687 = arith.constant 64 : index
    %swap3A_1688 = tpu.vector_load %arg5[%swap3A_1686, %swap3A_1687] {strides = array<i32>} : memref<128x128xf32, #tpu.memory_space<vmem>>, vector<16xf32>,
    tpu.vector_store %arg5[%swap3A_1686, %swap3A_1687], %get3A_1272 {strides = array<i32>} : memref<128x128xf32, #tpu.memory_space<vmem>>, vector<16xf32>,
    %swap3A_1689 = arith.constant 60 : i32
    %swap3A_1690 = arith.index_cast %swap3A_1689 : i32 to index
    %swap3A_1691 = arith.constant 80 : index
    %swap3A_1692 = tpu.vector_load %arg5[%swap3A_1690, %swap3A_1691] {strides = array<i32>} : memref<128x128xf32, #tpu.memory_space<vmem>>, vector<16xf32>,
    tpu.vector_store %arg5[%swap3A_1690, %swap3A_1691], %get3A_1276 {strides = array<i32>} : memref<128x128xf32, #tpu.memory_space<vmem>>, vector<16xf32>,
    %swap3A_1693 = arith.constant 60 : i32
    %swap3A_1694 = arith.index_cast %swap3A_1693 : i32 to index
    %swap3A_1695 = arith.constant 96 : index
    %swap3A_1696 = tpu.vector_load %arg5[%swap3A_1694, %swap3A_1695] {strides = array<i32>} : memref<128x128xf32, #tpu.memory_space<vmem>>, vector<16xf32>,
    tpu.vector_store %arg5[%swap3A_1694, %swap3A_1695], %get3A_1280 {strides = array<i32>} : memref<128x128xf32, #tpu.memory_space<vmem>>, vector<16xf32>,
    %swap3A_1697 = arith.constant 60 : i32
    %swap3A_1698 = arith.index_cast %swap3A_1697 : i32 to index
    %swap3A_1699 = arith.constant 112 : index
    %swap3A_1700 = tpu.vector_load %arg5[%swap3A_1698, %swap3A_1699] {strides = array<i32>} : memref<128x128xf32, #tpu.memory_space<vmem>>, vector<16xf32>,
    tpu.vector_store %arg5[%swap3A_1698, %swap3A_1699], %get3A_1284 {strides = array<i32>} : memref<128x128xf32, #tpu.memory_space<vmem>>, vector<16xf32>,
    %swap3A_1701 = arith.constant 61 : i32
    %swap3A_1702 = arith.index_cast %swap3A_1701 : i32 to index
    %swap3A_1703 = arith.constant 0 : index
    %swap3A_1704 = tpu.vector_load %arg5[%swap3A_1702, %swap3A_1703] {strides = array<i32>} : memref<128x128xf32, #tpu.memory_space<vmem>>, vector<16xf32>,
    tpu.vector_store %arg5[%swap3A_1702, %swap3A_1703], %get3A_1256 {strides = array<i32>} : memref<128x128xf32, #tpu.memory_space<vmem>>, vector<16xf32>,
    %swap3A_1705 = arith.constant 61 : i32
    %swap3A_1706 = arith.index_cast %swap3A_1705 : i32 to index
    %swap3A_1707 = arith.constant 16 : index
    %swap3A_1708 = tpu.vector_load %arg5[%swap3A_1706, %swap3A_1707] {strides = array<i32>} : memref<128x128xf32, #tpu.memory_space<vmem>>, vector<16xf32>,
    tpu.vector_store %arg5[%swap3A_1706, %swap3A_1707], %get3A_1260 {strides = array<i32>} : memref<128x128xf32, #tpu.memory_space<vmem>>, vector<16xf32>,
    %swap3A_1709 = arith.constant 61 : i32
    %swap3A_1710 = arith.index_cast %swap3A_1709 : i32 to index
    %swap3A_1711 = arith.constant 32 : index
    %swap3A_1712 = tpu.vector_load %arg5[%swap3A_1710, %swap3A_1711] {strides = array<i32>} : memref<128x128xf32, #tpu.memory_space<vmem>>, vector<16xf32>,
    tpu.vector_store %arg5[%swap3A_1710, %swap3A_1711], %get3A_1264 {strides = array<i32>} : memref<128x128xf32, #tpu.memory_space<vmem>>, vector<16xf32>,
    %swap3A_1713 = arith.constant 61 : i32
    %swap3A_1714 = arith.index_cast %swap3A_1713 : i32 to index
    %swap3A_1715 = arith.constant 48 : index
    %swap3A_1716 = tpu.vector_load %arg5[%swap3A_1714, %swap3A_1715] {strides = array<i32>} : memref<128x128xf32, #tpu.memory_space<vmem>>, vector<16xf32>,
    tpu.vector_store %arg5[%swap3A_1714, %swap3A_1715], %get3A_1268 {strides = array<i32>} : memref<128x128xf32, #tpu.memory_space<vmem>>, vector<16xf32>,
    %swap3A_1717 = arith.constant 61 : i32
    %swap3A_1718 = arith.index_cast %swap3A_1717 : i32 to index
    %swap3A_1719 = arith.constant 64 : index
    %swap3A_1720 = tpu.vector_load %arg5[%swap3A_1718, %swap3A_1719] {strides = array<i32>} : memref<128x128xf32, #tpu.memory_space<vmem>>, vector<16xf32>,
    tpu.vector_store %arg5[%swap3A_1718, %swap3A_1719], %get3A_1272 {strides = array<i32>} : memref<128x128xf32, #tpu.memory_space<vmem>>, vector<16xf32>,
    %swap3A_1721 = arith.constant 61 : i32
    %swap3A_1722 = arith.index_cast %swap3A_1721 : i32 to index
    %swap3A_1723 = arith.constant 80 : index
    %swap3A_1724 = tpu.vector_load %arg5[%swap3A_1722, %swap3A_1723] {strides = array<i32>} : memref<128x128xf32, #tpu.memory_space<vmem>>, vector<16xf32>,
    tpu.vector_store %arg5[%swap3A_1722, %swap3A_1723], %get3A_1276 {strides = array<i32>} : memref<128x128xf32, #tpu.memory_space<vmem>>, vector<16xf32>,
    %swap3A_1725 = arith.constant 61 : i32
    %swap3A_1726 = arith.index_cast %swap3A_1725 : i32 to index
    %swap3A_1727 = arith.constant 96 : index
    %swap3A_1728 = tpu.vector_load %arg5[%swap3A_1726, %swap3A_1727] {strides = array<i32>} : memref<128x128xf32, #tpu.memory_space<vmem>>, vector<16xf32>,
    tpu.vector_store %arg5[%swap3A_1726, %swap3A_1727], %get3A_1280 {strides = array<i32>} : memref<128x128xf32, #tpu.memory_space<vmem>>, vector<16xf32>,
    %swap3A_1729 = arith.constant 61 : i32
    %swap3A_1730 = arith.index_cast %swap3A_1729 : i32 to index
    %swap3A_1731 = arith.constant 112 : index
    %swap3A_1732 = tpu.vector_load %arg5[%swap3A_1730, %swap3A_1731] {strides = array<i32>} : memref<128x128xf32, #tpu.memory_space<vmem>>, vector<16xf32>,
    tpu.vector_store %arg5[%swap3A_1730, %swap3A_1731], %get3A_1284 {strides = array<i32>} : memref<128x128xf32, #tpu.memory_space<vmem>>, vector<16xf32>,
    %swap3A_1733 = arith.constant 62 : i32
    %swap3A_1734 = arith.index_cast %swap3A_1733 : i32 to index
    %swap3A_1735 = arith.constant 0 : index
    %swap3A_1736 = tpu.vector_load %arg5[%swap3A_1734, %swap3A_1735] {strides = array<i32>} : memref<128x128xf32, #tpu.memory_space<vmem>>, vector<16xf32>,
    tpu.vector_store %arg5[%swap3A_1734, %swap3A_1735], %get3A_1256 {strides = array<i32>} : memref<128x128xf32, #tpu.memory_space<vmem>>, vector<16xf32>,
    %swap3A_1737 = arith.constant 62 : i32
    %swap3A_1738 = arith.index_cast %swap3A_1737 : i32 to index
    %swap3A_1739 = arith.constant 16 : index
    %swap3A_1740 = tpu.vector_load %arg5[%swap3A_1738, %swap3A_1739] {strides = array<i32>} : memref<128x128xf32, #tpu.memory_space<vmem>>, vector<16xf32>,
    tpu.vector_store %arg5[%swap3A_1738, %swap3A_1739], %get3A_1260 {strides = array<i32>} : memref<128x128xf32, #tpu.memory_space<vmem>>, vector<16xf32>,
    %swap3A_1741 = arith.constant 62 : i32
    %swap3A_1742 = arith.index_cast %swap3A_1741 : i32 to index
    %swap3A_1743 = arith.constant 32 : index
    %swap3A_1744 = tpu.vector_load %arg5[%swap3A_1742, %swap3A_1743] {strides = array<i32>} : memref<128x128xf32, #tpu.memory_space<vmem>>, vector<16xf32>,
    tpu.vector_store %arg5[%swap3A_1742, %swap3A_1743], %get3A_1264 {strides = array<i32>} : memref<128x128xf32, #tpu.memory_space<vmem>>, vector<16xf32>,
    %swap3A_1745 = arith.constant 62 : i32
    %swap3A_1746 = arith.index_cast %swap3A_1745 : i32 to index
    %swap3A_1747 = arith.constant 48 : index
    %swap3A_1748 = tpu.vector_load %arg5[%swap3A_1746, %swap3A_1747] {strides = array<i32>} : memref<128x128xf32, #tpu.memory_space<vmem>>, vector<16xf32>,
    tpu.vector_store %arg5[%swap3A_1746, %swap3A_1747], %get3A_1268 {strides = array<i32>} : memref<128x128xf32, #tpu.memory_space<vmem>>, vector<16xf32>,
    %swap3A_1749 = arith.constant 62 : i32
    %swap3A_1750 = arith.index_cast %swap3A_1749 : i32 to index
    %swap3A_1751 = arith.constant 64 : index
    %swap3A_1752 = tpu.vector_load %arg5[%swap3A_1750, %swap3A_1751] {strides = array<i32>} : memref<128x128xf32, #tpu.memory_space<vmem>>, vector<16xf32>,
    tpu.vector_store %arg5[%swap3A_1750, %swap3A_1751], %get3A_1272 {strides = array<i32>} : memref<128x128xf32, #tpu.memory_space<vmem>>, vector<16xf32>,
    %swap3A_1753 = arith.constant 62 : i32
    %swap3A_1754 = arith.index_cast %swap3A_1753 : i32 to index
    %swap3A_1755 = arith.constant 80 : index
    %swap3A_1756 = tpu.vector_load %arg5[%swap3A_1754, %swap3A_1755] {strides = array<i32>} : memref<128x128xf32, #tpu.memory_space<vmem>>, vector<16xf32>,
    tpu.vector_store %arg5[%swap3A_1754, %swap3A_1755], %get3A_1276 {strides = array<i32>} : memref<128x128xf32, #tpu.memory_space<vmem>>, vector<16xf32>,
    %swap3A_1757 = arith.constant 62 : i32
    %swap3A_1758 = arith.index_cast %swap3A_1757 : i32 to index
    %swap3A_1759 = arith.constant 96 : index
    %swap3A_1760 = tpu.vector_load %arg5[%swap3A_1758, %swap3A_1759] {strides = array<i32>} : memref<128x128xf32, #tpu.memory_space<vmem>>, vector<16xf32>,
    tpu.vector_store %arg5[%swap3A_1758, %swap3A_1759], %get3A_1280 {strides = array<i32>} : memref<128x128xf32, #tpu.memory_space<vmem>>, vector<16xf32>,
    %swap3A_1761 = arith.constant 62 : i32
    %swap3A_1762 = arith.index_cast %swap3A_1761 : i32 to index
    %swap3A_1763 = arith.constant 112 : index
    %swap3A_1764 = tpu.vector_load %arg5[%swap3A_1762, %swap3A_1763] {strides = array<i32>} : memref<128x128xf32, #tpu.memory_space<vmem>>, vector<16xf32>,
    tpu.vector_store %arg5[%swap3A_1762, %swap3A_1763], %get3A_1284 {strides = array<i32>} : memref<128x128xf32, #tpu.memory_space<vmem>>, vector<16xf32>,
    %swap3A_1765 = arith.constant 63 : i32
    %swap3A_1766 = arith.index_cast %swap3A_1765 : i32 to index
    %swap3A_1767 = arith.constant 0 : index
    %swap3A_1768 = tpu.vector_load %arg5[%swap3A_1766, %swap3A_1767] {strides = array<i32>} : memref<128x128xf32, #tpu.memory_space<vmem>>, vector<16xf32>,
    tpu.vector_store %arg5[%swap3A_1766, %swap3A_1767], %get3A_1256 {strides = array<i32>} : memref<128x128xf32, #tpu.memory_space<vmem>>, vector<16xf32>,
    %swap3A_1769 = arith.constant 63 : i32
    %swap3A_1770 = arith.index_cast %swap3A_1769 : i32 to index
    %swap3A_1771 = arith.constant 16 : index
    %swap3A_1772 = tpu.vector_load %arg5[%swap3A_1770, %swap3A_1771] {strides = array<i32>} : memref<128x128xf32, #tpu.memory_space<vmem>>, vector<16xf32>,
    tpu.vector_store %arg5[%swap3A_1770, %swap3A_1771], %get3A_1260 {strides = array<i32>} : memref<128x128xf32, #tpu.memory_space<vmem>>, vector<16xf32>,
    %swap3A_1773 = arith.constant 63 : i32
    %swap3A_1774 = arith.index_cast %swap3A_1773 : i32 to index
    %swap3A_1775 = arith.constant 32 : index
    %swap3A_1776 = tpu.vector_load %arg5[%swap3A_1774, %swap3A_1775] {strides = array<i32>} : memref<128x128xf32, #tpu.memory_space<vmem>>, vector<16xf32>,
    tpu.vector_store %arg5[%swap3A_1774, %swap3A_1775], %get3A_1264 {strides = array<i32>} : memref<128x128xf32, #tpu.memory_space<vmem>>, vector<16xf32>,
    %swap3A_1777 = arith.constant 63 : i32
    %swap3A_1778 = arith.index_cast %swap3A_1777 : i32 to index
    %swap3A_1779 = arith.constant 48 : index
    %swap3A_1780 = tpu.vector_load %arg5[%swap3A_1778, %swap3A_1779] {strides = array<i32>} : memref<128x128xf32, #tpu.memory_space<vmem>>, vector<16xf32>,
    tpu.vector_store %arg5[%swap3A_1778, %swap3A_1779], %get3A_1268 {strides = array<i32>} : memref<128x128xf32, #tpu.memory_space<vmem>>, vector<16xf32>,
    %swap3A_1781 = arith.constant 63 : i32
    %swap3A_1782 = arith.index_cast %swap3A_1781 : i32 to index
    %swap3A_1783 = arith.constant 64 : index
    %swap3A_1784 = tpu.vector_load %arg5[%swap3A_1782, %swap3A_1783] {strides = array<i32>} : memref<128x128xf32, #tpu.memory_space<vmem>>, vector<16xf32>,
    tpu.vector_store %arg5[%swap3A_1782, %swap3A_1783], %get3A_1272 {strides = array<i32>} : memref<128x128xf32, #tpu.memory_space<vmem>>, vector<16xf32>,
    %swap3A_1785 = arith.constant 63 : i32
    %swap3A_1786 = arith.index_cast %swap3A_1785 : i32 to index
    %swap3A_1787 = arith.constant 80 : index
    %swap3A_1788 = tpu.vector_load %arg5[%swap3A_1786, %swap3A_1787] {strides = array<i32>} : memref<128x128xf32, #tpu.memory_space<vmem>>, vector<16xf32>,
    tpu.vector_store %arg5[%swap3A_1786, %swap3A_1787], %get3A_1276 {strides = array<i32>} : memref<128x128xf32, #tpu.memory_space<vmem>>, vector<16xf32>,
    %swap3A_1789 = arith.constant 63 : i32
    %swap3A_1790 = arith.index_cast %swap3A_1789 : i32 to index
    %swap3A_1791 = arith.constant 96 : index
    %swap3A_1792 = tpu.vector_load %arg5[%swap3A_1790, %swap3A_1791] {strides = array<i32>} : memref<128x128xf32, #tpu.memory_space<vmem>>, vector<16xf32>,
    tpu.vector_store %arg5[%swap3A_1790, %swap3A_1791], %get3A_1280 {strides = array<i32>} : memref<128x128xf32, #tpu.memory_space<vmem>>, vector<16xf32>,
    %swap3A_1793 = arith.constant 63 : i32
    %swap3A_1794 = arith.index_cast %swap3A_1793 : i32 to index
    %swap3A_1795 = arith.constant 112 : index
    %swap3A_1796 = tpu.vector_load %arg5[%swap3A_1794, %swap3A_1795] {strides = array<i32>} : memref<128x128xf32, #tpu.memory_space<vmem>>, vector<16xf32>,
    tpu.vector_store %arg5[%swap3A_1794, %swap3A_1795], %get3A_1284 {strides = array<i32>} : memref<128x128xf32, #tpu.memory_space<vmem>>, vector<16xf32>,
    %swap3A_1797 = arith.constant 88 : i32
    %swap3A_1798 = arith.index_cast %swap3A_1797 : i32 to index
    %swap3A_1799 = arith.constant 0 : index
    %swap3A_1800 = tpu.vector_load %arg5[%swap3A_1798, %swap3A_1799] {strides = array<i32>} : memref<128x128xf32, #tpu.memory_space<vmem>>, vector<16xf32>,
    tpu.vector_store %arg5[%swap3A_1798, %swap3A_1799], %get3A_1256 {strides = array<i32>} : memref<128x128xf32, #tpu.memory_space<vmem>>, vector<16xf32>,
    %swap3A_1801 = arith.constant 88 : i32
    %swap3A_1802 = arith.index_cast %swap3A_1801 : i32 to index
    %swap3A_1803 = arith.constant 16 : index
    %swap3A_1804 = tpu.vector_load %arg5[%swap3A_1802, %swap3A_1803] {strides = array<i32>} : memref<128x128xf32, #tpu.memory_space<vmem>>, vector<16xf32>,
    tpu.vector_store %arg5[%swap3A_1802, %swap3A_1803], %get3A_1260 {strides = array<i32>} : memref<128x128xf32, #tpu.memory_space<vmem>>, vector<16xf32>,
    %swap3A_1805 = arith.constant 88 : i32
    %swap3A_1806 = arith.index_cast %swap3A_1805 : i32 to index
    %swap3A_1807 = arith.constant 32 : index
    %swap3A_1808 = tpu.vector_load %arg5[%swap3A_1806, %swap3A_1807] {strides = array<i32>} : memref<128x128xf32, #tpu.memory_space<vmem>>, vector<16xf32>,
    tpu.vector_store %arg5[%swap3A_1806, %swap3A_1807], %get3A_1264 {strides = array<i32>} : memref<128x128xf32, #tpu.memory_space<vmem>>, vector<16xf32>,
    %swap3A_1809 = arith.constant 88 : i32
    %swap3A_1810 = arith.index_cast %swap3A_1809 : i32 to index
    %swap3A_1811 = arith.constant 48 : index
    %swap3A_1812 = tpu.vector_load %arg5[%swap3A_1810, %swap3A_1811] {strides = array<i32>} : memref<128x128xf32, #tpu.memory_space<vmem>>, vector<16xf32>,
    tpu.vector_store %arg5[%swap3A_1810, %swap3A_1811], %get3A_1268 {strides = array<i32>} : memref<128x128xf32, #tpu.memory_space<vmem>>, vector<16xf32>,
    %swap3A_1813 = arith.constant 88 : i32
    %swap3A_1814 = arith.index_cast %swap3A_1813 : i32 to index
    %swap3A_1815 = arith.constant 64 : index
    %swap3A_1816 = tpu.vector_load %arg5[%swap3A_1814, %swap3A_1815] {strides = array<i32>} : memref<128x128xf32, #tpu.memory_space<vmem>>, vector<16xf32>,
    tpu.vector_store %arg5[%swap3A_1814, %swap3A_1815], %get3A_1272 {strides = array<i32>} : memref<128x128xf32, #tpu.memory_space<vmem>>, vector<16xf32>,
    %swap3A_1817 = arith.constant 88 : i32
    %swap3A_1818 = arith.index_cast %swap3A_1817 : i32 to index
    %swap3A_1819 = arith.constant 80 : index
    %swap3A_1820 = tpu.vector_load %arg5[%swap3A_1818, %swap3A_1819] {strides = array<i32>} : memref<128x128xf32, #tpu.memory_space<vmem>>, vector<16xf32>,
    tpu.vector_store %arg5[%swap3A_1818, %swap3A_1819], %get3A_1276 {strides = array<i32>} : memref<128x128xf32, #tpu.memory_space<vmem>>, vector<16xf32>,
    %swap3A_1821 = arith.constant 88 : i32
    %swap3A_1822 = arith.index_cast %swap3A_1821 : i32 to index
    %swap3A_1823 = arith.constant 96 : index
    %swap3A_1824 = tpu.vector_load %arg5[%swap3A_1822, %swap3A_1823] {strides = array<i32>} : memref<128x128xf32, #tpu.memory_space<vmem>>, vector<16xf32>,
    tpu.vector_store %arg5[%swap3A_1822, %swap3A_1823], %get3A_1280 {strides = array<i32>} : memref<128x128xf32, #tpu.memory_space<vmem>>, vector<16xf32>,
    %swap3A_1825 = arith.constant 88 : i32
    %swap3A_1826 = arith.index_cast %swap3A_1825 : i32 to index
    %swap3A_1827 = arith.constant 112 : index
    %swap3A_1828 = tpu.vector_load %arg5[%swap3A_1826, %swap3A_1827] {strides = array<i32>} : memref<128x128xf32, #tpu.memory_space<vmem>>, vector<16xf32>,
    tpu.vector_store %arg5[%swap3A_1826, %swap3A_1827], %get3A_1284 {strides = array<i32>} : memref<128x128xf32, #tpu.memory_space<vmem>>, vector<16xf32>,
    %swap3A_1829 = arith.constant 89 : i32
    %swap3A_1830 = arith.index_cast %swap3A_1829 : i32 to index
    %swap3A_1831 = arith.constant 0 : index
    %swap3A_1832 = tpu.vector_load %arg5[%swap3A_1830, %swap3A_1831] {strides = array<i32>} : memref<128x128xf32, #tpu.memory_space<vmem>>, vector<16xf32>,
    tpu.vector_store %arg5[%swap3A_1830, %swap3A_1831], %get3A_1256 {strides = array<i32>} : memref<128x128xf32, #tpu.memory_space<vmem>>, vector<16xf32>,
    %swap3A_1833 = arith.constant 89 : i32
    %swap3A_1834 = arith.index_cast %swap3A_1833 : i32 to index
    %swap3A_1835 = arith.constant 16 : index
    %swap3A_1836 = tpu.vector_load %arg5[%swap3A_1834, %swap3A_1835] {strides = array<i32>} : memref<128x128xf32, #tpu.memory_space<vmem>>, vector<16xf32>,
    tpu.vector_store %arg5[%swap3A_1834, %swap3A_1835], %get3A_1260 {strides = array<i32>} : memref<128x128xf32, #tpu.memory_space<vmem>>, vector<16xf32>,
    %swap3A_1837 = arith.constant 89 : i32
    %swap3A_1838 = arith.index_cast %swap3A_1837 : i32 to index
    %swap3A_1839 = arith.constant 32 : index
    %swap3A_1840 = tpu.vector_load %arg5[%swap3A_1838, %swap3A_1839] {strides = array<i32>} : memref<128x128xf32, #tpu.memory_space<vmem>>, vector<16xf32>,
    tpu.vector_store %arg5[%swap3A_1838, %swap3A_1839], %get3A_1264 {strides = array<i32>} : memref<128x128xf32, #tpu.memory_space<vmem>>, vector<16xf32>,
    %swap3A_1841 = arith.constant 89 : i32
    %swap3A_1842 = arith.index_cast %swap3A_1841 : i32 to index
    %swap3A_1843 = arith.constant 48 : index
    %swap3A_1844 = tpu.vector_load %arg5[%swap3A_1842, %swap3A_1843] {strides = array<i32>} : memref<128x128xf32, #tpu.memory_space<vmem>>, vector<16xf32>,
    tpu.vector_store %arg5[%swap3A_1842, %swap3A_1843], %get3A_1268 {strides = array<i32>} : memref<128x128xf32, #tpu.memory_space<vmem>>, vector<16xf32>,
    %swap3A_1845 = arith.constant 89 : i32
    %swap3A_1846 = arith.index_cast %swap3A_1845 : i32 to index
    %swap3A_1847 = arith.constant 64 : index
    %swap3A_1848 = tpu.vector_load %arg5[%swap3A_1846, %swap3A_1847] {strides = array<i32>} : memref<128x128xf32, #tpu.memory_space<vmem>>, vector<16xf32>,
    tpu.vector_store %arg5[%swap3A_1846, %swap3A_1847], %get3A_1272 {strides = array<i32>} : memref<128x128xf32, #tpu.memory_space<vmem>>, vector<16xf32>,
    %swap3A_1849 = arith.constant 89 : i32
    %swap3A_1850 = arith.index_cast %swap3A_1849 : i32 to index
    %swap3A_1851 = arith.constant 80 : index
    %swap3A_1852 = tpu.vector_load %arg5[%swap3A_1850, %swap3A_1851] {strides = array<i32>} : memref<128x128xf32, #tpu.memory_space<vmem>>, vector<16xf32>,
    tpu.vector_store %arg5[%swap3A_1850, %swap3A_1851], %get3A_1276 {strides = array<i32>} : memref<128x128xf32, #tpu.memory_space<vmem>>, vector<16xf32>,
    %swap3A_1853 = arith.constant 89 : i32
    %swap3A_1854 = arith.index_cast %swap3A_1853 : i32 to index
    %swap3A_1855 = arith.constant 96 : index
    %swap3A_1856 = tpu.vector_load %arg5[%swap3A_1854, %swap3A_1855] {strides = array<i32>} : memref<128x128xf32, #tpu.memory_space<vmem>>, vector<16xf32>,
    tpu.vector_store %arg5[%swap3A_1854, %swap3A_1855], %get3A_1280 {strides = array<i32>} : memref<128x128xf32, #tpu.memory_space<vmem>>, vector<16xf32>,
    %swap3A_1857 = arith.constant 89 : i32
    %swap3A_1858 = arith.index_cast %swap3A_1857 : i32 to index
    %swap3A_1859 = arith.constant 112 : index
    %swap3A_1860 = tpu.vector_load %arg5[%swap3A_1858, %swap3A_1859] {strides = array<i32>} : memref<128x128xf32, #tpu.memory_space<vmem>>, vector<16xf32>,
    tpu.vector_store %arg5[%swap3A_1858, %swap3A_1859], %get3A_1284 {strides = array<i32>} : memref<128x128xf32, #tpu.memory_space<vmem>>, vector<16xf32>,
    %swap3A_1861 = arith.constant 90 : i32
    %swap3A_1862 = arith.index_cast %swap3A_1861 : i32 to index
    %swap3A_1863 = arith.constant 0 : index
    %swap3A_1864 = tpu.vector_load %arg5[%swap3A_1862, %swap3A_1863] {strides = array<i32>} : memref<128x128xf32, #tpu.memory_space<vmem>>, vector<16xf32>,
    tpu.vector_store %arg5[%swap3A_1862, %swap3A_1863], %get3A_1256 {strides = array<i32>} : memref<128x128xf32, #tpu.memory_space<vmem>>, vector<16xf32>,
    %swap3A_1865 = arith.constant 90 : i32
    %swap3A_1866 = arith.index_cast %swap3A_1865 : i32 to index
    %swap3A_1867 = arith.constant 16 : index
    %swap3A_1868 = tpu.vector_load %arg5[%swap3A_1866, %swap3A_1867] {strides = array<i32>} : memref<128x128xf32, #tpu.memory_space<vmem>>, vector<16xf32>,
    tpu.vector_store %arg5[%swap3A_1866, %swap3A_1867], %get3A_1260 {strides = array<i32>} : memref<128x128xf32, #tpu.memory_space<vmem>>, vector<16xf32>,
    %swap3A_1869 = arith.constant 90 : i32
    %swap3A_1870 = arith.index_cast %swap3A_1869 : i32 to index
    %swap3A_1871 = arith.constant 32 : index
    %swap3A_1872 = tpu.vector_load %arg5[%swap3A_1870, %swap3A_1871] {strides = array<i32>} : memref<128x128xf32, #tpu.memory_space<vmem>>, vector<16xf32>,
    tpu.vector_store %arg5[%swap3A_1870, %swap3A_1871], %get3A_1264 {strides = array<i32>} : memref<128x128xf32, #tpu.memory_space<vmem>>, vector<16xf32>,
    %swap3A_1873 = arith.constant 90 : i32
    %swap3A_1874 = arith.index_cast %swap3A_1873 : i32 to index
    %swap3A_1875 = arith.constant 48 : index
    %swap3A_1876 = tpu.vector_load %arg5[%swap3A_1874, %swap3A_1875] {strides = array<i32>} : memref<128x128xf32, #tpu.memory_space<vmem>>, vector<16xf32>,
    tpu.vector_store %arg5[%swap3A_1874, %swap3A_1875], %get3A_1268 {strides = array<i32>} : memref<128x128xf32, #tpu.memory_space<vmem>>, vector<16xf32>,
    %swap3A_1877 = arith.constant 90 : i32
    %swap3A_1878 = arith.index_cast %swap3A_1877 : i32 to index
    %swap3A_1879 = arith.constant 64 : index
    %swap3A_1880 = tpu.vector_load %arg5[%swap3A_1878, %swap3A_1879] {strides = array<i32>} : memref<128x128xf32, #tpu.memory_space<vmem>>, vector<16xf32>,
    tpu.vector_store %arg5[%swap3A_1878, %swap3A_1879], %get3A_1272 {strides = array<i32>} : memref<128x128xf32, #tpu.memory_space<vmem>>, vector<16xf32>,
    %swap3A_1881 = arith.constant 90 : i32
    %swap3A_1882 = arith.index_cast %swap3A_1881 : i32 to index
    %swap3A_1883 = arith.constant 80 : index
    %swap3A_1884 = tpu.vector_load %arg5[%swap3A_1882, %swap3A_1883] {strides = array<i32>} : memref<128x128xf32, #tpu.memory_space<vmem>>, vector<16xf32>,
    tpu.vector_store %arg5[%swap3A_1882, %swap3A_1883], %get3A_1276 {strides = array<i32>} : memref<128x128xf32, #tpu.memory_space<vmem>>, vector<16xf32>,
    %swap3A_1885 = arith.constant 90 : i32
    %swap3A_1886 = arith.index_cast %swap3A_1885 : i32 to index
    %swap3A_1887 = arith.constant 96 : index
    %swap3A_1888 = tpu.vector_load %arg5[%swap3A_1886, %swap3A_1887] {strides = array<i32>} : memref<128x128xf32, #tpu.memory_space<vmem>>, vector<16xf32>,
    tpu.vector_store %arg5[%swap3A_1886, %swap3A_1887], %get3A_1280 {strides = array<i32>} : memref<128x128xf32, #tpu.memory_space<vmem>>, vector<16xf32>,
    %swap3A_1889 = arith.constant 90 : i32
    %swap3A_1890 = arith.index_cast %swap3A_1889 : i32 to index
    %swap3A_1891 = arith.constant 112 : index
    %swap3A_1892 = tpu.vector_load %arg5[%swap3A_1890, %swap3A_1891] {strides = array<i32>} : memref<128x128xf32, #tpu.memory_space<vmem>>, vector<16xf32>,
    tpu.vector_store %arg5[%swap3A_1890, %swap3A_1891], %get3A_1284 {strides = array<i32>} : memref<128x128xf32, #tpu.memory_space<vmem>>, vector<16xf32>,
    %swap3A_1893 = arith.constant 91 : i32
    %swap3A_1894 = arith.index_cast %swap3A_1893 : i32 to index
    %swap3A_1895 = arith.constant 0 : index
    %swap3A_1896 = tpu.vector_load %arg5[%swap3A_1894, %swap3A_1895] {strides = array<i32>} : memref<128x128xf32, #tpu.memory_space<vmem>>, vector<16xf32>,
    tpu.vector_store %arg5[%swap3A_1894, %swap3A_1895], %get3A_1256 {strides = array<i32>} : memref<128x128xf32, #tpu.memory_space<vmem>>, vector<16xf32>,
    %swap3A_1897 = arith.constant 91 : i32
    %swap3A_1898 = arith.index_cast %swap3A_1897 : i32 to index
    %swap3A_1899 = arith.constant 16 : index
    %swap3A_1900 = tpu.vector_load %arg5[%swap3A_1898, %swap3A_1899] {strides = array<i32>} : memref<128x128xf32, #tpu.memory_space<vmem>>, vector<16xf32>,
    tpu.vector_store %arg5[%swap3A_1898, %swap3A_1899], %get3A_1260 {strides = array<i32>} : memref<128x128xf32, #tpu.memory_space<vmem>>, vector<16xf32>,
    %swap3A_1901 = arith.constant 91 : i32
    %swap3A_1902 = arith.index_cast %swap3A_1901 : i32 to index
    %swap3A_1903 = arith.constant 32 : index
    %swap3A_1904 = tpu.vector_load %arg5[%swap3A_1902, %swap3A_1903] {strides = array<i32>} : memref<128x128xf32, #tpu.memory_space<vmem>>, vector<16xf32>,
    tpu.vector_store %arg5[%swap3A_1902, %swap3A_1903], %get3A_1264 {strides = array<i32>} : memref<128x128xf32, #tpu.memory_space<vmem>>, vector<16xf32>,
    %swap3A_1905 = arith.constant 91 : i32
    %swap3A_1906 = arith.index_cast %swap3A_1905 : i32 to index
    %swap3A_1907 = arith.constant 48 : index
    %swap3A_1908 = tpu.vector_load %arg5[%swap3A_1906, %swap3A_1907] {strides = array<i32>} : memref<128x128xf32, #tpu.memory_space<vmem>>, vector<16xf32>,
    tpu.vector_store %arg5[%swap3A_1906, %swap3A_1907], %get3A_1268 {strides = array<i32>} : memref<128x128xf32, #tpu.memory_space<vmem>>, vector<16xf32>,
    %swap3A_1909 = arith.constant 91 : i32
    %swap3A_1910 = arith.index_cast %swap3A_1909 : i32 to index
    %swap3A_1911 = arith.constant 64 : index
    %swap3A_1912 = tpu.vector_load %arg5[%swap3A_1910, %swap3A_1911] {strides = array<i32>} : memref<128x128xf32, #tpu.memory_space<vmem>>, vector<16xf32>,
    tpu.vector_store %arg5[%swap3A_1910, %swap3A_1911], %get3A_1272 {strides = array<i32>} : memref<128x128xf32, #tpu.memory_space<vmem>>, vector<16xf32>,
    %swap3A_1913 = arith.constant 91 : i32
    %swap3A_1914 = arith.index_cast %swap3A_1913 : i32 to index
    %swap3A_1915 = arith.constant 80 : index
    %swap3A_1916 = tpu.vector_load %arg5[%swap3A_1914, %swap3A_1915] {strides = array<i32>} : memref<128x128xf32, #tpu.memory_space<vmem>>, vector<16xf32>,
    tpu.vector_store %arg5[%swap3A_1914, %swap3A_1915], %get3A_1276 {strides = array<i32>} : memref<128x128xf32, #tpu.memory_space<vmem>>, vector<16xf32>,
    %swap3A_1917 = arith.constant 91 : i32
    %swap3A_1918 = arith.index_cast %swap3A_1917 : i32 to index
    %swap3A_1919 = arith.constant 96 : index
    %swap3A_1920 = tpu.vector_load %arg5[%swap3A_1918, %swap3A_1919] {strides = array<i32>} : memref<128x128xf32, #tpu.memory_space<vmem>>, vector<16xf32>,
    tpu.vector_store %arg5[%swap3A_1918, %swap3A_1919], %get3A_1280 {strides = array<i32>} : memref<128x128xf32, #tpu.memory_space<vmem>>, vector<16xf32>,
    %swap3A_1921 = arith.constant 91 : i32
    %swap3A_1922 = arith.index_cast %swap3A_1921 : i32 to index
    %swap3A_1923 = arith.constant 112 : index
    %swap3A_1924 = tpu.vector_load %arg5[%swap3A_1922, %swap3A_1923] {strides = array<i32>} : memref<128x128xf32, #tpu.memory_space<vmem>>, vector<16xf32>,
    tpu.vector_store %arg5[%swap3A_1922, %swap3A_1923], %get3A_1284 {strides = array<i32>} : memref<128x128xf32, #tpu.memory_space<vmem>>, vector<16xf32>,
    %swap3A_1925 = arith.constant 92 : i32
    %swap3A_1926 = arith.index_cast %swap3A_1925 : i32 to index
    %swap3A_1927 = arith.constant 0 : index
    %swap3A_1928 = tpu.vector_load %arg5[%swap3A_1926, %swap3A_1927] {strides = array<i32>} : memref<128x128xf32, #tpu.memory_space<vmem>>, vector<16xf32>,
    tpu.vector_store %arg5[%swap3A_1926, %swap3A_1927], %get3A_1256 {strides = array<i32>} : memref<128x128xf32, #tpu.memory_space<vmem>>, vector<16xf32>,
    %swap3A_1929 = arith.constant 92 : i32
    %swap3A_1930 = arith.index_cast %swap3A_1929 : i32 to index
    %swap3A_1931 = arith.constant 16 : index
    %swap3A_1932 = tpu.vector_load %arg5[%swap3A_1930, %swap3A_1931] {strides = array<i32>} : memref<128x128xf32, #tpu.memory_space<vmem>>, vector<16xf32>,
    tpu.vector_store %arg5[%swap3A_1930, %swap3A_1931], %get3A_1260 {strides = array<i32>} : memref<128x128xf32, #tpu.memory_space<vmem>>, vector<16xf32>,
    %swap3A_1933 = arith.constant 92 : i32
    %swap3A_1934 = arith.index_cast %swap3A_1933 : i32 to index
    %swap3A_1935 = arith.constant 32 : index
    %swap3A_1936 = tpu.vector_load %arg5[%swap3A_1934, %swap3A_1935] {strides = array<i32>} : memref<128x128xf32, #tpu.memory_space<vmem>>, vector<16xf32>,
    tpu.vector_store %arg5[%swap3A_1934, %swap3A_1935], %get3A_1264 {strides = array<i32>} : memref<128x128xf32, #tpu.memory_space<vmem>>, vector<16xf32>,
    %swap3A_1937 = arith.constant 92 : i32
    %swap3A_1938 = arith.index_cast %swap3A_1937 : i32 to index
    %swap3A_1939 = arith.constant 48 : index
    %swap3A_1940 = tpu.vector_load %arg5[%swap3A_1938, %swap3A_1939] {strides = array<i32>} : memref<128x128xf32, #tpu.memory_space<vmem>>, vector<16xf32>,
    tpu.vector_store %arg5[%swap3A_1938, %swap3A_1939], %get3A_1268 {strides = array<i32>} : memref<128x128xf32, #tpu.memory_space<vmem>>, vector<16xf32>,
    %swap3A_1941 = arith.constant 92 : i32
    %swap3A_1942 = arith.index_cast %swap3A_1941 : i32 to index
    %swap3A_1943 = arith.constant 64 : index
    %swap3A_1944 = tpu.vector_load %arg5[%swap3A_1942, %swap3A_1943] {strides = array<i32>} : memref<128x128xf32, #tpu.memory_space<vmem>>, vector<16xf32>,
    tpu.vector_store %arg5[%swap3A_1942, %swap3A_1943], %get3A_1272 {strides = array<i32>} : memref<128x128xf32, #tpu.memory_space<vmem>>, vector<16xf32>,
    %swap3A_1945 = arith.constant 92 : i32
    %swap3A_1946 = arith.index_cast %swap3A_1945 : i32 to index
    %swap3A_1947 = arith.constant 80 : index
    %swap3A_1948 = tpu.vector_load %arg5[%swap3A_1946, %swap3A_1947] {strides = array<i32>} : memref<128x128xf32, #tpu.memory_space<vmem>>, vector<16xf32>,
    tpu.vector_store %arg5[%swap3A_1946, %swap3A_1947], %get3A_1276 {strides = array<i32>} : memref<128x128xf32, #tpu.memory_space<vmem>>, vector<16xf32>,
    %swap3A_1949 = arith.constant 92 : i32
    %swap3A_1950 = arith.index_cast %swap3A_1949 : i32 to index
    %swap3A_1951 = arith.constant 96 : index
    %swap3A_1952 = tpu.vector_load %arg5[%swap3A_1950, %swap3A_1951] {strides = array<i32>} : memref<128x128xf32, #tpu.memory_space<vmem>>, vector<16xf32>,
    tpu.vector_store %arg5[%swap3A_1950, %swap3A_1951], %get3A_1280 {strides = array<i32>} : memref<128x128xf32, #tpu.memory_space<vmem>>, vector<16xf32>,
    %swap3A_1953 = arith.constant 92 : i32
    %swap3A_1954 = arith.index_cast %swap3A_1953 : i32 to index
    %swap3A_1955 = arith.constant 112 : index
    %swap3A_1956 = tpu.vector_load %arg5[%swap3A_1954, %swap3A_1955] {strides = array<i32>} : memref<128x128xf32, #tpu.memory_space<vmem>>, vector<16xf32>,
    tpu.vector_store %arg5[%swap3A_1954, %swap3A_1955], %get3A_1284 {strides = array<i32>} : memref<128x128xf32, #tpu.memory_space<vmem>>, vector<16xf32>,
    %swap3A_1957 = arith.constant 93 : i32
    %swap3A_1958 = arith.index_cast %swap3A_1957 : i32 to index
    %swap3A_1959 = arith.constant 0 : index
    %swap3A_1960 = tpu.vector_load %arg5[%swap3A_1958, %swap3A_1959] {strides = array<i32>} : memref<128x128xf32, #tpu.memory_space<vmem>>, vector<16xf32>,
    tpu.vector_store %arg5[%swap3A_1958, %swap3A_1959], %get3A_1256 {strides = array<i32>} : memref<128x128xf32, #tpu.memory_space<vmem>>, vector<16xf32>,
    %swap3A_1961 = arith.constant 93 : i32
    %swap3A_1962 = arith.index_cast %swap3A_1961 : i32 to index
    %swap3A_1963 = arith.constant 16 : index
    %swap3A_1964 = tpu.vector_load %arg5[%swap3A_1962, %swap3A_1963] {strides = array<i32>} : memref<128x128xf32, #tpu.memory_space<vmem>>, vector<16xf32>,
    tpu.vector_store %arg5[%swap3A_1962, %swap3A_1963], %get3A_1260 {strides = array<i32>} : memref<128x128xf32, #tpu.memory_space<vmem>>, vector<16xf32>,
    %swap3A_1965 = arith.constant 93 : i32
    %swap3A_1966 = arith.index_cast %swap3A_1965 : i32 to index
    %swap3A_1967 = arith.constant 32 : index
    %swap3A_1968 = tpu.vector_load %arg5[%swap3A_1966, %swap3A_1967] {strides = array<i32>} : memref<128x128xf32, #tpu.memory_space<vmem>>, vector<16xf32>,
    tpu.vector_store %arg5[%swap3A_1966, %swap3A_1967], %get3A_1264 {strides = array<i32>} : memref<128x128xf32, #tpu.memory_space<vmem>>, vector<16xf32>,
    %swap3A_1969 = arith.constant 93 : i32
    %swap3A_1970 = arith.index_cast %swap3A_1969 : i32 to index
    %swap3A_1971 = arith.constant 48 : index
    %swap3A_1972 = tpu.vector_load %arg5[%swap3A_1970, %swap3A_1971] {strides = array<i32>} : memref<128x128xf32, #tpu.memory_space<vmem>>, vector<16xf32>,
    tpu.vector_store %arg5[%swap3A_1970, %swap3A_1971], %get3A_1268 {strides = array<i32>} : memref<128x128xf32, #tpu.memory_space<vmem>>, vector<16xf32>,
    %swap3A_1973 = arith.constant 93 : i32
    %swap3A_1974 = arith.index_cast %swap3A_1973 : i32 to index
    %swap3A_1975 = arith.constant 64 : index
    %swap3A_1976 = tpu.vector_load %arg5[%swap3A_1974, %swap3A_1975] {strides = array<i32>} : memref<128x128xf32, #tpu.memory_space<vmem>>, vector<16xf32>,
    tpu.vector_store %arg5[%swap3A_1974, %swap3A_1975], %get3A_1272 {strides = array<i32>} : memref<128x128xf32, #tpu.memory_space<vmem>>, vector<16xf32>,
    %swap3A_1977 = arith.constant 93 : i32
    %swap3A_1978 = arith.index_cast %swap3A_1977 : i32 to index
    %swap3A_1979 = arith.constant 80 : index
    %swap3A_1980 = tpu.vector_load %arg5[%swap3A_1978, %swap3A_1979] {strides = array<i32>} : memref<128x128xf32, #tpu.memory_space<vmem>>, vector<16xf32>,
    tpu.vector_store %arg5[%swap3A_1978, %swap3A_1979], %get3A_1276 {strides = array<i32>} : memref<128x128xf32, #tpu.memory_space<vmem>>, vector<16xf32>,
    %swap3A_1981 = arith.constant 93 : i32
    %swap3A_1982 = arith.index_cast %swap3A_1981 : i32 to index
    %swap3A_1983 = arith.constant 96 : index
    %swap3A_1984 = tpu.vector_load %arg5[%swap3A_1982, %swap3A_1983] {strides = array<i32>} : memref<128x128xf32, #tpu.memory_space<vmem>>, vector<16xf32>,
    tpu.vector_store %arg5[%swap3A_1982, %swap3A_1983], %get3A_1280 {strides = array<i32>} : memref<128x128xf32, #tpu.memory_space<vmem>>, vector<16xf32>,
    %swap3A_1985 = arith.constant 93 : i32
    %swap3A_1986 = arith.index_cast %swap3A_1985 : i32 to index
    %swap3A_1987 = arith.constant 112 : index
    %swap3A_1988 = tpu.vector_load %arg5[%swap3A_1986, %swap3A_1987] {strides = array<i32>} : memref<128x128xf32, #tpu.memory_space<vmem>>, vector<16xf32>,
    tpu.vector_store %arg5[%swap3A_1986, %swap3A_1987], %get3A_1284 {strides = array<i32>} : memref<128x128xf32, #tpu.memory_space<vmem>>, vector<16xf32>,
    %swap3A_1989 = arith.constant 94 : i32
    %swap3A_1990 = arith.index_cast %swap3A_1989 : i32 to index
    %swap3A_1991 = arith.constant 0 : index
    %swap3A_1992 = tpu.vector_load %arg5[%swap3A_1990, %swap3A_1991] {strides = array<i32>} : memref<128x128xf32, #tpu.memory_space<vmem>>, vector<16xf32>,
    tpu.vector_store %arg5[%swap3A_1990, %swap3A_1991], %get3A_1256 {strides = array<i32>} : memref<128x128xf32, #tpu.memory_space<vmem>>, vector<16xf32>,
    %swap3A_1993 = arith.constant 94 : i32
    %swap3A_1994 = arith.index_cast %swap3A_1993 : i32 to index
    %swap3A_1995 = arith.constant 16 : index
    %swap3A_1996 = tpu.vector_load %arg5[%swap3A_1994, %swap3A_1995] {strides = array<i32>} : memref<128x128xf32, #tpu.memory_space<vmem>>, vector<16xf32>,
    tpu.vector_store %arg5[%swap3A_1994, %swap3A_1995], %get3A_1260 {strides = array<i32>} : memref<128x128xf32, #tpu.memory_space<vmem>>, vector<16xf32>,
    %swap3A_1997 = arith.constant 94 : i32
    %swap3A_1998 = arith.index_cast %swap3A_1997 : i32 to index
    %swap3A_1999 = arith.constant 32 : index
    %swap3A_2000 = tpu.vector_load %arg5[%swap3A_1998, %swap3A_1999] {strides = array<i32>} : memref<128x128xf32, #tpu.memory_space<vmem>>, vector<16xf32>,
    tpu.vector_store %arg5[%swap3A_1998, %swap3A_1999], %get3A_1264 {strides = array<i32>} : memref<128x128xf32, #tpu.memory_space<vmem>>, vector<16xf32>,
    %swap3A_2001 = arith.constant 94 : i32
    %swap3A_2002 = arith.index_cast %swap3A_2001 : i32 to index
    %swap3A_2003 = arith.constant 48 : index
    %swap3A_2004 = tpu.vector_load %arg5[%swap3A_2002, %swap3A_2003] {strides = array<i32>} : memref<128x128xf32, #tpu.memory_space<vmem>>, vector<16xf32>,
    tpu.vector_store %arg5[%swap3A_2002, %swap3A_2003], %get3A_1268 {strides = array<i32>} : memref<128x128xf32, #tpu.memory_space<vmem>>, vector<16xf32>,
    %swap3A_2005 = arith.constant 94 : i32
    %swap3A_2006 = arith.index_cast %swap3A_2005 : i32 to index
    %swap3A_2007 = arith.constant 64 : index
    %swap3A_2008 = tpu.vector_load %arg5[%swap3A_2006, %swap3A_2007] {strides = array<i32>} : memref<128x128xf32, #tpu.memory_space<vmem>>, vector<16xf32>,
    tpu.vector_store %arg5[%swap3A_2006, %swap3A_2007], %get3A_1272 {strides = array<i32>} : memref<128x128xf32, #tpu.memory_space<vmem>>, vector<16xf32>,
    %swap3A_2009 = arith.constant 94 : i32
    %swap3A_2010 = arith.index_cast %swap3A_2009 : i32 to index
    %swap3A_2011 = arith.constant 80 : index
    %swap3A_2012 = tpu.vector_load %arg5[%swap3A_2010, %swap3A_2011] {strides = array<i32>} : memref<128x128xf32, #tpu.memory_space<vmem>>, vector<16xf32>,
    tpu.vector_store %arg5[%swap3A_2010, %swap3A_2011], %get3A_1276 {strides = array<i32>} : memref<128x128xf32, #tpu.memory_space<vmem>>, vector<16xf32>,
    %swap3A_2013 = arith.constant 94 : i32
    %swap3A_2014 = arith.index_cast %swap3A_2013 : i32 to index
    %swap3A_2015 = arith.constant 96 : index
    %swap3A_2016 = tpu.vector_load %arg5[%swap3A_2014, %swap3A_2015] {strides = array<i32>} : memref<128x128xf32, #tpu.memory_space<vmem>>, vector<16xf32>,
    tpu.vector_store %arg5[%swap3A_2014, %swap3A_2015], %get3A_1280 {strides = array<i32>} : memref<128x128xf32, #tpu.memory_space<vmem>>, vector<16xf32>,
    %swap3A_2017 = arith.constant 94 : i32
    %swap3A_2018 = arith.index_cast %swap3A_2017 : i32 to index
    %swap3A_2019 = arith.constant 112 : index
    %swap3A_2020 = tpu.vector_load %arg5[%swap3A_2018, %swap3A_2019] {strides = array<i32>} : memref<128x128xf32, #tpu.memory_space<vmem>>, vector<16xf32>,
    tpu.vector_store %arg5[%swap3A_2018, %swap3A_2019], %get3A_1284 {strides = array<i32>} : memref<128x128xf32, #tpu.memory_space<vmem>>, vector<16xf32>,
    %swap3A_2021 = arith.constant 95 : i32
    %swap3A_2022 = arith.index_cast %swap3A_2021 : i32 to index
    %swap3A_2023 = arith.constant 0 : index
    %swap3A_2024 = tpu.vector_load %arg5[%swap3A_2022, %swap3A_2023] {strides = array<i32>} : memref<128x128xf32, #tpu.memory_space<vmem>>, vector<16xf32>,
    tpu.vector_store %arg5[%swap3A_2022, %swap3A_2023], %get3A_1256 {strides = array<i32>} : memref<128x128xf32, #tpu.memory_space<vmem>>, vector<16xf32>,
    %swap3A_2025 = arith.constant 95 : i32
    %swap3A_2026 = arith.index_cast %swap3A_2025 : i32 to index
    %swap3A_2027 = arith.constant 16 : index
    %swap3A_2028 = tpu.vector_load %arg5[%swap3A_2026, %swap3A_2027] {strides = array<i32>} : memref<128x128xf32, #tpu.memory_space<vmem>>, vector<16xf32>,
    tpu.vector_store %arg5[%swap3A_2026, %swap3A_2027], %get3A_1260 {strides = array<i32>} : memref<128x128xf32, #tpu.memory_space<vmem>>, vector<16xf32>,
    %swap3A_2029 = arith.constant 95 : i32
    %swap3A_2030 = arith.index_cast %swap3A_2029 : i32 to index
    %swap3A_2031 = arith.constant 32 : index
    %swap3A_2032 = tpu.vector_load %arg5[%swap3A_2030, %swap3A_2031] {strides = array<i32>} : memref<128x128xf32, #tpu.memory_space<vmem>>, vector<16xf32>,
    tpu.vector_store %arg5[%swap3A_2030, %swap3A_2031], %get3A_1264 {strides = array<i32>} : memref<128x128xf32, #tpu.memory_space<vmem>>, vector<16xf32>,
    %swap3A_2033 = arith.constant 95 : i32
    %swap3A_2034 = arith.index_cast %swap3A_2033 : i32 to index
    %swap3A_2035 = arith.constant 48 : index
    %swap3A_2036 = tpu.vector_load %arg5[%swap3A_2034, %swap3A_2035] {strides = array<i32>} : memref<128x128xf32, #tpu.memory_space<vmem>>, vector<16xf32>,
    tpu.vector_store %arg5[%swap3A_2034, %swap3A_2035], %get3A_1268 {strides = array<i32>} : memref<128x128xf32, #tpu.memory_space<vmem>>, vector<16xf32>,
    %swap3A_2037 = arith.constant 95 : i32
    %swap3A_2038 = arith.index_cast %swap3A_2037 : i32 to index
    %swap3A_2039 = arith.constant 64 : index
    %swap3A_2040 = tpu.vector_load %arg5[%swap3A_2038, %swap3A_2039] {strides = array<i32>} : memref<128x128xf32, #tpu.memory_space<vmem>>, vector<16xf32>,
    tpu.vector_store %arg5[%swap3A_2038, %swap3A_2039], %get3A_1272 {strides = array<i32>} : memref<128x128xf32, #tpu.memory_space<vmem>>, vector<16xf32>,
    %swap3A_2041 = arith.constant 95 : i32
    %swap3A_2042 = arith.index_cast %swap3A_2041 : i32 to index
    %swap3A_2043 = arith.constant 80 : index
    %swap3A_2044 = tpu.vector_load %arg5[%swap3A_2042, %swap3A_2043] {strides = array<i32>} : memref<128x128xf32, #tpu.memory_space<vmem>>, vector<16xf32>,
    tpu.vector_store %arg5[%swap3A_2042, %swap3A_2043], %get3A_1276 {strides = array<i32>} : memref<128x128xf32, #tpu.memory_space<vmem>>, vector<16xf32>,
    %swap3A_2045 = arith.constant 95 : i32
    %swap3A_2046 = arith.index_cast %swap3A_2045 : i32 to index
    %swap3A_2047 = arith.constant 96 : index
    %swap3A_2048 = tpu.vector_load %arg5[%swap3A_2046, %swap3A_2047] {strides = array<i32>} : memref<128x128xf32, #tpu.memory_space<vmem>>, vector<16xf32>,
    tpu.vector_store %arg5[%swap3A_2046, %swap3A_2047], %get3A_1280 {strides = array<i32>} : memref<128x128xf32, #tpu.memory_space<vmem>>, vector<16xf32>,
    %swap3A_2049 = arith.constant 95 : i32
    %swap3A_2050 = arith.index_cast %swap3A_2049 : i32 to index
    %swap3A_2051 = arith.constant 112 : index
    %swap3A_2052 = tpu.vector_load %arg5[%swap3A_2050, %swap3A_2051] {strides = array<i32>} : memref<128x128xf32, #tpu.memory_space<vmem>>, vector<16xf32>,
    tpu.vector_store %arg5[%swap3A_2050, %swap3A_2051], %get3A_1284 {strides = array<i32>} : memref<128x128xf32, #tpu.memory_space<vmem>>, vector<16xf32>,
    %swap3A_2053 = arith.constant 120 : i32
    %swap3A_2054 = arith.index_cast %swap3A_2053 : i32 to index
    %swap3A_2055 = arith.constant 0 : index
    %swap3A_2056 = tpu.vector_load %arg5[%swap3A_2054, %swap3A_2055] {strides = array<i32>} : memref<128x128xf32, #tpu.memory_space<vmem>>, vector<16xf32>,
    tpu.vector_store %arg5[%swap3A_2054, %swap3A_2055], %get3A_1256 {strides = array<i32>} : memref<128x128xf32, #tpu.memory_space<vmem>>, vector<16xf32>,
    %swap3A_2057 = arith.constant 120 : i32
    %swap3A_2058 = arith.index_cast %swap3A_2057 : i32 to index
    %swap3A_2059 = arith.constant 16 : index
    %swap3A_2060 = tpu.vector_load %arg5[%swap3A_2058, %swap3A_2059] {strides = array<i32>} : memref<128x128xf32, #tpu.memory_space<vmem>>, vector<16xf32>,
    tpu.vector_store %arg5[%swap3A_2058, %swap3A_2059], %get3A_1260 {strides = array<i32>} : memref<128x128xf32, #tpu.memory_space<vmem>>, vector<16xf32>,
    %swap3A_2061 = arith.constant 120 : i32
    %swap3A_2062 = arith.index_cast %swap3A_2061 : i32 to index
    %swap3A_2063 = arith.constant 32 : index
    %swap3A_2064 = tpu.vector_load %arg5[%swap3A_2062, %swap3A_2063] {strides = array<i32>} : memref<128x128xf32, #tpu.memory_space<vmem>>, vector<16xf32>,
    tpu.vector_store %arg5[%swap3A_2062, %swap3A_2063], %get3A_1264 {strides = array<i32>} : memref<128x128xf32, #tpu.memory_space<vmem>>, vector<16xf32>,
    %swap3A_2065 = arith.constant 120 : i32
    %swap3A_2066 = arith.index_cast %swap3A_2065 : i32 to index
    %swap3A_2067 = arith.constant 48 : index
    %swap3A_2068 = tpu.vector_load %arg5[%swap3A_2066, %swap3A_2067] {strides = array<i32>} : memref<128x128xf32, #tpu.memory_space<vmem>>, vector<16xf32>,
    tpu.vector_store %arg5[%swap3A_2066, %swap3A_2067], %get3A_1268 {strides = array<i32>} : memref<128x128xf32, #tpu.memory_space<vmem>>, vector<16xf32>,
    %swap3A_2069 = arith.constant 120 : i32
    %swap3A_2070 = arith.index_cast %swap3A_2069 : i32 to index
    %swap3A_2071 = arith.constant 64 : index
    %swap3A_2072 = tpu.vector_load %arg5[%swap3A_2070, %swap3A_2071] {strides = array<i32>} : memref<128x128xf32, #tpu.memory_space<vmem>>, vector<16xf32>,
    tpu.vector_store %arg5[%swap3A_2070, %swap3A_2071], %get3A_1272 {strides = array<i32>} : memref<128x128xf32, #tpu.memory_space<vmem>>, vector<16xf32>,
    %swap3A_2073 = arith.constant 120 : i32
    %swap3A_2074 = arith.index_cast %swap3A_2073 : i32 to index
    %swap3A_2075 = arith.constant 80 : index
    %swap3A_2076 = tpu.vector_load %arg5[%swap3A_2074, %swap3A_2075] {strides = array<i32>} : memref<128x128xf32, #tpu.memory_space<vmem>>, vector<16xf32>,
    tpu.vector_store %arg5[%swap3A_2074, %swap3A_2075], %get3A_1276 {strides = array<i32>} : memref<128x128xf32, #tpu.memory_space<vmem>>, vector<16xf32>,
    %swap3A_2077 = arith.constant 120 : i32
    %swap3A_2078 = arith.index_cast %swap3A_2077 : i32 to index
    %swap3A_2079 = arith.constant 96 : index
    %swap3A_2080 = tpu.vector_load %arg5[%swap3A_2078, %swap3A_2079] {strides = array<i32>} : memref<128x128xf32, #tpu.memory_space<vmem>>, vector<16xf32>,
    tpu.vector_store %arg5[%swap3A_2078, %swap3A_2079], %get3A_1280 {strides = array<i32>} : memref<128x128xf32, #tpu.memory_space<vmem>>, vector<16xf32>,
    %swap3A_2081 = arith.constant 120 : i32
    %swap3A_2082 = arith.index_cast %swap3A_2081 : i32 to index
    %swap3A_2083 = arith.constant 112 : index
    %swap3A_2084 = tpu.vector_load %arg5[%swap3A_2082, %swap3A_2083] {strides = array<i32>} : memref<128x128xf32, #tpu.memory_space<vmem>>, vector<16xf32>,
    tpu.vector_store %arg5[%swap3A_2082, %swap3A_2083], %get3A_1284 {strides = array<i32>} : memref<128x128xf32, #tpu.memory_space<vmem>>, vector<16xf32>,
    %swap3A_2085 = arith.constant 121 : i32
    %swap3A_2086 = arith.index_cast %swap3A_2085 : i32 to index
    %swap3A_2087 = arith.constant 0 : index
    %swap3A_2088 = tpu.vector_load %arg5[%swap3A_2086, %swap3A_2087] {strides = array<i32>} : memref<128x128xf32, #tpu.memory_space<vmem>>, vector<16xf32>,
    tpu.vector_store %arg5[%swap3A_2086, %swap3A_2087], %get3A_1256 {strides = array<i32>} : memref<128x128xf32, #tpu.memory_space<vmem>>, vector<16xf32>,
    %swap3A_2089 = arith.constant 121 : i32
    %swap3A_2090 = arith.index_cast %swap3A_2089 : i32 to index
    %swap3A_2091 = arith.constant 16 : index
    %swap3A_2092 = tpu.vector_load %arg5[%swap3A_2090, %swap3A_2091] {strides = array<i32>} : memref<128x128xf32, #tpu.memory_space<vmem>>, vector<16xf32>,
    tpu.vector_store %arg5[%swap3A_2090, %swap3A_2091], %get3A_1260 {strides = array<i32>} : memref<128x128xf32, #tpu.memory_space<vmem>>, vector<16xf32>,
    %swap3A_2093 = arith.constant 121 : i32
    %swap3A_2094 = arith.index_cast %swap3A_2093 : i32 to index
    %swap3A_2095 = arith.constant 32 : index
    %swap3A_2096 = tpu.vector_load %arg5[%swap3A_2094, %swap3A_2095] {strides = array<i32>} : memref<128x128xf32, #tpu.memory_space<vmem>>, vector<16xf32>,
    tpu.vector_store %arg5[%swap3A_2094, %swap3A_2095], %get3A_1264 {strides = array<i32>} : memref<128x128xf32, #tpu.memory_space<vmem>>, vector<16xf32>,
    %swap3A_2097 = arith.constant 121 : i32
    %swap3A_2098 = arith.index_cast %swap3A_2097 : i32 to index
    %swap3A_2099 = arith.constant 48 : index
    %swap3A_2100 = tpu.vector_load %arg5[%swap3A_2098, %swap3A_2099] {strides = array<i32>} : memref<128x128xf32, #tpu.memory_space<vmem>>, vector<16xf32>,
    tpu.vector_store %arg5[%swap3A_2098, %swap3A_2099], %get3A_1268 {strides = array<i32>} : memref<128x128xf32, #tpu.memory_space<vmem>>, vector<16xf32>,
    %swap3A_2101 = arith.constant 121 : i32
    %swap3A_2102 = arith.index_cast %swap3A_2101 : i32 to index
    %swap3A_2103 = arith.constant 64 : index
    %swap3A_2104 = tpu.vector_load %arg5[%swap3A_2102, %swap3A_2103] {strides = array<i32>} : memref<128x128xf32, #tpu.memory_space<vmem>>, vector<16xf32>,
    tpu.vector_store %arg5[%swap3A_2102, %swap3A_2103], %get3A_1272 {strides = array<i32>} : memref<128x128xf32, #tpu.memory_space<vmem>>, vector<16xf32>,
    %swap3A_2105 = arith.constant 121 : i32
    %swap3A_2106 = arith.index_cast %swap3A_2105 : i32 to index
    %swap3A_2107 = arith.constant 80 : index
    %swap3A_2108 = tpu.vector_load %arg5[%swap3A_2106, %swap3A_2107] {strides = array<i32>} : memref<128x128xf32, #tpu.memory_space<vmem>>, vector<16xf32>,
    tpu.vector_store %arg5[%swap3A_2106, %swap3A_2107], %get3A_1276 {strides = array<i32>} : memref<128x128xf32, #tpu.memory_space<vmem>>, vector<16xf32>,
    %swap3A_2109 = arith.constant 121 : i32
    %swap3A_2110 = arith.index_cast %swap3A_2109 : i32 to index
    %swap3A_2111 = arith.constant 96 : index
    %swap3A_2112 = tpu.vector_load %arg5[%swap3A_2110, %swap3A_2111] {strides = array<i32>} : memref<128x128xf32, #tpu.memory_space<vmem>>, vector<16xf32>,
    tpu.vector_store %arg5[%swap3A_2110, %swap3A_2111], %get3A_1280 {strides = array<i32>} : memref<128x128xf32, #tpu.memory_space<vmem>>, vector<16xf32>,
    %swap3A_2113 = arith.constant 121 : i32
    %swap3A_2114 = arith.index_cast %swap3A_2113 : i32 to index
    %swap3A_2115 = arith.constant 112 : index
    %swap3A_2116 = tpu.vector_load %arg5[%swap3A_2114, %swap3A_2115] {strides = array<i32>} : memref<128x128xf32, #tpu.memory_space<vmem>>, vector<16xf32>,
    tpu.vector_store %arg5[%swap3A_2114, %swap3A_2115], %get3A_1284 {strides = array<i32>} : memref<128x128xf32, #tpu.memory_space<vmem>>, vector<16xf32>,
    %swap3A_2117 = arith.constant 122 : i32
    %swap3A_2118 = arith.index_cast %swap3A_2117 : i32 to index
    %swap3A_2119 = arith.constant 0 : index
    %swap3A_2120 = tpu.vector_load %arg5[%swap3A_2118, %swap3A_2119] {strides = array<i32>} : memref<128x128xf32, #tpu.memory_space<vmem>>, vector<16xf32>,
    tpu.vector_store %arg5[%swap3A_2118, %swap3A_2119], %get3A_1256 {strides = array<i32>} : memref<128x128xf32, #tpu.memory_space<vmem>>, vector<16xf32>,
    %swap3A_2121 = arith.constant 122 : i32
    %swap3A_2122 = arith.index_cast %swap3A_2121 : i32 to index
    %swap3A_2123 = arith.constant 16 : index
    %swap3A_2124 = tpu.vector_load %arg5[%swap3A_2122, %swap3A_2123] {strides = array<i32>} : memref<128x128xf32, #tpu.memory_space<vmem>>, vector<16xf32>,
    tpu.vector_store %arg5[%swap3A_2122, %swap3A_2123], %get3A_1260 {strides = array<i32>} : memref<128x128xf32, #tpu.memory_space<vmem>>, vector<16xf32>,
    %swap3A_2125 = arith.constant 122 : i32
    %swap3A_2126 = arith.index_cast %swap3A_2125 : i32 to index
    %swap3A_2127 = arith.constant 32 : index
    %swap3A_2128 = tpu.vector_load %arg5[%swap3A_2126, %swap3A_2127] {strides = array<i32>} : memref<128x128xf32, #tpu.memory_space<vmem>>, vector<16xf32>,
    tpu.vector_store %arg5[%swap3A_2126, %swap3A_2127], %get3A_1264 {strides = array<i32>} : memref<128x128xf32, #tpu.memory_space<vmem>>, vector<16xf32>,
    %swap3A_2129 = arith.constant 122 : i32
    %swap3A_2130 = arith.index_cast %swap3A_2129 : i32 to index
    %swap3A_2131 = arith.constant 48 : index
    %swap3A_2132 = tpu.vector_load %arg5[%swap3A_2130, %swap3A_2131] {strides = array<i32>} : memref<128x128xf32, #tpu.memory_space<vmem>>, vector<16xf32>,
    tpu.vector_store %arg5[%swap3A_2130, %swap3A_2131], %get3A_1268 {strides = array<i32>} : memref<128x128xf32, #tpu.memory_space<vmem>>, vector<16xf32>,
    %swap3A_2133 = arith.constant 122 : i32
    %swap3A_2134 = arith.index_cast %swap3A_2133 : i32 to index
    %swap3A_2135 = arith.constant 64 : index
    %swap3A_2136 = tpu.vector_load %arg5[%swap3A_2134, %swap3A_2135] {strides = array<i32>} : memref<128x128xf32, #tpu.memory_space<vmem>>, vector<16xf32>,
    tpu.vector_store %arg5[%swap3A_2134, %swap3A_2135], %get3A_1272 {strides = array<i32>} : memref<128x128xf32, #tpu.memory_space<vmem>>, vector<16xf32>,
    %swap3A_2137 = arith.constant 122 : i32
    %swap3A_2138 = arith.index_cast %swap3A_2137 : i32 to index
    %swap3A_2139 = arith.constant 80 : index
    %swap3A_2140 = tpu.vector_load %arg5[%swap3A_2138, %swap3A_2139] {strides = array<i32>} : memref<128x128xf32, #tpu.memory_space<vmem>>, vector<16xf32>,
    tpu.vector_store %arg5[%swap3A_2138, %swap3A_2139], %get3A_1276 {strides = array<i32>} : memref<128x128xf32, #tpu.memory_space<vmem>>, vector<16xf32>,
    %swap3A_2141 = arith.constant 122 : i32
    %swap3A_2142 = arith.index_cast %swap3A_2141 : i32 to index
    %swap3A_2143 = arith.constant 96 : index
    %swap3A_2144 = tpu.vector_load %arg5[%swap3A_2142, %swap3A_2143] {strides = array<i32>} : memref<128x128xf32, #tpu.memory_space<vmem>>, vector<16xf32>,
    tpu.vector_store %arg5[%swap3A_2142, %swap3A_2143], %get3A_1280 {strides = array<i32>} : memref<128x128xf32, #tpu.memory_space<vmem>>, vector<16xf32>,
    %swap3A_2145 = arith.constant 122 : i32
    %swap3A_2146 = arith.index_cast %swap3A_2145 : i32 to index
    %swap3A_2147 = arith.constant 112 : index
    %swap3A_2148 = tpu.vector_load %arg5[%swap3A_2146, %swap3A_2147] {strides = array<i32>} : memref<128x128xf32, #tpu.memory_space<vmem>>, vector<16xf32>,
    tpu.vector_store %arg5[%swap3A_2146, %swap3A_2147], %get3A_1284 {strides = array<i32>} : memref<128x128xf32, #tpu.memory_space<vmem>>, vector<16xf32>,
    %swap3A_2149 = arith.constant 123 : i32
    %swap3A_2150 = arith.index_cast %swap3A_2149 : i32 to index
    %swap3A_2151 = arith.constant 0 : index
    %swap3A_2152 = tpu.vector_load %arg5[%swap3A_2150, %swap3A_2151] {strides = array<i32>} : memref<128x128xf32, #tpu.memory_space<vmem>>, vector<16xf32>,
    tpu.vector_store %arg5[%swap3A_2150, %swap3A_2151], %get3A_1256 {strides = array<i32>} : memref<128x128xf32, #tpu.memory_space<vmem>>, vector<16xf32>,
    %swap3A_2153 = arith.constant 123 : i32
    %swap3A_2154 = arith.index_cast %swap3A_2153 : i32 to index
    %swap3A_2155 = arith.constant 16 : index
    %swap3A_2156 = tpu.vector_load %arg5[%swap3A_2154, %swap3A_2155] {strides = array<i32>} : memref<128x128xf32, #tpu.memory_space<vmem>>, vector<16xf32>,
    tpu.vector_store %arg5[%swap3A_2154, %swap3A_2155], %get3A_1260 {strides = array<i32>} : memref<128x128xf32, #tpu.memory_space<vmem>>, vector<16xf32>,
    %swap3A_2157 = arith.constant 123 : i32
    %swap3A_2158 = arith.index_cast %swap3A_2157 : i32 to index
    %swap3A_2159 = arith.constant 32 : index
    %swap3A_2160 = tpu.vector_load %arg5[%swap3A_2158, %swap3A_2159] {strides = array<i32>} : memref<128x128xf32, #tpu.memory_space<vmem>>, vector<16xf32>,
    tpu.vector_store %arg5[%swap3A_2158, %swap3A_2159], %get3A_1264 {strides = array<i32>} : memref<128x128xf32, #tpu.memory_space<vmem>>, vector<16xf32>,
    %swap3A_2161 = arith.constant 123 : i32
    %swap3A_2162 = arith.index_cast %swap3A_2161 : i32 to index
    %swap3A_2163 = arith.constant 48 : index
    %swap3A_2164 = tpu.vector_load %arg5[%swap3A_2162, %swap3A_2163] {strides = array<i32>} : memref<128x128xf32, #tpu.memory_space<vmem>>, vector<16xf32>,
    tpu.vector_store %arg5[%swap3A_2162, %swap3A_2163], %get3A_1268 {strides = array<i32>} : memref<128x128xf32, #tpu.memory_space<vmem>>, vector<16xf32>,
    %swap3A_2165 = arith.constant 123 : i32
    %swap3A_2166 = arith.index_cast %swap3A_2165 : i32 to index
    %swap3A_2167 = arith.constant 64 : index
    %swap3A_2168 = tpu.vector_load %arg5[%swap3A_2166, %swap3A_2167] {strides = array<i32>} : memref<128x128xf32, #tpu.memory_space<vmem>>, vector<16xf32>,
    tpu.vector_store %arg5[%swap3A_2166, %swap3A_2167], %get3A_1272 {strides = array<i32>} : memref<128x128xf32, #tpu.memory_space<vmem>>, vector<16xf32>,
    %swap3A_2169 = arith.constant 123 : i32
    %swap3A_2170 = arith.index_cast %swap3A_2169 : i32 to index
    %swap3A_2171 = arith.constant 80 : index
    %swap3A_2172 = tpu.vector_load %arg5[%swap3A_2170, %swap3A_2171] {strides = array<i32>} : memref<128x128xf32, #tpu.memory_space<vmem>>, vector<16xf32>,
    tpu.vector_store %arg5[%swap3A_2170, %swap3A_2171], %get3A_1276 {strides = array<i32>} : memref<128x128xf32, #tpu.memory_space<vmem>>, vector<16xf32>,
    %swap3A_2173 = arith.constant 123 : i32
    %swap3A_2174 = arith.index_cast %swap3A_2173 : i32 to index
    %swap3A_2175 = arith.constant 96 : index
    %swap3A_2176 = tpu.vector_load %arg5[%swap3A_2174, %swap3A_2175] {strides = array<i32>} : memref<128x128xf32, #tpu.memory_space<vmem>>, vector<16xf32>,
    tpu.vector_store %arg5[%swap3A_2174, %swap3A_2175], %get3A_1280 {strides = array<i32>} : memref<128x128xf32, #tpu.memory_space<vmem>>, vector<16xf32>,
    %swap3A_2177 = arith.constant 123 : i32
    %swap3A_2178 = arith.index_cast %swap3A_2177 : i32 to index
    %swap3A_2179 = arith.constant 112 : index
    %swap3A_2180 = tpu.vector_load %arg5[%swap3A_2178, %swap3A_2179] {strides = array<i32>} : memref<128x128xf32, #tpu.memory_space<vmem>>, vector<16xf32>,
    tpu.vector_store %arg5[%swap3A_2178, %swap3A_2179], %get3A_1284 {strides = array<i32>} : memref<128x128xf32, #tpu.memory_space<vmem>>, vector<16xf32>,
    %swap3A_2181 = arith.constant 124 : i32
    %swap3A_2182 = arith.index_cast %swap3A_2181 : i32 to index
    %swap3A_2183 = arith.constant 0 : index
    %swap3A_2184 = tpu.vector_load %arg5[%swap3A_2182, %swap3A_2183] {strides = array<i32>} : memref<128x128xf32, #tpu.memory_space<vmem>>, vector<16xf32>,
    tpu.vector_store %arg5[%swap3A_2182, %swap3A_2183], %get3A_1256 {strides = array<i32>} : memref<128x128xf32, #tpu.memory_space<vmem>>, vector<16xf32>,
    %swap3A_2185 = arith.constant 124 : i32
    %swap3A_2186 = arith.index_cast %swap3A_2185 : i32 to index
    %swap3A_2187 = arith.constant 16 : index
    %swap3A_2188 = tpu.vector_load %arg5[%swap3A_2186, %swap3A_2187] {strides = array<i32>} : memref<128x128xf32, #tpu.memory_space<vmem>>, vector<16xf32>,
    tpu.vector_store %arg5[%swap3A_2186, %swap3A_2187], %get3A_1260 {strides = array<i32>} : memref<128x128xf32, #tpu.memory_space<vmem>>, vector<16xf32>,
    %swap3A_2189 = arith.constant 124 : i32
    %swap3A_2190 = arith.index_cast %swap3A_2189 : i32 to index
    %swap3A_2191 = arith.constant 32 : index
    %swap3A_2192 = tpu.vector_load %arg5[%swap3A_2190, %swap3A_2191] {strides = array<i32>} : memref<128x128xf32, #tpu.memory_space<vmem>>, vector<16xf32>,
    tpu.vector_store %arg5[%swap3A_2190, %swap3A_2191], %get3A_1264 {strides = array<i32>} : memref<128x128xf32, #tpu.memory_space<vmem>>, vector<16xf32>,
    %swap3A_2193 = arith.constant 124 : i32
    %swap3A_2194 = arith.index_cast %swap3A_2193 : i32 to index
    %swap3A_2195 = arith.constant 48 : index
    %swap3A_2196 = tpu.vector_load %arg5[%swap3A_2194, %swap3A_2195] {strides = array<i32>} : memref<128x128xf32, #tpu.memory_space<vmem>>, vector<16xf32>,
    tpu.vector_store %arg5[%swap3A_2194, %swap3A_2195], %get3A_1268 {strides = array<i32>} : memref<128x128xf32, #tpu.memory_space<vmem>>, vector<16xf32>,
    %swap3A_2197 = arith.constant 124 : i32
    %swap3A_2198 = arith.index_cast %swap3A_2197 : i32 to index
    %swap3A_2199 = arith.constant 64 : index
    %swap3A_2200 = tpu.vector_load %arg5[%swap3A_2198, %swap3A_2199] {strides = array<i32>} : memref<128x128xf32, #tpu.memory_space<vmem>>, vector<16xf32>,
    tpu.vector_store %arg5[%swap3A_2198, %swap3A_2199], %get3A_1272 {strides = array<i32>} : memref<128x128xf32, #tpu.memory_space<vmem>>, vector<16xf32>,
    %swap3A_2201 = arith.constant 124 : i32
    %swap3A_2202 = arith.index_cast %swap3A_2201 : i32 to index
    %swap3A_2203 = arith.constant 80 : index
    %swap3A_2204 = tpu.vector_load %arg5[%swap3A_2202, %swap3A_2203] {strides = array<i32>} : memref<128x128xf32, #tpu.memory_space<vmem>>, vector<16xf32>,
    tpu.vector_store %arg5[%swap3A_2202, %swap3A_2203], %get3A_1276 {strides = array<i32>} : memref<128x128xf32, #tpu.memory_space<vmem>>, vector<16xf32>,
    %swap3A_2205 = arith.constant 124 : i32
    %swap3A_2206 = arith.index_cast %swap3A_2205 : i32 to index
    %swap3A_2207 = arith.constant 96 : index
    %swap3A_2208 = tpu.vector_load %arg5[%swap3A_2206, %swap3A_2207] {strides = array<i32>} : memref<128x128xf32, #tpu.memory_space<vmem>>, vector<16xf32>,
    tpu.vector_store %arg5[%swap3A_2206, %swap3A_2207], %get3A_1280 {strides = array<i32>} : memref<128x128xf32, #tpu.memory_space<vmem>>, vector<16xf32>,
    %swap3A_2209 = arith.constant 124 : i32
    %swap3A_2210 = arith.index_cast %swap3A_2209 : i32 to index
    %swap3A_2211 = arith.constant 112 : index
    %swap3A_2212 = tpu.vector_load %arg5[%swap3A_2210, %swap3A_2211] {strides = array<i32>} : memref<128x128xf32, #tpu.memory_space<vmem>>, vector<16xf32>,
    tpu.vector_store %arg5[%swap3A_2210, %swap3A_2211], %get3A_1284 {strides = array<i32>} : memref<128x128xf32, #tpu.memory_space<vmem>>, vector<16xf32>,
    %swap3A_2213 = arith.constant 125 : i32
    %swap3A_2214 = arith.index_cast %swap3A_2213 : i32 to index
    %swap3A_2215 = arith.constant 0 : index
    %swap3A_2216 = tpu.vector_load %arg5[%swap3A_2214, %swap3A_2215] {strides = array<i32>} : memref<128x128xf32, #tpu.memory_space<vmem>>, vector<16xf32>,
    tpu.vector_store %arg5[%swap3A_2214, %swap3A_2215], %get3A_1256 {strides = array<i32>} : memref<128x128xf32, #tpu.memory_space<vmem>>, vector<16xf32>,
    %swap3A_2217 = arith.constant 125 : i32
    %swap3A_2218 = arith.index_cast %swap3A_2217 : i32 to index
    %swap3A_2219 = arith.constant 16 : index
    %swap3A_2220 = tpu.vector_load %arg5[%swap3A_2218, %swap3A_2219] {strides = array<i32>} : memref<128x128xf32, #tpu.memory_space<vmem>>, vector<16xf32>,
    tpu.vector_store %arg5[%swap3A_2218, %swap3A_2219], %get3A_1260 {strides = array<i32>} : memref<128x128xf32, #tpu.memory_space<vmem>>, vector<16xf32>,
    %swap3A_2221 = arith.constant 125 : i32
    %swap3A_2222 = arith.index_cast %swap3A_2221 : i32 to index
    %swap3A_2223 = arith.constant 32 : index
    %swap3A_2224 = tpu.vector_load %arg5[%swap3A_2222, %swap3A_2223] {strides = array<i32>} : memref<128x128xf32, #tpu.memory_space<vmem>>, vector<16xf32>,
    tpu.vector_store %arg5[%swap3A_2222, %swap3A_2223], %get3A_1264 {strides = array<i32>} : memref<128x128xf32, #tpu.memory_space<vmem>>, vector<16xf32>,
    %swap3A_2225 = arith.constant 125 : i32
    %swap3A_2226 = arith.index_cast %swap3A_2225 : i32 to index
    %swap3A_2227 = arith.constant 48 : index
    %swap3A_2228 = tpu.vector_load %arg5[%swap3A_2226, %swap3A_2227] {strides = array<i32>} : memref<128x128xf32, #tpu.memory_space<vmem>>, vector<16xf32>,
    tpu.vector_store %arg5[%swap3A_2226, %swap3A_2227], %get3A_1268 {strides = array<i32>} : memref<128x128xf32, #tpu.memory_space<vmem>>, vector<16xf32>,
    %swap3A_2229 = arith.constant 125 : i32
    %swap3A_2230 = arith.index_cast %swap3A_2229 : i32 to index
    %swap3A_2231 = arith.constant 64 : index
    %swap3A_2232 = tpu.vector_load %arg5[%swap3A_2230, %swap3A_2231] {strides = array<i32>} : memref<128x128xf32, #tpu.memory_space<vmem>>, vector<16xf32>,
    tpu.vector_store %arg5[%swap3A_2230, %swap3A_2231], %get3A_1272 {strides = array<i32>} : memref<128x128xf32, #tpu.memory_space<vmem>>, vector<16xf32>,
    %swap3A_2233 = arith.constant 125 : i32
    %swap3A_2234 = arith.index_cast %swap3A_2233 : i32 to index
    %swap3A_2235 = arith.constant 80 : index
    %swap3A_2236 = tpu.vector_load %arg5[%swap3A_2234, %swap3A_2235] {strides = array<i32>} : memref<128x128xf32, #tpu.memory_space<vmem>>, vector<16xf32>,
    tpu.vector_store %arg5[%swap3A_2234, %swap3A_2235], %get3A_1276 {strides = array<i32>} : memref<128x128xf32, #tpu.memory_space<vmem>>, vector<16xf32>,
    %swap3A_2237 = arith.constant 125 : i32
    %swap3A_2238 = arith.index_cast %swap3A_2237 : i32 to index
    %swap3A_2239 = arith.constant 96 : index
    %swap3A_2240 = tpu.vector_load %arg5[%swap3A_2238, %swap3A_2239] {strides = array<i32>} : memref<128x128xf32, #tpu.memory_space<vmem>>, vector<16xf32>,
    tpu.vector_store %arg5[%swap3A_2238, %swap3A_2239], %get3A_1280 {strides = array<i32>} : memref<128x128xf32, #tpu.memory_space<vmem>>, vector<16xf32>,
    %swap3A_2241 = arith.constant 125 : i32
    %swap3A_2242 = arith.index_cast %swap3A_2241 : i32 to index
    %swap3A_2243 = arith.constant 112 : index
    %swap3A_2244 = tpu.vector_load %arg5[%swap3A_2242, %swap3A_2243] {strides = array<i32>} : memref<128x128xf32, #tpu.memory_space<vmem>>, vector<16xf32>,
    tpu.vector_store %arg5[%swap3A_2242, %swap3A_2243], %get3A_1284 {strides = array<i32>} : memref<128x128xf32, #tpu.memory_space<vmem>>, vector<16xf32>,
    %swap3A_2245 = arith.constant 126 : i32
    %swap3A_2246 = arith.index_cast %swap3A_2245 : i32 to index
    %swap3A_2247 = arith.constant 0 : index
    %swap3A_2248 = tpu.vector_load %arg5[%swap3A_2246, %swap3A_2247] {strides = array<i32>} : memref<128x128xf32, #tpu.memory_space<vmem>>, vector<16xf32>,
    tpu.vector_store %arg5[%swap3A_2246, %swap3A_2247], %get3A_1256 {strides = array<i32>} : memref<128x128xf32, #tpu.memory_space<vmem>>, vector<16xf32>,
    %swap3A_2249 = arith.constant 126 : i32
    %swap3A_2250 = arith.index_cast %swap3A_2249 : i32 to index
    %swap3A_2251 = arith.constant 16 : index
    %swap3A_2252 = tpu.vector_load %arg5[%swap3A_2250, %swap3A_2251] {strides = array<i32>} : memref<128x128xf32, #tpu.memory_space<vmem>>, vector<16xf32>,
    tpu.vector_store %arg5[%swap3A_2250, %swap3A_2251], %get3A_1260 {strides = array<i32>} : memref<128x128xf32, #tpu.memory_space<vmem>>, vector<16xf32>,
    %swap3A_2253 = arith.constant 126 : i32
    %swap3A_2254 = arith.index_cast %swap3A_2253 : i32 to index
    %swap3A_2255 = arith.constant 32 : index
    %swap3A_2256 = tpu.vector_load %arg5[%swap3A_2254, %swap3A_2255] {strides = array<i32>} : memref<128x128xf32, #tpu.memory_space<vmem>>, vector<16xf32>,
    tpu.vector_store %arg5[%swap3A_2254, %swap3A_2255], %get3A_1264 {strides = array<i32>} : memref<128x128xf32, #tpu.memory_space<vmem>>, vector<16xf32>,
    %swap3A_2257 = arith.constant 126 : i32
    %swap3A_2258 = arith.index_cast %swap3A_2257 : i32 to index
    %swap3A_2259 = arith.constant 48 : index
    %swap3A_2260 = tpu.vector_load %arg5[%swap3A_2258, %swap3A_2259] {strides = array<i32>} : memref<128x128xf32, #tpu.memory_space<vmem>>, vector<16xf32>,
    tpu.vector_store %arg5[%swap3A_2258, %swap3A_2259], %get3A_1268 {strides = array<i32>} : memref<128x128xf32, #tpu.memory_space<vmem>>, vector<16xf32>,
    %swap3A_2261 = arith.constant 126 : i32
    %swap3A_2262 = arith.index_cast %swap3A_2261 : i32 to index
    %swap3A_2263 = arith.constant 64 : index
    %swap3A_2264 = tpu.vector_load %arg5[%swap3A_2262, %swap3A_2263] {strides = array<i32>} : memref<128x128xf32, #tpu.memory_space<vmem>>, vector<16xf32>,
    tpu.vector_store %arg5[%swap3A_2262, %swap3A_2263], %get3A_1272 {strides = array<i32>} : memref<128x128xf32, #tpu.memory_space<vmem>>, vector<16xf32>,
    %swap3A_2265 = arith.constant 126 : i32
    %swap3A_2266 = arith.index_cast %swap3A_2265 : i32 to index
    %swap3A_2267 = arith.constant 80 : index
    %swap3A_2268 = tpu.vector_load %arg5[%swap3A_2266, %swap3A_2267] {strides = array<i32>} : memref<128x128xf32, #tpu.memory_space<vmem>>, vector<16xf32>,
    tpu.vector_store %arg5[%swap3A_2266, %swap3A_2267], %get3A_1276 {strides = array<i32>} : memref<128x128xf32, #tpu.memory_space<vmem>>, vector<16xf32>,
    %swap3A_2269 = arith.constant 126 : i32
    %swap3A_2270 = arith.index_cast %swap3A_2269 : i32 to index
    %swap3A_2271 = arith.constant 96 : index
    %swap3A_2272 = tpu.vector_load %arg5[%swap3A_2270, %swap3A_2271] {strides = array<i32>} : memref<128x128xf32, #tpu.memory_space<vmem>>, vector<16xf32>,
    tpu.vector_store %arg5[%swap3A_2270, %swap3A_2271], %get3A_1280 {strides = array<i32>} : memref<128x128xf32, #tpu.memory_space<vmem>>, vector<16xf32>,
    %swap3A_2273 = arith.constant 126 : i32
    %swap3A_2274 = arith.index_cast %swap3A_2273 : i32 to index
    %swap3A_2275 = arith.constant 112 : index
    %swap3A_2276 = tpu.vector_load %arg5[%swap3A_2274, %swap3A_2275] {strides = array<i32>} : memref<128x128xf32, #tpu.memory_space<vmem>>, vector<16xf32>,
    tpu.vector_store %arg5[%swap3A_2274, %swap3A_2275], %get3A_1284 {strides = array<i32>} : memref<128x128xf32, #tpu.memory_space<vmem>>, vector<16xf32>,
    %swap3A_2277 = arith.constant 127 : i32
    %swap3A_2278 = arith.index_cast %swap3A_2277 : i32 to index
    %swap3A_2279 = arith.constant 0 : index
    %swap3A_2280 = tpu.vector_load %arg5[%swap3A_2278, %swap3A_2279] {strides = array<i32>} : memref<128x128xf32, #tpu.memory_space<vmem>>, vector<16xf32>,
    tpu.vector_store %arg5[%swap3A_2278, %swap3A_2279], %get3A_1256 {strides = array<i32>} : memref<128x128xf32, #tpu.memory_space<vmem>>, vector<16xf32>,
    %swap3A_2281 = arith.constant 127 : i32
    %swap3A_2282 = arith.index_cast %swap3A_2281 : i32 to index
    %swap3A_2283 = arith.constant 16 : index
    %swap3A_2284 = tpu.vector_load %arg5[%swap3A_2282, %swap3A_2283] {strides = array<i32>} : memref<128x128xf32, #tpu.memory_space<vmem>>, vector<16xf32>,
    tpu.vector_store %arg5[%swap3A_2282, %swap3A_2283], %get3A_1260 {strides = array<i32>} : memref<128x128xf32, #tpu.memory_space<vmem>>, vector<16xf32>,
    %swap3A_2285 = arith.constant 127 : i32
    %swap3A_2286 = arith.index_cast %swap3A_2285 : i32 to index
    %swap3A_2287 = arith.constant 32 : index
    %swap3A_2288 = tpu.vector_load %arg5[%swap3A_2286, %swap3A_2287] {strides = array<i32>} : memref<128x128xf32, #tpu.memory_space<vmem>>, vector<16xf32>,
    tpu.vector_store %arg5[%swap3A_2286, %swap3A_2287], %get3A_1264 {strides = array<i32>} : memref<128x128xf32, #tpu.memory_space<vmem>>, vector<16xf32>,
    %swap3A_2289 = arith.constant 127 : i32
    %swap3A_2290 = arith.index_cast %swap3A_2289 : i32 to index
    %swap3A_2291 = arith.constant 48 : index
    %swap3A_2292 = tpu.vector_load %arg5[%swap3A_2290, %swap3A_2291] {strides = array<i32>} : memref<128x128xf32, #tpu.memory_space<vmem>>, vector<16xf32>,
    tpu.vector_store %arg5[%swap3A_2290, %swap3A_2291], %get3A_1268 {strides = array<i32>} : memref<128x128xf32, #tpu.memory_space<vmem>>, vector<16xf32>,
    %swap3A_2293 = arith.constant 127 : i32
    %swap3A_2294 = arith.index_cast %swap3A_2293 : i32 to index
    %swap3A_2295 = arith.constant 64 : index
    %swap3A_2296 = tpu.vector_load %arg5[%swap3A_2294, %swap3A_2295] {strides = array<i32>} : memref<128x128xf32, #tpu.memory_space<vmem>>, vector<16xf32>,
    tpu.vector_store %arg5[%swap3A_2294, %swap3A_2295], %get3A_1272 {strides = array<i32>} : memref<128x128xf32, #tpu.memory_space<vmem>>, vector<16xf32>,
    %swap3A_2297 = arith.constant 127 : i32
    %swap3A_2298 = arith.index_cast %swap3A_2297 : i32 to index
    %swap3A_2299 = arith.constant 80 : index
    %swap3A_2300 = tpu.vector_load %arg5[%swap3A_2298, %swap3A_2299] {strides = array<i32>} : memref<128x128xf32, #tpu.memory_space<vmem>>, vector<16xf32>,
    tpu.vector_store %arg5[%swap3A_2298, %swap3A_2299], %get3A_1276 {strides = array<i32>} : memref<128x128xf32, #tpu.memory_space<vmem>>, vector<16xf32>,
    %swap3A_2301 = arith.constant 127 : i32
    %swap3A_2302 = arith.index_cast %swap3A_2301 : i32 to index
    %swap3A_2303 = arith.constant 96 : index
    %swap3A_2304 = tpu.vector_load %arg5[%swap3A_2302, %swap3A_2303] {strides = array<i32>} : memref<128x128xf32, #tpu.memory_space<vmem>>, vector<16xf32>,
    tpu.vector_store %arg5[%swap3A_2302, %swap3A_2303], %get3A_1280 {strides = array<i32>} : memref<128x128xf32, #tpu.memory_space<vmem>>, vector<16xf32>,
    %swap3A_2305 = arith.constant 127 : i32
    %swap3A_2306 = arith.index_cast %swap3A_2305 : i32 to index
    %swap3A_2307 = arith.constant 112 : index
    %swap3A_2308 = tpu.vector_load %arg5[%swap3A_2306, %swap3A_2307] {strides = array<i32>} : memref<128x128xf32, #tpu.memory_space<vmem>>, vector<16xf32>,
    tpu.vector_store %arg5[%swap3A_2306, %swap3A_2307], %get3A_1284 {strides = array<i32>} : memref<128x128xf32, #tpu.memory_space<vmem>>, vector<16xf32>,
    %add3A_2309 = arith.constant 0 : i32
    %add3A_2310 = arith.addi %add3A_2309, %add3A : i32
    %mul3A_2311 = arith.constant 128 : i32
    %mul3A_2312 = arith.muli %add3A_2310, %mul3A_2311 : i32
    %add3A_2313 = arith.constant 32 : i32
    %add3A_2314 = arith.addi %add3A_2313, %add3A : i32
    %mul3A_2315 = arith.constant 128 : i32
    %mul3A_2316 = arith.muli %add3A_2314, %mul3A_2315 : i32
    %add3A_2317 = arith.constant 64 : i32
    %add3A_2318 = arith.addi %add3A_2317, %add3A : i32
    %mul3A_2319 = arith.constant 128 : i32
    %mul3A_2320 = arith.muli %add3A_2318, %mul3A_2319 : i32
    %add3A_2321 = arith.constant 96 : i32
    %add3A_2322 = arith.addi %add3A_2321, %add3A : i32
    %mul3A_2323 = arith.constant 128 : i32
    %mul3A_2324 = arith.muli %add3A_2322, %mul3A_2323 : i32
    %add3A_2325 = arith.constant 128 : i32
    %add3A_2326 = arith.addi %add3A_2325, %add3A : i32
    %mul3A_2327 = arith.constant 128 : i32
    %mul3A_2328 = arith.muli %add3A_2326, %mul3A_2327 : i32
    %add3A_2329 = arith.constant 160 : i32
    %add3A_2330 = arith.addi %add3A_2329, %add3A : i32
    %mul3A_2331 = arith.constant 128 : i32
    %mul3A_2332 = arith.muli %add3A_2330, %mul3A_2331 : i32
    %add3A_2333 = arith.constant 192 : i32
    %add3A_2334 = arith.addi %add3A_2333, %add3A : i32
    %mul3A_2335 = arith.constant 128 : i32
    %mul3A_2336 = arith.muli %add3A_2334, %mul3A_2335 : i32
    %add3A_2337 = arith.constant 224 : i32
    %add3A_2338 = arith.addi %add3A_2337, %add3A : i32
    %mul3A_2339 = arith.constant 128 : i32
    %mul3A_2340 = arith.muli %add3A_2338, %mul3A_2339 : i32
    %add3A_2341 = arith.constant 256 : i32
    %add3A_2342 = arith.addi %add3A_2341, %add3A : i32
    %mul3A_2343 = arith.constant 128 : i32
    %mul3A_2344 = arith.muli %add3A_2342, %mul3A_2343 : i32
    %add3A_2345 = arith.constant 288 : i32
    %add3A_2346 = arith.addi %add3A_2345, %add3A : i32
    %mul3A_2347 = arith.constant 128 : i32
    %mul3A_2348 = arith.muli %add3A_2346, %mul3A_2347 : i32
    %add3A_2349 = arith.constant 320 : i32
    %add3A_2350 = arith.addi %add3A_2349, %add3A : i32
    %mul3A_2351 = arith.constant 128 : i32
    %mul3A_2352 = arith.muli %add3A_2350, %mul3A_2351 : i32
    %add3A_2353 = arith.constant 352 : i32
    %add3A_2354 = arith.addi %add3A_2353, %add3A : i32
    %mul3A_2355 = arith.constant 128 : i32
    %mul3A_2356 = arith.muli %add3A_2354, %mul3A_2355 : i32
    %add3A_2357 = arith.constant 384 : i32
    %add3A_2358 = arith.addi %add3A_2357, %add3A : i32
    %mul3A_2359 = arith.constant 128 : i32
    %mul3A_2360 = arith.muli %add3A_2358, %mul3A_2359 : i32
    %add3A_2361 = arith.constant 416 : i32
    %add3A_2362 = arith.addi %add3A_2361, %add3A : i32
    %mul3A_2363 = arith.constant 128 : i32
    %mul3A_2364 = arith.muli %add3A_2362, %mul3A_2363 : i32
    %add3A_2365 = arith.constant 448 : i32
    %add3A_2366 = arith.addi %add3A_2365, %add3A : i32
    %mul3A_2367 = arith.constant 128 : i32
    %mul3A_2368 = arith.muli %add3A_2366, %mul3A_2367 : i32
    %add3A_2369 = arith.constant 480 : i32
    %add3A_2370 = arith.addi %add3A_2369, %add3A : i32
    %mul3A_2371 = arith.constant 128 : i32
    %mul3A_2372 = arith.muli %add3A_2370, %mul3A_2371 : i32
    %add3A_2373 = arith.constant 512 : i32
    %add3A_2374 = arith.addi %add3A_2373, %add3A : i32
    %mul3A_2375 = arith.constant 128 : i32
    %mul3A_2376 = arith.muli %add3A_2374, %mul3A_2375 : i32
    %add3A_2377 = arith.constant 544 : i32
    %add3A_2378 = arith.addi %add3A_2377, %add3A : i32
    %mul3A_2379 = arith.constant 128 : i32
    %mul3A_2380 = arith.muli %add3A_2378, %mul3A_2379 : i32
    %add3A_2381 = arith.constant 576 : i32
    %add3A_2382 = arith.addi %add3A_2381, %add3A : i32
    %mul3A_2383 = arith.constant 128 : i32
    %mul3A_2384 = arith.muli %add3A_2382, %mul3A_2383 : i32
    %add3A_2385 = arith.constant 608 : i32
    %add3A_2386 = arith.addi %add3A_2385, %add3A : i32
    %mul3A_2387 = arith.constant 128 : i32
    %mul3A_2388 = arith.muli %add3A_2386, %mul3A_2387 : i32
    %add3A_2389 = arith.constant 640 : i32
    %add3A_2390 = arith.addi %add3A_2389, %add3A : i32
    %mul3A_2391 = arith.constant 128 : i32
    %mul3A_2392 = arith.muli %add3A_2390, %mul3A_2391 : i32
    %add3A_2393 = arith.constant 672 : i32
    %add3A_2394 = arith.addi %add3A_2393, %add3A : i32
    %mul3A_2395 = arith.constant 128 : i32
    %mul3A_2396 = arith.muli %add3A_2394, %mul3A_2395 : i32
    %add3A_2397 = arith.constant 704 : i32
    %add3A_2398 = arith.addi %add3A_2397, %add3A : i32
    %mul3A_2399 = arith.constant 128 : i32
    %mul3A_2400 = arith.muli %add3A_2398, %mul3A_2399 : i32
    %add3A_2401 = arith.constant 736 : i32
    %add3A_2402 = arith.addi %add3A_2401, %add3A : i32
    %mul3A_2403 = arith.constant 128 : i32
    %mul3A_2404 = arith.muli %add3A_2402, %mul3A_2403 : i32
    %add3A_2405 = arith.constant 768 : i32
    %add3A_2406 = arith.addi %add3A_2405, %add3A : i32
    %mul3A_2407 = arith.constant 128 : i32
    %mul3A_2408 = arith.muli %add3A_2406, %mul3A_2407 : i32
    %add3A_2409 = arith.constant 800 : i32
    %add3A_2410 = arith.addi %add3A_2409, %add3A : i32
    %mul3A_2411 = arith.constant 128 : i32
    %mul3A_2412 = arith.muli %add3A_2410, %mul3A_2411 : i32
    %add3A_2413 = arith.constant 832 : i32
    %add3A_2414 = arith.addi %add3A_2413, %add3A : i32
    %mul3A_2415 = arith.constant 128 : i32
    %mul3A_2416 = arith.muli %add3A_2414, %mul3A_2415 : i32
    %add3A_2417 = arith.constant 864 : i32
    %add3A_2418 = arith.addi %add3A_2417, %add3A : i32
    %mul3A_2419 = arith.constant 128 : i32
    %mul3A_2420 = arith.muli %add3A_2418, %mul3A_2419 : i32
    %add3A_2421 = arith.constant 896 : i32
    %add3A_2422 = arith.addi %add3A_2421, %add3A : i32
    %mul3A_2423 = arith.constant 128 : i32
    %mul3A_2424 = arith.muli %add3A_2422, %mul3A_2423 : i32
    %add3A_2425 = arith.constant 928 : i32
    %add3A_2426 = arith.addi %add3A_2425, %add3A : i32
    %mul3A_2427 = arith.constant 128 : i32
    %mul3A_2428 = arith.muli %add3A_2426, %mul3A_2427 : i32
    %add3A_2429 = arith.constant 960 : i32
    %add3A_2430 = arith.addi %add3A_2429, %add3A : i32
    %mul3A_2431 = arith.constant 128 : i32
    %mul3A_2432 = arith.muli %add3A_2430, %mul3A_2431 : i32
    %add3A_2433 = arith.constant 992 : i32
    %add3A_2434 = arith.addi %add3A_2433, %add3A : i32
    %mul3A_2435 = arith.constant 128 : i32
    %mul3A_2436 = arith.muli %add3A_2434, %mul3A_2435 : i32
    %add3A_2437 = arith.constant 1024 : i32
    %add3A_2438 = arith.addi %add3A_2437, %add3A : i32
    %mul3A_2439 = arith.constant 128 : i32
    %mul3A_2440 = arith.muli %add3A_2438, %mul3A_2439 : i32
    %add3A_2441 = arith.constant 1056 : i32
    %add3A_2442 = arith.addi %add3A_2441, %add3A : i32
    %mul3A_2443 = arith.constant 128 : i32
    %mul3A_2444 = arith.muli %add3A_2442, %mul3A_2443 : i32
    %add3A_2445 = arith.constant 1088 : i32
    %add3A_2446 = arith.addi %add3A_2445, %add3A : i32
    %mul3A_2447 = arith.constant 128 : i32
    %mul3A_2448 = arith.muli %add3A_2446, %mul3A_2447 : i32
    %add3A_2449 = arith.constant 1120 : i32
    %add3A_2450 = arith.addi %add3A_2449, %add3A : i32
    %mul3A_2451 = arith.constant 128 : i32
    %mul3A_2452 = arith.muli %add3A_2450, %mul3A_2451 : i32
    %add3A_2453 = arith.constant 1152 : i32
    %add3A_2454 = arith.addi %add3A_2453, %add3A : i32
    %mul3A_2455 = arith.constant 128 : i32
    %mul3A_2456 = arith.muli %add3A_2454, %mul3A_2455 : i32
    %add3A_2457 = arith.constant 1184 : i32
    %add3A_2458 = arith.addi %add3A_2457, %add3A : i32
    %mul3A_2459 = arith.constant 128 : i32
    %mul3A_2460 = arith.muli %add3A_2458, %mul3A_2459 : i32
    %add3A_2461 = arith.constant 1216 : i32
    %add3A_2462 = arith.addi %add3A_2461, %add3A : i32
    %mul3A_2463 = arith.constant 128 : i32
    %mul3A_2464 = arith.muli %add3A_2462, %mul3A_2463 : i32
    %add3A_2465 = arith.constant 1248 : i32
    %add3A_2466 = arith.addi %add3A_2465, %add3A : i32
    %mul3A_2467 = arith.constant 128 : i32
    %mul3A_2468 = arith.muli %add3A_2466, %mul3A_2467 : i32
    %add3A_2469 = arith.constant 1280 : i32
    %add3A_2470 = arith.addi %add3A_2469, %add3A : i32
    %mul3A_2471 = arith.constant 128 : i32
    %mul3A_2472 = arith.muli %add3A_2470, %mul3A_2471 : i32
    %add3A_2473 = arith.constant 1312 : i32
    %add3A_2474 = arith.addi %add3A_2473, %add3A : i32
    %mul3A_2475 = arith.constant 128 : i32
    %mul3A_2476 = arith.muli %add3A_2474, %mul3A_2475 : i32
    %add3A_2477 = arith.constant 1344 : i32
    %add3A_2478 = arith.addi %add3A_2477, %add3A : i32
    %mul3A_2479 = arith.constant 128 : i32
    %mul3A_2480 = arith.muli %add3A_2478, %mul3A_2479 : i32
    %add3A_2481 = arith.constant 1376 : i32
    %add3A_2482 = arith.addi %add3A_2481, %add3A : i32
    %mul3A_2483 = arith.constant 128 : i32
    %mul3A_2484 = arith.muli %add3A_2482, %mul3A_2483 : i32
    %add3A_2485 = arith.constant 1408 : i32
    %add3A_2486 = arith.addi %add3A_2485, %add3A : i32
    %mul3A_2487 = arith.constant 128 : i32
    %mul3A_2488 = arith.muli %add3A_2486, %mul3A_2487 : i32
    %add3A_2489 = arith.constant 1440 : i32
    %add3A_2490 = arith.addi %add3A_2489, %add3A : i32
    %mul3A_2491 = arith.constant 128 : i32
    %mul3A_2492 = arith.muli %add3A_2490, %mul3A_2491 : i32
    %add3A_2493 = arith.constant 1472 : i32
    %add3A_2494 = arith.addi %add3A_2493, %add3A : i32
    %mul3A_2495 = arith.constant 128 : i32
    %mul3A_2496 = arith.muli %add3A_2494, %mul3A_2495 : i32
    %add3A_2497 = arith.constant 1504 : i32
    %add3A_2498 = arith.addi %add3A_2497, %add3A : i32
    %mul3A_2499 = arith.constant 128 : i32
    %mul3A_2500 = arith.muli %add3A_2498, %mul3A_2499 : i32
    %add3A_2501 = arith.constant 1536 : i32
    %add3A_2502 = arith.addi %add3A_2501, %add3A : i32
    %mul3A_2503 = arith.constant 128 : i32
    %mul3A_2504 = arith.muli %add3A_2502, %mul3A_2503 : i32
    %add3A_2505 = arith.constant 1568 : i32
    %add3A_2506 = arith.addi %add3A_2505, %add3A : i32
    %mul3A_2507 = arith.constant 128 : i32
    %mul3A_2508 = arith.muli %add3A_2506, %mul3A_2507 : i32
    %add3A_2509 = arith.constant 1600 : i32
    %add3A_2510 = arith.addi %add3A_2509, %add3A : i32
    %mul3A_2511 = arith.constant 128 : i32
    %mul3A_2512 = arith.muli %add3A_2510, %mul3A_2511 : i32
    %add3A_2513 = arith.constant 1632 : i32
    %add3A_2514 = arith.addi %add3A_2513, %add3A : i32
    %mul3A_2515 = arith.constant 128 : i32
    %mul3A_2516 = arith.muli %add3A_2514, %mul3A_2515 : i32
    %add3A_2517 = arith.constant 1664 : i32
    %add3A_2518 = arith.addi %add3A_2517, %add3A : i32
    %mul3A_2519 = arith.constant 128 : i32
    %mul3A_2520 = arith.muli %add3A_2518, %mul3A_2519 : i32
    %add3A_2521 = arith.constant 1696 : i32
    %add3A_2522 = arith.addi %add3A_2521, %add3A : i32
    %mul3A_2523 = arith.constant 128 : i32
    %mul3A_2524 = arith.muli %add3A_2522, %mul3A_2523 : i32
    %add3A_2525 = arith.constant 1728 : i32
    %add3A_2526 = arith.addi %add3A_2525, %add3A : i32
    %mul3A_2527 = arith.constant 128 : i32
    %mul3A_2528 = arith.muli %add3A_2526, %mul3A_2527 : i32
    %add3A_2529 = arith.constant 1760 : i32
    %add3A_2530 = arith.addi %add3A_2529, %add3A : i32
    %mul3A_2531 = arith.constant 128 : i32
    %mul3A_2532 = arith.muli %add3A_2530, %mul3A_2531 : i32
    %add3A_2533 = arith.constant 1792 : i32
    %add3A_2534 = arith.addi %add3A_2533, %add3A : i32
    %mul3A_2535 = arith.constant 128 : i32
    %mul3A_2536 = arith.muli %add3A_2534, %mul3A_2535 : i32
    %add3A_2537 = arith.constant 1824 : i32
    %add3A_2538 = arith.addi %add3A_2537, %add3A : i32
    %mul3A_2539 = arith.constant 128 : i32
    %mul3A_2540 = arith.muli %add3A_2538, %mul3A_2539 : i32
    %add3A_2541 = arith.constant 1856 : i32
    %add3A_2542 = arith.addi %add3A_2541, %add3A : i32
    %mul3A_2543 = arith.constant 128 : i32
    %mul3A_2544 = arith.muli %add3A_2542, %mul3A_2543 : i32
    %add3A_2545 = arith.constant 1888 : i32
    %add3A_2546 = arith.addi %add3A_2545, %add3A : i32
    %mul3A_2547 = arith.constant 128 : i32
    %mul3A_2548 = arith.muli %add3A_2546, %mul3A_2547 : i32
    %add3A_2549 = arith.constant 1920 : i32
    %add3A_2550 = arith.addi %add3A_2549, %add3A : i32
    %mul3A_2551 = arith.constant 128 : i32
    %mul3A_2552 = arith.muli %add3A_2550, %mul3A_2551 : i32
    %add3A_2553 = arith.constant 1952 : i32
    %add3A_2554 = arith.addi %add3A_2553, %add3A : i32
    %mul3A_2555 = arith.constant 128 : i32
    %mul3A_2556 = arith.muli %add3A_2554, %mul3A_2555 : i32
    %add3A_2557 = arith.constant 1984 : i32
    %add3A_2558 = arith.addi %add3A_2557, %add3A : i32
    %mul3A_2559 = arith.constant 128 : i32
    %mul3A_2560 = arith.muli %add3A_2558, %mul3A_2559 : i32
    %add3A_2561 = arith.constant 2016 : i32
    %add3A_2562 = arith.addi %add3A_2561, %add3A : i32
    %mul3A_2563 = arith.constant 128 : i32
    %mul3A_2564 = arith.muli %add3A_2562, %mul3A_2563 : i32
    %dma_start3A_2565 = arith.constant 0 : i32
    %dma_start3A_2566 = tpu.memref_slice %arg4[%mul3A_2312, %dma_start3A_2565] : memref<262144x128xf32, #tpu.memory_space<hbm>> -> memref<128x128xf32, #tpu.memory_space<hbm>>
    %dma_start3A_2567 = arith.constant 0 : i32
    %dma_start3A_2568 = tpu.memref_slice %arg4[%mul3A_2312, %dma_start3A_2567] : memref<262144x128xf32, #tpu.memory_space<hbm>> -> memref<128x128xf32, #tpu.memory_space<hbm>>
    tpu.enqueue_dma source(%arg5 : memref<128x128xf32, #tpu.memory_space<vmem>>) target(%dma_start3A_2568 : memref<128x128xf32, #tpu.memory_space<hbm>>) target_semaphore(%arg7 : memref<!tpu.dma_semaphore, #tpu.memory_space<semaphore_mem>>)
    %dma_start3A_2569 = arith.constant 0 : i32
    %dma_start3A_2570 = tpu.memref_slice %arg4[%mul3A_2316, %dma_start3A_2569] : memref<262144x128xf32, #tpu.memory_space<hbm>> -> memref<128x128xf32, #tpu.memory_space<hbm>>
    %dma_start3A_2571 = arith.constant 0 : i32
    %dma_start3A_2572 = tpu.memref_slice %arg4[%mul3A_2316, %dma_start3A_2571] : memref<262144x128xf32, #tpu.memory_space<hbm>> -> memref<128x128xf32, #tpu.memory_space<hbm>>
    tpu.enqueue_dma source(%arg5 : memref<128x128xf32, #tpu.memory_space<vmem>>) target(%dma_start3A_2572 : memref<128x128xf32, #tpu.memory_space<hbm>>) target_semaphore(%arg7 : memref<!tpu.dma_semaphore, #tpu.memory_space<semaphore_mem>>)
    %dma_start3A_2573 = arith.constant 0 : i32
    %dma_start3A_2574 = tpu.memref_slice %arg4[%mul3A_2320, %dma_start3A_2573] : memref<262144x128xf32, #tpu.memory_space<hbm>> -> memref<128x128xf32, #tpu.memory_space<hbm>>
    %dma_start3A_2575 = arith.constant 0 : i32
    %dma_start3A_2576 = tpu.memref_slice %arg4[%mul3A_2320, %dma_start3A_2575] : memref<262144x128xf32, #tpu.memory_space<hbm>> -> memref<128x128xf32, #tpu.memory_space<hbm>>
    tpu.enqueue_dma source(%arg5 : memref<128x128xf32, #tpu.memory_space<vmem>>) target(%dma_start3A_2576 : memref<128x128xf32, #tpu.memory_space<hbm>>) target_semaphore(%arg7 : memref<!tpu.dma_semaphore, #tpu.memory_space<semaphore_mem>>)
    %dma_start3A_2577 = arith.constant 0 : i32
    %dma_start3A_2578 = tpu.memref_slice %arg4[%mul3A_2324, %dma_start3A_2577] : memref<262144x128xf32, #tpu.memory_space<hbm>> -> memref<128x128xf32, #tpu.memory_space<hbm>>
    %dma_start3A_2579 = arith.constant 0 : i32
    %dma_start3A_2580 = tpu.memref_slice %arg4[%mul3A_2324, %dma_start3A_2579] : memref<262144x128xf32, #tpu.memory_space<hbm>> -> memref<128x128xf32, #tpu.memory_space<hbm>>
    tpu.enqueue_dma source(%arg5 : memref<128x128xf32, #tpu.memory_space<vmem>>) target(%dma_start3A_2580 : memref<128x128xf32, #tpu.memory_space<hbm>>) target_semaphore(%arg7 : memref<!tpu.dma_semaphore, #tpu.memory_space<semaphore_mem>>)
    %dma_start3A_2581 = arith.constant 0 : i32
    %dma_start3A_2582 = tpu.memref_slice %arg4[%mul3A_2328, %dma_start3A_2581] : memref<262144x128xf32, #tpu.memory_space<hbm>> -> memref<128x128xf32, #tpu.memory_space<hbm>>
    %dma_start3A_2583 = arith.constant 0 : i32
    %dma_start3A_2584 = tpu.memref_slice %arg4[%mul3A_2328, %dma_start3A_2583] : memref<262144x128xf32, #tpu.memory_space<hbm>> -> memref<128x128xf32, #tpu.memory_space<hbm>>
    tpu.enqueue_dma source(%arg5 : memref<128x128xf32, #tpu.memory_space<vmem>>) target(%dma_start3A_2584 : memref<128x128xf32, #tpu.memory_space<hbm>>) target_semaphore(%arg7 : memref<!tpu.dma_semaphore, #tpu.memory_space<semaphore_mem>>)
    %dma_start3A_2585 = arith.constant 0 : i32
    %dma_start3A_2586 = tpu.memref_slice %arg4[%mul3A_2332, %dma_start3A_2585] : memref<262144x128xf32, #tpu.memory_space<hbm>> -> memref<128x128xf32, #tpu.memory_space<hbm>>
    %dma_start3A_2587 = arith.constant 0 : i32
    %dma_start3A_2588 = tpu.memref_slice %arg4[%mul3A_2332, %dma_start3A_2587] : memref<262144x128xf32, #tpu.memory_space<hbm>> -> memref<128x128xf32, #tpu.memory_space<hbm>>
    tpu.enqueue_dma source(%arg5 : memref<128x128xf32, #tpu.memory_space<vmem>>) target(%dma_start3A_2588 : memref<128x128xf32, #tpu.memory_space<hbm>>) target_semaphore(%arg7 : memref<!tpu.dma_semaphore, #tpu.memory_space<semaphore_mem>>)
    %dma_start3A_2589 = arith.constant 0 : i32
    %dma_start3A_2590 = tpu.memref_slice %arg4[%mul3A_2336, %dma_start3A_2589] : memref<262144x128xf32, #tpu.memory_space<hbm>> -> memref<128x128xf32, #tpu.memory_space<hbm>>
    %dma_start3A_2591 = arith.constant 0 : i32
    %dma_start3A_2592 = tpu.memref_slice %arg4[%mul3A_2336, %dma_start3A_2591] : memref<262144x128xf32, #tpu.memory_space<hbm>> -> memref<128x128xf32, #tpu.memory_space<hbm>>
    tpu.enqueue_dma source(%arg5 : memref<128x128xf32, #tpu.memory_space<vmem>>) target(%dma_start3A_2592 : memref<128x128xf32, #tpu.memory_space<hbm>>) target_semaphore(%arg7 : memref<!tpu.dma_semaphore, #tpu.memory_space<semaphore_mem>>)
    %dma_start3A_2593 = arith.constant 0 : i32
    %dma_start3A_2594 = tpu.memref_slice %arg4[%mul3A_2340, %dma_start3A_2593] : memref<262144x128xf32, #tpu.memory_space<hbm>> -> memref<128x128xf32, #tpu.memory_space<hbm>>
    %dma_start3A_2595 = arith.constant 0 : i32
    %dma_start3A_2596 = tpu.memref_slice %arg4[%mul3A_2340, %dma_start3A_2595] : memref<262144x128xf32, #tpu.memory_space<hbm>> -> memref<128x128xf32, #tpu.memory_space<hbm>>
    tpu.enqueue_dma source(%arg5 : memref<128x128xf32, #tpu.memory_space<vmem>>) target(%dma_start3A_2596 : memref<128x128xf32, #tpu.memory_space<hbm>>) target_semaphore(%arg7 : memref<!tpu.dma_semaphore, #tpu.memory_space<semaphore_mem>>)
    %dma_start3A_2597 = arith.constant 0 : i32
    %dma_start3A_2598 = tpu.memref_slice %arg4[%mul3A_2344, %dma_start3A_2597] : memref<262144x128xf32, #tpu.memory_space<hbm>> -> memref<128x128xf32, #tpu.memory_space<hbm>>
    %dma_start3A_2599 = arith.constant 0 : i32
    %dma_start3A_2600 = tpu.memref_slice %arg4[%mul3A_2344, %dma_start3A_2599] : memref<262144x128xf32, #tpu.memory_space<hbm>> -> memref<128x128xf32, #tpu.memory_space<hbm>>
    tpu.enqueue_dma source(%arg5 : memref<128x128xf32, #tpu.memory_space<vmem>>) target(%dma_start3A_2600 : memref<128x128xf32, #tpu.memory_space<hbm>>) target_semaphore(%arg7 : memref<!tpu.dma_semaphore, #tpu.memory_space<semaphore_mem>>)
    %dma_start3A_2601 = arith.constant 0 : i32
    %dma_start3A_2602 = tpu.memref_slice %arg4[%mul3A_2348, %dma_start3A_2601] : memref<262144x128xf32, #tpu.memory_space<hbm>> -> memref<128x128xf32, #tpu.memory_space<hbm>>
    %dma_start3A_2603 = arith.constant 0 : i32
    %dma_start3A_2604 = tpu.memref_slice %arg4[%mul3A_2348, %dma_start3A_2603] : memref<262144x128xf32, #tpu.memory_space<hbm>> -> memref<128x128xf32, #tpu.memory_space<hbm>>
    tpu.enqueue_dma source(%arg5 : memref<128x128xf32, #tpu.memory_space<vmem>>) target(%dma_start3A_2604 : memref<128x128xf32, #tpu.memory_space<hbm>>) target_semaphore(%arg7 : memref<!tpu.dma_semaphore, #tpu.memory_space<semaphore_mem>>)
    %dma_start3A_2605 = arith.constant 0 : i32
    %dma_start3A_2606 = tpu.memref_slice %arg4[%mul3A_2352, %dma_start3A_2605] : memref<262144x128xf32, #tpu.memory_space<hbm>> -> memref<128x128xf32, #tpu.memory_space<hbm>>
    %dma_start3A_2607 = arith.constant 0 : i32
    %dma_start3A_2608 = tpu.memref_slice %arg4[%mul3A_2352, %dma_start3A_2607] : memref<262144x128xf32, #tpu.memory_space<hbm>> -> memref<128x128xf32, #tpu.memory_space<hbm>>
    tpu.enqueue_dma source(%arg5 : memref<128x128xf32, #tpu.memory_space<vmem>>) target(%dma_start3A_2608 : memref<128x128xf32, #tpu.memory_space<hbm>>) target_semaphore(%arg7 : memref<!tpu.dma_semaphore, #tpu.memory_space<semaphore_mem>>)
    %dma_start3A_2609 = arith.constant 0 : i32
    %dma_start3A_2610 = tpu.memref_slice %arg4[%mul3A_2356, %dma_start3A_2609] : memref<262144x128xf32, #tpu.memory_space<hbm>> -> memref<128x128xf32, #tpu.memory_space<hbm>>
    %dma_start3A_2611 = arith.constant 0 : i32
    %dma_start3A_2612 = tpu.memref_slice %arg4[%mul3A_2356, %dma_start3A_2611] : memref<262144x128xf32, #tpu.memory_space<hbm>> -> memref<128x128xf32, #tpu.memory_space<hbm>>
    tpu.enqueue_dma source(%arg5 : memref<128x128xf32, #tpu.memory_space<vmem>>) target(%dma_start3A_2612 : memref<128x128xf32, #tpu.memory_space<hbm>>) target_semaphore(%arg7 : memref<!tpu.dma_semaphore, #tpu.memory_space<semaphore_mem>>)
    %dma_start3A_2613 = arith.constant 0 : i32
    %dma_start3A_2614 = tpu.memref_slice %arg4[%mul3A_2360, %dma_start3A_2613] : memref<262144x128xf32, #tpu.memory_space<hbm>> -> memref<128x128xf32, #tpu.memory_space<hbm>>
    %dma_start3A_2615 = arith.constant 0 : i32
    %dma_start3A_2616 = tpu.memref_slice %arg4[%mul3A_2360, %dma_start3A_2615] : memref<262144x128xf32, #tpu.memory_space<hbm>> -> memref<128x128xf32, #tpu.memory_space<hbm>>
    tpu.enqueue_dma source(%arg5 : memref<128x128xf32, #tpu.memory_space<vmem>>) target(%dma_start3A_2616 : memref<128x128xf32, #tpu.memory_space<hbm>>) target_semaphore(%arg7 : memref<!tpu.dma_semaphore, #tpu.memory_space<semaphore_mem>>)
    %dma_start3A_2617 = arith.constant 0 : i32
    %dma_start3A_2618 = tpu.memref_slice %arg4[%mul3A_2364, %dma_start3A_2617] : memref<262144x128xf32, #tpu.memory_space<hbm>> -> memref<128x128xf32, #tpu.memory_space<hbm>>
    %dma_start3A_2619 = arith.constant 0 : i32
    %dma_start3A_2620 = tpu.memref_slice %arg4[%mul3A_2364, %dma_start3A_2619] : memref<262144x128xf32, #tpu.memory_space<hbm>> -> memref<128x128xf32, #tpu.memory_space<hbm>>
    tpu.enqueue_dma source(%arg5 : memref<128x128xf32, #tpu.memory_space<vmem>>) target(%dma_start3A_2620 : memref<128x128xf32, #tpu.memory_space<hbm>>) target_semaphore(%arg7 : memref<!tpu.dma_semaphore, #tpu.memory_space<semaphore_mem>>)
    %dma_start3A_2621 = arith.constant 0 : i32
    %dma_start3A_2622 = tpu.memref_slice %arg4[%mul3A_2368, %dma_start3A_2621] : memref<262144x128xf32, #tpu.memory_space<hbm>> -> memref<128x128xf32, #tpu.memory_space<hbm>>
    %dma_start3A_2623 = arith.constant 0 : i32
    %dma_start3A_2624 = tpu.memref_slice %arg4[%mul3A_2368, %dma_start3A_2623] : memref<262144x128xf32, #tpu.memory_space<hbm>> -> memref<128x128xf32, #tpu.memory_space<hbm>>
    tpu.enqueue_dma source(%arg5 : memref<128x128xf32, #tpu.memory_space<vmem>>) target(%dma_start3A_2624 : memref<128x128xf32, #tpu.memory_space<hbm>>) target_semaphore(%arg7 : memref<!tpu.dma_semaphore, #tpu.memory_space<semaphore_mem>>)
    %dma_start3A_2625 = arith.constant 0 : i32
    %dma_start3A_2626 = tpu.memref_slice %arg4[%mul3A_2372, %dma_start3A_2625] : memref<262144x128xf32, #tpu.memory_space<hbm>> -> memref<128x128xf32, #tpu.memory_space<hbm>>
    %dma_start3A_2627 = arith.constant 0 : i32
    %dma_start3A_2628 = tpu.memref_slice %arg4[%mul3A_2372, %dma_start3A_2627] : memref<262144x128xf32, #tpu.memory_space<hbm>> -> memref<128x128xf32, #tpu.memory_space<hbm>>
    tpu.enqueue_dma source(%arg5 : memref<128x128xf32, #tpu.memory_space<vmem>>) target(%dma_start3A_2628 : memref<128x128xf32, #tpu.memory_space<hbm>>) target_semaphore(%arg7 : memref<!tpu.dma_semaphore, #tpu.memory_space<semaphore_mem>>)
    %dma_start3A_2629 = arith.constant 0 : i32
    %dma_start3A_2630 = tpu.memref_slice %arg4[%mul3A_2376, %dma_start3A_2629] : memref<262144x128xf32, #tpu.memory_space<hbm>> -> memref<128x128xf32, #tpu.memory_space<hbm>>
    %dma_start3A_2631 = arith.constant 0 : i32
    %dma_start3A_2632 = tpu.memref_slice %arg4[%mul3A_2376, %dma_start3A_2631] : memref<262144x128xf32, #tpu.memory_space<hbm>> -> memref<128x128xf32, #tpu.memory_space<hbm>>
    tpu.enqueue_dma source(%arg5 : memref<128x128xf32, #tpu.memory_space<vmem>>) target(%dma_start3A_2632 : memref<128x128xf32, #tpu.memory_space<hbm>>) target_semaphore(%arg7 : memref<!tpu.dma_semaphore, #tpu.memory_space<semaphore_mem>>)
    %dma_start3A_2633 = arith.constant 0 : i32
    %dma_start3A_2634 = tpu.memref_slice %arg4[%mul3A_2380, %dma_start3A_2633] : memref<262144x128xf32, #tpu.memory_space<hbm>> -> memref<128x128xf32, #tpu.memory_space<hbm>>
    %dma_start3A_2635 = arith.constant 0 : i32
    %dma_start3A_2636 = tpu.memref_slice %arg4[%mul3A_2380, %dma_start3A_2635] : memref<262144x128xf32, #tpu.memory_space<hbm>> -> memref<128x128xf32, #tpu.memory_space<hbm>>
    tpu.enqueue_dma source(%arg5 : memref<128x128xf32, #tpu.memory_space<vmem>>) target(%dma_start3A_2636 : memref<128x128xf32, #tpu.memory_space<hbm>>) target_semaphore(%arg7 : memref<!tpu.dma_semaphore, #tpu.memory_space<semaphore_mem>>)
    %dma_start3A_2637 = arith.constant 0 : i32
    %dma_start3A_2638 = tpu.memref_slice %arg4[%mul3A_2384, %dma_start3A_2637] : memref<262144x128xf32, #tpu.memory_space<hbm>> -> memref<128x128xf32, #tpu.memory_space<hbm>>
    %dma_start3A_2639 = arith.constant 0 : i32
    %dma_start3A_2640 = tpu.memref_slice %arg4[%mul3A_2384, %dma_start3A_2639] : memref<262144x128xf32, #tpu.memory_space<hbm>> -> memref<128x128xf32, #tpu.memory_space<hbm>>
    tpu.enqueue_dma source(%arg5 : memref<128x128xf32, #tpu.memory_space<vmem>>) target(%dma_start3A_2640 : memref<128x128xf32, #tpu.memory_space<hbm>>) target_semaphore(%arg7 : memref<!tpu.dma_semaphore, #tpu.memory_space<semaphore_mem>>)
    %dma_start3A_2641 = arith.constant 0 : i32
    %dma_start3A_2642 = tpu.memref_slice %arg4[%mul3A_2388, %dma_start3A_2641] : memref<262144x128xf32, #tpu.memory_space<hbm>> -> memref<128x128xf32, #tpu.memory_space<hbm>>
    %dma_start3A_2643 = arith.constant 0 : i32
    %dma_start3A_2644 = tpu.memref_slice %arg4[%mul3A_2388, %dma_start3A_2643] : memref<262144x128xf32, #tpu.memory_space<hbm>> -> memref<128x128xf32, #tpu.memory_space<hbm>>
    tpu.enqueue_dma source(%arg5 : memref<128x128xf32, #tpu.memory_space<vmem>>) target(%dma_start3A_2644 : memref<128x128xf32, #tpu.memory_space<hbm>>) target_semaphore(%arg7 : memref<!tpu.dma_semaphore, #tpu.memory_space<semaphore_mem>>)
    %dma_start3A_2645 = arith.constant 0 : i32
    %dma_start3A_2646 = tpu.memref_slice %arg4[%mul3A_2392, %dma_start3A_2645] : memref<262144x128xf32, #tpu.memory_space<hbm>> -> memref<128x128xf32, #tpu.memory_space<hbm>>
    %dma_start3A_2647 = arith.constant 0 : i32
    %dma_start3A_2648 = tpu.memref_slice %arg4[%mul3A_2392, %dma_start3A_2647] : memref<262144x128xf32, #tpu.memory_space<hbm>> -> memref<128x128xf32, #tpu.memory_space<hbm>>
    tpu.enqueue_dma source(%arg5 : memref<128x128xf32, #tpu.memory_space<vmem>>) target(%dma_start3A_2648 : memref<128x128xf32, #tpu.memory_space<hbm>>) target_semaphore(%arg7 : memref<!tpu.dma_semaphore, #tpu.memory_space<semaphore_mem>>)
    %dma_start3A_2649 = arith.constant 0 : i32
    %dma_start3A_2650 = tpu.memref_slice %arg4[%mul3A_2396, %dma_start3A_2649] : memref<262144x128xf32, #tpu.memory_space<hbm>> -> memref<128x128xf32, #tpu.memory_space<hbm>>
    %dma_start3A_2651 = arith.constant 0 : i32
    %dma_start3A_2652 = tpu.memref_slice %arg4[%mul3A_2396, %dma_start3A_2651] : memref<262144x128xf32, #tpu.memory_space<hbm>> -> memref<128x128xf32, #tpu.memory_space<hbm>>
    tpu.enqueue_dma source(%arg5 : memref<128x128xf32, #tpu.memory_space<vmem>>) target(%dma_start3A_2652 : memref<128x128xf32, #tpu.memory_space<hbm>>) target_semaphore(%arg7 : memref<!tpu.dma_semaphore, #tpu.memory_space<semaphore_mem>>)
    %dma_start3A_2653 = arith.constant 0 : i32
    %dma_start3A_2654 = tpu.memref_slice %arg4[%mul3A_2400, %dma_start3A_2653] : memref<262144x128xf32, #tpu.memory_space<hbm>> -> memref<128x128xf32, #tpu.memory_space<hbm>>
    %dma_start3A_2655 = arith.constant 0 : i32
    %dma_start3A_2656 = tpu.memref_slice %arg4[%mul3A_2400, %dma_start3A_2655] : memref<262144x128xf32, #tpu.memory_space<hbm>> -> memref<128x128xf32, #tpu.memory_space<hbm>>
    tpu.enqueue_dma source(%arg5 : memref<128x128xf32, #tpu.memory_space<vmem>>) target(%dma_start3A_2656 : memref<128x128xf32, #tpu.memory_space<hbm>>) target_semaphore(%arg7 : memref<!tpu.dma_semaphore, #tpu.memory_space<semaphore_mem>>)
    %dma_start3A_2657 = arith.constant 0 : i32
    %dma_start3A_2658 = tpu.memref_slice %arg4[%mul3A_2404, %dma_start3A_2657] : memref<262144x128xf32, #tpu.memory_space<hbm>> -> memref<128x128xf32, #tpu.memory_space<hbm>>
    %dma_start3A_2659 = arith.constant 0 : i32
    %dma_start3A_2660 = tpu.memref_slice %arg4[%mul3A_2404, %dma_start3A_2659] : memref<262144x128xf32, #tpu.memory_space<hbm>> -> memref<128x128xf32, #tpu.memory_space<hbm>>
    tpu.enqueue_dma source(%arg5 : memref<128x128xf32, #tpu.memory_space<vmem>>) target(%dma_start3A_2660 : memref<128x128xf32, #tpu.memory_space<hbm>>) target_semaphore(%arg7 : memref<!tpu.dma_semaphore, #tpu.memory_space<semaphore_mem>>)
    %dma_start3A_2661 = arith.constant 0 : i32
    %dma_start3A_2662 = tpu.memref_slice %arg4[%mul3A_2408, %dma_start3A_2661] : memref<262144x128xf32, #tpu.memory_space<hbm>> -> memref<128x128xf32, #tpu.memory_space<hbm>>
    %dma_start3A_2663 = arith.constant 0 : i32
    %dma_start3A_2664 = tpu.memref_slice %arg4[%mul3A_2408, %dma_start3A_2663] : memref<262144x128xf32, #tpu.memory_space<hbm>> -> memref<128x128xf32, #tpu.memory_space<hbm>>
    tpu.enqueue_dma source(%arg5 : memref<128x128xf32, #tpu.memory_space<vmem>>) target(%dma_start3A_2664 : memref<128x128xf32, #tpu.memory_space<hbm>>) target_semaphore(%arg7 : memref<!tpu.dma_semaphore, #tpu.memory_space<semaphore_mem>>)
    %dma_start3A_2665 = arith.constant 0 : i32
    %dma_start3A_2666 = tpu.memref_slice %arg4[%mul3A_2412, %dma_start3A_2665] : memref<262144x128xf32, #tpu.memory_space<hbm>> -> memref<128x128xf32, #tpu.memory_space<hbm>>
    %dma_start3A_2667 = arith.constant 0 : i32
    %dma_start3A_2668 = tpu.memref_slice %arg4[%mul3A_2412, %dma_start3A_2667] : memref<262144x128xf32, #tpu.memory_space<hbm>> -> memref<128x128xf32, #tpu.memory_space<hbm>>
    tpu.enqueue_dma source(%arg5 : memref<128x128xf32, #tpu.memory_space<vmem>>) target(%dma_start3A_2668 : memref<128x128xf32, #tpu.memory_space<hbm>>) target_semaphore(%arg7 : memref<!tpu.dma_semaphore, #tpu.memory_space<semaphore_mem>>)
    %dma_start3A_2669 = arith.constant 0 : i32
    %dma_start3A_2670 = tpu.memref_slice %arg4[%mul3A_2416, %dma_start3A_2669] : memref<262144x128xf32, #tpu.memory_space<hbm>> -> memref<128x128xf32, #tpu.memory_space<hbm>>
    %dma_start3A_2671 = arith.constant 0 : i32
    %dma_start3A_2672 = tpu.memref_slice %arg4[%mul3A_2416, %dma_start3A_2671] : memref<262144x128xf32, #tpu.memory_space<hbm>> -> memref<128x128xf32, #tpu.memory_space<hbm>>
    tpu.enqueue_dma source(%arg5 : memref<128x128xf32, #tpu.memory_space<vmem>>) target(%dma_start3A_2672 : memref<128x128xf32, #tpu.memory_space<hbm>>) target_semaphore(%arg7 : memref<!tpu.dma_semaphore, #tpu.memory_space<semaphore_mem>>)
    %dma_start3A_2673 = arith.constant 0 : i32
    %dma_start3A_2674 = tpu.memref_slice %arg4[%mul3A_2420, %dma_start3A_2673] : memref<262144x128xf32, #tpu.memory_space<hbm>> -> memref<128x128xf32, #tpu.memory_space<hbm>>
    %dma_start3A_2675 = arith.constant 0 : i32
    %dma_start3A_2676 = tpu.memref_slice %arg4[%mul3A_2420, %dma_start3A_2675] : memref<262144x128xf32, #tpu.memory_space<hbm>> -> memref<128x128xf32, #tpu.memory_space<hbm>>
    tpu.enqueue_dma source(%arg5 : memref<128x128xf32, #tpu.memory_space<vmem>>) target(%dma_start3A_2676 : memref<128x128xf32, #tpu.memory_space<hbm>>) target_semaphore(%arg7 : memref<!tpu.dma_semaphore, #tpu.memory_space<semaphore_mem>>)
    %dma_start3A_2677 = arith.constant 0 : i32
    %dma_start3A_2678 = tpu.memref_slice %arg4[%mul3A_2424, %dma_start3A_2677] : memref<262144x128xf32, #tpu.memory_space<hbm>> -> memref<128x128xf32, #tpu.memory_space<hbm>>
    %dma_start3A_2679 = arith.constant 0 : i32
    %dma_start3A_2680 = tpu.memref_slice %arg4[%mul3A_2424, %dma_start3A_2679] : memref<262144x128xf32, #tpu.memory_space<hbm>> -> memref<128x128xf32, #tpu.memory_space<hbm>>
    tpu.enqueue_dma source(%arg5 : memref<128x128xf32, #tpu.memory_space<vmem>>) target(%dma_start3A_2680 : memref<128x128xf32, #tpu.memory_space<hbm>>) target_semaphore(%arg7 : memref<!tpu.dma_semaphore, #tpu.memory_space<semaphore_mem>>)
    %dma_start3A_2681 = arith.constant 0 : i32
    %dma_start3A_2682 = tpu.memref_slice %arg4[%mul3A_2428, %dma_start3A_2681] : memref<262144x128xf32, #tpu.memory_space<hbm>> -> memref<128x128xf32, #tpu.memory_space<hbm>>
    %dma_start3A_2683 = arith.constant 0 : i32
    %dma_start3A_2684 = tpu.memref_slice %arg4[%mul3A_2428, %dma_start3A_2683] : memref<262144x128xf32, #tpu.memory_space<hbm>> -> memref<128x128xf32, #tpu.memory_space<hbm>>
    tpu.enqueue_dma source(%arg5 : memref<128x128xf32, #tpu.memory_space<vmem>>) target(%dma_start3A_2684 : memref<128x128xf32, #tpu.memory_space<hbm>>) target_semaphore(%arg7 : memref<!tpu.dma_semaphore, #tpu.memory_space<semaphore_mem>>)
    %dma_start3A_2685 = arith.constant 0 : i32
    %dma_start3A_2686 = tpu.memref_slice %arg4[%mul3A_2432, %dma_start3A_2685] : memref<262144x128xf32, #tpu.memory_space<hbm>> -> memref<128x128xf32, #tpu.memory_space<hbm>>
    %dma_start3A_2687 = arith.constant 0 : i32
    %dma_start3A_2688 = tpu.memref_slice %arg4[%mul3A_2432, %dma_start3A_2687] : memref<262144x128xf32, #tpu.memory_space<hbm>> -> memref<128x128xf32, #tpu.memory_space<hbm>>
    tpu.enqueue_dma source(%arg5 : memref<128x128xf32, #tpu.memory_space<vmem>>) target(%dma_start3A_2688 : memref<128x128xf32, #tpu.memory_space<hbm>>) target_semaphore(%arg7 : memref<!tpu.dma_semaphore, #tpu.memory_space<semaphore_mem>>)
    %dma_start3A_2689 = arith.constant 0 : i32
    %dma_start3A_2690 = tpu.memref_slice %arg4[%mul3A_2436, %dma_start3A_2689] : memref<262144x128xf32, #tpu.memory_space<hbm>> -> memref<128x128xf32, #tpu.memory_space<hbm>>
    %dma_start3A_2691 = arith.constant 0 : i32
    %dma_start3A_2692 = tpu.memref_slice %arg4[%mul3A_2436, %dma_start3A_2691] : memref<262144x128xf32, #tpu.memory_space<hbm>> -> memref<128x128xf32, #tpu.memory_space<hbm>>
    tpu.enqueue_dma source(%arg5 : memref<128x128xf32, #tpu.memory_space<vmem>>) target(%dma_start3A_2692 : memref<128x128xf32, #tpu.memory_space<hbm>>) target_semaphore(%arg7 : memref<!tpu.dma_semaphore, #tpu.memory_space<semaphore_mem>>)
    %dma_start3A_2693 = arith.constant 0 : i32
    %dma_start3A_2694 = tpu.memref_slice %arg4[%mul3A_2440, %dma_start3A_2693] : memref<262144x128xf32, #tpu.memory_space<hbm>> -> memref<128x128xf32, #tpu.memory_space<hbm>>
    %dma_start3A_2695 = arith.constant 0 : i32
    %dma_start3A_2696 = tpu.memref_slice %arg4[%mul3A_2440, %dma_start3A_2695] : memref<262144x128xf32, #tpu.memory_space<hbm>> -> memref<128x128xf32, #tpu.memory_space<hbm>>
    tpu.enqueue_dma source(%arg5 : memref<128x128xf32, #tpu.memory_space<vmem>>) target(%dma_start3A_2696 : memref<128x128xf32, #tpu.memory_space<hbm>>) target_semaphore(%arg7 : memref<!tpu.dma_semaphore, #tpu.memory_space<semaphore_mem>>)
    %dma_start3A_2697 = arith.constant 0 : i32
    %dma_start3A_2698 = tpu.memref_slice %arg4[%mul3A_2444, %dma_start3A_2697] : memref<262144x128xf32, #tpu.memory_space<hbm>> -> memref<128x128xf32, #tpu.memory_space<hbm>>
    %dma_start3A_2699 = arith.constant 0 : i32
    %dma_start3A_2700 = tpu.memref_slice %arg4[%mul3A_2444, %dma_start3A_2699] : memref<262144x128xf32, #tpu.memory_space<hbm>> -> memref<128x128xf32, #tpu.memory_space<hbm>>
    tpu.enqueue_dma source(%arg5 : memref<128x128xf32, #tpu.memory_space<vmem>>) target(%dma_start3A_2700 : memref<128x128xf32, #tpu.memory_space<hbm>>) target_semaphore(%arg7 : memref<!tpu.dma_semaphore, #tpu.memory_space<semaphore_mem>>)
    %dma_start3A_2701 = arith.constant 0 : i32
    %dma_start3A_2702 = tpu.memref_slice %arg4[%mul3A_2448, %dma_start3A_2701] : memref<262144x128xf32, #tpu.memory_space<hbm>> -> memref<128x128xf32, #tpu.memory_space<hbm>>
    %dma_start3A_2703 = arith.constant 0 : i32
    %dma_start3A_2704 = tpu.memref_slice %arg4[%mul3A_2448, %dma_start3A_2703] : memref<262144x128xf32, #tpu.memory_space<hbm>> -> memref<128x128xf32, #tpu.memory_space<hbm>>
    tpu.enqueue_dma source(%arg5 : memref<128x128xf32, #tpu.memory_space<vmem>>) target(%dma_start3A_2704 : memref<128x128xf32, #tpu.memory_space<hbm>>) target_semaphore(%arg7 : memref<!tpu.dma_semaphore, #tpu.memory_space<semaphore_mem>>)
    %dma_start3A_2705 = arith.constant 0 : i32
    %dma_start3A_2706 = tpu.memref_slice %arg4[%mul3A_2452, %dma_start3A_2705] : memref<262144x128xf32, #tpu.memory_space<hbm>> -> memref<128x128xf32, #tpu.memory_space<hbm>>
    %dma_start3A_2707 = arith.constant 0 : i32
    %dma_start3A_2708 = tpu.memref_slice %arg4[%mul3A_2452, %dma_start3A_2707] : memref<262144x128xf32, #tpu.memory_space<hbm>> -> memref<128x128xf32, #tpu.memory_space<hbm>>
    tpu.enqueue_dma source(%arg5 : memref<128x128xf32, #tpu.memory_space<vmem>>) target(%dma_start3A_2708 : memref<128x128xf32, #tpu.memory_space<hbm>>) target_semaphore(%arg7 : memref<!tpu.dma_semaphore, #tpu.memory_space<semaphore_mem>>)
    %dma_start3A_2709 = arith.constant 0 : i32
    %dma_start3A_2710 = tpu.memref_slice %arg4[%mul3A_2456, %dma_start3A_2709] : memref<262144x128xf32, #tpu.memory_space<hbm>> -> memref<128x128xf32, #tpu.memory_space<hbm>>
    %dma_start3A_2711 = arith.constant 0 : i32
    %dma_start3A_2712 = tpu.memref_slice %arg4[%mul3A_2456, %dma_start3A_2711] : memref<262144x128xf32, #tpu.memory_space<hbm>> -> memref<128x128xf32, #tpu.memory_space<hbm>>
    tpu.enqueue_dma source(%arg5 : memref<128x128xf32, #tpu.memory_space<vmem>>) target(%dma_start3A_2712 : memref<128x128xf32, #tpu.memory_space<hbm>>) target_semaphore(%arg7 : memref<!tpu.dma_semaphore, #tpu.memory_space<semaphore_mem>>)
    %dma_start3A_2713 = arith.constant 0 : i32
    %dma_start3A_2714 = tpu.memref_slice %arg4[%mul3A_2460, %dma_start3A_2713] : memref<262144x128xf32, #tpu.memory_space<hbm>> -> memref<128x128xf32, #tpu.memory_space<hbm>>
    %dma_start3A_2715 = arith.constant 0 : i32
    %dma_start3A_2716 = tpu.memref_slice %arg4[%mul3A_2460, %dma_start3A_2715] : memref<262144x128xf32, #tpu.memory_space<hbm>> -> memref<128x128xf32, #tpu.memory_space<hbm>>
    tpu.enqueue_dma source(%arg5 : memref<128x128xf32, #tpu.memory_space<vmem>>) target(%dma_start3A_2716 : memref<128x128xf32, #tpu.memory_space<hbm>>) target_semaphore(%arg7 : memref<!tpu.dma_semaphore, #tpu.memory_space<semaphore_mem>>)
    %dma_start3A_2717 = arith.constant 0 : i32
    %dma_start3A_2718 = tpu.memref_slice %arg4[%mul3A_2464, %dma_start3A_2717] : memref<262144x128xf32, #tpu.memory_space<hbm>> -> memref<128x128xf32, #tpu.memory_space<hbm>>
    %dma_start3A_2719 = arith.constant 0 : i32
    %dma_start3A_2720 = tpu.memref_slice %arg4[%mul3A_2464, %dma_start3A_2719] : memref<262144x128xf32, #tpu.memory_space<hbm>> -> memref<128x128xf32, #tpu.memory_space<hbm>>
    tpu.enqueue_dma source(%arg5 : memref<128x128xf32, #tpu.memory_space<vmem>>) target(%dma_start3A_2720 : memref<128x128xf32, #tpu.memory_space<hbm>>) target_semaphore(%arg7 : memref<!tpu.dma_semaphore, #tpu.memory_space<semaphore_mem>>)
    %dma_start3A_2721 = arith.constant 0 : i32
    %dma_start3A_2722 = tpu.memref_slice %arg4[%mul3A_2468, %dma_start3A_2721] : memref<262144x128xf32, #tpu.memory_space<hbm>> -> memref<128x128xf32, #tpu.memory_space<hbm>>
    %dma_start3A_2723 = arith.constant 0 : i32
    %dma_start3A_2724 = tpu.memref_slice %arg4[%mul3A_2468, %dma_start3A_2723] : memref<262144x128xf32, #tpu.memory_space<hbm>> -> memref<128x128xf32, #tpu.memory_space<hbm>>
    tpu.enqueue_dma source(%arg5 : memref<128x128xf32, #tpu.memory_space<vmem>>) target(%dma_start3A_2724 : memref<128x128xf32, #tpu.memory_space<hbm>>) target_semaphore(%arg7 : memref<!tpu.dma_semaphore, #tpu.memory_space<semaphore_mem>>)
    %dma_start3A_2725 = arith.constant 0 : i32
    %dma_start3A_2726 = tpu.memref_slice %arg4[%mul3A_2472, %dma_start3A_2725] : memref<262144x128xf32, #tpu.memory_space<hbm>> -> memref<128x128xf32, #tpu.memory_space<hbm>>
    %dma_start3A_2727 = arith.constant 0 : i32
    %dma_start3A_2728 = tpu.memref_slice %arg4[%mul3A_2472, %dma_start3A_2727] : memref<262144x128xf32, #tpu.memory_space<hbm>> -> memref<128x128xf32, #tpu.memory_space<hbm>>
    tpu.enqueue_dma source(%arg5 : memref<128x128xf32, #tpu.memory_space<vmem>>) target(%dma_start3A_2728 : memref<128x128xf32, #tpu.memory_space<hbm>>) target_semaphore(%arg7 : memref<!tpu.dma_semaphore, #tpu.memory_space<semaphore_mem>>)
    %dma_start3A_2729 = arith.constant 0 : i32
    %dma_start3A_2730 = tpu.memref_slice %arg4[%mul3A_2476, %dma_start3A_2729] : memref<262144x128xf32, #tpu.memory_space<hbm>> -> memref<128x128xf32, #tpu.memory_space<hbm>>
    %dma_start3A_2731 = arith.constant 0 : i32
    %dma_start3A_2732 = tpu.memref_slice %arg4[%mul3A_2476, %dma_start3A_2731] : memref<262144x128xf32, #tpu.memory_space<hbm>> -> memref<128x128xf32, #tpu.memory_space<hbm>>
    tpu.enqueue_dma source(%arg5 : memref<128x128xf32, #tpu.memory_space<vmem>>) target(%dma_start3A_2732 : memref<128x128xf32, #tpu.memory_space<hbm>>) target_semaphore(%arg7 : memref<!tpu.dma_semaphore, #tpu.memory_space<semaphore_mem>>)
    %dma_start3A_2733 = arith.constant 0 : i32
    %dma_start3A_2734 = tpu.memref_slice %arg4[%mul3A_2480, %dma_start3A_2733] : memref<262144x128xf32, #tpu.memory_space<hbm>> -> memref<128x128xf32, #tpu.memory_space<hbm>>
    %dma_start3A_2735 = arith.constant 0 : i32
    %dma_start3A_2736 = tpu.memref_slice %arg4[%mul3A_2480, %dma_start3A_2735] : memref<262144x128xf32, #tpu.memory_space<hbm>> -> memref<128x128xf32, #tpu.memory_space<hbm>>
    tpu.enqueue_dma source(%arg5 : memref<128x128xf32, #tpu.memory_space<vmem>>) target(%dma_start3A_2736 : memref<128x128xf32, #tpu.memory_space<hbm>>) target_semaphore(%arg7 : memref<!tpu.dma_semaphore, #tpu.memory_space<semaphore_mem>>)
    %dma_start3A_2737 = arith.constant 0 : i32
    %dma_start3A_2738 = tpu.memref_slice %arg4[%mul3A_2484, %dma_start3A_2737] : memref<262144x128xf32, #tpu.memory_space<hbm>> -> memref<128x128xf32, #tpu.memory_space<hbm>>
    %dma_start3A_2739 = arith.constant 0 : i32
    %dma_start3A_2740 = tpu.memref_slice %arg4[%mul3A_2484, %dma_start3A_2739] : memref<262144x128xf32, #tpu.memory_space<hbm>> -> memref<128x128xf32, #tpu.memory_space<hbm>>
    tpu.enqueue_dma source(%arg5 : memref<128x128xf32, #tpu.memory_space<vmem>>) target(%dma_start3A_2740 : memref<128x128xf32, #tpu.memory_space<hbm>>) target_semaphore(%arg7 : memref<!tpu.dma_semaphore, #tpu.memory_space<semaphore_mem>>)
    %dma_start3A_2741 = arith.constant 0 : i32
    %dma_start3A_2742 = tpu.memref_slice %arg4[%mul3A_2488, %dma_start3A_2741] : memref<262144x128xf32, #tpu.memory_space<hbm>> -> memref<128x128xf32, #tpu.memory_space<hbm>>
    %dma_start3A_2743 = arith.constant 0 : i32
    %dma_start3A_2744 = tpu.memref_slice %arg4[%mul3A_2488, %dma_start3A_2743] : memref<262144x128xf32, #tpu.memory_space<hbm>> -> memref<128x128xf32, #tpu.memory_space<hbm>>
    tpu.enqueue_dma source(%arg5 : memref<128x128xf32, #tpu.memory_space<vmem>>) target(%dma_start3A_2744 : memref<128x128xf32, #tpu.memory_space<hbm>>) target_semaphore(%arg7 : memref<!tpu.dma_semaphore, #tpu.memory_space<semaphore_mem>>)
    %dma_start3A_2745 = arith.constant 0 : i32
    %dma_start3A_2746 = tpu.memref_slice %arg4[%mul3A_2492, %dma_start3A_2745] : memref<262144x128xf32, #tpu.memory_space<hbm>> -> memref<128x128xf32, #tpu.memory_space<hbm>>
    %dma_start3A_2747 = arith.constant 0 : i32
    %dma_start3A_2748 = tpu.memref_slice %arg4[%mul3A_2492, %dma_start3A_2747] : memref<262144x128xf32, #tpu.memory_space<hbm>> -> memref<128x128xf32, #tpu.memory_space<hbm>>
    tpu.enqueue_dma source(%arg5 : memref<128x128xf32, #tpu.memory_space<vmem>>) target(%dma_start3A_2748 : memref<128x128xf32, #tpu.memory_space<hbm>>) target_semaphore(%arg7 : memref<!tpu.dma_semaphore, #tpu.memory_space<semaphore_mem>>)
    %dma_start3A_2749 = arith.constant 0 : i32
    %dma_start3A_2750 = tpu.memref_slice %arg4[%mul3A_2496, %dma_start3A_2749] : memref<262144x128xf32, #tpu.memory_space<hbm>> -> memref<128x128xf32, #tpu.memory_space<hbm>>
    %dma_start3A_2751 = arith.constant 0 : i32
    %dma_start3A_2752 = tpu.memref_slice %arg4[%mul3A_2496, %dma_start3A_2751] : memref<262144x128xf32, #tpu.memory_space<hbm>> -> memref<128x128xf32, #tpu.memory_space<hbm>>
    tpu.enqueue_dma source(%arg5 : memref<128x128xf32, #tpu.memory_space<vmem>>) target(%dma_start3A_2752 : memref<128x128xf32, #tpu.memory_space<hbm>>) target_semaphore(%arg7 : memref<!tpu.dma_semaphore, #tpu.memory_space<semaphore_mem>>)
    %dma_start3A_2753 = arith.constant 0 : i32
    %dma_start3A_2754 = tpu.memref_slice %arg4[%mul3A_2500, %dma_start3A_2753] : memref<262144x128xf32, #tpu.memory_space<hbm>> -> memref<128x128xf32, #tpu.memory_space<hbm>>
    %dma_start3A_2755 = arith.constant 0 : i32
    %dma_start3A_2756 = tpu.memref_slice %arg4[%mul3A_2500, %dma_start3A_2755] : memref<262144x128xf32, #tpu.memory_space<hbm>> -> memref<128x128xf32, #tpu.memory_space<hbm>>
    tpu.enqueue_dma source(%arg5 : memref<128x128xf32, #tpu.memory_space<vmem>>) target(%dma_start3A_2756 : memref<128x128xf32, #tpu.memory_space<hbm>>) target_semaphore(%arg7 : memref<!tpu.dma_semaphore, #tpu.memory_space<semaphore_mem>>)
    %dma_start3A_2757 = arith.constant 0 : i32
    %dma_start3A_2758 = tpu.memref_slice %arg4[%mul3A_2504, %dma_start3A_2757] : memref<262144x128xf32, #tpu.memory_space<hbm>> -> memref<128x128xf32, #tpu.memory_space<hbm>>
    %dma_start3A_2759 = arith.constant 0 : i32
    %dma_start3A_2760 = tpu.memref_slice %arg4[%mul3A_2504, %dma_start3A_2759] : memref<262144x128xf32, #tpu.memory_space<hbm>> -> memref<128x128xf32, #tpu.memory_space<hbm>>
    tpu.enqueue_dma source(%arg5 : memref<128x128xf32, #tpu.memory_space<vmem>>) target(%dma_start3A_2760 : memref<128x128xf32, #tpu.memory_space<hbm>>) target_semaphore(%arg7 : memref<!tpu.dma_semaphore, #tpu.memory_space<semaphore_mem>>)
    %dma_start3A_2761 = arith.constant 0 : i32
    %dma_start3A_2762 = tpu.memref_slice %arg4[%mul3A_2508, %dma_start3A_2761] : memref<262144x128xf32, #tpu.memory_space<hbm>> -> memref<128x128xf32, #tpu.memory_space<hbm>>
    %dma_start3A_2763 = arith.constant 0 : i32
    %dma_start3A_2764 = tpu.memref_slice %arg4[%mul3A_2508, %dma_start3A_2763] : memref<262144x128xf32, #tpu.memory_space<hbm>> -> memref<128x128xf32, #tpu.memory_space<hbm>>
    tpu.enqueue_dma source(%arg5 : memref<128x128xf32, #tpu.memory_space<vmem>>) target(%dma_start3A_2764 : memref<128x128xf32, #tpu.memory_space<hbm>>) target_semaphore(%arg7 : memref<!tpu.dma_semaphore, #tpu.memory_space<semaphore_mem>>)
    %dma_start3A_2765 = arith.constant 0 : i32
    %dma_start3A_2766 = tpu.memref_slice %arg4[%mul3A_2512, %dma_start3A_2765] : memref<262144x128xf32, #tpu.memory_space<hbm>> -> memref<128x128xf32, #tpu.memory_space<hbm>>
    %dma_start3A_2767 = arith.constant 0 : i32
    %dma_start3A_2768 = tpu.memref_slice %arg4[%mul3A_2512, %dma_start3A_2767] : memref<262144x128xf32, #tpu.memory_space<hbm>> -> memref<128x128xf32, #tpu.memory_space<hbm>>
    tpu.enqueue_dma source(%arg5 : memref<128x128xf32, #tpu.memory_space<vmem>>) target(%dma_start3A_2768 : memref<128x128xf32, #tpu.memory_space<hbm>>) target_semaphore(%arg7 : memref<!tpu.dma_semaphore, #tpu.memory_space<semaphore_mem>>)
    %dma_start3A_2769 = arith.constant 0 : i32
    %dma_start3A_2770 = tpu.memref_slice %arg4[%mul3A_2516, %dma_start3A_2769] : memref<262144x128xf32, #tpu.memory_space<hbm>> -> memref<128x128xf32, #tpu.memory_space<hbm>>
    %dma_start3A_2771 = arith.constant 0 : i32
    %dma_start3A_2772 = tpu.memref_slice %arg4[%mul3A_2516, %dma_start3A_2771] : memref<262144x128xf32, #tpu.memory_space<hbm>> -> memref<128x128xf32, #tpu.memory_space<hbm>>
    tpu.enqueue_dma source(%arg5 : memref<128x128xf32, #tpu.memory_space<vmem>>) target(%dma_start3A_2772 : memref<128x128xf32, #tpu.memory_space<hbm>>) target_semaphore(%arg7 : memref<!tpu.dma_semaphore, #tpu.memory_space<semaphore_mem>>)
    %dma_start3A_2773 = arith.constant 0 : i32
    %dma_start3A_2774 = tpu.memref_slice %arg4[%mul3A_2520, %dma_start3A_2773] : memref<262144x128xf32, #tpu.memory_space<hbm>> -> memref<128x128xf32, #tpu.memory_space<hbm>>
    %dma_start3A_2775 = arith.constant 0 : i32
    %dma_start3A_2776 = tpu.memref_slice %arg4[%mul3A_2520, %dma_start3A_2775] : memref<262144x128xf32, #tpu.memory_space<hbm>> -> memref<128x128xf32, #tpu.memory_space<hbm>>
    tpu.enqueue_dma source(%arg5 : memref<128x128xf32, #tpu.memory_space<vmem>>) target(%dma_start3A_2776 : memref<128x128xf32, #tpu.memory_space<hbm>>) target_semaphore(%arg7 : memref<!tpu.dma_semaphore, #tpu.memory_space<semaphore_mem>>)
    %dma_start3A_2777 = arith.constant 0 : i32
    %dma_start3A_2778 = tpu.memref_slice %arg4[%mul3A_2524, %dma_start3A_2777] : memref<262144x128xf32, #tpu.memory_space<hbm>> -> memref<128x128xf32, #tpu.memory_space<hbm>>
    %dma_start3A_2779 = arith.constant 0 : i32
    %dma_start3A_2780 = tpu.memref_slice %arg4[%mul3A_2524, %dma_start3A_2779] : memref<262144x128xf32, #tpu.memory_space<hbm>> -> memref<128x128xf32, #tpu.memory_space<hbm>>
    tpu.enqueue_dma source(%arg5 : memref<128x128xf32, #tpu.memory_space<vmem>>) target(%dma_start3A_2780 : memref<128x128xf32, #tpu.memory_space<hbm>>) target_semaphore(%arg7 : memref<!tpu.dma_semaphore, #tpu.memory_space<semaphore_mem>>)
    %dma_start3A_2781 = arith.constant 0 : i32
    %dma_start3A_2782 = tpu.memref_slice %arg4[%mul3A_2528, %dma_start3A_2781] : memref<262144x128xf32, #tpu.memory_space<hbm>> -> memref<128x128xf32, #tpu.memory_space<hbm>>
    %dma_start3A_2783 = arith.constant 0 : i32
    %dma_start3A_2784 = tpu.memref_slice %arg4[%mul3A_2528, %dma_start3A_2783] : memref<262144x128xf32, #tpu.memory_space<hbm>> -> memref<128x128xf32, #tpu.memory_space<hbm>>
    tpu.enqueue_dma source(%arg5 : memref<128x128xf32, #tpu.memory_space<vmem>>) target(%dma_start3A_2784 : memref<128x128xf32, #tpu.memory_space<hbm>>) target_semaphore(%arg7 : memref<!tpu.dma_semaphore, #tpu.memory_space<semaphore_mem>>)
    %dma_start3A_2785 = arith.constant 0 : i32
    %dma_start3A_2786 = tpu.memref_slice %arg4[%mul3A_2532, %dma_start3A_2785] : memref<262144x128xf32, #tpu.memory_space<hbm>> -> memref<128x128xf32, #tpu.memory_space<hbm>>
    %dma_start3A_2787 = arith.constant 0 : i32
    %dma_start3A_2788 = tpu.memref_slice %arg4[%mul3A_2532, %dma_start3A_2787] : memref<262144x128xf32, #tpu.memory_space<hbm>> -> memref<128x128xf32, #tpu.memory_space<hbm>>
    tpu.enqueue_dma source(%arg5 : memref<128x128xf32, #tpu.memory_space<vmem>>) target(%dma_start3A_2788 : memref<128x128xf32, #tpu.memory_space<hbm>>) target_semaphore(%arg7 : memref<!tpu.dma_semaphore, #tpu.memory_space<semaphore_mem>>)
    %dma_start3A_2789 = arith.constant 0 : i32
    %dma_start3A_2790 = tpu.memref_slice %arg4[%mul3A_2536, %dma_start3A_2789] : memref<262144x128xf32, #tpu.memory_space<hbm>> -> memref<128x128xf32, #tpu.memory_space<hbm>>
    %dma_start3A_2791 = arith.constant 0 : i32
    %dma_start3A_2792 = tpu.memref_slice %arg4[%mul3A_2536, %dma_start3A_2791] : memref<262144x128xf32, #tpu.memory_space<hbm>> -> memref<128x128xf32, #tpu.memory_space<hbm>>
    tpu.enqueue_dma source(%arg5 : memref<128x128xf32, #tpu.memory_space<vmem>>) target(%dma_start3A_2792 : memref<128x128xf32, #tpu.memory_space<hbm>>) target_semaphore(%arg7 : memref<!tpu.dma_semaphore, #tpu.memory_space<semaphore_mem>>)
    %dma_start3A_2793 = arith.constant 0 : i32
    %dma_start3A_2794 = tpu.memref_slice %arg4[%mul3A_2540, %dma_start3A_2793] : memref<262144x128xf32, #tpu.memory_space<hbm>> -> memref<128x128xf32, #tpu.memory_space<hbm>>
    %dma_start3A_2795 = arith.constant 0 : i32
    %dma_start3A_2796 = tpu.memref_slice %arg4[%mul3A_2540, %dma_start3A_2795] : memref<262144x128xf32, #tpu.memory_space<hbm>> -> memref<128x128xf32, #tpu.memory_space<hbm>>
    tpu.enqueue_dma source(%arg5 : memref<128x128xf32, #tpu.memory_space<vmem>>) target(%dma_start3A_2796 : memref<128x128xf32, #tpu.memory_space<hbm>>) target_semaphore(%arg7 : memref<!tpu.dma_semaphore, #tpu.memory_space<semaphore_mem>>)
    %dma_start3A_2797 = arith.constant 0 : i32
    %dma_start3A_2798 = tpu.memref_slice %arg4[%mul3A_2544, %dma_start3A_2797] : memref<262144x128xf32, #tpu.memory_space<hbm>> -> memref<128x128xf32, #tpu.memory_space<hbm>>
    %dma_start3A_2799 = arith.constant 0 : i32
    %dma_start3A_2800 = tpu.memref_slice %arg4[%mul3A_2544, %dma_start3A_2799] : memref<262144x128xf32, #tpu.memory_space<hbm>> -> memref<128x128xf32, #tpu.memory_space<hbm>>
    tpu.enqueue_dma source(%arg5 : memref<128x128xf32, #tpu.memory_space<vmem>>) target(%dma_start3A_2800 : memref<128x128xf32, #tpu.memory_space<hbm>>) target_semaphore(%arg7 : memref<!tpu.dma_semaphore, #tpu.memory_space<semaphore_mem>>)
    %dma_start3A_2801 = arith.constant 0 : i32
    %dma_start3A_2802 = tpu.memref_slice %arg4[%mul3A_2548, %dma_start3A_2801] : memref<262144x128xf32, #tpu.memory_space<hbm>> -> memref<128x128xf32, #tpu.memory_space<hbm>>
    %dma_start3A_2803 = arith.constant 0 : i32
    %dma_start3A_2804 = tpu.memref_slice %arg4[%mul3A_2548, %dma_start3A_2803] : memref<262144x128xf32, #tpu.memory_space<hbm>> -> memref<128x128xf32, #tpu.memory_space<hbm>>
    tpu.enqueue_dma source(%arg5 : memref<128x128xf32, #tpu.memory_space<vmem>>) target(%dma_start3A_2804 : memref<128x128xf32, #tpu.memory_space<hbm>>) target_semaphore(%arg7 : memref<!tpu.dma_semaphore, #tpu.memory_space<semaphore_mem>>)
    %dma_start3A_2805 = arith.constant 0 : i32
    %dma_start3A_2806 = tpu.memref_slice %arg4[%mul3A_2552, %dma_start3A_2805] : memref<262144x128xf32, #tpu.memory_space<hbm>> -> memref<128x128xf32, #tpu.memory_space<hbm>>
    %dma_start3A_2807 = arith.constant 0 : i32
    %dma_start3A_2808 = tpu.memref_slice %arg4[%mul3A_2552, %dma_start3A_2807] : memref<262144x128xf32, #tpu.memory_space<hbm>> -> memref<128x128xf32, #tpu.memory_space<hbm>>
    tpu.enqueue_dma source(%arg5 : memref<128x128xf32, #tpu.memory_space<vmem>>) target(%dma_start3A_2808 : memref<128x128xf32, #tpu.memory_space<hbm>>) target_semaphore(%arg7 : memref<!tpu.dma_semaphore, #tpu.memory_space<semaphore_mem>>)
    %dma_start3A_2809 = arith.constant 0 : i32
    %dma_start3A_2810 = tpu.memref_slice %arg4[%mul3A_2556, %dma_start3A_2809] : memref<262144x128xf32, #tpu.memory_space<hbm>> -> memref<128x128xf32, #tpu.memory_space<hbm>>
    %dma_start3A_2811 = arith.constant 0 : i32
    %dma_start3A_2812 = tpu.memref_slice %arg4[%mul3A_2556, %dma_start3A_2811] : memref<262144x128xf32, #tpu.memory_space<hbm>> -> memref<128x128xf32, #tpu.memory_space<hbm>>
    tpu.enqueue_dma source(%arg5 : memref<128x128xf32, #tpu.memory_space<vmem>>) target(%dma_start3A_2812 : memref<128x128xf32, #tpu.memory_space<hbm>>) target_semaphore(%arg7 : memref<!tpu.dma_semaphore, #tpu.memory_space<semaphore_mem>>)
    %dma_start3A_2813 = arith.constant 0 : i32
    %dma_start3A_2814 = tpu.memref_slice %arg4[%mul3A_2560, %dma_start3A_2813] : memref<262144x128xf32, #tpu.memory_space<hbm>> -> memref<128x128xf32, #tpu.memory_space<hbm>>
    %dma_start3A_2815 = arith.constant 0 : i32
    %dma_start3A_2816 = tpu.memref_slice %arg4[%mul3A_2560, %dma_start3A_2815] : memref<262144x128xf32, #tpu.memory_space<hbm>> -> memref<128x128xf32, #tpu.memory_space<hbm>>
    tpu.enqueue_dma source(%arg5 : memref<128x128xf32, #tpu.memory_space<vmem>>) target(%dma_start3A_2816 : memref<128x128xf32, #tpu.memory_space<hbm>>) target_semaphore(%arg7 : memref<!tpu.dma_semaphore, #tpu.memory_space<semaphore_mem>>)
    %dma_start3A_2817 = arith.constant 0 : i32
    %dma_start3A_2818 = tpu.memref_slice %arg4[%mul3A_2564, %dma_start3A_2817] : memref<262144x128xf32, #tpu.memory_space<hbm>> -> memref<128x128xf32, #tpu.memory_space<hbm>>
    %dma_start3A_2819 = arith.constant 0 : i32
    %dma_start3A_2820 = tpu.memref_slice %arg4[%mul3A_2564, %dma_start3A_2819] : memref<262144x128xf32, #tpu.memory_space<hbm>> -> memref<128x128xf32, #tpu.memory_space<hbm>>
    tpu.enqueue_dma source(%arg5 : memref<128x128xf32, #tpu.memory_space<vmem>>) target(%dma_start3A_2820 : memref<128x128xf32, #tpu.memory_space<hbm>>) target_semaphore(%arg7 : memref<!tpu.dma_semaphore, #tpu.memory_space<semaphore_mem>>)
    %dma_wait3A_2821 = arith.constant 0 : i32
    %dma_wait3A_2822 = tpu.memref_slice %arg4[%mul3A_2312, %dma_wait3A_2821] : memref<262144x128xf32, #tpu.memory_space<hbm>> -> memref<128x128xf32, #tpu.memory_space<hbm>>
    %dma_wait3A_2823 = arith.constant 0 : i32
    %dma_wait3A_2824 = tpu.memref_slice %arg4[%mul3A_2312, %dma_wait3A_2823] : memref<262144x128xf32, #tpu.memory_space<hbm>> -> memref<128x128xf32, #tpu.memory_space<hbm>>
    tpu.wait_dma2 semaphore(%arg7 : memref<!tpu.dma_semaphore, #tpu.memory_space<semaphore_mem>>) src(%arg5 : memref<128x128xf32, #tpu.memory_space<vmem>>) dst(%dma_wait3A_2824 : memref<128x128xf32, #tpu.memory_space<hbm>>)
    %dma_wait3A_2825 = arith.constant 0 : i32
    %dma_wait3A_2826 = tpu.memref_slice %arg4[%mul3A_2316, %dma_wait3A_2825] : memref<262144x128xf32, #tpu.memory_space<hbm>> -> memref<128x128xf32, #tpu.memory_space<hbm>>
    %dma_wait3A_2827 = arith.constant 0 : i32
    %dma_wait3A_2828 = tpu.memref_slice %arg4[%mul3A_2316, %dma_wait3A_2827] : memref<262144x128xf32, #tpu.memory_space<hbm>> -> memref<128x128xf32, #tpu.memory_space<hbm>>
    tpu.wait_dma2 semaphore(%arg7 : memref<!tpu.dma_semaphore, #tpu.memory_space<semaphore_mem>>) src(%arg5 : memref<128x128xf32, #tpu.memory_space<vmem>>) dst(%dma_wait3A_2828 : memref<128x128xf32, #tpu.memory_space<hbm>>)
    %dma_wait3A_2829 = arith.constant 0 : i32
    %dma_wait3A_2830 = tpu.memref_slice %arg4[%mul3A_2320, %dma_wait3A_2829] : memref<262144x128xf32, #tpu.memory_space<hbm>> -> memref<128x128xf32, #tpu.memory_space<hbm>>
    %dma_wait3A_2831 = arith.constant 0 : i32
    %dma_wait3A_2832 = tpu.memref_slice %arg4[%mul3A_2320, %dma_wait3A_2831] : memref<262144x128xf32, #tpu.memory_space<hbm>> -> memref<128x128xf32, #tpu.memory_space<hbm>>
    tpu.wait_dma2 semaphore(%arg7 : memref<!tpu.dma_semaphore, #tpu.memory_space<semaphore_mem>>) src(%arg5 : memref<128x128xf32, #tpu.memory_space<vmem>>) dst(%dma_wait3A_2832 : memref<128x128xf32, #tpu.memory_space<hbm>>)
    %dma_wait3A_2833 = arith.constant 0 : i32
    %dma_wait3A_2834 = tpu.memref_slice %arg4[%mul3A_2324, %dma_wait3A_2833] : memref<262144x128xf32, #tpu.memory_space<hbm>> -> memref<128x128xf32, #tpu.memory_space<hbm>>
    %dma_wait3A_2835 = arith.constant 0 : i32
    %dma_wait3A_2836 = tpu.memref_slice %arg4[%mul3A_2324, %dma_wait3A_2835] : memref<262144x128xf32, #tpu.memory_space<hbm>> -> memref<128x128xf32, #tpu.memory_space<hbm>>
    tpu.wait_dma2 semaphore(%arg7 : memref<!tpu.dma_semaphore, #tpu.memory_space<semaphore_mem>>) src(%arg5 : memref<128x128xf32, #tpu.memory_space<vmem>>) dst(%dma_wait3A_2836 : memref<128x128xf32, #tpu.memory_space<hbm>>)
    %dma_wait3A_2837 = arith.constant 0 : i32
    %dma_wait3A_2838 = tpu.memref_slice %arg4[%mul3A_2328, %dma_wait3A_2837] : memref<262144x128xf32, #tpu.memory_space<hbm>> -> memref<128x128xf32, #tpu.memory_space<hbm>>
    %dma_wait3A_2839 = arith.constant 0 : i32
    %dma_wait3A_2840 = tpu.memref_slice %arg4[%mul3A_2328, %dma_wait3A_2839] : memref<262144x128xf32, #tpu.memory_space<hbm>> -> memref<128x128xf32, #tpu.memory_space<hbm>>
    tpu.wait_dma2 semaphore(%arg7 : memref<!tpu.dma_semaphore, #tpu.memory_space<semaphore_mem>>) src(%arg5 : memref<128x128xf32, #tpu.memory_space<vmem>>) dst(%dma_wait3A_2840 : memref<128x128xf32, #tpu.memory_space<hbm>>)
    %dma_wait3A_2841 = arith.constant 0 : i32
    %dma_wait3A_2842 = tpu.memref_slice %arg4[%mul3A_2332, %dma_wait3A_2841] : memref<262144x128xf32, #tpu.memory_space<hbm>> -> memref<128x128xf32, #tpu.memory_space<hbm>>
    %dma_wait3A_2843 = arith.constant 0 : i32
    %dma_wait3A_2844 = tpu.memref_slice %arg4[%mul3A_2332, %dma_wait3A_2843] : memref<262144x128xf32, #tpu.memory_space<hbm>> -> memref<128x128xf32, #tpu.memory_space<hbm>>
    tpu.wait_dma2 semaphore(%arg7 : memref<!tpu.dma_semaphore, #tpu.memory_space<semaphore_mem>>) src(%arg5 : memref<128x128xf32, #tpu.memory_space<vmem>>) dst(%dma_wait3A_2844 : memref<128x128xf32, #tpu.memory_space<hbm>>)
    %dma_wait3A_2845 = arith.constant 0 : i32
    %dma_wait3A_2846 = tpu.memref_slice %arg4[%mul3A_2336, %dma_wait3A_2845] : memref<262144x128xf32, #tpu.memory_space<hbm>> -> memref<128x128xf32, #tpu.memory_space<hbm>>
    %dma_wait3A_2847 = arith.constant 0 : i32
    %dma_wait3A_2848 = tpu.memref_slice %arg4[%mul3A_2336, %dma_wait3A_2847] : memref<262144x128xf32, #tpu.memory_space<hbm>> -> memref<128x128xf32, #tpu.memory_space<hbm>>
    tpu.wait_dma2 semaphore(%arg7 : memref<!tpu.dma_semaphore, #tpu.memory_space<semaphore_mem>>) src(%arg5 : memref<128x128xf32, #tpu.memory_space<vmem>>) dst(%dma_wait3A_2848 : memref<128x128xf32, #tpu.memory_space<hbm>>)
    %dma_wait3A_2849 = arith.constant 0 : i32
    %dma_wait3A_2850 = tpu.memref_slice %arg4[%mul3A_2340, %dma_wait3A_2849] : memref<262144x128xf32, #tpu.memory_space<hbm>> -> memref<128x128xf32, #tpu.memory_space<hbm>>
    %dma_wait3A_2851 = arith.constant 0 : i32
    %dma_wait3A_2852 = tpu.memref_slice %arg4[%mul3A_2340, %dma_wait3A_2851] : memref<262144x128xf32, #tpu.memory_space<hbm>> -> memref<128x128xf32, #tpu.memory_space<hbm>>
    tpu.wait_dma2 semaphore(%arg7 : memref<!tpu.dma_semaphore, #tpu.memory_space<semaphore_mem>>) src(%arg5 : memref<128x128xf32, #tpu.memory_space<vmem>>) dst(%dma_wait3A_2852 : memref<128x128xf32, #tpu.memory_space<hbm>>)
    %dma_wait3A_2853 = arith.constant 0 : i32
    %dma_wait3A_2854 = tpu.memref_slice %arg4[%mul3A_2344, %dma_wait3A_2853] : memref<262144x128xf32, #tpu.memory_space<hbm>> -> memref<128x128xf32, #tpu.memory_space<hbm>>
    %dma_wait3A_2855 = arith.constant 0 : i32
    %dma_wait3A_2856 = tpu.memref_slice %arg4[%mul3A_2344, %dma_wait3A_2855] : memref<262144x128xf32, #tpu.memory_space<hbm>> -> memref<128x128xf32, #tpu.memory_space<hbm>>
    tpu.wait_dma2 semaphore(%arg7 : memref<!tpu.dma_semaphore, #tpu.memory_space<semaphore_mem>>) src(%arg5 : memref<128x128xf32, #tpu.memory_space<vmem>>) dst(%dma_wait3A_2856 : memref<128x128xf32, #tpu.memory_space<hbm>>)
    %dma_wait3A_2857 = arith.constant 0 : i32
    %dma_wait3A_2858 = tpu.memref_slice %arg4[%mul3A_2348, %dma_wait3A_2857] : memref<262144x128xf32, #tpu.memory_space<hbm>> -> memref<128x128xf32, #tpu.memory_space<hbm>>
    %dma_wait3A_2859 = arith.constant 0 : i32
    %dma_wait3A_2860 = tpu.memref_slice %arg4[%mul3A_2348, %dma_wait3A_2859] : memref<262144x128xf32, #tpu.memory_space<hbm>> -> memref<128x128xf32, #tpu.memory_space<hbm>>
    tpu.wait_dma2 semaphore(%arg7 : memref<!tpu.dma_semaphore, #tpu.memory_space<semaphore_mem>>) src(%arg5 : memref<128x128xf32, #tpu.memory_space<vmem>>) dst(%dma_wait3A_2860 : memref<128x128xf32, #tpu.memory_space<hbm>>)
    %dma_wait3A_2861 = arith.constant 0 : i32
    %dma_wait3A_2862 = tpu.memref_slice %arg4[%mul3A_2352, %dma_wait3A_2861] : memref<262144x128xf32, #tpu.memory_space<hbm>> -> memref<128x128xf32, #tpu.memory_space<hbm>>
    %dma_wait3A_2863 = arith.constant 0 : i32
    %dma_wait3A_2864 = tpu.memref_slice %arg4[%mul3A_2352, %dma_wait3A_2863] : memref<262144x128xf32, #tpu.memory_space<hbm>> -> memref<128x128xf32, #tpu.memory_space<hbm>>
    tpu.wait_dma2 semaphore(%arg7 : memref<!tpu.dma_semaphore, #tpu.memory_space<semaphore_mem>>) src(%arg5 : memref<128x128xf32, #tpu.memory_space<vmem>>) dst(%dma_wait3A_2864 : memref<128x128xf32, #tpu.memory_space<hbm>>)
    %dma_wait3A_2865 = arith.constant 0 : i32
    %dma_wait3A_2866 = tpu.memref_slice %arg4[%mul3A_2356, %dma_wait3A_2865] : memref<262144x128xf32, #tpu.memory_space<hbm>> -> memref<128x128xf32, #tpu.memory_space<hbm>>
    %dma_wait3A_2867 = arith.constant 0 : i32
    %dma_wait3A_2868 = tpu.memref_slice %arg4[%mul3A_2356, %dma_wait3A_2867] : memref<262144x128xf32, #tpu.memory_space<hbm>> -> memref<128x128xf32, #tpu.memory_space<hbm>>
    tpu.wait_dma2 semaphore(%arg7 : memref<!tpu.dma_semaphore, #tpu.memory_space<semaphore_mem>>) src(%arg5 : memref<128x128xf32, #tpu.memory_space<vmem>>) dst(%dma_wait3A_2868 : memref<128x128xf32, #tpu.memory_space<hbm>>)
    %dma_wait3A_2869 = arith.constant 0 : i32
    %dma_wait3A_2870 = tpu.memref_slice %arg4[%mul3A_2360, %dma_wait3A_2869] : memref<262144x128xf32, #tpu.memory_space<hbm>> -> memref<128x128xf32, #tpu.memory_space<hbm>>
    %dma_wait3A_2871 = arith.constant 0 : i32
    %dma_wait3A_2872 = tpu.memref_slice %arg4[%mul3A_2360, %dma_wait3A_2871] : memref<262144x128xf32, #tpu.memory_space<hbm>> -> memref<128x128xf32, #tpu.memory_space<hbm>>
    tpu.wait_dma2 semaphore(%arg7 : memref<!tpu.dma_semaphore, #tpu.memory_space<semaphore_mem>>) src(%arg5 : memref<128x128xf32, #tpu.memory_space<vmem>>) dst(%dma_wait3A_2872 : memref<128x128xf32, #tpu.memory_space<hbm>>)
    %dma_wait3A_2873 = arith.constant 0 : i32
    %dma_wait3A_2874 = tpu.memref_slice %arg4[%mul3A_2364, %dma_wait3A_2873] : memref<262144x128xf32, #tpu.memory_space<hbm>> -> memref<128x128xf32, #tpu.memory_space<hbm>>
    %dma_wait3A_2875 = arith.constant 0 : i32
    %dma_wait3A_2876 = tpu.memref_slice %arg4[%mul3A_2364, %dma_wait3A_2875] : memref<262144x128xf32, #tpu.memory_space<hbm>> -> memref<128x128xf32, #tpu.memory_space<hbm>>
    tpu.wait_dma2 semaphore(%arg7 : memref<!tpu.dma_semaphore, #tpu.memory_space<semaphore_mem>>) src(%arg5 : memref<128x128xf32, #tpu.memory_space<vmem>>) dst(%dma_wait3A_2876 : memref<128x128xf32, #tpu.memory_space<hbm>>)
    %dma_wait3A_2877 = arith.constant 0 : i32
    %dma_wait3A_2878 = tpu.memref_slice %arg4[%mul3A_2368, %dma_wait3A_2877] : memref<262144x128xf32, #tpu.memory_space<hbm>> -> memref<128x128xf32, #tpu.memory_space<hbm>>
    %dma_wait3A_2879 = arith.constant 0 : i32
    %dma_wait3A_2880 = tpu.memref_slice %arg4[%mul3A_2368, %dma_wait3A_2879] : memref<262144x128xf32, #tpu.memory_space<hbm>> -> memref<128x128xf32, #tpu.memory_space<hbm>>
    tpu.wait_dma2 semaphore(%arg7 : memref<!tpu.dma_semaphore, #tpu.memory_space<semaphore_mem>>) src(%arg5 : memref<128x128xf32, #tpu.memory_space<vmem>>) dst(%dma_wait3A_2880 : memref<128x128xf32, #tpu.memory_space<hbm>>)
    %dma_wait3A_2881 = arith.constant 0 : i32
    %dma_wait3A_2882 = tpu.memref_slice %arg4[%mul3A_2372, %dma_wait3A_2881] : memref<262144x128xf32, #tpu.memory_space<hbm>> -> memref<128x128xf32, #tpu.memory_space<hbm>>
    %dma_wait3A_2883 = arith.constant 0 : i32
    %dma_wait3A_2884 = tpu.memref_slice %arg4[%mul3A_2372, %dma_wait3A_2883] : memref<262144x128xf32, #tpu.memory_space<hbm>> -> memref<128x128xf32, #tpu.memory_space<hbm>>
    tpu.wait_dma2 semaphore(%arg7 : memref<!tpu.dma_semaphore, #tpu.memory_space<semaphore_mem>>) src(%arg5 : memref<128x128xf32, #tpu.memory_space<vmem>>) dst(%dma_wait3A_2884 : memref<128x128xf32, #tpu.memory_space<hbm>>)
    %dma_wait3A_2885 = arith.constant 0 : i32
    %dma_wait3A_2886 = tpu.memref_slice %arg4[%mul3A_2376, %dma_wait3A_2885] : memref<262144x128xf32, #tpu.memory_space<hbm>> -> memref<128x128xf32, #tpu.memory_space<hbm>>
    %dma_wait3A_2887 = arith.constant 0 : i32
    %dma_wait3A_2888 = tpu.memref_slice %arg4[%mul3A_2376, %dma_wait3A_2887] : memref<262144x128xf32, #tpu.memory_space<hbm>> -> memref<128x128xf32, #tpu.memory_space<hbm>>
    tpu.wait_dma2 semaphore(%arg7 : memref<!tpu.dma_semaphore, #tpu.memory_space<semaphore_mem>>) src(%arg5 : memref<128x128xf32, #tpu.memory_space<vmem>>) dst(%dma_wait3A_2888 : memref<128x128xf32, #tpu.memory_space<hbm>>)
    %dma_wait3A_2889 = arith.constant 0 : i32
    %dma_wait3A_2890 = tpu.memref_slice %arg4[%mul3A_2380, %dma_wait3A_2889] : memref<262144x128xf32, #tpu.memory_space<hbm>> -> memref<128x128xf32, #tpu.memory_space<hbm>>
    %dma_wait3A_2891 = arith.constant 0 : i32
    %dma_wait3A_2892 = tpu.memref_slice %arg4[%mul3A_2380, %dma_wait3A_2891] : memref<262144x128xf32, #tpu.memory_space<hbm>> -> memref<128x128xf32, #tpu.memory_space<hbm>>
    tpu.wait_dma2 semaphore(%arg7 : memref<!tpu.dma_semaphore, #tpu.memory_space<semaphore_mem>>) src(%arg5 : memref<128x128xf32, #tpu.memory_space<vmem>>) dst(%dma_wait3A_2892 : memref<128x128xf32, #tpu.memory_space<hbm>>)
    %dma_wait3A_2893 = arith.constant 0 : i32
    %dma_wait3A_2894 = tpu.memref_slice %arg4[%mul3A_2384, %dma_wait3A_2893] : memref<262144x128xf32, #tpu.memory_space<hbm>> -> memref<128x128xf32, #tpu.memory_space<hbm>>
    %dma_wait3A_2895 = arith.constant 0 : i32
    %dma_wait3A_2896 = tpu.memref_slice %arg4[%mul3A_2384, %dma_wait3A_2895] : memref<262144x128xf32, #tpu.memory_space<hbm>> -> memref<128x128xf32, #tpu.memory_space<hbm>>
    tpu.wait_dma2 semaphore(%arg7 : memref<!tpu.dma_semaphore, #tpu.memory_space<semaphore_mem>>) src(%arg5 : memref<128x128xf32, #tpu.memory_space<vmem>>) dst(%dma_wait3A_2896 : memref<128x128xf32, #tpu.memory_space<hbm>>)
    %dma_wait3A_2897 = arith.constant 0 : i32
    %dma_wait3A_2898 = tpu.memref_slice %arg4[%mul3A_2388, %dma_wait3A_2897] : memref<262144x128xf32, #tpu.memory_space<hbm>> -> memref<128x128xf32, #tpu.memory_space<hbm>>
    %dma_wait3A_2899 = arith.constant 0 : i32
    %dma_wait3A_2900 = tpu.memref_slice %arg4[%mul3A_2388, %dma_wait3A_2899] : memref<262144x128xf32, #tpu.memory_space<hbm>> -> memref<128x128xf32, #tpu.memory_space<hbm>>
    tpu.wait_dma2 semaphore(%arg7 : memref<!tpu.dma_semaphore, #tpu.memory_space<semaphore_mem>>) src(%arg5 : memref<128x128xf32, #tpu.memory_space<vmem>>) dst(%dma_wait3A_2900 : memref<128x128xf32, #tpu.memory_space<hbm>>)
    %dma_wait3A_2901 = arith.constant 0 : i32
    %dma_wait3A_2902 = tpu.memref_slice %arg4[%mul3A_2392, %dma_wait3A_2901] : memref<262144x128xf32, #tpu.memory_space<hbm>> -> memref<128x128xf32, #tpu.memory_space<hbm>>
    %dma_wait3A_2903 = arith.constant 0 : i32
    %dma_wait3A_2904 = tpu.memref_slice %arg4[%mul3A_2392, %dma_wait3A_2903] : memref<262144x128xf32, #tpu.memory_space<hbm>> -> memref<128x128xf32, #tpu.memory_space<hbm>>
    tpu.wait_dma2 semaphore(%arg7 : memref<!tpu.dma_semaphore, #tpu.memory_space<semaphore_mem>>) src(%arg5 : memref<128x128xf32, #tpu.memory_space<vmem>>) dst(%dma_wait3A_2904 : memref<128x128xf32, #tpu.memory_space<hbm>>)
    %dma_wait3A_2905 = arith.constant 0 : i32
    %dma_wait3A_2906 = tpu.memref_slice %arg4[%mul3A_2396, %dma_wait3A_2905] : memref<262144x128xf32, #tpu.memory_space<hbm>> -> memref<128x128xf32, #tpu.memory_space<hbm>>
    %dma_wait3A_2907 = arith.constant 0 : i32
    %dma_wait3A_2908 = tpu.memref_slice %arg4[%mul3A_2396, %dma_wait3A_2907] : memref<262144x128xf32, #tpu.memory_space<hbm>> -> memref<128x128xf32, #tpu.memory_space<hbm>>
    tpu.wait_dma2 semaphore(%arg7 : memref<!tpu.dma_semaphore, #tpu.memory_space<semaphore_mem>>) src(%arg5 : memref<128x128xf32, #tpu.memory_space<vmem>>) dst(%dma_wait3A_2908 : memref<128x128xf32, #tpu.memory_space<hbm>>)
    %dma_wait3A_2909 = arith.constant 0 : i32
    %dma_wait3A_2910 = tpu.memref_slice %arg4[%mul3A_2400, %dma_wait3A_2909] : memref<262144x128xf32, #tpu.memory_space<hbm>> -> memref<128x128xf32, #tpu.memory_space<hbm>>
    %dma_wait3A_2911 = arith.constant 0 : i32
    %dma_wait3A_2912 = tpu.memref_slice %arg4[%mul3A_2400, %dma_wait3A_2911] : memref<262144x128xf32, #tpu.memory_space<hbm>> -> memref<128x128xf32, #tpu.memory_space<hbm>>
    tpu.wait_dma2 semaphore(%arg7 : memref<!tpu.dma_semaphore, #tpu.memory_space<semaphore_mem>>) src(%arg5 : memref<128x128xf32, #tpu.memory_space<vmem>>) dst(%dma_wait3A_2912 : memref<128x128xf32, #tpu.memory_space<hbm>>)
    %dma_wait3A_2913 = arith.constant 0 : i32
    %dma_wait3A_2914 = tpu.memref_slice %arg4[%mul3A_2404, %dma_wait3A_2913] : memref<262144x128xf32, #tpu.memory_space<hbm>> -> memref<128x128xf32, #tpu.memory_space<hbm>>
    %dma_wait3A_2915 = arith.constant 0 : i32
    %dma_wait3A_2916 = tpu.memref_slice %arg4[%mul3A_2404, %dma_wait3A_2915] : memref<262144x128xf32, #tpu.memory_space<hbm>> -> memref<128x128xf32, #tpu.memory_space<hbm>>
    tpu.wait_dma2 semaphore(%arg7 : memref<!tpu.dma_semaphore, #tpu.memory_space<semaphore_mem>>) src(%arg5 : memref<128x128xf32, #tpu.memory_space<vmem>>) dst(%dma_wait3A_2916 : memref<128x128xf32, #tpu.memory_space<hbm>>)
    %dma_wait3A_2917 = arith.constant 0 : i32
    %dma_wait3A_2918 = tpu.memref_slice %arg4[%mul3A_2408, %dma_wait3A_2917] : memref<262144x128xf32, #tpu.memory_space<hbm>> -> memref<128x128xf32, #tpu.memory_space<hbm>>
    %dma_wait3A_2919 = arith.constant 0 : i32
    %dma_wait3A_2920 = tpu.memref_slice %arg4[%mul3A_2408, %dma_wait3A_2919] : memref<262144x128xf32, #tpu.memory_space<hbm>> -> memref<128x128xf32, #tpu.memory_space<hbm>>
    tpu.wait_dma2 semaphore(%arg7 : memref<!tpu.dma_semaphore, #tpu.memory_space<semaphore_mem>>) src(%arg5 : memref<128x128xf32, #tpu.memory_space<vmem>>) dst(%dma_wait3A_2920 : memref<128x128xf32, #tpu.memory_space<hbm>>)
    %dma_wait3A_2921 = arith.constant 0 : i32
    %dma_wait3A_2922 = tpu.memref_slice %arg4[%mul3A_2412, %dma_wait3A_2921] : memref<262144x128xf32, #tpu.memory_space<hbm>> -> memref<128x128xf32, #tpu.memory_space<hbm>>
    %dma_wait3A_2923 = arith.constant 0 : i32
    %dma_wait3A_2924 = tpu.memref_slice %arg4[%mul3A_2412, %dma_wait3A_2923] : memref<262144x128xf32, #tpu.memory_space<hbm>> -> memref<128x128xf32, #tpu.memory_space<hbm>>
    tpu.wait_dma2 semaphore(%arg7 : memref<!tpu.dma_semaphore, #tpu.memory_space<semaphore_mem>>) src(%arg5 : memref<128x128xf32, #tpu.memory_space<vmem>>) dst(%dma_wait3A_2924 : memref<128x128xf32, #tpu.memory_space<hbm>>)
    %dma_wait3A_2925 = arith.constant 0 : i32
    %dma_wait3A_2926 = tpu.memref_slice %arg4[%mul3A_2416, %dma_wait3A_2925] : memref<262144x128xf32, #tpu.memory_space<hbm>> -> memref<128x128xf32, #tpu.memory_space<hbm>>
    %dma_wait3A_2927 = arith.constant 0 : i32
    %dma_wait3A_2928 = tpu.memref_slice %arg4[%mul3A_2416, %dma_wait3A_2927] : memref<262144x128xf32, #tpu.memory_space<hbm>> -> memref<128x128xf32, #tpu.memory_space<hbm>>
    tpu.wait_dma2 semaphore(%arg7 : memref<!tpu.dma_semaphore, #tpu.memory_space<semaphore_mem>>) src(%arg5 : memref<128x128xf32, #tpu.memory_space<vmem>>) dst(%dma_wait3A_2928 : memref<128x128xf32, #tpu.memory_space<hbm>>)
    %dma_wait3A_2929 = arith.constant 0 : i32
    %dma_wait3A_2930 = tpu.memref_slice %arg4[%mul3A_2420, %dma_wait3A_2929] : memref<262144x128xf32, #tpu.memory_space<hbm>> -> memref<128x128xf32, #tpu.memory_space<hbm>>
    %dma_wait3A_2931 = arith.constant 0 : i32
    %dma_wait3A_2932 = tpu.memref_slice %arg4[%mul3A_2420, %dma_wait3A_2931] : memref<262144x128xf32, #tpu.memory_space<hbm>> -> memref<128x128xf32, #tpu.memory_space<hbm>>
    tpu.wait_dma2 semaphore(%arg7 : memref<!tpu.dma_semaphore, #tpu.memory_space<semaphore_mem>>) src(%arg5 : memref<128x128xf32, #tpu.memory_space<vmem>>) dst(%dma_wait3A_2932 : memref<128x128xf32, #tpu.memory_space<hbm>>)
    %dma_wait3A_2933 = arith.constant 0 : i32
    %dma_wait3A_2934 = tpu.memref_slice %arg4[%mul3A_2424, %dma_wait3A_2933] : memref<262144x128xf32, #tpu.memory_space<hbm>> -> memref<128x128xf32, #tpu.memory_space<hbm>>
    %dma_wait3A_2935 = arith.constant 0 : i32
    %dma_wait3A_2936 = tpu.memref_slice %arg4[%mul3A_2424, %dma_wait3A_2935] : memref<262144x128xf32, #tpu.memory_space<hbm>> -> memref<128x128xf32, #tpu.memory_space<hbm>>
    tpu.wait_dma2 semaphore(%arg7 : memref<!tpu.dma_semaphore, #tpu.memory_space<semaphore_mem>>) src(%arg5 : memref<128x128xf32, #tpu.memory_space<vmem>>) dst(%dma_wait3A_2936 : memref<128x128xf32, #tpu.memory_space<hbm>>)
    %dma_wait3A_2937 = arith.constant 0 : i32
    %dma_wait3A_2938 = tpu.memref_slice %arg4[%mul3A_2428, %dma_wait3A_2937] : memref<262144x128xf32, #tpu.memory_space<hbm>> -> memref<128x128xf32, #tpu.memory_space<hbm>>
    %dma_wait3A_2939 = arith.constant 0 : i32
    %dma_wait3A_2940 = tpu.memref_slice %arg4[%mul3A_2428, %dma_wait3A_2939] : memref<262144x128xf32, #tpu.memory_space<hbm>> -> memref<128x128xf32, #tpu.memory_space<hbm>>
    tpu.wait_dma2 semaphore(%arg7 : memref<!tpu.dma_semaphore, #tpu.memory_space<semaphore_mem>>) src(%arg5 : memref<128x128xf32, #tpu.memory_space<vmem>>) dst(%dma_wait3A_2940 : memref<128x128xf32, #tpu.memory_space<hbm>>)
    %dma_wait3A_2941 = arith.constant 0 : i32
    %dma_wait3A_2942 = tpu.memref_slice %arg4[%mul3A_2432, %dma_wait3A_2941] : memref<262144x128xf32, #tpu.memory_space<hbm>> -> memref<128x128xf32, #tpu.memory_space<hbm>>
    %dma_wait3A_2943 = arith.constant 0 : i32
    %dma_wait3A_2944 = tpu.memref_slice %arg4[%mul3A_2432, %dma_wait3A_2943] : memref<262144x128xf32, #tpu.memory_space<hbm>> -> memref<128x128xf32, #tpu.memory_space<hbm>>
    tpu.wait_dma2 semaphore(%arg7 : memref<!tpu.dma_semaphore, #tpu.memory_space<semaphore_mem>>) src(%arg5 : memref<128x128xf32, #tpu.memory_space<vmem>>) dst(%dma_wait3A_2944 : memref<128x128xf32, #tpu.memory_space<hbm>>)
    %dma_wait3A_2945 = arith.constant 0 : i32
    %dma_wait3A_2946 = tpu.memref_slice %arg4[%mul3A_2436, %dma_wait3A_2945] : memref<262144x128xf32, #tpu.memory_space<hbm>> -> memref<128x128xf32, #tpu.memory_space<hbm>>
    %dma_wait3A_2947 = arith.constant 0 : i32
    %dma_wait3A_2948 = tpu.memref_slice %arg4[%mul3A_2436, %dma_wait3A_2947] : memref<262144x128xf32, #tpu.memory_space<hbm>> -> memref<128x128xf32, #tpu.memory_space<hbm>>
    tpu.wait_dma2 semaphore(%arg7 : memref<!tpu.dma_semaphore, #tpu.memory_space<semaphore_mem>>) src(%arg5 : memref<128x128xf32, #tpu.memory_space<vmem>>) dst(%dma_wait3A_2948 : memref<128x128xf32, #tpu.memory_space<hbm>>)
    %dma_wait3A_2949 = arith.constant 0 : i32
    %dma_wait3A_2950 = tpu.memref_slice %arg4[%mul3A_2440, %dma_wait3A_2949] : memref<262144x128xf32, #tpu.memory_space<hbm>> -> memref<128x128xf32, #tpu.memory_space<hbm>>
    %dma_wait3A_2951 = arith.constant 0 : i32
    %dma_wait3A_2952 = tpu.memref_slice %arg4[%mul3A_2440, %dma_wait3A_2951] : memref<262144x128xf32, #tpu.memory_space<hbm>> -> memref<128x128xf32, #tpu.memory_space<hbm>>
    tpu.wait_dma2 semaphore(%arg7 : memref<!tpu.dma_semaphore, #tpu.memory_space<semaphore_mem>>) src(%arg5 : memref<128x128xf32, #tpu.memory_space<vmem>>) dst(%dma_wait3A_2952 : memref<128x128xf32, #tpu.memory_space<hbm>>)
    %dma_wait3A_2953 = arith.constant 0 : i32
    %dma_wait3A_2954 = tpu.memref_slice %arg4[%mul3A_2444, %dma_wait3A_2953] : memref<262144x128xf32, #tpu.memory_space<hbm>> -> memref<128x128xf32, #tpu.memory_space<hbm>>
    %dma_wait3A_2955 = arith.constant 0 : i32
    %dma_wait3A_2956 = tpu.memref_slice %arg4[%mul3A_2444, %dma_wait3A_2955] : memref<262144x128xf32, #tpu.memory_space<hbm>> -> memref<128x128xf32, #tpu.memory_space<hbm>>
    tpu.wait_dma2 semaphore(%arg7 : memref<!tpu.dma_semaphore, #tpu.memory_space<semaphore_mem>>) src(%arg5 : memref<128x128xf32, #tpu.memory_space<vmem>>) dst(%dma_wait3A_2956 : memref<128x128xf32, #tpu.memory_space<hbm>>)
    %dma_wait3A_2957 = arith.constant 0 : i32
    %dma_wait3A_2958 = tpu.memref_slice %arg4[%mul3A_2448, %dma_wait3A_2957] : memref<262144x128xf32, #tpu.memory_space<hbm>> -> memref<128x128xf32, #tpu.memory_space<hbm>>
    %dma_wait3A_2959 = arith.constant 0 : i32
    %dma_wait3A_2960 = tpu.memref_slice %arg4[%mul3A_2448, %dma_wait3A_2959] : memref<262144x128xf32, #tpu.memory_space<hbm>> -> memref<128x128xf32, #tpu.memory_space<hbm>>
    tpu.wait_dma2 semaphore(%arg7 : memref<!tpu.dma_semaphore, #tpu.memory_space<semaphore_mem>>) src(%arg5 : memref<128x128xf32, #tpu.memory_space<vmem>>) dst(%dma_wait3A_2960 : memref<128x128xf32, #tpu.memory_space<hbm>>)
    %dma_wait3A_2961 = arith.constant 0 : i32
    %dma_wait3A_2962 = tpu.memref_slice %arg4[%mul3A_2452, %dma_wait3A_2961] : memref<262144x128xf32, #tpu.memory_space<hbm>> -> memref<128x128xf32, #tpu.memory_space<hbm>>
    %dma_wait3A_2963 = arith.constant 0 : i32
    %dma_wait3A_2964 = tpu.memref_slice %arg4[%mul3A_2452, %dma_wait3A_2963] : memref<262144x128xf32, #tpu.memory_space<hbm>> -> memref<128x128xf32, #tpu.memory_space<hbm>>
    tpu.wait_dma2 semaphore(%arg7 : memref<!tpu.dma_semaphore, #tpu.memory_space<semaphore_mem>>) src(%arg5 : memref<128x128xf32, #tpu.memory_space<vmem>>) dst(%dma_wait3A_2964 : memref<128x128xf32, #tpu.memory_space<hbm>>)
    %dma_wait3A_2965 = arith.constant 0 : i32
    %dma_wait3A_2966 = tpu.memref_slice %arg4[%mul3A_2456, %dma_wait3A_2965] : memref<262144x128xf32, #tpu.memory_space<hbm>> -> memref<128x128xf32, #tpu.memory_space<hbm>>
    %dma_wait3A_2967 = arith.constant 0 : i32
    %dma_wait3A_2968 = tpu.memref_slice %arg4[%mul3A_2456, %dma_wait3A_2967] : memref<262144x128xf32, #tpu.memory_space<hbm>> -> memref<128x128xf32, #tpu.memory_space<hbm>>
    tpu.wait_dma2 semaphore(%arg7 : memref<!tpu.dma_semaphore, #tpu.memory_space<semaphore_mem>>) src(%arg5 : memref<128x128xf32, #tpu.memory_space<vmem>>) dst(%dma_wait3A_2968 : memref<128x128xf32, #tpu.memory_space<hbm>>)
    %dma_wait3A_2969 = arith.constant 0 : i32
    %dma_wait3A_2970 = tpu.memref_slice %arg4[%mul3A_2460, %dma_wait3A_2969] : memref<262144x128xf32, #tpu.memory_space<hbm>> -> memref<128x128xf32, #tpu.memory_space<hbm>>
    %dma_wait3A_2971 = arith.constant 0 : i32
    %dma_wait3A_2972 = tpu.memref_slice %arg4[%mul3A_2460, %dma_wait3A_2971] : memref<262144x128xf32, #tpu.memory_space<hbm>> -> memref<128x128xf32, #tpu.memory_space<hbm>>
    tpu.wait_dma2 semaphore(%arg7 : memref<!tpu.dma_semaphore, #tpu.memory_space<semaphore_mem>>) src(%arg5 : memref<128x128xf32, #tpu.memory_space<vmem>>) dst(%dma_wait3A_2972 : memref<128x128xf32, #tpu.memory_space<hbm>>)
    %dma_wait3A_2973 = arith.constant 0 : i32
    %dma_wait3A_2974 = tpu.memref_slice %arg4[%mul3A_2464, %dma_wait3A_2973] : memref<262144x128xf32, #tpu.memory_space<hbm>> -> memref<128x128xf32, #tpu.memory_space<hbm>>
    %dma_wait3A_2975 = arith.constant 0 : i32
    %dma_wait3A_2976 = tpu.memref_slice %arg4[%mul3A_2464, %dma_wait3A_2975] : memref<262144x128xf32, #tpu.memory_space<hbm>> -> memref<128x128xf32, #tpu.memory_space<hbm>>
    tpu.wait_dma2 semaphore(%arg7 : memref<!tpu.dma_semaphore, #tpu.memory_space<semaphore_mem>>) src(%arg5 : memref<128x128xf32, #tpu.memory_space<vmem>>) dst(%dma_wait3A_2976 : memref<128x128xf32, #tpu.memory_space<hbm>>)
    %dma_wait3A_2977 = arith.constant 0 : i32
    %dma_wait3A_2978 = tpu.memref_slice %arg4[%mul3A_2468, %dma_wait3A_2977] : memref<262144x128xf32, #tpu.memory_space<hbm>> -> memref<128x128xf32, #tpu.memory_space<hbm>>
    %dma_wait3A_2979 = arith.constant 0 : i32
    %dma_wait3A_2980 = tpu.memref_slice %arg4[%mul3A_2468, %dma_wait3A_2979] : memref<262144x128xf32, #tpu.memory_space<hbm>> -> memref<128x128xf32, #tpu.memory_space<hbm>>
    tpu.wait_dma2 semaphore(%arg7 : memref<!tpu.dma_semaphore, #tpu.memory_space<semaphore_mem>>) src(%arg5 : memref<128x128xf32, #tpu.memory_space<vmem>>) dst(%dma_wait3A_2980 : memref<128x128xf32, #tpu.memory_space<hbm>>)
    %dma_wait3A_2981 = arith.constant 0 : i32
    %dma_wait3A_2982 = tpu.memref_slice %arg4[%mul3A_2472, %dma_wait3A_2981] : memref<262144x128xf32, #tpu.memory_space<hbm>> -> memref<128x128xf32, #tpu.memory_space<hbm>>
    %dma_wait3A_2983 = arith.constant 0 : i32
    %dma_wait3A_2984 = tpu.memref_slice %arg4[%mul3A_2472, %dma_wait3A_2983] : memref<262144x128xf32, #tpu.memory_space<hbm>> -> memref<128x128xf32, #tpu.memory_space<hbm>>
    tpu.wait_dma2 semaphore(%arg7 : memref<!tpu.dma_semaphore, #tpu.memory_space<semaphore_mem>>) src(%arg5 : memref<128x128xf32, #tpu.memory_space<vmem>>) dst(%dma_wait3A_2984 : memref<128x128xf32, #tpu.memory_space<hbm>>)
    %dma_wait3A_2985 = arith.constant 0 : i32
    %dma_wait3A_2986 = tpu.memref_slice %arg4[%mul3A_2476, %dma_wait3A_2985] : memref<262144x128xf32, #tpu.memory_space<hbm>> -> memref<128x128xf32, #tpu.memory_space<hbm>>
    %dma_wait3A_2987 = arith.constant 0 : i32
    %dma_wait3A_2988 = tpu.memref_slice %arg4[%mul3A_2476, %dma_wait3A_2987] : memref<262144x128xf32, #tpu.memory_space<hbm>> -> memref<128x128xf32, #tpu.memory_space<hbm>>
    tpu.wait_dma2 semaphore(%arg7 : memref<!tpu.dma_semaphore, #tpu.memory_space<semaphore_mem>>) src(%arg5 : memref<128x128xf32, #tpu.memory_space<vmem>>) dst(%dma_wait3A_2988 : memref<128x128xf32, #tpu.memory_space<hbm>>)
    %dma_wait3A_2989 = arith.constant 0 : i32
    %dma_wait3A_2990 = tpu.memref_slice %arg4[%mul3A_2480, %dma_wait3A_2989] : memref<262144x128xf32, #tpu.memory_space<hbm>> -> memref<128x128xf32, #tpu.memory_space<hbm>>
    %dma_wait3A_2991 = arith.constant 0 : i32
    %dma_wait3A_2992 = tpu.memref_slice %arg4[%mul3A_2480, %dma_wait3A_2991] : memref<262144x128xf32, #tpu.memory_space<hbm>> -> memref<128x128xf32, #tpu.memory_space<hbm>>
    tpu.wait_dma2 semaphore(%arg7 : memref<!tpu.dma_semaphore, #tpu.memory_space<semaphore_mem>>) src(%arg5 : memref<128x128xf32, #tpu.memory_space<vmem>>) dst(%dma_wait3A_2992 : memref<128x128xf32, #tpu.memory_space<hbm>>)
    %dma_wait3A_2993 = arith.constant 0 : i32
    %dma_wait3A_2994 = tpu.memref_slice %arg4[%mul3A_2484, %dma_wait3A_2993] : memref<262144x128xf32, #tpu.memory_space<hbm>> -> memref<128x128xf32, #tpu.memory_space<hbm>>
    %dma_wait3A_2995 = arith.constant 0 : i32
    %dma_wait3A_2996 = tpu.memref_slice %arg4[%mul3A_2484, %dma_wait3A_2995] : memref<262144x128xf32, #tpu.memory_space<hbm>> -> memref<128x128xf32, #tpu.memory_space<hbm>>
    tpu.wait_dma2 semaphore(%arg7 : memref<!tpu.dma_semaphore, #tpu.memory_space<semaphore_mem>>) src(%arg5 : memref<128x128xf32, #tpu.memory_space<vmem>>) dst(%dma_wait3A_2996 : memref<128x128xf32, #tpu.memory_space<hbm>>)
    %dma_wait3A_2997 = arith.constant 0 : i32
    %dma_wait3A_2998 = tpu.memref_slice %arg4[%mul3A_2488, %dma_wait3A_2997] : memref<262144x128xf32, #tpu.memory_space<hbm>> -> memref<128x128xf32, #tpu.memory_space<hbm>>
    %dma_wait3A_2999 = arith.constant 0 : i32
    %dma_wait3A_3000 = tpu.memref_slice %arg4[%mul3A_2488, %dma_wait3A_2999] : memref<262144x128xf32, #tpu.memory_space<hbm>> -> memref<128x128xf32, #tpu.memory_space<hbm>>
    tpu.wait_dma2 semaphore(%arg7 : memref<!tpu.dma_semaphore, #tpu.memory_space<semaphore_mem>>) src(%arg5 : memref<128x128xf32, #tpu.memory_space<vmem>>) dst(%dma_wait3A_3000 : memref<128x128xf32, #tpu.memory_space<hbm>>)
    %dma_wait3A_3001 = arith.constant 0 : i32
    %dma_wait3A_3002 = tpu.memref_slice %arg4[%mul3A_2492, %dma_wait3A_3001] : memref<262144x128xf32, #tpu.memory_space<hbm>> -> memref<128x128xf32, #tpu.memory_space<hbm>>
    %dma_wait3A_3003 = arith.constant 0 : i32
    %dma_wait3A_3004 = tpu.memref_slice %arg4[%mul3A_2492, %dma_wait3A_3003] : memref<262144x128xf32, #tpu.memory_space<hbm>> -> memref<128x128xf32, #tpu.memory_space<hbm>>
    tpu.wait_dma2 semaphore(%arg7 : memref<!tpu.dma_semaphore, #tpu.memory_space<semaphore_mem>>) src(%arg5 : memref<128x128xf32, #tpu.memory_space<vmem>>) dst(%dma_wait3A_3004 : memref<128x128xf32, #tpu.memory_space<hbm>>)
    %dma_wait3A_3005 = arith.constant 0 : i32
    %dma_wait3A_3006 = tpu.memref_slice %arg4[%mul3A_2496, %dma_wait3A_3005] : memref<262144x128xf32, #tpu.memory_space<hbm>> -> memref<128x128xf32, #tpu.memory_space<hbm>>
    %dma_wait3A_3007 = arith.constant 0 : i32
    %dma_wait3A_3008 = tpu.memref_slice %arg4[%mul3A_2496, %dma_wait3A_3007] : memref<262144x128xf32, #tpu.memory_space<hbm>> -> memref<128x128xf32, #tpu.memory_space<hbm>>
    tpu.wait_dma2 semaphore(%arg7 : memref<!tpu.dma_semaphore, #tpu.memory_space<semaphore_mem>>) src(%arg5 : memref<128x128xf32, #tpu.memory_space<vmem>>) dst(%dma_wait3A_3008 : memref<128x128xf32, #tpu.memory_space<hbm>>)
    %dma_wait3A_3009 = arith.constant 0 : i32
    %dma_wait3A_3010 = tpu.memref_slice %arg4[%mul3A_2500, %dma_wait3A_3009] : memref<262144x128xf32, #tpu.memory_space<hbm>> -> memref<128x128xf32, #tpu.memory_space<hbm>>
    %dma_wait3A_3011 = arith.constant 0 : i32
    %dma_wait3A_3012 = tpu.memref_slice %arg4[%mul3A_2500, %dma_wait3A_3011] : memref<262144x128xf32, #tpu.memory_space<hbm>> -> memref<128x128xf32, #tpu.memory_space<hbm>>
    tpu.wait_dma2 semaphore(%arg7 : memref<!tpu.dma_semaphore, #tpu.memory_space<semaphore_mem>>) src(%arg5 : memref<128x128xf32, #tpu.memory_space<vmem>>) dst(%dma_wait3A_3012 : memref<128x128xf32, #tpu.memory_space<hbm>>)
    %dma_wait3A_3013 = arith.constant 0 : i32
    %dma_wait3A_3014 = tpu.memref_slice %arg4[%mul3A_2504, %dma_wait3A_3013] : memref<262144x128xf32, #tpu.memory_space<hbm>> -> memref<128x128xf32, #tpu.memory_space<hbm>>
    %dma_wait3A_3015 = arith.constant 0 : i32
    %dma_wait3A_3016 = tpu.memref_slice %arg4[%mul3A_2504, %dma_wait3A_3015] : memref<262144x128xf32, #tpu.memory_space<hbm>> -> memref<128x128xf32, #tpu.memory_space<hbm>>
    tpu.wait_dma2 semaphore(%arg7 : memref<!tpu.dma_semaphore, #tpu.memory_space<semaphore_mem>>) src(%arg5 : memref<128x128xf32, #tpu.memory_space<vmem>>) dst(%dma_wait3A_3016 : memref<128x128xf32, #tpu.memory_space<hbm>>)
    %dma_wait3A_3017 = arith.constant 0 : i32
    %dma_wait3A_3018 = tpu.memref_slice %arg4[%mul3A_2508, %dma_wait3A_3017] : memref<262144x128xf32, #tpu.memory_space<hbm>> -> memref<128x128xf32, #tpu.memory_space<hbm>>
    %dma_wait3A_3019 = arith.constant 0 : i32
    %dma_wait3A_3020 = tpu.memref_slice %arg4[%mul3A_2508, %dma_wait3A_3019] : memref<262144x128xf32, #tpu.memory_space<hbm>> -> memref<128x128xf32, #tpu.memory_space<hbm>>
    tpu.wait_dma2 semaphore(%arg7 : memref<!tpu.dma_semaphore, #tpu.memory_space<semaphore_mem>>) src(%arg5 : memref<128x128xf32, #tpu.memory_space<vmem>>) dst(%dma_wait3A_3020 : memref<128x128xf32, #tpu.memory_space<hbm>>)
    %dma_wait3A_3021 = arith.constant 0 : i32
    %dma_wait3A_3022 = tpu.memref_slice %arg4[%mul3A_2512, %dma_wait3A_3021] : memref<262144x128xf32, #tpu.memory_space<hbm>> -> memref<128x128xf32, #tpu.memory_space<hbm>>
    %dma_wait3A_3023 = arith.constant 0 : i32
    %dma_wait3A_3024 = tpu.memref_slice %arg4[%mul3A_2512, %dma_wait3A_3023] : memref<262144x128xf32, #tpu.memory_space<hbm>> -> memref<128x128xf32, #tpu.memory_space<hbm>>
    tpu.wait_dma2 semaphore(%arg7 : memref<!tpu.dma_semaphore, #tpu.memory_space<semaphore_mem>>) src(%arg5 : memref<128x128xf32, #tpu.memory_space<vmem>>) dst(%dma_wait3A_3024 : memref<128x128xf32, #tpu.memory_space<hbm>>)
    %dma_wait3A_3025 = arith.constant 0 : i32
    %dma_wait3A_3026 = tpu.memref_slice %arg4[%mul3A_2516, %dma_wait3A_3025] : memref<262144x128xf32, #tpu.memory_space<hbm>> -> memref<128x128xf32, #tpu.memory_space<hbm>>
    %dma_wait3A_3027 = arith.constant 0 : i32
    %dma_wait3A_3028 = tpu.memref_slice %arg4[%mul3A_2516, %dma_wait3A_3027] : memref<262144x128xf32, #tpu.memory_space<hbm>> -> memref<128x128xf32, #tpu.memory_space<hbm>>
    tpu.wait_dma2 semaphore(%arg7 : memref<!tpu.dma_semaphore, #tpu.memory_space<semaphore_mem>>) src(%arg5 : memref<128x128xf32, #tpu.memory_space<vmem>>) dst(%dma_wait3A_3028 : memref<128x128xf32, #tpu.memory_space<hbm>>)
    %dma_wait3A_3029 = arith.constant 0 : i32
    %dma_wait3A_3030 = tpu.memref_slice %arg4[%mul3A_2520, %dma_wait3A_3029] : memref<262144x128xf32, #tpu.memory_space<hbm>> -> memref<128x128xf32, #tpu.memory_space<hbm>>
    %dma_wait3A_3031 = arith.constant 0 : i32
    %dma_wait3A_3032 = tpu.memref_slice %arg4[%mul3A_2520, %dma_wait3A_3031] : memref<262144x128xf32, #tpu.memory_space<hbm>> -> memref<128x128xf32, #tpu.memory_space<hbm>>
    tpu.wait_dma2 semaphore(%arg7 : memref<!tpu.dma_semaphore, #tpu.memory_space<semaphore_mem>>) src(%arg5 : memref<128x128xf32, #tpu.memory_space<vmem>>) dst(%dma_wait3A_3032 : memref<128x128xf32, #tpu.memory_space<hbm>>)
    %dma_wait3A_3033 = arith.constant 0 : i32
    %dma_wait3A_3034 = tpu.memref_slice %arg4[%mul3A_2524, %dma_wait3A_3033] : memref<262144x128xf32, #tpu.memory_space<hbm>> -> memref<128x128xf32, #tpu.memory_space<hbm>>
    %dma_wait3A_3035 = arith.constant 0 : i32
    %dma_wait3A_3036 = tpu.memref_slice %arg4[%mul3A_2524, %dma_wait3A_3035] : memref<262144x128xf32, #tpu.memory_space<hbm>> -> memref<128x128xf32, #tpu.memory_space<hbm>>
    tpu.wait_dma2 semaphore(%arg7 : memref<!tpu.dma_semaphore, #tpu.memory_space<semaphore_mem>>) src(%arg5 : memref<128x128xf32, #tpu.memory_space<vmem>>) dst(%dma_wait3A_3036 : memref<128x128xf32, #tpu.memory_space<hbm>>)
    %dma_wait3A_3037 = arith.constant 0 : i32
    %dma_wait3A_3038 = tpu.memref_slice %arg4[%mul3A_2528, %dma_wait3A_3037] : memref<262144x128xf32, #tpu.memory_space<hbm>> -> memref<128x128xf32, #tpu.memory_space<hbm>>
    %dma_wait3A_3039 = arith.constant 0 : i32
    %dma_wait3A_3040 = tpu.memref_slice %arg4[%mul3A_2528, %dma_wait3A_3039] : memref<262144x128xf32, #tpu.memory_space<hbm>> -> memref<128x128xf32, #tpu.memory_space<hbm>>
    tpu.wait_dma2 semaphore(%arg7 : memref<!tpu.dma_semaphore, #tpu.memory_space<semaphore_mem>>) src(%arg5 : memref<128x128xf32, #tpu.memory_space<vmem>>) dst(%dma_wait3A_3040 : memref<128x128xf32, #tpu.memory_space<hbm>>)
    %dma_wait3A_3041 = arith.constant 0 : i32
    %dma_wait3A_3042 = tpu.memref_slice %arg4[%mul3A_2532, %dma_wait3A_3041] : memref<262144x128xf32, #tpu.memory_space<hbm>> -> memref<128x128xf32, #tpu.memory_space<hbm>>
    %dma_wait3A_3043 = arith.constant 0 : i32
    %dma_wait3A_3044 = tpu.memref_slice %arg4[%mul3A_2532, %dma_wait3A_3043] : memref<262144x128xf32, #tpu.memory_space<hbm>> -> memref<128x128xf32, #tpu.memory_space<hbm>>
    tpu.wait_dma2 semaphore(%arg7 : memref<!tpu.dma_semaphore, #tpu.memory_space<semaphore_mem>>) src(%arg5 : memref<128x128xf32, #tpu.memory_space<vmem>>) dst(%dma_wait3A_3044 : memref<128x128xf32, #tpu.memory_space<hbm>>)
    %dma_wait3A_3045 = arith.constant 0 : i32
    %dma_wait3A_3046 = tpu.memref_slice %arg4[%mul3A_2536, %dma_wait3A_3045] : memref<262144x128xf32, #tpu.memory_space<hbm>> -> memref<128x128xf32, #tpu.memory_space<hbm>>
    %dma_wait3A_3047 = arith.constant 0 : i32
    %dma_wait3A_3048 = tpu.memref_slice %arg4[%mul3A_2536, %dma_wait3A_3047] : memref<262144x128xf32, #tpu.memory_space<hbm>> -> memref<128x128xf32, #tpu.memory_space<hbm>>
    tpu.wait_dma2 semaphore(%arg7 : memref<!tpu.dma_semaphore, #tpu.memory_space<semaphore_mem>>) src(%arg5 : memref<128x128xf32, #tpu.memory_space<vmem>>) dst(%dma_wait3A_3048 : memref<128x128xf32, #tpu.memory_space<hbm>>)
    %dma_wait3A_3049 = arith.constant 0 : i32
    %dma_wait3A_3050 = tpu.memref_slice %arg4[%mul3A_2540, %dma_wait3A_3049] : memref<262144x128xf32, #tpu.memory_space<hbm>> -> memref<128x128xf32, #tpu.memory_space<hbm>>
    %dma_wait3A_3051 = arith.constant 0 : i32
    %dma_wait3A_3052 = tpu.memref_slice %arg4[%mul3A_2540, %dma_wait3A_3051] : memref<262144x128xf32, #tpu.memory_space<hbm>> -> memref<128x128xf32, #tpu.memory_space<hbm>>
    tpu.wait_dma2 semaphore(%arg7 : memref<!tpu.dma_semaphore, #tpu.memory_space<semaphore_mem>>) src(%arg5 : memref<128x128xf32, #tpu.memory_space<vmem>>) dst(%dma_wait3A_3052 : memref<128x128xf32, #tpu.memory_space<hbm>>)
    %dma_wait3A_3053 = arith.constant 0 : i32
    %dma_wait3A_3054 = tpu.memref_slice %arg4[%mul3A_2544, %dma_wait3A_3053] : memref<262144x128xf32, #tpu.memory_space<hbm>> -> memref<128x128xf32, #tpu.memory_space<hbm>>
    %dma_wait3A_3055 = arith.constant 0 : i32
    %dma_wait3A_3056 = tpu.memref_slice %arg4[%mul3A_2544, %dma_wait3A_3055] : memref<262144x128xf32, #tpu.memory_space<hbm>> -> memref<128x128xf32, #tpu.memory_space<hbm>>
    tpu.wait_dma2 semaphore(%arg7 : memref<!tpu.dma_semaphore, #tpu.memory_space<semaphore_mem>>) src(%arg5 : memref<128x128xf32, #tpu.memory_space<vmem>>) dst(%dma_wait3A_3056 : memref<128x128xf32, #tpu.memory_space<hbm>>)
    %dma_wait3A_3057 = arith.constant 0 : i32
    %dma_wait3A_3058 = tpu.memref_slice %arg4[%mul3A_2548, %dma_wait3A_3057] : memref<262144x128xf32, #tpu.memory_space<hbm>> -> memref<128x128xf32, #tpu.memory_space<hbm>>
    %dma_wait3A_3059 = arith.constant 0 : i32
    %dma_wait3A_3060 = tpu.memref_slice %arg4[%mul3A_2548, %dma_wait3A_3059] : memref<262144x128xf32, #tpu.memory_space<hbm>> -> memref<128x128xf32, #tpu.memory_space<hbm>>
    tpu.wait_dma2 semaphore(%arg7 : memref<!tpu.dma_semaphore, #tpu.memory_space<semaphore_mem>>) src(%arg5 : memref<128x128xf32, #tpu.memory_space<vmem>>) dst(%dma_wait3A_3060 : memref<128x128xf32, #tpu.memory_space<hbm>>)
    %dma_wait3A_3061 = arith.constant 0 : i32
    %dma_wait3A_3062 = tpu.memref_slice %arg4[%mul3A_2552, %dma_wait3A_3061] : memref<262144x128xf32, #tpu.memory_space<hbm>> -> memref<128x128xf32, #tpu.memory_space<hbm>>
    %dma_wait3A_3063 = arith.constant 0 : i32
    %dma_wait3A_3064 = tpu.memref_slice %arg4[%mul3A_2552, %dma_wait3A_3063] : memref<262144x128xf32, #tpu.memory_space<hbm>> -> memref<128x128xf32, #tpu.memory_space<hbm>>
    tpu.wait_dma2 semaphore(%arg7 : memref<!tpu.dma_semaphore, #tpu.memory_space<semaphore_mem>>) src(%arg5 : memref<128x128xf32, #tpu.memory_space<vmem>>) dst(%dma_wait3A_3064 : memref<128x128xf32, #tpu.memory_space<hbm>>)
    %dma_wait3A_3065 = arith.constant 0 : i32
    %dma_wait3A_3066 = tpu.memref_slice %arg4[%mul3A_2556, %dma_wait3A_3065] : memref<262144x128xf32, #tpu.memory_space<hbm>> -> memref<128x128xf32, #tpu.memory_space<hbm>>
    %dma_wait3A_3067 = arith.constant 0 : i32
    %dma_wait3A_3068 = tpu.memref_slice %arg4[%mul3A_2556, %dma_wait3A_3067] : memref<262144x128xf32, #tpu.memory_space<hbm>> -> memref<128x128xf32, #tpu.memory_space<hbm>>
    tpu.wait_dma2 semaphore(%arg7 : memref<!tpu.dma_semaphore, #tpu.memory_space<semaphore_mem>>) src(%arg5 : memref<128x128xf32, #tpu.memory_space<vmem>>) dst(%dma_wait3A_3068 : memref<128x128xf32, #tpu.memory_space<hbm>>)
    %dma_wait3A_3069 = arith.constant 0 : i32
    %dma_wait3A_3070 = tpu.memref_slice %arg4[%mul3A_2560, %dma_wait3A_3069] : memref<262144x128xf32, #tpu.memory_space<hbm>> -> memref<128x128xf32, #tpu.memory_space<hbm>>
    %dma_wait3A_3071 = arith.constant 0 : i32
    %dma_wait3A_3072 = tpu.memref_slice %arg4[%mul3A_2560, %dma_wait3A_3071] : memref<262144x128xf32, #tpu.memory_space<hbm>> -> memref<128x128xf32, #tpu.memory_space<hbm>>
    tpu.wait_dma2 semaphore(%arg7 : memref<!tpu.dma_semaphore, #tpu.memory_space<semaphore_mem>>) src(%arg5 : memref<128x128xf32, #tpu.memory_space<vmem>>) dst(%dma_wait3A_3072 : memref<128x128xf32, #tpu.memory_space<hbm>>)
    %dma_wait3A_3073 = arith.constant 0 : i32
    %dma_wait3A_3074 = tpu.memref_slice %arg4[%mul3A_2564, %dma_wait3A_3073] : memref<262144x128xf32, #tpu.memory_space<hbm>> -> memref<128x128xf32, #tpu.memory_space<hbm>>
    %dma_wait3A_3075 = arith.constant 0 : i32
    %dma_wait3A_3076 = tpu.memref_slice %arg4[%mul3A_2564, %dma_wait3A_3075] : memref<262144x128xf32, #tpu.memory_space<hbm>> -> memref<128x128xf32, #tpu.memory_space<hbm>>
    tpu.wait_dma2 semaphore(%arg7 : memref<!tpu.dma_semaphore, #tpu.memory_space<semaphore_mem>>) src(%arg5 : memref<128x128xf32, #tpu.memory_space<vmem>>) dst(%dma_wait3A_3076 : memref<128x128xf32, #tpu.memory_space<hbm>>)
    return
  }
}

</mosaic_0001>

<sc_bundles>
// kernel: kernel.3.cloned.1.call-start
scs
__scs_entry_jumppad:
0x0: {  	(pc) =	sbr.rel $0x88, $3  }
0x1: {  	(tag) =	ssettag $0x0;
	lr =	simm.s32 $0x1  }
0x2: {  	[smem:$0x3F9F] =	sst lr;
	_ =	strace $0xD0000000  }
0x3: {  	_ = 	snop  }
0x4: {  	_ = 	snop  }
0x5: {  	_ = 	snop  }
0x6: {  	_ = 	snop  }
0x7: {  	_ = 	snop  }
__scs_overlays_trampoline_lowered:
0x8: {  	[smem:$0x3FAE] =	sst s0  }
0x9: {  	[smem:$0x3FAF] =	sst s1  }
0xa: {  	[smem:$0x3FB0] =	sst s2  }
0xb: {  	[smem:$0x3FB1] =	sst s3  }
0xc: {  	[smem:$0x3FB2] =	sst s4  }
0xd: {  	[smem:$0x3FB3] =	sst s5  }
0xe: {  	[smem:$0x3FB4] =	sst s6  }
0xf: {  	[smem:$0x3FB5] =	sst s7  }
0x10: {  	[smem:$0x3FB6] =	sst s8  }
0x11: {  	[smem:$0x3FB7] =	sst s9;
	s0 =	simm.s32 @!p0 $0x0  }
0x12: {  	s1 =	sld [smem:$0x3F9D];
	s0 =	simm.s32 @p0 $0x1  }
0x13: {  	[smem:$0x3FB8] =	sst s0;
	s0 =	simm.s32 @!p1 $0x0  }
0x14: {  	s2 =	sld [smem:$0x3F9C];
	s0 =	simm.s32 @p1 $0x1  }
0x15: {  	[smem:$0x3FB9] =	sst s0;
	s0 =	simm.s32 @!p2 $0x0  }
0x16: {  	s3 =	sld [smem:$0x3FDB];
	s0 =	simm.s32 @p2 $0x1  }
0x17: {  	s4 =	simm.s32 $0x1BF5;
	[smem:$0x3FBB] =	sst s0  }
0x18: {  	s0 =	sld [smem:$0x3F9E];
	_ =	swait.ge [sflag:s4], $0x0  }
0x19: {  	s7 =	sld [smem:$0x3F9F]  }
0x1a: {  	s8 =	sadd.s32 $0xFFFFE003, lr  }
0x1b: {  	s9 =	sadd.s32 $0xFFFFFEF7, lr;
	s5 =	simm.s32 $0xFFFFFFFF;
	p2 =	slt.u32 s8, $0xFFFFF086  }
0x1c: {  	p1 =	slt.u32 s9, $0xF7A;
	s5 =	simm.s32 @!p2 $0x0  }
0x1d: {  	s5 =	simm.s32 @p1 $0x1;
	p0 =	seq.s32 s7, s2  }
0x1e: {  	s7 =	smul.u32 @!p0 $0xF7A, s2;
	p2 =	seq.s32 @!p0 s5, $0x0  }
0x1f: {  	s9 =	smul.u32 $0xF7A, s1;
	s8 =	simm.s32 @!p0 $0x1BF5;
	p2 =	por !p2, p0  }
0x20: {  	[sflag:s8] =	ssyncset.s32 @!p0 $0xFFFFF086;
	s6 =	sadd.s32 @!p0 s3, s7;
	s7 =	simm.s32 @!p0 $0x108  }
0x21: {  	s3 =	sadd.s32 s3, s9;
	s6 =	sadd.s32 @!p0 $0x88, s6;
	s7 =	simm.s32 @p2 $0x1082  }
0x22: {  	[simem:s7], [sflag:s8] =	dma.local @!p0 [hbm:s6], $0xF7A  }
0x23: {  	s9 =	sor.u32 $0xD0000000, s2;
	s6 =	simm.s32 $0x108;
	_ =	swait.ge @!p0 [sflag:s8], $0x0  }
0x24: {  	s3 =	sadd.s32 $0x88, s3;
	s6 =	simm.s32 @!p1 $0x1082;
	[sflag:s4] =	ssyncset.s32 $0xFFFFF086  }
0x25: {  	[simem:s6], [sflag:s4] =	dma.local [hbm:s3], $0xF7A  }
0x26: {  	[smem:$0x3F9F] =	sst s1;
	(tag) =	ssettag s2;
	_ =	strace s9  }
0x27: {  	s1 =	sld [smem:$0x3FAF]  }
0x28: {  	s2 =	sld [smem:$0x3FB0]  }
0x29: {  	s4 =	sld [smem:$0x3FB2]  }
0x2a: {  	p0 =	seq.s32 s5, $0x0;
	s5 =	sld [smem:$0x3FB3]  }
0x2b: {  	s6 =	sld [smem:$0x3FB4]  }
0x2c: {  	s7 =	sld [smem:$0x3FB5]  }
0x2d: {  	s3 =	simm.s32 $0x108;
	s8 =	sld [smem:$0x3FB6]  }
0x2e: {  	s3 =	simm.s32 @!p0 $0x1082;
	s9 =	sld [smem:$0x3FB7]  }
0x2f: {  	lr =	sadd.s32 s0, s3;
	s0 =	sld [smem:$0x3FAE]  }
0x30: {  	s3 =	sld [smem:$0x3FB1]  }
0x31: {  	[smem:$0x3FBA] =	sst s10  }
0x32: {  	s10 =	sld [smem:$0x3FB8];
	_ =	sdelay $0x3  }
0x33: {  	p0 =	seq.s32 s10, $0x1;
	s10 =	sld [smem:$0x3FBA];
	_ =	sdelay $0x3  }
0x34: {  	[smem:$0x3FBA] =	sst s10  }
0x35: {  	s10 =	sld [smem:$0x3FB9];
	_ =	sdelay $0x3  }
0x36: {  	p1 =	seq.s32 s10, $0x1;
	s10 =	sld [smem:$0x3FBA];
	_ =	sdelay $0x3  }
0x37: {  	[smem:$0x3FBA] =	sst s10  }
0x38: {  	s10 =	sld [smem:$0x3FBB]  }
0x39: {  	_ = 	snop;
	(pc) =	sbr.ind lr, $3  }
0x3a: {  	_ = 	snop  }
0x3b: {  	_ = 	snop  }
0x3c: {  	p2 =	seq.s32 s10, $0x1;
	s10 =	sld [smem:$0x3FBA]  }
0x3d: {  	_ =	shalt  }
0x3e: {  	_ =	shalt  }
0x3f: {  	_ =	shalt  }
0x40: {  	_ =	shalt  }
0x41: {  	_ =	shalt  }
0x42: {  	_ =	shalt  }
0x43: {  	_ =	shalt  }
0x44: {  	_ =	shalt  }
0x45: {  	_ =	shalt  }
0x46: {  	_ =	shalt  }
0x47: {  	_ =	shalt  }
0x48: {  	_ =	shalt  }
0x49: {  	_ =	shalt  }
0x4a: {  	_ =	shalt  }
0x4b: {  	_ =	shalt  }
0x4c: {  	_ =	shalt  }
0x4d: {  	_ =	shalt  }
0x4e: {  	_ =	shalt  }
0x4f: {  	_ =	shalt  }
0x50: {  	_ =	shalt  }
0x51: {  	_ =	shalt  }
0x52: {  	_ =	shalt  }
0x53: {  	_ =	shalt  }
0x54: {  	_ =	shalt  }
0x55: {  	_ =	shalt  }
0x56: {  	_ =	shalt  }
0x57: {  	_ =	shalt  }
0x58: {  	_ =	shalt  }
0x59: {  	_ =	shalt  }
0x5a: {  	_ =	shalt  }
0x5b: {  	_ =	shalt  }
0x5c: {  	_ =	shalt  }
0x5d: {  	_ =	shalt  }
0x5e: {  	_ =	shalt  }
0x5f: {  	_ =	shalt  }
0x60: {  	_ =	shalt  }
0x61: {  	_ =	shalt  }
0x62: {  	_ =	shalt  }
0x63: {  	_ =	shalt  }
0x64: {  	_ =	shalt  }
0x65: {  	_ =	shalt  }
0x66: {  	_ =	shalt  }
0x67: {  	_ =	shalt  }
0x68: {  	_ =	shalt  }
0x69: {  	_ =	shalt  }
0x6a: {  	_ =	shalt  }
0x6b: {  	_ =	shalt  }
0x6c: {  	_ =	shalt  }
0x6d: {  	_ =	shalt  }
0x6e: {  	_ =	shalt  }
0x6f: {  	_ =	shalt  }
0x70: {  	_ =	shalt  }
0x71: {  	_ =	shalt  }
0x72: {  	_ =	shalt  }
0x73: {  	_ =	shalt  }
0x74: {  	_ =	shalt  }
0x75: {  	_ =	shalt  }
0x76: {  	_ =	shalt  }
0x77: {  	_ =	shalt  }
0x78: {  	_ =	shalt  }
0x79: {  	_ =	shalt  }
0x7a: {  	_ =	shalt  }
0x7b: {  	_ =	shalt  }
0x7c: {  	_ =	shalt  }
0x7d: {  	_ =	shalt  }
0x7e: {  	_ =	shalt  }
0x7f: {  	_ =	shalt  }
0x80: {  	_ =	shalt  }
0x81: {  	_ =	shalt  }
0x82: {  	_ =	shalt  }
0x83: {  	_ =	shalt  }
0x84: {  	_ =	shalt  }
0x85: {  	_ =	shalt  }
0x86: {  	_ =	shalt  }
0x87: {  	_ =	shalt  }
.Lfunc_end0:
.L_simem_size_0:
called_computation_lowered:
.L_overlay_start_0:
0x88: {  	s2 =	sld [smem:$0x3FD9]  }
0x89: {  	s3 =	sld [smem:$0x3FFE];
	_ =	sdelay $0x1  }
0x8a: {  	s1 =	srdreg.scid  }
0x8b: {  	s0 =	sand.u32 $0x1, s1  }
0x8c: {  	s17 =	sshll.u32 s0, $0xA;
	s2 =	sadd.s32 s3, s2  }
0x8d: {  	s2 =	sadd.s32 s2, s17  }
0x8e: {  	[smem:$0x3FC6] =	sst s2  }
0x8f: {  	_ = 	snop  }
0x90: {  	s2 =	sld [smem:$0x3FD0];
	(tm) =	ssettm $0x1  }
0x91: {  	s18 =	sld [smem:$0x3FFB];
	_ =	sdelay $0x3  }
0x92: {  	_ =	strace s18  }
0x93: {  	s3 =	sld [smem:$0x3FFC];
	_ =	sdelay $0x3  }
0x94: {  	_ =	strace s3  }
0x95: {  	s3 =	sld [smem:$0x3FFD];
	_ =	sdelay $0x3  }
0x96: {  	_ =	strace s3  }
0x97: {  	_ =	strace $0x8FFFFFFF  }
0x98: {  	s19 =	sld [smem:$0x3FDB];
	_ =	sdelay $0x1  }
0x99: {  	s4 =	simm.s32 $_scs_section_size  }
0x9a: {  	s5 =	simm.s32 $_size__tile_overlayer_lowered;
	s6 =	simm.s32 $_tile_overlayer_lowered  }
0x9b: {  	s22 =	simm.s32 $0x1BFF;
	s21 =	sshll.u32 s6, $0x1;
	s3 =	sadd.s32 s4, s19  }
0x9c: {  	s7 =	simm.s32 $0x0;
	s20 =	sshll.u32 s5, $0x1;
	s5 =	sadd.s32 s21, s3  }
0x9d: {  	[timem:s7], [sflag:s22] =	dma.local [hbm:s5], s20  }
0x9e: {  	_ =	swait.ge [sflag:s22], s20  }
0x9f: {  	s4 =	ssub.s32 $0x0, s20;
	[sflag:s22] =	ssyncset.done $0x0  }
0xa0: {  	[sflag:s22] =	ssyncadd.s32 s4;
	_ =	sdelay $0x1  }
0xa1: {  	s23 =	simm.s32 $0x1B8B  }
0xa2: {  	_ =	swait.ge [sflag:s23], $0x1  }
0xa3: {  	[sflag:s23] =	ssyncset.done $0x0  }
0xa4: {  	s25 =	simm.s32 $0x1B8E;
	s24 =	sld [smem:$0x3FFE];
	[sflag:s23] =	ssyncadd.s32 $0xFFFFFFFF  }
0xa5: {  	s26 =	simm.s32 $execute0_lowered;
	[smem:$0x3FD2] =	sst s25  }
0xa6: {  	s5 =	sshll.u32 s26, $0x1;
	_ =	strace $0x80000046;
	[dreg:$0x1] =	wrdreg $0xFFFFFFFF  }
0xa7: {  	s28 =	simm.s32 $_size_execute0_lowered;
	s3 =	sadd.s32 s3, s5;
	[dreg:$0x0] =	wrdreg $0x0  }
0xa8: {  	s5 =	sshll.u32 s28, $0x1;
	[dreg:$0x2] =	wrdreg s3  }
0xa9: {  	[dreg:$0x3] =	wrdreg s5  }
0xaa: {  	[dreg:$0x4] =	wrdreg $0xC0  }
0xab: {  	_ =	task [dreg:s7], $0x5FFFF  }
0xac: {  	[dreg:$0x1] =	wrdreg $0xFFFFFFFF  }
0xad: {  	[dreg:$0x0] =	wrdreg $0x60  }
0xae: {  	[dreg:$0x2] =	wrdreg s24  }
0xaf: {  	[dreg:$0x3] =	wrdreg s2  }
0xb0: {  	[dreg:$0x4] =	wrdreg $0x9  }
0xb1: {  	_ =	task.clear_ibuf [dreg:s7], $0x5FFFF;
	_ =	strace $0x90000046  }
0xb2: {  	s29 =	simm.s32 $0x9;
	_ =	strace $0x80000048  }
0xb3: {  	_ =	swait.ge [sflag:s29], $0x1  }
0xb4: {  	[sflag:s29] =	ssyncadd.s32 $0xFFFFFFFF  }
0xb5: {  	_ =	strace $0x90000048  }
0xb6: {  	_ =	sfence  }
0xb7: {  	s30 =	sld [smem:$0x0];
	_ =	sdelay $0x2  }
0xb8: {  	s31 =	sshll.u32 s1, $0xD;
	s1 =	sshrl.u32 s1, $0x2  }
0xb9: {  	s3 =	sand.u32 $0x4000, s31;
	s1 =	sadd.s32 s1, s30  }
0xba: {  	s0 =	sor.u32 s3, s0;
	s1 =	sshll.u32 s1, $0x11  }
0xbb: {  	s0 =	sor.u32 s1, s0  }
0xbc: {  	s0 =	sadd.s32 $0x8F2B, s0  }
0xbd: {  	[sflag:s0] =	ssyncadd.remote.s32 $0x1  }
0xbe: {  	_ =	sfence.sel $0xFFFF  }
0xbf: {  	[dreg:$0x0] =	wrdreg $0xFFFFFFFF;
	(pc) =	sbr.abs _section_cstart, $3  }
0xc0: {  	[dreg:$0x1] =	wrdreg $0xFFFFFFFF  }
0xc1: {  	_ =	task.clear_ibuf [dreg:s7], $0x2FFFF;
	_ =	strace $0x9FFFFFFF  }
0xc2: {  	(tm) =	ssettm $0x7FFFFFFF  }
0xc3: {  	_ =	shalt  }
tec
execute0_lowered:
.L_overlay_start_1:
0x0: {  	(tag) =	ssettag $0x1  }
0x1: {  	s3 =	rddreg [dreg:$0x0]  }
0x2: {  	s0 =	srdreg.scid;
	s4 =	rddreg [dreg:$0x1];
	s2 =	simm.s32 $0x0  }
0x3: {  	s1 =	stileid.u32;
	[smem:$0x7FF] =	sst s2;
	s7 =	sadd.s32 $0x400, s3  }
0x4: {  	s19 =	sadd.s32 $0x410, s3;
	_ =	strace $0x80000047;
	[dreg:$0x3] =	wrdreg s7  }
0x5: {  	s0 =	sand.u32 $0x1, s0;
	s20 =	sadd.s32 $0x500, s3;
	[dreg:$0x5] =	wrdreg s19  }
0x6: {  	s21 =	sadd.s32 $0x510, s3;
	s22 =	sadd.s32 $0x600, s3;
	[dreg:$0x6] =	wrdreg s20  }
0x7: {  	s23 =	sadd.s32 $0x610, s3;
	s5 =	sshll.u32 s0, $0x4;
	[dreg:$0x7] =	wrdreg s21  }
0x8: {  	s24 =	sadd.s32 $0x700, s3;
	[dreg:$0x8] =	wrdreg s22;
	s5 =	sor.u32 s1, s5  }
0x9: {  	s25 =	sadd.s32 $0x710, s3;
	[dreg:$0x9] =	wrdreg s23;
	s6 =	sshll.u32 s5, $0x5  }
0xa: {  	[dreg:$0xa] =	wrdreg s24;
	s5 =	sshll.u32 s5, $0xB;
	s6 =	sadd.s32 s6, s3  }
0xb: {  	[dreg:$0xb] =	wrdreg s25;
	s3 =	sadd.s32 s4, s5;
	s6 =	sadd.s32 $0xC00, s6  }
0xc: {  	s4 =	sadd.s32 $0x10000, s3;
	[dreg:$0x4] =	wrdreg s6  }
0xd: {  	s26 =	sadd.s32 $0x20000, s3;
	[dreg:$0xc] =	wrdreg s4  }
0xe: {  	s1 =	sadd.s32 $0x30000, s3;
	[dreg:$0xd] =	wrdreg s26  }
0xf: {  	s5 =	sadd.s32 $0x40000, s3;
	[dreg:$0xe] =	wrdreg s1  }
0x10: {  	s7 =	sadd.s32 $0x60000, s3;
	[dreg:$0xf] =	wrdreg s5  }
0x11: {  	s8 =	sadd.s32 $0x70000, s3;
	[dreg:$0x11] =	wrdreg s7  }
0x12: {  	s9 =	sadd.s32 $0x80000, s3;
	[dreg:$0x12] =	wrdreg s8  }
0x13: {  	s10 =	sadd.s32 $0x90000, s3;
	[dreg:$0x13] =	wrdreg s9  }
0x14: {  	s11 =	sadd.s32 $0xA0000, s3;
	[dreg:$0x14] =	wrdreg s10  }
0x15: {  	s12 =	sadd.s32 $0xB0000, s3;
	[dreg:$0x15] =	wrdreg s11  }
0x16: {  	s13 =	sadd.s32 $0xC0000, s3;
	[dreg:$0x16] =	wrdreg s12  }
0x17: {  	s14 =	sadd.s32 $0xD0000, s3;
	[dreg:$0x17] =	wrdreg s13  }
0x18: {  	s15 =	sadd.s32 $0xE0000, s3;
	[dreg:$0x18] =	wrdreg s14  }
0x19: {  	s16 =	sadd.s32 $0xF0000, s3;
	[dreg:$0x19] =	wrdreg s15  }
0x1a: {  	s17 =	sadd.s32 $0x100000, s3;
	[dreg:$0x1a] =	wrdreg s16  }
0x1b: {  	s18 =	sadd.s32 $0x110000, s3;
	[dreg:$0x1b] =	wrdreg s17  }
0x1c: {  	s19 =	sadd.s32 $0x120000, s3;
	[dreg:$0x1c] =	wrdreg s18  }
0x1d: {  	s20 =	sadd.s32 $0x130000, s3;
	[dreg:$0x1d] =	wrdreg s19  }
0x1e: {  	s21 =	sadd.s32 $0x140000, s3;
	[dreg:$0x1e] =	wrdreg s20  }
0x1f: {  	s22 =	sadd.s32 $0x150000, s3;
	[dreg:$0x1f] =	wrdreg s21  }
0x20: {  	s23 =	sadd.s32 $0x160000, s3;
	[smem:$0x7E3] =	sst s22  }
0x21: {  	s24 =	sadd.s32 $0x170000, s3;
	[smem:$0x7E4] =	sst s23  }
0x22: {  	s25 =	sadd.s32 $0x180000, s3;
	[smem:$0x7E5] =	sst s24  }
0x23: {  	s6 =	sadd.s32 $0x50000, s3;
	[smem:$0x7E6] =	sst s25  }
0x24: {  	s26 =	sadd.s32 $0x190000, s3;
	[dreg:$0x10] =	wrdreg s6  }
0x25: {  	s1 =	sadd.s32 $0x1A0000, s3;
	[smem:$0x7E7] =	sst s26  }
0x26: {  	s5 =	sadd.s32 $0x1B0000, s3;
	[smem:$0x7E8] =	sst s1  }
0x27: {  	s7 =	sadd.s32 $0x1D0000, s3;
	[smem:$0x7E9] =	sst s5  }
0x28: {  	s8 =	sadd.s32 $0x1E0000, s3;
	[smem:$0x7EB] =	sst s7  }
0x29: {  	s9 =	sadd.s32 $0x1F0000, s3;
	[smem:$0x7EC] =	sst s8  }
0x2a: {  	s10 =	sadd.s32 $0x200000, s3;
	[smem:$0x7ED] =	sst s9  }
0x2b: {  	s11 =	sadd.s32 $0x210000, s3;
	[smem:$0x7EE] =	sst s10  }
0x2c: {  	s12 =	sadd.s32 $0x220000, s3;
	[smem:$0x7EF] =	sst s11  }
0x2d: {  	s13 =	sadd.s32 $0x230000, s3;
	[smem:$0x7F0] =	sst s12  }
0x2e: {  	s14 =	sadd.s32 $0x240000, s3;
	[smem:$0x7F1] =	sst s13  }
0x2f: {  	s15 =	sadd.s32 $0x250000, s3;
	[smem:$0x7F2] =	sst s14  }
0x30: {  	s16 =	sadd.s32 $0x260000, s3;
	[smem:$0x7F3] =	sst s15  }
0x31: {  	s17 =	sadd.s32 $0x270000, s3;
	[smem:$0x7F4] =	sst s16  }
0x32: {  	s28 =	simm.s32 $0x2000;
	s18 =	sadd.s32 $0x280000, s3;
	[smem:$0x7F5] =	sst s17  }
0x33: {  	s29 =	simm.s32 $0x2400;
	s19 =	sadd.s32 $0x290000, s3;
	[smem:$0x7F6] =	sst s18  }
0x34: {  	s30 =	simm.s32 $0x3000;
	s20 =	sadd.s32 $0x2A0000, s3;
	[smem:$0x7F7] =	sst s19  }
0x35: {  	s31 =	simm.s32 $0x3400;
	s21 =	sadd.s32 $0x2B0000, s3;
	[smem:$0x7F8] =	sst s20  }
0x36: {  	s0 =	ssub.s32 $0x2, s0;
	s22 =	sadd.s32 $0x2C0000, s3;
	[smem:$0x7F9] =	sst s21  }
0x37: {  	s23 =	sadd.s32 $0x2D0000, s3;
	s24 =	sadd.s32 $0x2E0000, s3;
	[smem:$0x7FA] =	sst s22  }
0x38: {  	s25 =	sshrl.u32 s0, $0x1;
	s4 =	sadd.s32 $0x300000, s3;
	[smem:$0x7FB] =	sst s23  }
0x39: {  	s6 =	sadd.s32 $0x1C0000, s3;
	[smem:$0x7FC] =	sst s24;
	s26 =	sadd.s32 $0x2F0000, s3  }
0x3a: {  	s0 =	ssub.s32 s0, s25;
	s5 =	sadd.s32 $0x310000, s3;
	s7 =	sadd.s32 $0x330000, s3  }
0x3b: {  	s8 =	sadd.s32 $0x340000, s3;
	s9 =	sadd.s32 $0x350000, s3;
	s10 =	sadd.s32 $0x360000, s3  }
0x3c: {  	s11 =	sadd.s32 $0x370000, s3;
	s12 =	sadd.s32 $0x380000, s3;
	s13 =	sadd.s32 $0x390000, s3  }
0x3d: {  	s14 =	sadd.s32 $0x3A0000, s3;
	s15 =	sadd.s32 $0x3B0000, s3;
	s16 =	sadd.s32 $0x3C0000, s3  }
0x3e: {  	s17 =	sadd.s32 $0x3D0000, s3;
	s18 =	sadd.s32 $0x3E0000, s3;
	s19 =	sadd.s32 $0x3F0000, s3  }
0x3f: {  	s22 =	simm.s32 $0x80;
	s23 =	simm.s32 $0x100;
	[smem:$0x7EA] =	sst s6  }
0x40: {  	s25 =	simm.s32 $0x1000;
	[smem:$0x7FD] =	sst s26;
	s6 =	sadd.s32 $0x320000, s3  }
0x41: {  	s20 =	smax.u32 s0, $0x1;
	s26 =	simm.s32 $0x1400;
	s0 =	simm.s32 $0x1  }
.LBB2_1:
0x42: {  	s1 =	rddreg [dreg:$0x4];
	s24 =	simm.s32 $0x4000  }
0x43: {  	[tilespmem:s24], [sflag:$0x1] =	stream.linear.gather [hbm4b:s1+s2], $0x100, $0x38;
	[tilespmem:$0x4100] =	vst v63  }
0x44: {  	s21 =	rddreg [dreg:$0x3]  }
0x45: {  	[tilespmem:s2], [sflag:$0x1] =	stream.strided.gather [hbm4b:s21+s22], $0x400, s23, s22, $0x38;
	[tilespmem:$0x4100] =	vst v63  }
0x46: {  	s1 =	rddreg [dreg:$0x5];
	s24 =	simm.s32 $0x400  }
0x47: {  	[tilespmem:s24], [sflag:$0x1] =	stream.strided.gather [hbm4b:s1+s22], $0x400, s23, s22, $0x38;
	[tilespmem:$0x4100] =	vst v63  }
0x48: {  	s21 =	rddreg [dreg:$0x6]  }
0x49: {  	[tilespmem:s25], [sflag:$0x1] =	stream.strided.gather [hbm4b:s21+s22], $0x400, s23, s22, $0x38;
	[tilespmem:$0x4100] =	vst v63  }
0x4a: {  	s24 =	rddreg [dreg:$0x7]  }
0x4b: {  	[tilespmem:s26], [sflag:$0x1] =	stream.strided.gather [hbm4b:s24+s22], $0x400, s23, s22, $0x38;
	[tilespmem:$0x4100] =	vst v63  }
0x4c: {  	s21 =	rddreg [dreg:$0x8]  }
0x4d: {  	[tilespmem:s28], [sflag:$0x1] =	stream.strided.gather [hbm4b:s21+s22], $0x400, s23, s22, $0x38;
	[tilespmem:$0x4100] =	vst v63  }
0x4e: {  	s24 =	rddreg [dreg:$0x9]  }
0x4f: {  	[tilespmem:s29], [sflag:$0x1] =	stream.strided.gather [hbm4b:s24+s22], $0x400, s23, s22, $0x38;
	[tilespmem:$0x4100] =	vst v63  }
0x50: {  	s21 =	rddreg [dreg:$0xa]  }
0x51: {  	[tilespmem:s30], [sflag:$0x1] =	stream.strided.gather [hbm4b:s21+s22], $0x400, s23, s22, $0x38;
	[tilespmem:$0x4100] =	vst v63  }
0x52: {  	s24 =	rddreg [dreg:$0xb]  }
0x53: {  	[tilespmem:s31], [sflag:$0x1] =	stream.strided.gather [hbm4b:s24+s22], $0x400, s23, s22, $0x38;
	[tilespmem:$0x4100] =	vst v63  }
0x54: {  	_ =	swait.ge [sflag:s0], $0x100  }
0x55: {  	[sflag:s0] =	ssyncset.done $0x0  }
0x56: {  	[sflag:s0] =	ssyncadd.s32 $0xFFFFFF00  }
0x57: {  	_ =	swait.ge [sflag:s0], $0x400  }
0x58: {  	[sflag:s0] =	ssyncset.done $0x0  }
0x59: {  	[sflag:s0] =	ssyncadd.s32 $0xFFFFFC00  }
0x5a: {  	_ =	swait.ge [sflag:s0], $0x400  }
0x5b: {  	[sflag:s0] =	ssyncset.done $0x0  }
0x5c: {  	[sflag:s0] =	ssyncadd.s32 $0xFFFFFC00  }
0x5d: {  	_ =	swait.ge [sflag:s0], $0x400  }
0x5e: {  	[sflag:s0] =	ssyncset.done $0x0  }
0x5f: {  	[sflag:s0] =	ssyncadd.s32 $0xFFFFFC00  }
0x60: {  	_ =	swait.ge [sflag:s0], $0x400  }
0x61: {  	[sflag:s0] =	ssyncset.done $0x0  }
0x62: {  	[sflag:s0] =	ssyncadd.s32 $0xFFFFFC00  }
0x63: {  	_ =	swait.ge [sflag:s0], $0x400  }
0x64: {  	[sflag:s0] =	ssyncset.done $0x0  }
0x65: {  	[sflag:s0] =	ssyncadd.s32 $0xFFFFFC00  }
0x66: {  	_ =	swait.ge [sflag:s0], $0x400  }
0x67: {  	[sflag:s0] =	ssyncset.done $0x0  }
0x68: {  	[sflag:s0] =	ssyncadd.s32 $0xFFFFFC00  }
0x69: {  	_ =	swait.ge [sflag:s0], $0x400  }
0x6a: {  	[sflag:s0] =	ssyncset.done $0x0  }
0x6b: {  	[sflag:s0] =	ssyncadd.s32 $0xFFFFFC00  }
0x6c: {  	_ =	swait.ge [sflag:s0], $0x400  }
0x6d: {  	[sflag:s0] =	ssyncset.done $0x0  }
0x6e: {  	[sflag:s0] =	ssyncadd.s32 $0xFFFFFC00  }
0x6f: {  	v0 =	vld [tilespmem:$0x4000]  }
0x70: {  	v1 =	vld [tilespmem:$0x4010]  }
0x71: {  	v2 =	vld [tilespmem:$0x4020]  }
0x72: {  	v3 =	vld [tilespmem:$0x4030]  }
0x73: {  	v4 =	vld [tilespmem:$0x4040]  }
0x74: {  	v5 =	vld [tilespmem:$0x4050];
	[tilespmem:$0x800] =	vst v0  }
0x75: {  	v6 =	vld [tilespmem:$0x4060];
	[tilespmem:$0x810] =	vst v1  }
0x76: {  	v7 =	vld [tilespmem:$0x4070];
	[tilespmem:$0x820] =	vst v2  }
0x77: {  	[tilespmem:$0x830] =	vst v3  }
0x78: {  	[tilespmem:$0x840] =	vst v4  }
0x79: {  	[tilespmem:$0x850] =	vst v5  }
0x7a: {  	[tilespmem:$0x860] =	vst v6  }
0x7b: {  	[tilespmem:$0x870] =	vst v7  }
0x7c: {  	[tilespmem:$0x880] =	vst v0  }
0x7d: {  	[tilespmem:$0x890] =	vst v1  }
0x7e: {  	[tilespmem:$0x8A0] =	vst v2  }
0x7f: {  	[tilespmem:$0x8B0] =	vst v3  }
0x80: {  	[tilespmem:$0x8C0] =	vst v4  }
0x81: {  	[tilespmem:$0x8D0] =	vst v5  }
0x82: {  	[tilespmem:$0x8E0] =	vst v6  }
0x83: {  	[tilespmem:$0x8F0] =	vst v7  }
0x84: {  	[tilespmem:$0x900] =	vst v0  }
0x85: {  	[tilespmem:$0x910] =	vst v1  }
0x86: {  	[tilespmem:$0x920] =	vst v2  }
0x87: {  	[tilespmem:$0x930] =	vst v3  }
0x88: {  	[tilespmem:$0x940] =	vst v4  }
0x89: {  	[tilespmem:$0x950] =	vst v5  }
0x8a: {  	[tilespmem:$0x960] =	vst v6  }
0x8b: {  	[tilespmem:$0x970] =	vst v7  }
0x8c: {  	[tilespmem:$0x980] =	vst v0  }
0x8d: {  	[tilespmem:$0x990] =	vst v1  }
0x8e: {  	[tilespmem:$0x9A0] =	vst v2  }
0x8f: {  	[tilespmem:$0x9B0] =	vst v3  }
0x90: {  	[tilespmem:$0x9C0] =	vst v4  }
0x91: {  	[tilespmem:$0x9D0] =	vst v5  }
0x92: {  	[tilespmem:$0x9E0] =	vst v6  }
0x93: {  	[tilespmem:$0x9F0] =	vst v7  }
0x94: {  	[tilespmem:$0xA00] =	vst v0  }
0x95: {  	[tilespmem:$0xA10] =	vst v1  }
0x96: {  	[tilespmem:$0xA20] =	vst v2  }
0x97: {  	[tilespmem:$0xA30] =	vst v3  }
0x98: {  	[tilespmem:$0xA40] =	vst v4  }
0x99: {  	[tilespmem:$0xA50] =	vst v5  }
0x9a: {  	[tilespmem:$0xA60] =	vst v6  }
0x9b: {  	[tilespmem:$0xA70] =	vst v7  }
0x9c: {  	[tilespmem:$0xA80] =	vst v0  }
0x9d: {  	[tilespmem:$0xA90] =	vst v1  }
0x9e: {  	[tilespmem:$0xAA0] =	vst v2  }
0x9f: {  	[tilespmem:$0xAB0] =	vst v3  }
0xa0: {  	[tilespmem:$0xAC0] =	vst v4  }
0xa1: {  	[tilespmem:$0xAD0] =	vst v5  }
0xa2: {  	[tilespmem:$0xAE0] =	vst v6  }
0xa3: {  	[tilespmem:$0xAF0] =	vst v7  }
0xa4: {  	[tilespmem:$0xB00] =	vst v0  }
0xa5: {  	[tilespmem:$0xB10] =	vst v1  }
0xa6: {  	[tilespmem:$0xB20] =	vst v2  }
0xa7: {  	[tilespmem:$0xB30] =	vst v3  }
0xa8: {  	[tilespmem:$0xB40] =	vst v4  }
0xa9: {  	[tilespmem:$0xB50] =	vst v5  }
0xaa: {  	[tilespmem:$0xB60] =	vst v6  }
0xab: {  	[tilespmem:$0xB70] =	vst v7  }
0xac: {  	[tilespmem:$0xB80] =	vst v0  }
0xad: {  	[tilespmem:$0xB90] =	vst v1  }
0xae: {  	[tilespmem:$0xBA0] =	vst v2  }
0xaf: {  	[tilespmem:$0xBB0] =	vst v3  }
0xb0: {  	[tilespmem:$0xBC0] =	vst v4  }
0xb1: {  	[tilespmem:$0xBD0] =	vst v5  }
0xb2: {  	[tilespmem:$0xBE0] =	vst v6  }
0xb3: {  	[tilespmem:$0xBF0] =	vst v7  }
0xb4: {  	[tilespmem:$0x1800] =	vst v0  }
0xb5: {  	[tilespmem:$0x1810] =	vst v1  }
0xb6: {  	[tilespmem:$0x1820] =	vst v2  }
0xb7: {  	[tilespmem:$0x1830] =	vst v3  }
0xb8: {  	[tilespmem:$0x1840] =	vst v4  }
0xb9: {  	[tilespmem:$0x1850] =	vst v5  }
0xba: {  	[tilespmem:$0x1860] =	vst v6  }
0xbb: {  	[tilespmem:$0x1870] =	vst v7  }
0xbc: {  	[tilespmem:$0x1880] =	vst v0  }
0xbd: {  	[tilespmem:$0x1890] =	vst v1  }
0xbe: {  	[tilespmem:$0x18A0] =	vst v2  }
0xbf: {  	[tilespmem:$0x18B0] =	vst v3  }
0xc0: {  	[tilespmem:$0x18C0] =	vst v4  }
0xc1: {  	[tilespmem:$0x18D0] =	vst v5  }
0xc2: {  	[tilespmem:$0x18E0] =	vst v6  }
0xc3: {  	[tilespmem:$0x18F0] =	vst v7  }
0xc4: {  	[tilespmem:$0x1900] =	vst v0  }
0xc5: {  	[tilespmem:$0x1910] =	vst v1  }
0xc6: {  	[tilespmem:$0x1920] =	vst v2  }
0xc7: {  	[tilespmem:$0x1930] =	vst v3  }
0xc8: {  	[tilespmem:$0x1940] =	vst v4  }
0xc9: {  	[tilespmem:$0x1950] =	vst v5  }
0xca: {  	[tilespmem:$0x1960] =	vst v6  }
0xcb: {  	[tilespmem:$0x1970] =	vst v7  }
0xcc: {  	[tilespmem:$0x1980] =	vst v0  }
0xcd: {  	[tilespmem:$0x1990] =	vst v1  }
0xce: {  	[tilespmem:$0x19A0] =	vst v2  }
0xcf: {  	[tilespmem:$0x19B0] =	vst v3  }
0xd0: {  	[tilespmem:$0x19C0] =	vst v4  }
0xd1: {  	[tilespmem:$0x19D0] =	vst v5  }
0xd2: {  	[tilespmem:$0x19E0] =	vst v6  }
0xd3: {  	[tilespmem:$0x19F0] =	vst v7  }
0xd4: {  	[tilespmem:$0x1A00] =	vst v0  }
0xd5: {  	[tilespmem:$0x1A10] =	vst v1  }
0xd6: {  	[tilespmem:$0x1A20] =	vst v2  }
0xd7: {  	[tilespmem:$0x1A30] =	vst v3  }
0xd8: {  	[tilespmem:$0x1A40] =	vst v4  }
0xd9: {  	[tilespmem:$0x1A50] =	vst v5  }
0xda: {  	[tilespmem:$0x1A60] =	vst v6  }
0xdb: {  	[tilespmem:$0x1A70] =	vst v7  }
0xdc: {  	[tilespmem:$0x1A80] =	vst v0  }
0xdd: {  	[tilespmem:$0x1A90] =	vst v1  }
0xde: {  	[tilespmem:$0x1AA0] =	vst v2  }
0xdf: {  	[tilespmem:$0x1AB0] =	vst v3  }
0xe0: {  	[tilespmem:$0x1AC0] =	vst v4  }
0xe1: {  	[tilespmem:$0x1AD0] =	vst v5  }
0xe2: {  	[tilespmem:$0x1AE0] =	vst v6  }
0xe3: {  	[tilespmem:$0x1AF0] =	vst v7  }
0xe4: {  	[tilespmem:$0x1B00] =	vst v0  }
0xe5: {  	[tilespmem:$0x1B10] =	vst v1  }
0xe6: {  	[tilespmem:$0x1B20] =	vst v2  }
0xe7: {  	[tilespmem:$0x1B30] =	vst v3  }
0xe8: {  	[tilespmem:$0x1B40] =	vst v4  }
0xe9: {  	[tilespmem:$0x1B50] =	vst v5  }
0xea: {  	[tilespmem:$0x1B60] =	vst v6  }
0xeb: {  	[tilespmem:$0x1B70] =	vst v7  }
0xec: {  	[tilespmem:$0x1B80] =	vst v0  }
0xed: {  	[tilespmem:$0x1B90] =	vst v1  }
0xee: {  	[tilespmem:$0x1BA0] =	vst v2  }
0xef: {  	[tilespmem:$0x1BB0] =	vst v3  }
0xf0: {  	[tilespmem:$0x1BC0] =	vst v4  }
0xf1: {  	[tilespmem:$0x1BD0] =	vst v5  }
0xf2: {  	[tilespmem:$0x1BE0] =	vst v6  }
0xf3: {  	[tilespmem:$0x1BF0] =	vst v7  }
0xf4: {  	[tilespmem:$0x2800] =	vst v0  }
0xf5: {  	[tilespmem:$0x2810] =	vst v1  }
0xf6: {  	[tilespmem:$0x2820] =	vst v2  }
0xf7: {  	[tilespmem:$0x2830] =	vst v3  }
0xf8: {  	[tilespmem:$0x2840] =	vst v4  }
0xf9: {  	[tilespmem:$0x2850] =	vst v5  }
0xfa: {  	[tilespmem:$0x2860] =	vst v6  }
0xfb: {  	[tilespmem:$0x2870] =	vst v7  }
0xfc: {  	[tilespmem:$0x2880] =	vst v0  }
0xfd: {  	[tilespmem:$0x2890] =	vst v1  }
0xfe: {  	[tilespmem:$0x28A0] =	vst v2  }
0xff: {  	[tilespmem:$0x28B0] =	vst v3  }
0x100: {  	[tilespmem:$0x28C0] =	vst v4  }
0x101: {  	[tilespmem:$0x28D0] =	vst v5  }
0x102: {  	[tilespmem:$0x28E0] =	vst v6  }
0x103: {  	[tilespmem:$0x28F0] =	vst v7  }
0x104: {  	[tilespmem:$0x2900] =	vst v0  }
0x105: {  	[tilespmem:$0x2910] =	vst v1  }
0x106: {  	[tilespmem:$0x2920] =	vst v2  }
0x107: {  	[tilespmem:$0x2930] =	vst v3  }
0x108: {  	[tilespmem:$0x2940] =	vst v4  }
0x109: {  	[tilespmem:$0x2950] =	vst v5  }
0x10a: {  	[tilespmem:$0x2960] =	vst v6  }
0x10b: {  	[tilespmem:$0x2970] =	vst v7  }
0x10c: {  	[tilespmem:$0x2980] =	vst v0  }
0x10d: {  	[tilespmem:$0x2990] =	vst v1  }
0x10e: {  	[tilespmem:$0x29A0] =	vst v2  }
0x10f: {  	[tilespmem:$0x29B0] =	vst v3  }
0x110: {  	[tilespmem:$0x29C0] =	vst v4  }
0x111: {  	[tilespmem:$0x29D0] =	vst v5  }
0x112: {  	[tilespmem:$0x29E0] =	vst v6  }
0x113: {  	[tilespmem:$0x29F0] =	vst v7  }
0x114: {  	[tilespmem:$0x2A00] =	vst v0  }
0x115: {  	[tilespmem:$0x2A10] =	vst v1  }
0x116: {  	[tilespmem:$0x2A20] =	vst v2  }
0x117: {  	[tilespmem:$0x2A30] =	vst v3  }
0x118: {  	[tilespmem:$0x2A40] =	vst v4  }
0x119: {  	[tilespmem:$0x2A50] =	vst v5  }
0x11a: {  	[tilespmem:$0x2A60] =	vst v6  }
0x11b: {  	[tilespmem:$0x2A70] =	vst v7  }
0x11c: {  	[tilespmem:$0x2A80] =	vst v0  }
0x11d: {  	[tilespmem:$0x2A90] =	vst v1  }
0x11e: {  	[tilespmem:$0x2AA0] =	vst v2  }
0x11f: {  	[tilespmem:$0x2AB0] =	vst v3  }
0x120: {  	[tilespmem:$0x2AC0] =	vst v4  }
0x121: {  	[tilespmem:$0x2AD0] =	vst v5  }
0x122: {  	[tilespmem:$0x2AE0] =	vst v6  }
0x123: {  	[tilespmem:$0x2AF0] =	vst v7  }
0x124: {  	[tilespmem:$0x2B00] =	vst v0  }
0x125: {  	[tilespmem:$0x2B10] =	vst v1  }
0x126: {  	[tilespmem:$0x2B20] =	vst v2  }
0x127: {  	[tilespmem:$0x2B30] =	vst v3  }
0x128: {  	[tilespmem:$0x2B40] =	vst v4  }
0x129: {  	[tilespmem:$0x2B50] =	vst v5  }
0x12a: {  	[tilespmem:$0x2B60] =	vst v6  }
0x12b: {  	[tilespmem:$0x2B70] =	vst v7  }
0x12c: {  	[tilespmem:$0x2B80] =	vst v0  }
0x12d: {  	[tilespmem:$0x2B90] =	vst v1  }
0x12e: {  	[tilespmem:$0x2BA0] =	vst v2  }
0x12f: {  	[tilespmem:$0x2BB0] =	vst v3  }
0x130: {  	[tilespmem:$0x2BC0] =	vst v4  }
0x131: {  	[tilespmem:$0x2BD0] =	vst v5  }
0x132: {  	[tilespmem:$0x2BE0] =	vst v6  }
0x133: {  	[tilespmem:$0x2BF0] =	vst v7  }
0x134: {  	[tilespmem:$0x3800] =	vst v0  }
0x135: {  	[tilespmem:$0x3810] =	vst v1  }
0x136: {  	[tilespmem:$0x3820] =	vst v2  }
0x137: {  	[tilespmem:$0x3830] =	vst v3  }
0x138: {  	[tilespmem:$0x3840] =	vst v4  }
0x139: {  	[tilespmem:$0x3850] =	vst v5  }
0x13a: {  	[tilespmem:$0x3860] =	vst v6  }
0x13b: {  	[tilespmem:$0x3870] =	vst v7  }
0x13c: {  	[tilespmem:$0x3880] =	vst v0  }
0x13d: {  	[tilespmem:$0x3890] =	vst v1  }
0x13e: {  	[tilespmem:$0x38A0] =	vst v2  }
0x13f: {  	[tilespmem:$0x38B0] =	vst v3  }
0x140: {  	[tilespmem:$0x38C0] =	vst v4  }
0x141: {  	[tilespmem:$0x38D0] =	vst v5  }
0x142: {  	[tilespmem:$0x38E0] =	vst v6  }
0x143: {  	[tilespmem:$0x38F0] =	vst v7  }
0x144: {  	[tilespmem:$0x3900] =	vst v0  }
0x145: {  	[tilespmem:$0x3910] =	vst v1  }
0x146: {  	[tilespmem:$0x3920] =	vst v2  }
0x147: {  	[tilespmem:$0x3930] =	vst v3  }
0x148: {  	[tilespmem:$0x3940] =	vst v4  }
0x149: {  	[tilespmem:$0x3950] =	vst v5  }
0x14a: {  	[tilespmem:$0x3960] =	vst v6  }
0x14b: {  	[tilespmem:$0x3970] =	vst v7  }
0x14c: {  	[tilespmem:$0x3980] =	vst v0  }
0x14d: {  	[tilespmem:$0x3990] =	vst v1  }
0x14e: {  	[tilespmem:$0x39A0] =	vst v2  }
0x14f: {  	[tilespmem:$0x39B0] =	vst v3  }
0x150: {  	[tilespmem:$0x39C0] =	vst v4  }
0x151: {  	[tilespmem:$0x39D0] =	vst v5  }
0x152: {  	[tilespmem:$0x39E0] =	vst v6  }
0x153: {  	[tilespmem:$0x39F0] =	vst v7  }
0x154: {  	[tilespmem:$0x3A00] =	vst v0  }
0x155: {  	[tilespmem:$0x3A10] =	vst v1  }
0x156: {  	[tilespmem:$0x3A20] =	vst v2  }
0x157: {  	[tilespmem:$0x3A30] =	vst v3  }
0x158: {  	[tilespmem:$0x3A40] =	vst v4  }
0x159: {  	[tilespmem:$0x3A50] =	vst v5  }
0x15a: {  	[tilespmem:$0x3A60] =	vst v6  }
0x15b: {  	[tilespmem:$0x3A70] =	vst v7  }
0x15c: {  	[tilespmem:$0x3A80] =	vst v0  }
0x15d: {  	[tilespmem:$0x3A90] =	vst v1  }
0x15e: {  	[tilespmem:$0x3AA0] =	vst v2  }
0x15f: {  	[tilespmem:$0x3AB0] =	vst v3  }
0x160: {  	[tilespmem:$0x3AC0] =	vst v4  }
0x161: {  	[tilespmem:$0x3AD0] =	vst v5  }
0x162: {  	[tilespmem:$0x3AE0] =	vst v6  }
0x163: {  	[tilespmem:$0x3AF0] =	vst v7  }
0x164: {  	[tilespmem:$0x3B00] =	vst v0  }
0x165: {  	[tilespmem:$0x3B10] =	vst v1  }
0x166: {  	[tilespmem:$0x3B20] =	vst v2  }
0x167: {  	[tilespmem:$0x3B30] =	vst v3  }
0x168: {  	[tilespmem:$0x3B40] =	vst v4  }
0x169: {  	[tilespmem:$0x3B50] =	vst v5  }
0x16a: {  	[tilespmem:$0x3B60] =	vst v6  }
0x16b: {  	[tilespmem:$0x3B70] =	vst v7  }
0x16c: {  	[tilespmem:$0x3B80] =	vst v0  }
0x16d: {  	[tilespmem:$0x3B90] =	vst v1  }
0x16e: {  	[tilespmem:$0x3BA0] =	vst v2  }
0x16f: {  	v57 =	vld [tilespmem:$0x4080];
	[tilespmem:$0x3BB0] =	vst v3  }
0x170: {  	v58 =	vld [tilespmem:$0x4090];
	[tilespmem:$0x3BC0] =	vst v4  }
0x171: {  	v59 =	vld [tilespmem:$0x40A0];
	[tilespmem:$0x3BD0] =	vst v5  }
0x172: {  	[tilespmem:$0x3BE0] =	vst v6  }
0x173: {  	[tilespmem:$0x3BF0] =	vst v7  }
0x174: {  	v3 =	vld [tilespmem:$0x40B0];
	[tilespmem:$0xC00] =	vst v57  }
0x175: {  	[tilespmem:$0xC10] =	vst v58  }
0x176: {  	[tilespmem:$0xC20] =	vst v59  }
0x177: {  	[tilespmem:$0xC80] =	vst v57  }
0x178: {  	[tilespmem:$0xC90] =	vst v58  }
0x179: {  	[tilespmem:$0xCA0] =	vst v59  }
0x17a: {  	[tilespmem:$0xD00] =	vst v57  }
0x17b: {  	[tilespmem:$0xD10] =	vst v58  }
0x17c: {  	[tilespmem:$0xD20] =	vst v59  }
0x17d: {  	[tilespmem:$0xD80] =	vst v57  }
0x17e: {  	[tilespmem:$0xD90] =	vst v58  }
0x17f: {  	[tilespmem:$0xDA0] =	vst v59  }
0x180: {  	[tilespmem:$0xE00] =	vst v57  }
0x181: {  	[tilespmem:$0xE10] =	vst v58  }
0x182: {  	[tilespmem:$0xE20] =	vst v59  }
0x183: {  	[tilespmem:$0xE80] =	vst v57  }
0x184: {  	[tilespmem:$0xE90] =	vst v58  }
0x185: {  	[tilespmem:$0xEA0] =	vst v59  }
0x186: {  	[tilespmem:$0xF00] =	vst v57  }
0x187: {  	[tilespmem:$0xF10] =	vst v58  }
0x188: {  	[tilespmem:$0xF20] =	vst v59  }
0x189: {  	[tilespmem:$0xF80] =	vst v57  }
0x18a: {  	[tilespmem:$0xF90] =	vst v58  }
0x18b: {  	[tilespmem:$0xFA0] =	vst v59  }
0x18c: {  	[tilespmem:$0x1C00] =	vst v57  }
0x18d: {  	[tilespmem:$0x1C10] =	vst v58  }
0x18e: {  	[tilespmem:$0x1C20] =	vst v59  }
0x18f: {  	[tilespmem:$0x1C80] =	vst v57  }
0x190: {  	[tilespmem:$0x1C90] =	vst v58  }
0x191: {  	[tilespmem:$0x1CA0] =	vst v59  }
0x192: {  	[tilespmem:$0x1D00] =	vst v57  }
0x193: {  	[tilespmem:$0x1D10] =	vst v58  }
0x194: {  	[tilespmem:$0x1D20] =	vst v59  }
0x195: {  	[tilespmem:$0x1D80] =	vst v57  }
0x196: {  	[tilespmem:$0x1D90] =	vst v58  }
0x197: {  	[tilespmem:$0x1DA0] =	vst v59  }
0x198: {  	[tilespmem:$0x1E00] =	vst v57  }
0x199: {  	[tilespmem:$0x1E10] =	vst v58  }
0x19a: {  	[tilespmem:$0x1E20] =	vst v59  }
0x19b: {  	[tilespmem:$0x1E80] =	vst v57  }
0x19c: {  	[tilespmem:$0x1E90] =	vst v58  }
0x19d: {  	[tilespmem:$0x1EA0] =	vst v59  }
0x19e: {  	[tilespmem:$0x1F00] =	vst v57  }
0x19f: {  	[tilespmem:$0x1F10] =	vst v58  }
0x1a0: {  	[tilespmem:$0x1F20] =	vst v59  }
0x1a1: {  	[tilespmem:$0x1F80] =	vst v57  }
0x1a2: {  	[tilespmem:$0x1F90] =	vst v58  }
0x1a3: {  	[tilespmem:$0x1FA0] =	vst v59  }
0x1a4: {  	[tilespmem:$0x2C00] =	vst v57  }
0x1a5: {  	[tilespmem:$0x2C10] =	vst v58  }
0x1a6: {  	[tilespmem:$0x2C20] =	vst v59  }
0x1a7: {  	[tilespmem:$0x2C80] =	vst v57  }
0x1a8: {  	[tilespmem:$0x2C90] =	vst v58  }
0x1a9: {  	[tilespmem:$0x2CA0] =	vst v59  }
0x1aa: {  	[tilespmem:$0x2D00] =	vst v57  }
0x1ab: {  	[tilespmem:$0x2D10] =	vst v58  }
0x1ac: {  	[tilespmem:$0x2D20] =	vst v59  }
0x1ad: {  	[tilespmem:$0x2D80] =	vst v57  }
0x1ae: {  	[tilespmem:$0x2D90] =	vst v58  }
0x1af: {  	[tilespmem:$0x2DA0] =	vst v59  }
0x1b0: {  	[tilespmem:$0x2E00] =	vst v57  }
0x1b1: {  	[tilespmem:$0x2E10] =	vst v58  }
0x1b2: {  	[tilespmem:$0x2E20] =	vst v59  }
0x1b3: {  	[tilespmem:$0x2E80] =	vst v57  }
0x1b4: {  	[tilespmem:$0x2E90] =	vst v58  }
0x1b5: {  	[tilespmem:$0x2EA0] =	vst v59  }
0x1b6: {  	[tilespmem:$0x2F00] =	vst v57  }
0x1b7: {  	[tilespmem:$0x2F10] =	vst v58  }
0x1b8: {  	[tilespmem:$0x2F20] =	vst v59  }
0x1b9: {  	[tilespmem:$0x2F80] =	vst v57  }
0x1ba: {  	[tilespmem:$0x2F90] =	vst v58  }
0x1bb: {  	[tilespmem:$0x2FA0] =	vst v59  }
0x1bc: {  	[tilespmem:$0x3C00] =	vst v57  }
0x1bd: {  	[tilespmem:$0x3C10] =	vst v58  }
0x1be: {  	[tilespmem:$0x3C20] =	vst v59  }
0x1bf: {  	[tilespmem:$0x3C80] =	vst v57  }
0x1c0: {  	[tilespmem:$0x3C90] =	vst v58  }
0x1c1: {  	[tilespmem:$0x3CA0] =	vst v59  }
0x1c2: {  	[tilespmem:$0x3D00] =	vst v57  }
0x1c3: {  	[tilespmem:$0x3D10] =	vst v58  }
0x1c4: {  	[tilespmem:$0x3D20] =	vst v59  }
0x1c5: {  	[tilespmem:$0x3D80] =	vst v57  }
0x1c6: {  	[tilespmem:$0x3D90] =	vst v58  }
0x1c7: {  	[tilespmem:$0x3DA0] =	vst v59  }
0x1c8: {  	[tilespmem:$0x3E00] =	vst v57  }
0x1c9: {  	[tilespmem:$0x3E10] =	vst v58  }
0x1ca: {  	[tilespmem:$0x3E20] =	vst v59  }
0x1cb: {  	[tilespmem:$0x3E80] =	vst v57  }
0x1cc: {  	[tilespmem:$0x3E90] =	vst v58  }
0x1cd: {  	[tilespmem:$0x3EA0] =	vst v59  }
0x1ce: {  	[tilespmem:$0x3F00] =	vst v57  }
0x1cf: {  	[tilespmem:$0x3F10] =	vst v58  }
0x1d0: {  	v60 =	vld [tilespmem:$0x40C0];
	[tilespmem:$0x3F20] =	vst v59  }
0x1d1: {  	v61 =	vld [tilespmem:$0x40D0];
	[tilespmem:$0x3F80] =	vst v57  }
0x1d2: {  	v62 =	vld [tilespmem:$0x40E0];
	[tilespmem:$0x3F90] =	vst v58  }
0x1d3: {  	v63 =	vld [tilespmem:$0x40F0];
	[tilespmem:$0x3FA0] =	vst v59  }
0x1d4: {  	[tilespmem:$0xC30] =	vst v3  }
0x1d5: {  	[tilespmem:$0xC40] =	vst v60  }
0x1d6: {  	[tilespmem:$0xC50] =	vst v61  }
0x1d7: {  	[tilespmem:$0xC60] =	vst v62  }
0x1d8: {  	[tilespmem:$0xC70] =	vst v63  }
0x1d9: {  	[tilespmem:$0xCB0] =	vst v3  }
0x1da: {  	[tilespmem:$0xCC0] =	vst v60  }
0x1db: {  	[tilespmem:$0xCD0] =	vst v61  }
0x1dc: {  	[tilespmem:$0xCE0] =	vst v62  }
0x1dd: {  	[tilespmem:$0xCF0] =	vst v63  }
0x1de: {  	[tilespmem:$0xD30] =	vst v3  }
0x1df: {  	[tilespmem:$0xD40] =	vst v60  }
0x1e0: {  	[tilespmem:$0xD50] =	vst v61  }
0x1e1: {  	[tilespmem:$0xD60] =	vst v62  }
0x1e2: {  	[tilespmem:$0xD70] =	vst v63  }
0x1e3: {  	[tilespmem:$0xDB0] =	vst v3  }
0x1e4: {  	[tilespmem:$0xDC0] =	vst v60  }
0x1e5: {  	[tilespmem:$0xDD0] =	vst v61  }
0x1e6: {  	[tilespmem:$0xDE0] =	vst v62  }
0x1e7: {  	[tilespmem:$0xDF0] =	vst v63  }
0x1e8: {  	[tilespmem:$0xE30] =	vst v3  }
0x1e9: {  	[tilespmem:$0xE40] =	vst v60  }
0x1ea: {  	[tilespmem:$0xE50] =	vst v61  }
0x1eb: {  	[tilespmem:$0xE60] =	vst v62  }
0x1ec: {  	[tilespmem:$0xE70] =	vst v63  }
0x1ed: {  	[tilespmem:$0xEB0] =	vst v3  }
0x1ee: {  	[tilespmem:$0xEC0] =	vst v60  }
0x1ef: {  	[tilespmem:$0xED0] =	vst v61  }
0x1f0: {  	[tilespmem:$0xEE0] =	vst v62  }
0x1f1: {  	[tilespmem:$0xEF0] =	vst v63  }
0x1f2: {  	[tilespmem:$0xF30] =	vst v3  }
0x1f3: {  	[tilespmem:$0xF40] =	vst v60  }
0x1f4: {  	[tilespmem:$0xF50] =	vst v61  }
0x1f5: {  	[tilespmem:$0xF60] =	vst v62  }
0x1f6: {  	[tilespmem:$0xF70] =	vst v63  }
0x1f7: {  	[tilespmem:$0xFB0] =	vst v3  }
0x1f8: {  	[tilespmem:$0xFC0] =	vst v60  }
0x1f9: {  	[tilespmem:$0xFD0] =	vst v61  }
0x1fa: {  	[tilespmem:$0xFE0] =	vst v62  }
0x1fb: {  	[tilespmem:$0xFF0] =	vst v63  }
0x1fc: {  	[tilespmem:$0x1C30] =	vst v3  }
0x1fd: {  	[tilespmem:$0x1C40] =	vst v60  }
0x1fe: {  	[tilespmem:$0x1C50] =	vst v61  }
0x1ff: {  	[tilespmem:$0x1C60] =	vst v62  }
0x200: {  	[tilespmem:$0x1C70] =	vst v63  }
0x201: {  	[tilespmem:$0x1CB0] =	vst v3  }
0x202: {  	[tilespmem:$0x1CC0] =	vst v60  }
0x203: {  	[tilespmem:$0x1CD0] =	vst v61  }
0x204: {  	[tilespmem:$0x1CE0] =	vst v62  }
0x205: {  	[tilespmem:$0x1CF0] =	vst v63  }
0x206: {  	[tilespmem:$0x1D30] =	vst v3  }
0x207: {  	[tilespmem:$0x1D40] =	vst v60  }
0x208: {  	[tilespmem:$0x1D50] =	vst v61  }
0x209: {  	[tilespmem:$0x1D60] =	vst v62  }
0x20a: {  	[tilespmem:$0x1D70] =	vst v63  }
0x20b: {  	[tilespmem:$0x1DB0] =	vst v3  }
0x20c: {  	[tilespmem:$0x1DC0] =	vst v60  }
0x20d: {  	[tilespmem:$0x1DD0] =	vst v61  }
0x20e: {  	[tilespmem:$0x1DE0] =	vst v62  }
0x20f: {  	[tilespmem:$0x1DF0] =	vst v63  }
0x210: {  	[tilespmem:$0x1E30] =	vst v3  }
0x211: {  	[tilespmem:$0x1E40] =	vst v60  }
0x212: {  	[tilespmem:$0x1E50] =	vst v61  }
0x213: {  	[tilespmem:$0x1E60] =	vst v62  }
0x214: {  	[tilespmem:$0x1E70] =	vst v63  }
0x215: {  	[tilespmem:$0x1EB0] =	vst v3  }
0x216: {  	[tilespmem:$0x1EC0] =	vst v60  }
0x217: {  	[tilespmem:$0x1ED0] =	vst v61  }
0x218: {  	[tilespmem:$0x1EE0] =	vst v62  }
0x219: {  	[tilespmem:$0x1EF0] =	vst v63  }
0x21a: {  	[tilespmem:$0x1F30] =	vst v3  }
0x21b: {  	[tilespmem:$0x1F40] =	vst v60  }
0x21c: {  	[tilespmem:$0x1F50] =	vst v61  }
0x21d: {  	[tilespmem:$0x1F60] =	vst v62  }
0x21e: {  	[tilespmem:$0x1F70] =	vst v63  }
0x21f: {  	[tilespmem:$0x1FB0] =	vst v3  }
0x220: {  	[tilespmem:$0x1FC0] =	vst v60  }
0x221: {  	[tilespmem:$0x1FD0] =	vst v61  }
0x222: {  	[tilespmem:$0x1FE0] =	vst v62  }
0x223: {  	[tilespmem:$0x1FF0] =	vst v63  }
0x224: {  	[tilespmem:$0x2C30] =	vst v3  }
0x225: {  	[tilespmem:$0x2C40] =	vst v60  }
0x226: {  	[tilespmem:$0x2C50] =	vst v61  }
0x227: {  	[tilespmem:$0x2C60] =	vst v62  }
0x228: {  	[tilespmem:$0x2C70] =	vst v63  }
0x229: {  	[tilespmem:$0x2CB0] =	vst v3  }
0x22a: {  	[tilespmem:$0x2CC0] =	vst v60  }
0x22b: {  	[tilespmem:$0x2CD0] =	vst v61  }
0x22c: {  	[tilespmem:$0x2CE0] =	vst v62  }
0x22d: {  	[tilespmem:$0x2CF0] =	vst v63  }
0x22e: {  	[tilespmem:$0x2D30] =	vst v3  }
0x22f: {  	[tilespmem:$0x2D40] =	vst v60  }
0x230: {  	[tilespmem:$0x2D50] =	vst v61  }
0x231: {  	[tilespmem:$0x2D60] =	vst v62  }
0x232: {  	[tilespmem:$0x2D70] =	vst v63  }
0x233: {  	[tilespmem:$0x2DB0] =	vst v3  }
0x234: {  	[tilespmem:$0x2DC0] =	vst v60  }
0x235: {  	[tilespmem:$0x2DD0] =	vst v61  }
0x236: {  	[tilespmem:$0x2DE0] =	vst v62  }
0x237: {  	[tilespmem:$0x2DF0] =	vst v63  }
0x238: {  	[tilespmem:$0x2E30] =	vst v3  }
0x239: {  	[tilespmem:$0x2E40] =	vst v60  }
0x23a: {  	[tilespmem:$0x2E50] =	vst v61  }
0x23b: {  	[tilespmem:$0x2E60] =	vst v62  }
0x23c: {  	[tilespmem:$0x2E70] =	vst v63  }
0x23d: {  	[tilespmem:$0x2EB0] =	vst v3  }
0x23e: {  	[tilespmem:$0x2EC0] =	vst v60  }
0x23f: {  	[tilespmem:$0x2ED0] =	vst v61  }
0x240: {  	[tilespmem:$0x2EE0] =	vst v62  }
0x241: {  	[tilespmem:$0x2EF0] =	vst v63  }
0x242: {  	[tilespmem:$0x2F30] =	vst v3  }
0x243: {  	[tilespmem:$0x2F40] =	vst v60  }
0x244: {  	[tilespmem:$0x2F50] =	vst v61  }
0x245: {  	[tilespmem:$0x2F60] =	vst v62  }
0x246: {  	[tilespmem:$0x2F70] =	vst v63  }
0x247: {  	[tilespmem:$0x2FB0] =	vst v3  }
0x248: {  	[tilespmem:$0x2FC0] =	vst v60  }
0x249: {  	[tilespmem:$0x2FD0] =	vst v61  }
0x24a: {  	[tilespmem:$0x2FE0] =	vst v62  }
0x24b: {  	[tilespmem:$0x2FF0] =	vst v63  }
0x24c: {  	[tilespmem:$0x3C30] =	vst v3  }
0x24d: {  	[tilespmem:$0x3C40] =	vst v60  }
0x24e: {  	[tilespmem:$0x3C50] =	vst v61  }
0x24f: {  	[tilespmem:$0x3C60] =	vst v62  }
0x250: {  	[tilespmem:$0x3C70] =	vst v63  }
0x251: {  	[tilespmem:$0x3CB0] =	vst v3  }
0x252: {  	[tilespmem:$0x3CC0] =	vst v60  }
0x253: {  	[tilespmem:$0x3CD0] =	vst v61  }
0x254: {  	[tilespmem:$0x3CE0] =	vst v62  }
0x255: {  	[tilespmem:$0x3CF0] =	vst v63  }
0x256: {  	[tilespmem:$0x3D30] =	vst v3  }
0x257: {  	[tilespmem:$0x3D40] =	vst v60  }
0x258: {  	[tilespmem:$0x3D50] =	vst v61  }
0x259: {  	[tilespmem:$0x3D60] =	vst v62  }
0x25a: {  	[tilespmem:$0x3D70] =	vst v63  }
0x25b: {  	[tilespmem:$0x3DB0] =	vst v3  }
0x25c: {  	[tilespmem:$0x3DC0] =	vst v60  }
0x25d: {  	[tilespmem:$0x3DD0] =	vst v61  }
0x25e: {  	[tilespmem:$0x3DE0] =	vst v62  }
0x25f: {  	[tilespmem:$0x3DF0] =	vst v63  }
0x260: {  	[tilespmem:$0x3E30] =	vst v3  }
0x261: {  	[tilespmem:$0x3E40] =	vst v60  }
0x262: {  	[tilespmem:$0x3E50] =	vst v61  }
0x263: {  	[tilespmem:$0x3E60] =	vst v62  }
0x264: {  	[tilespmem:$0x3E70] =	vst v63  }
0x265: {  	[tilespmem:$0x3EB0] =	vst v3  }
0x266: {  	[tilespmem:$0x3EC0] =	vst v60  }
0x267: {  	[tilespmem:$0x3ED0] =	vst v61  }
0x268: {  	[tilespmem:$0x3EE0] =	vst v62  }
0x269: {  	[tilespmem:$0x3EF0] =	vst v63  }
0x26a: {  	[tilespmem:$0x3F30] =	vst v3  }
0x26b: {  	[tilespmem:$0x3F40] =	vst v60  }
0x26c: {  	[tilespmem:$0x3F50] =	vst v61  }
0x26d: {  	[tilespmem:$0x3F60] =	vst v62  }
0x26e: {  	[tilespmem:$0x3F70] =	vst v63  }
0x26f: {  	[tilespmem:$0x3FB0] =	vst v3  }
0x270: {  	[tilespmem:$0x3FC0] =	vst v60  }
0x271: {  	[tilespmem:$0x3FD0] =	vst v61  }
0x272: {  	[tilespmem:$0x3FE0] =	vst v62  }
0x273: {  	s24 =	rddreg [dreg:$0xc];
	[tilespmem:$0x3FF0] =	vst v63  }
0x274: {  	[hbm4b:s3+s2] =	stream.linear.scatter [tilespmem:s2], [sflag:$0x1], $0x4000, $0x38;
	[tilespmem:$0x4100] =	vst v63  }
0x275: {  	s21 =	rddreg [dreg:$0xd]  }
0x276: {  	[hbm4b:s24+s2] =	stream.linear.scatter [tilespmem:s2], [sflag:$0x1], $0x4000, $0x38;
	[tilespmem:$0x4100] =	vst v63  }
0x277: {  	s24 =	rddreg [dreg:$0xe]  }
0x278: {  	[hbm4b:s21+s2] =	stream.linear.scatter [tilespmem:s2], [sflag:$0x1], $0x4000, $0x38;
	[tilespmem:$0x4100] =	vst v63  }
0x279: {  	s21 =	rddreg [dreg:$0xf]  }
0x27a: {  	[hbm4b:s24+s2] =	stream.linear.scatter [tilespmem:s2], [sflag:$0x1], $0x4000, $0x38;
	[tilespmem:$0x4100] =	vst v63  }
0x27b: {  	s24 =	rddreg [dreg:$0x10]  }
0x27c: {  	[hbm4b:s21+s2] =	stream.linear.scatter [tilespmem:s2], [sflag:$0x1], $0x4000, $0x38;
	[tilespmem:$0x4100] =	vst v63  }
0x27d: {  	s21 =	rddreg [dreg:$0x11]  }
0x27e: {  	[hbm4b:s24+s2] =	stream.linear.scatter [tilespmem:s2], [sflag:$0x1], $0x4000, $0x38;
	[tilespmem:$0x4100] =	vst v63  }
0x27f: {  	s24 =	rddreg [dreg:$0x12]  }
0x280: {  	[hbm4b:s21+s2] =	stream.linear.scatter [tilespmem:s2], [sflag:$0x1], $0x4000, $0x38;
	[tilespmem:$0x4100] =	vst v63  }
0x281: {  	s21 =	rddreg [dreg:$0x13]  }
0x282: {  	[hbm4b:s24+s2] =	stream.linear.scatter [tilespmem:s2], [sflag:$0x1], $0x4000, $0x38;
	[tilespmem:$0x4100] =	vst v63  }
0x283: {  	s24 =	rddreg [dreg:$0x14]  }
0x284: {  	[hbm4b:s21+s2] =	stream.linear.scatter [tilespmem:s2], [sflag:$0x1], $0x4000, $0x38;
	[tilespmem:$0x4100] =	vst v63  }
0x285: {  	s21 =	rddreg [dreg:$0x15]  }
0x286: {  	[hbm4b:s24+s2] =	stream.linear.scatter [tilespmem:s2], [sflag:$0x1], $0x4000, $0x38;
	[tilespmem:$0x4100] =	vst v63  }
0x287: {  	s24 =	rddreg [dreg:$0x16]  }
0x288: {  	[hbm4b:s21+s2] =	stream.linear.scatter [tilespmem:s2], [sflag:$0x1], $0x4000, $0x38;
	[tilespmem:$0x4100] =	vst v63  }
0x289: {  	s21 =	rddreg [dreg:$0x17]  }
0x28a: {  	[hbm4b:s24+s2] =	stream.linear.scatter [tilespmem:s2], [sflag:$0x1], $0x4000, $0x38;
	[tilespmem:$0x4100] =	vst v63  }
0x28b: {  	s24 =	rddreg [dreg:$0x18]  }
0x28c: {  	[hbm4b:s21+s2] =	stream.linear.scatter [tilespmem:s2], [sflag:$0x1], $0x4000, $0x38;
	[tilespmem:$0x4100] =	vst v63  }
0x28d: {  	s21 =	rddreg [dreg:$0x19]  }
0x28e: {  	[hbm4b:s24+s2] =	stream.linear.scatter [tilespmem:s2], [sflag:$0x1], $0x4000, $0x38;
	[tilespmem:$0x4100] =	vst v63  }
0x28f: {  	s24 =	rddreg [dreg:$0x1a]  }
0x290: {  	[hbm4b:s21+s2] =	stream.linear.scatter [tilespmem:s2], [sflag:$0x1], $0x4000, $0x38;
	[tilespmem:$0x4100] =	vst v63  }
0x291: {  	s21 =	rddreg [dreg:$0x1b]  }
0x292: {  	[hbm4b:s24+s2] =	stream.linear.scatter [tilespmem:s2], [sflag:$0x1], $0x4000, $0x38;
	[tilespmem:$0x4100] =	vst v63  }
0x293: {  	s24 =	rddreg [dreg:$0x1c]  }
0x294: {  	[hbm4b:s21+s2] =	stream.linear.scatter [tilespmem:s2], [sflag:$0x1], $0x4000, $0x38;
	[tilespmem:$0x4100] =	vst v63  }
0x295: {  	s21 =	rddreg [dreg:$0x1d]  }
0x296: {  	[hbm4b:s24+s2] =	stream.linear.scatter [tilespmem:s2], [sflag:$0x1], $0x4000, $0x38;
	[tilespmem:$0x4100] =	vst v63  }
0x297: {  	s24 =	rddreg [dreg:$0x1e]  }
0x298: {  	[hbm4b:s21+s2] =	stream.linear.scatter [tilespmem:s2], [sflag:$0x1], $0x4000, $0x38;
	[tilespmem:$0x4100] =	vst v63  }
0x299: {  	s21 =	rddreg [dreg:$0x1f]  }
0x29a: {  	[hbm4b:s24+s2] =	stream.linear.scatter [tilespmem:s2], [sflag:$0x1], $0x4000, $0x38;
	[tilespmem:$0x4100] =	vst v63  }
0x29b: {  	s24 =	sld [smem:$0x7E3]  }
0x29c: {  	[hbm4b:s21+s2] =	stream.linear.scatter [tilespmem:s2], [sflag:$0x1], $0x4000, $0x38;
	[tilespmem:$0x4100] =	vst v63  }
0x29d: {  	s21 =	sld [smem:$0x7E4]  }
0x29e: {  	[hbm4b:s24+s2] =	stream.linear.scatter [tilespmem:s2], [sflag:$0x1], $0x4000, $0x38;
	[tilespmem:$0x4100] =	vst v63  }
0x29f: {  	s24 =	sld [smem:$0x7E5]  }
0x2a0: {  	[hbm4b:s21+s2] =	stream.linear.scatter [tilespmem:s2], [sflag:$0x1], $0x4000, $0x38;
	[tilespmem:$0x4100] =	vst v63  }
0x2a1: {  	s21 =	sld [smem:$0x7E6]  }
0x2a2: {  	[hbm4b:s24+s2] =	stream.linear.scatter [tilespmem:s2], [sflag:$0x1], $0x4000, $0x38;
	[tilespmem:$0x4100] =	vst v63  }
0x2a3: {  	s24 =	sld [smem:$0x7E7]  }
0x2a4: {  	[hbm4b:s21+s2] =	stream.linear.scatter [tilespmem:s2], [sflag:$0x1], $0x4000, $0x38;
	[tilespmem:$0x4100] =	vst v63  }
0x2a5: {  	s21 =	sld [smem:$0x7E8]  }
0x2a6: {  	[hbm4b:s24+s2] =	stream.linear.scatter [tilespmem:s2], [sflag:$0x1], $0x4000, $0x38;
	[tilespmem:$0x4100] =	vst v63  }
0x2a7: {  	s24 =	sld [smem:$0x7E9]  }
0x2a8: {  	[hbm4b:s21+s2] =	stream.linear.scatter [tilespmem:s2], [sflag:$0x1], $0x4000, $0x38;
	[tilespmem:$0x4100] =	vst v63  }
0x2a9: {  	s21 =	sld [smem:$0x7EA]  }
0x2aa: {  	[hbm4b:s24+s2] =	stream.linear.scatter [tilespmem:s2], [sflag:$0x1], $0x4000, $0x38;
	[tilespmem:$0x4100] =	vst v63  }
0x2ab: {  	s24 =	sld [smem:$0x7EB]  }
0x2ac: {  	[hbm4b:s21+s2] =	stream.linear.scatter [tilespmem:s2], [sflag:$0x1], $0x4000, $0x38;
	[tilespmem:$0x4100] =	vst v63  }
0x2ad: {  	s21 =	sld [smem:$0x7EC]  }
0x2ae: {  	[hbm4b:s24+s2] =	stream.linear.scatter [tilespmem:s2], [sflag:$0x1], $0x4000, $0x38;
	[tilespmem:$0x4100] =	vst v63  }
0x2af: {  	s24 =	sld [smem:$0x7ED]  }
0x2b0: {  	[hbm4b:s21+s2] =	stream.linear.scatter [tilespmem:s2], [sflag:$0x1], $0x4000, $0x38;
	[tilespmem:$0x4100] =	vst v63  }
0x2b1: {  	s21 =	sld [smem:$0x7EE]  }
0x2b2: {  	[hbm4b:s24+s2] =	stream.linear.scatter [tilespmem:s2], [sflag:$0x1], $0x4000, $0x38;
	[tilespmem:$0x4100] =	vst v63  }
0x2b3: {  	s24 =	sld [smem:$0x7EF]  }
0x2b4: {  	[hbm4b:s21+s2] =	stream.linear.scatter [tilespmem:s2], [sflag:$0x1], $0x4000, $0x38;
	[tilespmem:$0x4100] =	vst v63  }
0x2b5: {  	s21 =	sld [smem:$0x7F0]  }
0x2b6: {  	[hbm4b:s24+s2] =	stream.linear.scatter [tilespmem:s2], [sflag:$0x1], $0x4000, $0x38;
	[tilespmem:$0x4100] =	vst v63  }
0x2b7: {  	s24 =	sld [smem:$0x7F1]  }
0x2b8: {  	[hbm4b:s21+s2] =	stream.linear.scatter [tilespmem:s2], [sflag:$0x1], $0x4000, $0x38;
	[tilespmem:$0x4100] =	vst v63  }
0x2b9: {  	s21 =	sld [smem:$0x7F2]  }
0x2ba: {  	[hbm4b:s24+s2] =	stream.linear.scatter [tilespmem:s2], [sflag:$0x1], $0x4000, $0x38;
	[tilespmem:$0x4100] =	vst v63  }
0x2bb: {  	s24 =	sld [smem:$0x7F3]  }
0x2bc: {  	[hbm4b:s21+s2] =	stream.linear.scatter [tilespmem:s2], [sflag:$0x1], $0x4000, $0x38;
	[tilespmem:$0x4100] =	vst v63  }
0x2bd: {  	s21 =	sld [smem:$0x7F4]  }
0x2be: {  	[hbm4b:s24+s2] =	stream.linear.scatter [tilespmem:s2], [sflag:$0x1], $0x4000, $0x38;
	[tilespmem:$0x4100] =	vst v63  }
0x2bf: {  	s24 =	sld [smem:$0x7F5]  }
0x2c0: {  	[hbm4b:s21+s2] =	stream.linear.scatter [tilespmem:s2], [sflag:$0x1], $0x4000, $0x38;
	[tilespmem:$0x4100] =	vst v63  }
0x2c1: {  	s21 =	sld [smem:$0x7F6]  }
0x2c2: {  	[hbm4b:s24+s2] =	stream.linear.scatter [tilespmem:s2], [sflag:$0x1], $0x4000, $0x38;
	[tilespmem:$0x4100] =	vst v63  }
0x2c3: {  	s24 =	sld [smem:$0x7F7]  }
0x2c4: {  	[hbm4b:s21+s2] =	stream.linear.scatter [tilespmem:s2], [sflag:$0x1], $0x4000, $0x38;
	[tilespmem:$0x4100] =	vst v63  }
0x2c5: {  	s21 =	sld [smem:$0x7F8]  }
0x2c6: {  	[hbm4b:s24+s2] =	stream.linear.scatter [tilespmem:s2], [sflag:$0x1], $0x4000, $0x38;
	[tilespmem:$0x4100] =	vst v63  }
0x2c7: {  	s24 =	sld [smem:$0x7F9]  }
0x2c8: {  	[hbm4b:s21+s2] =	stream.linear.scatter [tilespmem:s2], [sflag:$0x1], $0x4000, $0x38;
	[tilespmem:$0x4100] =	vst v63  }
0x2c9: {  	s21 =	sld [smem:$0x7FA]  }
0x2ca: {  	[hbm4b:s24+s2] =	stream.linear.scatter [tilespmem:s2], [sflag:$0x1], $0x4000, $0x38;
	[tilespmem:$0x4100] =	vst v63  }
0x2cb: {  	s24 =	sld [smem:$0x7FB]  }
0x2cc: {  	[hbm4b:s21+s2] =	stream.linear.scatter [tilespmem:s2], [sflag:$0x1], $0x4000, $0x38;
	[tilespmem:$0x4100] =	vst v63  }
0x2cd: {  	s21 =	sld [smem:$0x7FC]  }
0x2ce: {  	[hbm4b:s24+s2] =	stream.linear.scatter [tilespmem:s2], [sflag:$0x1], $0x4000, $0x38;
	[tilespmem:$0x4100] =	vst v63  }
0x2cf: {  	s24 =	sld [smem:$0x7FD]  }
0x2d0: {  	[hbm4b:s21+s2] =	stream.linear.scatter [tilespmem:s2], [sflag:$0x1], $0x4000, $0x38;
	[tilespmem:$0x4100] =	vst v63  }
0x2d1: {  	_ = 	snop  }
0x2d2: {  	[hbm4b:s24+s2] =	stream.linear.scatter [tilespmem:s2], [sflag:$0x1], $0x4000, $0x38;
	[tilespmem:$0x4100] =	vst v63  }
0x2d3: {  	_ = 	snop  }
0x2d4: {  	[hbm4b:s4+s2] =	stream.linear.scatter [tilespmem:s2], [sflag:$0x1], $0x4000, $0x38;
	[tilespmem:$0x4100] =	vst v63  }
0x2d5: {  	_ = 	snop  }
0x2d6: {  	[hbm4b:s5+s2] =	stream.linear.scatter [tilespmem:s2], [sflag:$0x1], $0x4000, $0x38;
	[tilespmem:$0x4100] =	vst v63  }
0x2d7: {  	_ = 	snop  }
0x2d8: {  	[hbm4b:s6+s2] =	stream.linear.scatter [tilespmem:s2], [sflag:$0x1], $0x4000, $0x38;
	[tilespmem:$0x4100] =	vst v63  }
0x2d9: {  	_ = 	snop  }
0x2da: {  	[hbm4b:s7+s2] =	stream.linear.scatter [tilespmem:s2], [sflag:$0x1], $0x4000, $0x38;
	[tilespmem:$0x4100] =	vst v63  }
0x2db: {  	_ = 	snop  }
0x2dc: {  	[hbm4b:s8+s2] =	stream.linear.scatter [tilespmem:s2], [sflag:$0x1], $0x4000, $0x38;
	[tilespmem:$0x4100] =	vst v63  }
0x2dd: {  	_ = 	snop  }
0x2de: {  	[hbm4b:s9+s2] =	stream.linear.scatter [tilespmem:s2], [sflag:$0x1], $0x4000, $0x38;
	[tilespmem:$0x4100] =	vst v63  }
0x2df: {  	_ = 	snop  }
0x2e0: {  	[hbm4b:s10+s2] =	stream.linear.scatter [tilespmem:s2], [sflag:$0x1], $0x4000, $0x38;
	[tilespmem:$0x4100] =	vst v63  }
0x2e1: {  	_ = 	snop  }
0x2e2: {  	[hbm4b:s11+s2] =	stream.linear.scatter [tilespmem:s2], [sflag:$0x1], $0x4000, $0x38;
	[tilespmem:$0x4100] =	vst v63  }
0x2e3: {  	_ = 	snop  }
0x2e4: {  	[hbm4b:s12+s2] =	stream.linear.scatter [tilespmem:s2], [sflag:$0x1], $0x4000, $0x38;
	[tilespmem:$0x4100] =	vst v63  }
0x2e5: {  	_ = 	snop  }
0x2e6: {  	[hbm4b:s13+s2] =	stream.linear.scatter [tilespmem:s2], [sflag:$0x1], $0x4000, $0x38;
	[tilespmem:$0x4100] =	vst v63  }
0x2e7: {  	_ = 	snop  }
0x2e8: {  	[hbm4b:s14+s2] =	stream.linear.scatter [tilespmem:s2], [sflag:$0x1], $0x4000, $0x38;
	[tilespmem:$0x4100] =	vst v63  }
0x2e9: {  	_ = 	snop  }
0x2ea: {  	[hbm4b:s15+s2] =	stream.linear.scatter [tilespmem:s2], [sflag:$0x1], $0x4000, $0x38;
	[tilespmem:$0x4100] =	vst v63  }
0x2eb: {  	_ = 	snop  }
0x2ec: {  	[hbm4b:s16+s2] =	stream.linear.scatter [tilespmem:s2], [sflag:$0x1], $0x4000, $0x38;
	[tilespmem:$0x4100] =	vst v63  }
0x2ed: {  	_ = 	snop  }
0x2ee: {  	[hbm4b:s17+s2] =	stream.linear.scatter [tilespmem:s2], [sflag:$0x1], $0x4000, $0x38;
	[tilespmem:$0x4100] =	vst v63  }
0x2ef: {  	_ = 	snop  }
0x2f0: {  	[hbm4b:s18+s2] =	stream.linear.scatter [tilespmem:s2], [sflag:$0x1], $0x4000, $0x38;
	[tilespmem:$0x4100] =	vst v63  }
0x2f1: {  	_ = 	snop  }
0x2f2: {  	[hbm4b:s19+s2] =	stream.linear.scatter [tilespmem:s2], [sflag:$0x1], $0x4000, $0x38;
	[tilespmem:$0x4100] =	vst v63  }
0x2f3: {  	_ =	swait.ge [sflag:s0], $0x4000  }
0x2f4: {  	[sflag:s0] =	ssyncset.done $0x0  }
0x2f5: {  	[sflag:s0] =	ssyncadd.s32 $0xFFFFC000  }
0x2f6: {  	_ =	swait.ge [sflag:s0], $0x4000  }
0x2f7: {  	[sflag:s0] =	ssyncset.done $0x0  }
0x2f8: {  	[sflag:s0] =	ssyncadd.s32 $0xFFFFC000  }
0x2f9: {  	_ =	swait.ge [sflag:s0], $0x4000  }
0x2fa: {  	[sflag:s0] =	ssyncset.done $0x0  }
0x2fb: {  	[sflag:s0] =	ssyncadd.s32 $0xFFFFC000  }
0x2fc: {  	_ =	swait.ge [sflag:s0], $0x4000  }
0x2fd: {  	[sflag:s0] =	ssyncset.done $0x0  }
0x2fe: {  	[sflag:s0] =	ssyncadd.s32 $0xFFFFC000  }
0x2ff: {  	_ =	swait.ge [sflag:s0], $0x4000  }
0x300: {  	[sflag:s0] =	ssyncset.done $0x0  }
0x301: {  	[sflag:s0] =	ssyncadd.s32 $0xFFFFC000  }
0x302: {  	_ =	swait.ge [sflag:s0], $0x4000  }
0x303: {  	[sflag:s0] =	ssyncset.done $0x0  }
0x304: {  	[sflag:s0] =	ssyncadd.s32 $0xFFFFC000  }
0x305: {  	_ =	swait.ge [sflag:s0], $0x4000  }
0x306: {  	[sflag:s0] =	ssyncset.done $0x0  }
0x307: {  	[sflag:s0] =	ssyncadd.s32 $0xFFFFC000  }
0x308: {  	_ =	swait.ge [sflag:s0], $0x4000  }
0x309: {  	[sflag:s0] =	ssyncset.done $0x0  }
0x30a: {  	[sflag:s0] =	ssyncadd.s32 $0xFFFFC000  }
0x30b: {  	_ =	swait.ge [sflag:s0], $0x4000  }
0x30c: {  	[sflag:s0] =	ssyncset.done $0x0  }
0x30d: {  	[sflag:s0] =	ssyncadd.s32 $0xFFFFC000  }
0x30e: {  	_ =	swait.ge [sflag:s0], $0x4000  }
0x30f: {  	[sflag:s0] =	ssyncset.done $0x0  }
0x310: {  	[sflag:s0] =	ssyncadd.s32 $0xFFFFC000  }
0x311: {  	_ =	swait.ge [sflag:s0], $0x4000  }
0x312: {  	[sflag:s0] =	ssyncset.done $0x0  }
0x313: {  	[sflag:s0] =	ssyncadd.s32 $0xFFFFC000  }
0x314: {  	_ =	swait.ge [sflag:s0], $0x4000  }
0x315: {  	[sflag:s0] =	ssyncset.done $0x0  }
0x316: {  	[sflag:s0] =	ssyncadd.s32 $0xFFFFC000  }
0x317: {  	_ =	swait.ge [sflag:s0], $0x4000  }
0x318: {  	[sflag:s0] =	ssyncset.done $0x0  }
0x319: {  	[sflag:s0] =	ssyncadd.s32 $0xFFFFC000  }
0x31a: {  	_ =	swait.ge [sflag:s0], $0x4000  }
0x31b: {  	[sflag:s0] =	ssyncset.done $0x0  }
0x31c: {  	[sflag:s0] =	ssyncadd.s32 $0xFFFFC000  }
0x31d: {  	_ =	swait.ge [sflag:s0], $0x4000  }
0x31e: {  	[sflag:s0] =	ssyncset.done $0x0  }
0x31f: {  	[sflag:s0] =	ssyncadd.s32 $0xFFFFC000  }
0x320: {  	_ =	swait.ge [sflag:s0], $0x4000  }
0x321: {  	[sflag:s0] =	ssyncset.done $0x0  }
0x322: {  	[sflag:s0] =	ssyncadd.s32 $0xFFFFC000  }
0x323: {  	_ =	swait.ge [sflag:s0], $0x4000  }
0x324: {  	[sflag:s0] =	ssyncset.done $0x0  }
0x325: {  	[sflag:s0] =	ssyncadd.s32 $0xFFFFC000  }
0x326: {  	_ =	swait.ge [sflag:s0], $0x4000  }
0x327: {  	[sflag:s0] =	ssyncset.done $0x0  }
0x328: {  	[sflag:s0] =	ssyncadd.s32 $0xFFFFC000  }
0x329: {  	_ =	swait.ge [sflag:s0], $0x4000  }
0x32a: {  	[sflag:s0] =	ssyncset.done $0x0  }
0x32b: {  	[sflag:s0] =	ssyncadd.s32 $0xFFFFC000  }
0x32c: {  	_ =	swait.ge [sflag:s0], $0x4000  }
0x32d: {  	[sflag:s0] =	ssyncset.done $0x0  }
0x32e: {  	[sflag:s0] =	ssyncadd.s32 $0xFFFFC000  }
0x32f: {  	_ =	swait.ge [sflag:s0], $0x4000  }
0x330: {  	[sflag:s0] =	ssyncset.done $0x0  }
0x331: {  	[sflag:s0] =	ssyncadd.s32 $0xFFFFC000  }
0x332: {  	_ =	swait.ge [sflag:s0], $0x4000  }
0x333: {  	[sflag:s0] =	ssyncset.done $0x0  }
0x334: {  	[sflag:s0] =	ssyncadd.s32 $0xFFFFC000  }
0x335: {  	_ =	swait.ge [sflag:s0], $0x4000  }
0x336: {  	[sflag:s0] =	ssyncset.done $0x0  }
0x337: {  	[sflag:s0] =	ssyncadd.s32 $0xFFFFC000  }
0x338: {  	_ =	swait.ge [sflag:s0], $0x4000  }
0x339: {  	[sflag:s0] =	ssyncset.done $0x0  }
0x33a: {  	[sflag:s0] =	ssyncadd.s32 $0xFFFFC000  }
0x33b: {  	_ =	swait.ge [sflag:s0], $0x4000  }
0x33c: {  	[sflag:s0] =	ssyncset.done $0x0  }
0x33d: {  	[sflag:s0] =	ssyncadd.s32 $0xFFFFC000  }
0x33e: {  	_ =	swait.ge [sflag:s0], $0x4000  }
0x33f: {  	[sflag:s0] =	ssyncset.done $0x0  }
0x340: {  	[sflag:s0] =	ssyncadd.s32 $0xFFFFC000  }
0x341: {  	_ =	swait.ge [sflag:s0], $0x4000  }
0x342: {  	[sflag:s0] =	ssyncset.done $0x0  }
0x343: {  	[sflag:s0] =	ssyncadd.s32 $0xFFFFC000  }
0x344: {  	_ =	swait.ge [sflag:s0], $0x4000  }
0x345: {  	[sflag:s0] =	ssyncset.done $0x0  }
0x346: {  	[sflag:s0] =	ssyncadd.s32 $0xFFFFC000  }
0x347: {  	_ =	swait.ge [sflag:s0], $0x4000  }
0x348: {  	[sflag:s0] =	ssyncset.done $0x0  }
0x349: {  	[sflag:s0] =	ssyncadd.s32 $0xFFFFC000  }
0x34a: {  	_ =	swait.ge [sflag:s0], $0x4000  }
0x34b: {  	[sflag:s0] =	ssyncset.done $0x0  }
0x34c: {  	[sflag:s0] =	ssyncadd.s32 $0xFFFFC000  }
0x34d: {  	_ =	swait.ge [sflag:s0], $0x4000  }
0x34e: {  	[sflag:s0] =	ssyncset.done $0x0  }
0x34f: {  	[sflag:s0] =	ssyncadd.s32 $0xFFFFC000  }
0x350: {  	_ =	swait.ge [sflag:s0], $0x4000  }
0x351: {  	[sflag:s0] =	ssyncset.done $0x0  }
0x352: {  	[sflag:s0] =	ssyncadd.s32 $0xFFFFC000  }
0x353: {  	_ =	swait.ge [sflag:s0], $0x4000  }
0x354: {  	[sflag:s0] =	ssyncset.done $0x0  }
0x355: {  	[sflag:s0] =	ssyncadd.s32 $0xFFFFC000  }
0x356: {  	_ =	swait.ge [sflag:s0], $0x4000  }
0x357: {  	[sflag:s0] =	ssyncset.done $0x0  }
0x358: {  	[sflag:s0] =	ssyncadd.s32 $0xFFFFC000  }
0x359: {  	_ =	swait.ge [sflag:s0], $0x4000  }
0x35a: {  	[sflag:s0] =	ssyncset.done $0x0  }
0x35b: {  	[sflag:s0] =	ssyncadd.s32 $0xFFFFC000  }
0x35c: {  	_ =	swait.ge [sflag:s0], $0x4000  }
0x35d: {  	[sflag:s0] =	ssyncset.done $0x0  }
0x35e: {  	[sflag:s0] =	ssyncadd.s32 $0xFFFFC000  }
0x35f: {  	_ =	swait.ge [sflag:s0], $0x4000  }
0x360: {  	[sflag:s0] =	ssyncset.done $0x0  }
0x361: {  	[sflag:s0] =	ssyncadd.s32 $0xFFFFC000  }
0x362: {  	_ =	swait.ge [sflag:s0], $0x4000  }
0x363: {  	[sflag:s0] =	ssyncset.done $0x0  }
0x364: {  	[sflag:s0] =	ssyncadd.s32 $0xFFFFC000  }
0x365: {  	_ =	swait.ge [sflag:s0], $0x4000  }
0x366: {  	[sflag:s0] =	ssyncset.done $0x0  }
0x367: {  	[sflag:s0] =	ssyncadd.s32 $0xFFFFC000  }
0x368: {  	_ =	swait.ge [sflag:s0], $0x4000  }
0x369: {  	[sflag:s0] =	ssyncset.done $0x0  }
0x36a: {  	[sflag:s0] =	ssyncadd.s32 $0xFFFFC000  }
0x36b: {  	_ =	swait.ge [sflag:s0], $0x4000  }
0x36c: {  	[sflag:s0] =	ssyncset.done $0x0  }
0x36d: {  	[sflag:s0] =	ssyncadd.s32 $0xFFFFC000  }
0x36e: {  	_ =	swait.ge [sflag:s0], $0x4000  }
0x36f: {  	[sflag:s0] =	ssyncset.done $0x0  }
0x370: {  	[sflag:s0] =	ssyncadd.s32 $0xFFFFC000  }
0x371: {  	_ =	swait.ge [sflag:s0], $0x4000  }
0x372: {  	[sflag:s0] =	ssyncset.done $0x0  }
0x373: {  	[sflag:s0] =	ssyncadd.s32 $0xFFFFC000  }
0x374: {  	_ =	swait.ge [sflag:s0], $0x4000  }
0x375: {  	[sflag:s0] =	ssyncset.done $0x0  }
0x376: {  	[sflag:s0] =	ssyncadd.s32 $0xFFFFC000  }
0x377: {  	_ =	swait.ge [sflag:s0], $0x4000  }
0x378: {  	[sflag:s0] =	ssyncset.done $0x0  }
0x379: {  	[sflag:s0] =	ssyncadd.s32 $0xFFFFC000  }
0x37a: {  	_ =	swait.ge [sflag:s0], $0x4000  }
0x37b: {  	[sflag:s0] =	ssyncset.done $0x0  }
0x37c: {  	[sflag:s0] =	ssyncadd.s32 $0xFFFFC000  }
0x37d: {  	_ =	swait.ge [sflag:s0], $0x4000  }
0x37e: {  	[sflag:s0] =	ssyncset.done $0x0  }
0x37f: {  	[sflag:s0] =	ssyncadd.s32 $0xFFFFC000  }
0x380: {  	_ =	swait.ge [sflag:s0], $0x4000  }
0x381: {  	[sflag:s0] =	ssyncset.done $0x0  }
0x382: {  	[sflag:s0] =	ssyncadd.s32 $0xFFFFC000  }
0x383: {  	_ =	swait.ge [sflag:s0], $0x4000  }
0x384: {  	[sflag:s0] =	ssyncset.done $0x0  }
0x385: {  	[sflag:s0] =	ssyncadd.s32 $0xFFFFC000  }
0x386: {  	_ =	swait.ge [sflag:s0], $0x4000  }
0x387: {  	[sflag:s0] =	ssyncset.done $0x0  }
0x388: {  	[sflag:s0] =	ssyncadd.s32 $0xFFFFC000  }
0x389: {  	_ =	swait.ge [sflag:s0], $0x4000  }
0x38a: {  	[sflag:s0] =	ssyncset.done $0x0  }
0x38b: {  	[sflag:s0] =	ssyncadd.s32 $0xFFFFC000  }
0x38c: {  	_ =	swait.ge [sflag:s0], $0x4000  }
0x38d: {  	[sflag:s0] =	ssyncset.done $0x0  }
0x38e: {  	[sflag:s0] =	ssyncadd.s32 $0xFFFFC000  }
0x38f: {  	_ =	swait.ge [sflag:s0], $0x4000  }
0x390: {  	[sflag:s0] =	ssyncset.done $0x0  }
0x391: {  	[sflag:s0] =	ssyncadd.s32 $0xFFFFC000  }
0x392: {  	_ =	swait.ge [sflag:s0], $0x4000  }
0x393: {  	[sflag:s0] =	ssyncset.done $0x0  }
0x394: {  	[sflag:s0] =	ssyncadd.s32 $0xFFFFC000  }
0x395: {  	_ =	swait.ge [sflag:s0], $0x4000  }
0x396: {  	[sflag:s0] =	ssyncset.done $0x0  }
0x397: {  	[sflag:s0] =	ssyncadd.s32 $0xFFFFC000  }
0x398: {  	_ =	swait.ge [sflag:s0], $0x4000  }
0x399: {  	[sflag:s0] =	ssyncset.done $0x0  }
0x39a: {  	[sflag:s0] =	ssyncadd.s32 $0xFFFFC000  }
0x39b: {  	_ =	swait.ge [sflag:s0], $0x4000  }
0x39c: {  	[sflag:s0] =	ssyncset.done $0x0  }
0x39d: {  	[sflag:s0] =	ssyncadd.s32 $0xFFFFC000  }
0x39e: {  	_ =	swait.ge [sflag:s0], $0x4000  }
0x39f: {  	[sflag:s0] =	ssyncset.done $0x0  }
0x3a0: {  	[sflag:s0] =	ssyncadd.s32 $0xFFFFC000  }
0x3a1: {  	_ =	swait.ge [sflag:s0], $0x4000  }
0x3a2: {  	[sflag:s0] =	ssyncset.done $0x0  }
0x3a3: {  	[sflag:s0] =	ssyncadd.s32 $0xFFFFC000  }
0x3a4: {  	_ =	swait.ge [sflag:s0], $0x4000  }
0x3a5: {  	[sflag:s0] =	ssyncset.done $0x0  }
0x3a6: {  	[sflag:s0] =	ssyncadd.s32 $0xFFFFC000  }
0x3a7: {  	_ =	swait.ge [sflag:s0], $0x4000  }
0x3a8: {  	[sflag:s0] =	ssyncset.done $0x0  }
0x3a9: {  	[sflag:s0] =	ssyncadd.s32 $0xFFFFC000  }
0x3aa: {  	_ =	swait.ge [sflag:s0], $0x4000  }
0x3ab: {  	[sflag:s0] =	ssyncset.done $0x0  }
0x3ac: {  	[sflag:s0] =	ssyncadd.s32 $0xFFFFC000  }
0x3ad: {  	p0 =	sne.s32 s20, $0x1;
	_ =	swait.ge [sflag:s0], $0x4000  }
.Ltmp0:
0x3ae: {  	[sflag:s0] =	ssyncset.done $0x0;
	(pc) =	sbr.rel @p0 .LBB2_1-.Ltmp0, $4  }
0x3af: {  	[sflag:s0] =	ssyncadd.s32 $0xFFFFC000  }
0x3b0: {  	_ =	swait.ge [sflag:s0], $0x4000  }
0x3b1: {  	[sflag:s0] =	ssyncset.done $0x0  }
0x3b2: {  	s20 =	sadd.s32 $0xFFFFFFFF, s20;
	[sflag:s0] =	ssyncadd.s32 $0xFFFFC000  }
0x3b3: {  	_ =	sfence.sel $0x180000  }
0x3b4: {  	[bflag:$0x0] =	sbarrier.arrive $0xFFFF  }
0x3b5: {  	_ =	strace $0x90000047  }
0x3b6: {  	s0 =	stileid.u32;
	[bflag:$0x2] =	sbarrier.arrive $0xFFFF  }
0x3b7: {  	p0 =	sne.s32 s0, $0x0;
	s0 =	rddreg [dreg:$0x2]  }
0x3b8: {  	s0 =	sadd.s32 @!p0 $0x100000, s0  }
0x3b9: {  	[sflag:s0] =	ssyncadd.tile.s32 @!p0 $0x1;
	_ =	shalt  }
.Lfunc_end2:
_tile_overlayer_lowered:
.L_overlay_start_2:
0x3ba: {  	(tag) =	ssettag $0x2  }
0x3bb: {  	s0 =	rddreg [dreg:$0x0];
	s2 =	stileid.u32  }
0x3bc: {  	s1 =	rddreg [dreg:$0x1];
	p0 =	sne.s32 s2, $0x0  }
0x3bd: {  	s3 =	rddreg [dreg:$0x2];
	[bflag:$0x3] =	sbarrier.arrive $0xFFFF;
	s2 =	simm.s32 @!p0 $0x1C02  }
0x3be: {  	[timem:s3], [sflag:s2] =	dma.local @!p0 [hbm:s0], s1  }
0x3bf: {  	s0 =	simm.s32 @!p0 $0x2  }
0x3c0: {  	_ =	swait.ge @!p0 [sflag:s0], s1  }
0x3c1: {  	s1 =	ssub.s32 @!p0 $0x0, s1;
	[sflag:s0] =	ssyncset.done @!p0 $0x0  }
0x3c2: {  	[sflag:s0] =	ssyncadd.s32 @!p0 s1  }
0x3c3: {  	[bflag:$0x3] =	sbarrier.arrive $0xFFFF  }
0x3c4: {  	_ =	shalt  }

</sc_bundles>
